<compile_context>
chip_gen: v7x
topology: tpu7x:2x2x1
jax: 0.10.2.dev20260603
libtpu: 0.0.44.dev20260713+nightly
codegen_flags: <defaults>
</compile_context>

<pallas_src>
import jax
import jax.numpy as jnp
from jax import lax
from jax.experimental import pallas as pl
from jax.experimental.pallas import tpu as pltpu
from jax.experimental.pallas import tpu_sc as plsc

NC, NS, LANES = 2, 16, 16
NW = NC * NS
CHUNK = 80

_SC_PARAMS = pltpu.CompilerParams(use_tc_tiling_on_sc=False)


def _npt_npad(n):
    npt = -(-n // NS)
    npt = -(-npt // 32) * 32
    return npt, npt * NS


def _zero_fill(zbuf, zr, d):
    @pl.loop(0, zr)
    def _(i):
        for j in range(d // LANES):
            zbuf[i, pl.ds(j * LANES, LANES)] = jnp.zeros((LANES,), jnp.float32)


def _zr_for(npt, d):
    zr = npt
    while zr * d * 4 > 32 * 1024:
        zr //= 2
    assert npt % zr == 0 and zr % 8 == 0
    return zr


def _make_edge_agg_split(n, e, d, nsub):
    d2 = d // 2
    sup = nsub * CHUNK
    assert e % (NS * sup) == 0
    iters = e // (NS * sup)
    npt, npad = _npt_npad(n)
    zr = _zr_for(npt, d2)
    zrd = _zr_for(npt, LANES)

    mesh = plsc.VectorSubcoreMesh(core_axis_name="c", subcore_axis_name="s")
    out_type = [jax.ShapeDtypeStruct((NC, npad, d2), jnp.float32),
                jax.ShapeDtypeStruct((NC, npad, LANES), jnp.float32)]
    scratch = [
        pltpu.VMEM((sup,), jnp.int32), pltpu.VMEM((sup,), jnp.int32),
        pltpu.VMEM((sup,), jnp.int32), pltpu.VMEM((sup,), jnp.int32),
    ]
    for _ in range(2 * nsub):
        scratch.append(pltpu.VMEM((CHUNK,), jnp.int32))
    for _ in range(2 * nsub):
        scratch.append(pltpu.VMEM((CHUNK,), jnp.int32))
    for _ in range(2 * nsub):
        scratch.append(pltpu.VMEM((CHUNK, d2), jnp.float32))
    scratch += [
        pltpu.VMEM((zr, d2), jnp.float32),
        pltpu.VMEM((CHUNK, LANES), jnp.float32),
        pltpu.VMEM((zrd, LANES), jnp.float32),
        pltpu.VMEM_SHARED((npad, d2), jnp.float32),
        pltpu.VMEM_SHARED((npad, LANES), jnp.float32),
        pltpu.SemaphoreType.DMA, pltpu.SemaphoreType.DMA,
        pltpu.SemaphoreType.DMA, pltpu.SemaphoreType.DMA,
        pltpu.SemaphoreType.DMA, pltpu.SemaphoreType.DMA,
    ]

    def body(feat_hbm, ei_hbm, agg_out, deg_out, *refs):
        sidx = refs[0:2]
        didx = refs[2:4]
        gidx = (refs[4:4 + nsub], refs[4 + nsub:4 + 2 * nsub])
        o = 4 + 2 * nsub
        didxS = (refs[o:o + nsub], refs[o + nsub:o + 2 * nsub])
        o += 2 * nsub
        rows = (refs[o:o + nsub], refs[o + nsub:o + 2 * nsub])
        o += 2 * nsub
        zbuf, ones_v, zdeg, agg_sh, deg_sh = refs[o:o + 5]
        semI = refs[o + 5:o + 7]
        semG = refs[o + 7:o + 9]
        semS = refs[o + 9:o + 11]

        c = lax.axis_index("c")
        s = lax.axis_index("s")
        base0 = s * iters * sup

        def issue_idx(m, p):
            off = pl.multiple_of(base0 + m * sup, CHUNK)
            pltpu.async_copy(ei_hbm.at[0, pl.ds(off, sup)], sidx[p], semI[p])
            pltpu.async_copy(ei_hbm.at[1, pl.ds(off, sup)], didx[p], semI[p])

        def wait_idx(p):
            pltpu.make_async_copy(ei_hbm.at[0, pl.ds(0, sup)], sidx[p], semI[p]).wait()
            pltpu.make_async_copy(ei_hbm.at[1, pl.ds(0, sup)], didx[p], semI[p]).wait()

        def stage_and_gather(p):
            for u in range(nsub):
                for k in range(CHUNK // LANES):
                    off = u * CHUNK + k * LANES
                    v = sidx[p][pl.ds(off, LANES)]
                    gidx[p][u][pl.ds(k * LANES, LANES)] = v + v + c
                    didxS[p][u][pl.ds(k * LANES, LANES)] = didx[p][pl.ds(off, LANES)]
                pltpu.async_copy(feat_hbm.at[gidx[p][u]], rows[p][u], semG[p])

        def issue_scatter(p):
            for u in range(nsub):
                pltpu.make_async_copy(feat_hbm.at[gidx[p][u]], rows[p][u],
                                      semG[p]).wait()
                pltpu.async_copy(rows[p][u], agg_sh.at[didxS[p][u]], semS[p],
                                 add=True)

            @pl.when(c == p)
            def _():
                for u in range(nsub):
                    pltpu.async_copy(ones_v, deg_sh.at[didxS[p][u]], semS[p],
                                     add=True)

        def wait_scatter(p):
            for u in range(nsub):
                pltpu.make_async_copy(rows[p][u], agg_sh.at[didxS[p][u]],
                                      semS[p]).wait()

            @pl.when(c == p)
            def _():
                for u in range(nsub):
                    pltpu.make_async_copy(ones_v, deg_sh.at[didxS[p][u]],
                                          semS[p]).wait()

        issue_idx(0, 0)
        _zero_fill(zbuf, zr, d2)
        for k in range(npt // zr):
            pltpu.sync_copy(zbuf, agg_sh.at[pl.ds(s * npt + k * zr, zr)])

        @pl.loop(0, CHUNK)
        def _(i):
            ones_v[i, :] = jnp.ones((LANES,), jnp.float32)

        _zero_fill(zdeg, zrd, LANES)
        for k in range(npt // zrd):
            pltpu.sync_copy(zdeg, deg_sh.at[pl.ds(s * npt + k * zrd, zrd)])

        plsc.subcore_barrier()

        wait_idx(0)
        stage_and_gather(0)
        issue_idx(1, 1)

        def position(m, p):
            @pl.when(m + 1 < iters)
            def _():
                wait_idx(1 - p)

                @pl.when(m >= 1)
                def _():
                    wait_scatter(1 - p)

                stage_and_gather(1 - p)

            @pl.when(m + 2 < iters)
            def _():
                issue_idx(m + 2, p)

            issue_scatter(p)

        @pl.loop(0, iters, step=2)
        def _(j):
            position(j, 0)

            @pl.when(j + 1 < iters)
            def _():
                position(j + 1, 1)

        wait_scatter(0)
        wait_scatter(1)
        plsc.subcore_barrier()

        out0 = s * npt
        pltpu.sync_copy(agg_sh.at[pl.ds(out0, npt)],
                        agg_out.at[c, pl.ds(out0, npt)])
        pltpu.sync_copy(deg_sh.at[pl.ds(out0, npt)],
                        deg_out.at[c, pl.ds(out0, npt)])

    return pl.kernel(body, out_type=out_type, mesh=mesh,
                     scratch_types=scratch, compiler_params=_SC_PARAMS)


def _make_edge_agg(n, e, d, nsub):
    sup = nsub * CHUNK
    assert e % (NW * sup) == 0
    iters = e // (NW * sup)
    npt, npad = _npt_npad(n)
    zr = _zr_for(npt, d)

    mesh = plsc.VectorSubcoreMesh(core_axis_name="c", subcore_axis_name="s")
    out_type = [jax.ShapeDtypeStruct((NC, npad, d), jnp.float32)]
    scratch = [
        pltpu.VMEM((sup,), jnp.int32), pltpu.VMEM((sup,), jnp.int32),
        pltpu.VMEM((sup,), jnp.int32), pltpu.VMEM((sup,), jnp.int32),
    ]
    for _ in range(2 * nsub):
        scratch.append(pltpu.VMEM((CHUNK,), jnp.int32))
    for _ in range(2 * nsub):
        scratch.append(pltpu.VMEM((CHUNK,), jnp.int32))
    for _ in range(2 * nsub):
        scratch.append(pltpu.VMEM((CHUNK, d), jnp.float32))
    scratch += [
        pltpu.VMEM((zr, d), jnp.float32),
        pltpu.VMEM_SHARED((npad, d), jnp.float32),
        pltpu.SemaphoreType.DMA, pltpu.SemaphoreType.DMA,
        pltpu.SemaphoreType.DMA, pltpu.SemaphoreType.DMA,
        pltpu.SemaphoreType.DMA, pltpu.SemaphoreType.DMA,
    ]

    def body(feat_hbm, ei_hbm, agg_out, *refs):
        sidx = refs[0:2]
        didx = refs[2:4]
        gidx = (refs[4:4 + nsub], refs[4 + nsub:4 + 2 * nsub])
        o = 4 + 2 * nsub
        didxS = (refs[o:o + nsub], refs[o + nsub:o + 2 * nsub])
        o += 2 * nsub
        rows = (refs[o:o + nsub], refs[o + nsub:o + 2 * nsub])
        o += 2 * nsub
        zbuf, agg_sh = refs[o:o + 2]
        semI = refs[o + 2:o + 4]
        semG = refs[o + 4:o + 6]
        semS = refs[o + 6:o + 8]

        c = lax.axis_index("c")
        s = lax.axis_index("s")
        w = c * NS + s
        base0 = w * iters * sup

        def issue_idx(m, p):
            off = pl.multiple_of(base0 + m * sup, CHUNK)
            pltpu.async_copy(ei_hbm.at[0, pl.ds(off, sup)], sidx[p], semI[p])
            pltpu.async_copy(ei_hbm.at[1, pl.ds(off, sup)], didx[p], semI[p])

        def wait_idx(p):
            pltpu.make_async_copy(ei_hbm.at[0, pl.ds(0, sup)], sidx[p], semI[p]).wait()
            pltpu.make_async_copy(ei_hbm.at[1, pl.ds(0, sup)], didx[p], semI[p]).wait()

        def stage_and_gather(p):
            for u in range(nsub):
                for k in range(CHUNK // LANES):
                    off = u * CHUNK + k * LANES
                    gidx[p][u][pl.ds(k * LANES, LANES)] = sidx[p][pl.ds(off, LANES)]
                    didxS[p][u][pl.ds(k * LANES, LANES)] = didx[p][pl.ds(off, LANES)]
                pltpu.async_copy(feat_hbm.at[gidx[p][u]], rows[p][u], semG[p])

        def issue_scatter(p):
            for u in range(nsub):
                pltpu.make_async_copy(feat_hbm.at[gidx[p][u]], rows[p][u],
                                      semG[p]).wait()
                pltpu.async_copy(rows[p][u], agg_sh.at[didxS[p][u]], semS[p],
                                 add=True)

        def wait_scatter(p):
            for u in range(nsub):
                pltpu.make_async_copy(rows[p][u], agg_sh.at[didxS[p][u]],
                                      semS[p]).wait()

        issue_idx(0, 0)
        _zero_fill(zbuf, zr, d)
        for k in range(npt // zr):
            pltpu.sync_copy(zbuf, agg_sh.at[pl.ds(s * npt + k * zr, zr)])

        plsc.subcore_barrier()

        wait_idx(0)
        stage_and_gather(0)
        issue_idx(1, 1)

        def position(m, p):
            @pl.when(m + 1 < iters)
            def _():
                wait_idx(1 - p)

                @pl.when(m >= 1)
                def _():
                    wait_scatter(1 - p)

                stage_and_gather(1 - p)

            @pl.when(m + 2 < iters)
            def _():
                issue_idx(m + 2, p)

            issue_scatter(p)

        @pl.loop(0, iters, step=2)
        def _(j):
            position(j, 0)

            @pl.when(j + 1 < iters)
            def _():
                position(j + 1, 1)

        wait_scatter(0)
        wait_scatter(1)
        plsc.subcore_barrier()

        out0 = s * npt
        pltpu.sync_copy(agg_sh.at[pl.ds(out0, npt)],
                        agg_out.at[c, pl.ds(out0, npt)])

    return pl.kernel(body, out_type=out_type, mesh=mesh,
                     scratch_types=scratch, compiler_params=_SC_PARAMS)


def _dot_t(a, w):
    return lax.dot_general(a, w, (((1,), (1,)), ((), ())),
                           preferred_element_type=jnp.float32)


def _dense1_body(x_ref, agg_ref, deg_ref, ws1_ref, wn1_ref,
                 b1_ref, wn2_ref, h1_ref, z_ref):
    inv = 1.0 / jnp.maximum(deg_ref[0, :, 0:1] + deg_ref[1, :, 0:1], 1.0)
    mean = jnp.concatenate([agg_ref[0], agg_ref[1]], axis=1) * inv
    h1 = _dot_t(x_ref[...], ws1_ref[...]) + _dot_t(mean, wn1_ref[...]) + b1_ref[...]
    h1_ref[...] = h1
    z_ref[...] = _dot_t(jnp.maximum(h1, 0.0), wn2_ref[...])


def _dense1b_body(h1_ref, ws2_ref, h1r_ref, s2_ref):
    h1r = jnp.maximum(h1_ref[...], 0.0)
    h1r_ref[...] = h1r
    s2_ref[...] = _dot_t(h1r, ws2_ref[...])


def _dense2_body(s2_ref, a2_ref, deg_ref, b2_ref, h2_ref):
    inv = 1.0 / jnp.maximum(deg_ref[0, :, 0:1] + deg_ref[1, :, 0:1], 1.0)
    h2_ref[...] = s2_ref[...] + (a2_ref[0] + a2_ref[1]) * inv + b2_ref[...]


def kernel(x, edge_index, W_self1, W_neigh1, b1, W_self2, W_neigh2, b2):
    n, d = x.shape
    h = W_self1.shape[0]
    cdim = W_self2.shape[0]
    e = edge_index.shape[1]

    x2 = x.reshape(2 * n, d // 2)

    agg_fn = _make_edge_agg_split(n, e, d, nsub=5)
    aggp, degp = agg_fn(x2, edge_index)

    bn = 2000
    grid = (n // bn,)
    row_spec = lambda w: pl.BlockSpec((bn, w), lambda i: (i, 0))
    part_spec = lambda w: pl.BlockSpec((NC, bn, w), lambda i: (0, i, 0))
    full_spec = lambda a, b: pl.BlockSpec((a, b), lambda i: (0, 0))

    h1, z = pl.pallas_call(
        _dense1_body,
        grid=grid,
        in_specs=[row_spec(d), part_spec(d // 2), part_spec(LANES),
                  full_spec(h, d), full_spec(h, d), full_spec(1, h),
                  full_spec(cdim, h)],
        out_specs=[row_spec(h), row_spec(cdim)],
        out_shape=[jax.ShapeDtypeStruct((n, h), jnp.float32),
                   jax.ShapeDtypeStruct((n, cdim), jnp.float32)],
    )(x, aggp, degp, W_self1, W_neigh1, b1.reshape(1, h), W_neigh2)

    agg2_fn = _make_edge_agg(n, e, cdim, nsub=5)
    (agg2p,) = agg2_fn(z, edge_index)

    h1r, s2 = pl.pallas_call(
        _dense1b_body,
        grid=grid,
        in_specs=[row_spec(h), full_spec(cdim, h)],
        out_specs=[row_spec(h), row_spec(cdim)],
        out_shape=[jax.ShapeDtypeStruct((n, h), jnp.float32),
                   jax.ShapeDtypeStruct((n, cdim), jnp.float32)],
    )(h1, W_self2)

    (h2,) = pl.pallas_call(
        _dense2_body,
        grid=grid,
        in_specs=[row_spec(cdim), part_spec(cdim), part_spec(LANES),
                  full_spec(1, cdim)],
        out_specs=[row_spec(cdim)],
        out_shape=[jax.ShapeDtypeStruct((n, cdim), jnp.float32)],
    )(s2, agg2p, degp, b2.reshape(1, cdim))

    return (h2, h1, h1r)

# --- scband reference (transcript-rebuilt; emitter-appended) ---
"""Pipeline reference for scband-sage-8899172237857 (READ-ONLY COPY).

The authoritative reference and input builder live on the scoring server;
editing this copy changes nothing except your own understanding.
"""

import jax, jax.numpy as jnp
import numpy as np

N = 10000
E = 320000
D = 128
H = 128
C = 16


def setup_inputs(seed: int = 0) -> dict:
    key = jax.random.key(seed)
    ks = jax.random.split(key, 8)
    x = jax.random.normal(ks[0], (N, D), dtype=jnp.float32)
    edge_index = jax.random.randint(ks[1], (2, E), 0, N, dtype=jnp.int32)
    s1 = 1.0 / np.sqrt(D)
    s2 = 1.0 / np.sqrt(H)
    W_self1 = jax.random.uniform(ks[2], (H, D), dtype=jnp.float32, minval=-s1, maxval=s1)
    W_neigh1 = jax.random.uniform(ks[3], (H, D), dtype=jnp.float32, minval=-s1, maxval=s1)
    b1 = jnp.zeros((H,), dtype=jnp.float32)
    W_self2 = jax.random.uniform(ks[4], (C, H), dtype=jnp.float32, minval=-s2, maxval=s2)
    W_neigh2 = jax.random.uniform(ks[5], (C, H), dtype=jnp.float32, minval=-s2, maxval=s2)
    b2 = jnp.zeros((C,), dtype=jnp.float32)
    return {
        "x": x,
        "edge_index": edge_index,
        "W_self1": W_self1,
        "W_neigh1": W_neigh1,
        "b1": b1,
        "W_self2": W_self2,
        "W_neigh2": W_neigh2,
        "b2": b2,
    }


def _sage_conv_mean(h, src, dst, W_self, W_neigh, b):
    # DGL SAGEConv, aggregator_type='mean':
    # h_out = fc_self(h_dst) + fc_neigh(mean_{src->dst} h_src) + bias
    msg = jnp.take(h, src, axis=0)  # gather over edges [E, d]
    agg = jax.ops.segment_sum(msg, dst, num_segments=N)  # scatter-add [N, d]
    deg = jax.ops.segment_sum(jnp.ones((src.shape[0],), dtype=h.dtype), dst, num_segments=N)
    mean = agg / jnp.clip(deg, 1.0)[:, None]
    return h @ W_self.T + mean @ W_neigh.T + b


def reference(x, edge_index, W_self1, W_neigh1, b1, W_self2, W_neigh2, b2):
    src = edge_index[0]
    dst = edge_index[1]
    h1 = _sage_conv_mean(x, src, dst, W_self1, W_neigh1, b1)
    h1r = jax.nn.relu(h1)
    h2 = _sage_conv_mean(h1r, src, dst, W_self2, W_neigh2, b2)
    # original returns (h, [h1, relu(h1), h2])
    return (h2, h1, h1r)

if __name__ == "__main__":
    import jax
    _d = setup_inputs()
    print(jax.jit(kernel)(*tuple(_d.values())))

</pallas_src>

<mosaic_0001>
#map = affine_map<(d0, d1) -> (0, 0)>
#map1 = affine_map<(d0, d1) -> (0, 0, 0)>
module attributes {stable_mosaic.version = 14 : i64} {
  func.func @body(%arg0: i32, %arg1: i32, %arg2: memref<20000x64xf32, #tpu.memory_space<hbm>>, %arg3: memref<2x320000xi32, #tpu.memory_space<hbm>>, %arg4: memref<2x10240x64xf32, #tpu.memory_space<hbm>>, %arg5: memref<2x10240x16xf32, #tpu.memory_space<hbm>>, %arg6: memref<400xi32, #tpu.memory_space<vmem>>, %arg7: memref<400xi32, #tpu.memory_space<vmem>>, %arg8: memref<400xi32, #tpu.memory_space<vmem>>, %arg9: memref<400xi32, #tpu.memory_space<vmem>>, %arg10: memref<80xi32, #tpu.memory_space<vmem>>, %arg11: memref<80xi32, #tpu.memory_space<vmem>>, %arg12: memref<80xi32, #tpu.memory_space<vmem>>, %arg13: memref<80xi32, #tpu.memory_space<vmem>>, %arg14: memref<80xi32, #tpu.memory_space<vmem>>, %arg15: memref<80xi32, #tpu.memory_space<vmem>>, %arg16: memref<80xi32, #tpu.memory_space<vmem>>, %arg17: memref<80xi32, #tpu.memory_space<vmem>>, %arg18: memref<80xi32, #tpu.memory_space<vmem>>, %arg19: memref<80xi32, #tpu.memory_space<vmem>>, %arg20: memref<80xi32, #tpu.memory_space<vmem>>, %arg21: memref<80xi32, #tpu.memory_space<vmem>>, %arg22: memref<80xi32, #tpu.memory_space<vmem>>, %arg23: memref<80xi32, #tpu.memory_space<vmem>>, %arg24: memref<80xi32, #tpu.memory_space<vmem>>, %arg25: memref<80xi32, #tpu.memory_space<vmem>>, %arg26: memref<80xi32, #tpu.memory_space<vmem>>, %arg27: memref<80xi32, #tpu.memory_space<vmem>>, %arg28: memref<80xi32, #tpu.memory_space<vmem>>, %arg29: memref<80xi32, #tpu.memory_space<vmem>>, %arg30: memref<80x64xf32, #tpu.memory_space<vmem>>, %arg31: memref<80x64xf32, #tpu.memory_space<vmem>>, %arg32: memref<80x64xf32, #tpu.memory_space<vmem>>, %arg33: memref<80x64xf32, #tpu.memory_space<vmem>>, %arg34: memref<80x64xf32, #tpu.memory_space<vmem>>, %arg35: memref<80x64xf32, #tpu.memory_space<vmem>>, %arg36: memref<80x64xf32, #tpu.memory_space<vmem>>, %arg37: memref<80x64xf32, #tpu.memory_space<vmem>>, %arg38: memref<80x64xf32, #tpu.memory_space<vmem>>, %arg39: memref<80x64xf32, #tpu.memory_space<vmem>>, %arg40: memref<80x64xf32, #tpu.memory_space<vmem>>, %arg41: memref<80x16xf32, #tpu.memory_space<vmem>>, %arg42: memref<320x16xf32, #tpu.memory_space<vmem>>, %arg43: memref<10240x64xf32, #tpu.memory_space<vmem_shared>>, %arg44: memref<10240x16xf32, #tpu.memory_space<vmem_shared>>, %arg45: memref<!tpu.dma_semaphore, #tpu.memory_space<semaphore_mem>>, %arg46: memref<!tpu.dma_semaphore, #tpu.memory_space<semaphore_mem>>, %arg47: memref<!tpu.dma_semaphore, #tpu.memory_space<semaphore_mem>>, %arg48: memref<!tpu.dma_semaphore, #tpu.memory_space<semaphore_mem>>, %arg49: memref<!tpu.dma_semaphore, #tpu.memory_space<semaphore_mem>>, %arg50: memref<!tpu.dma_semaphore, #tpu.memory_space<semaphore_mem>>) attributes {dimension_semantics = [#tpu.dimension_semantics<core_parallel>, #tpu.dimension_semantics<subcore_parallel>], iteration_bounds = array<i64: 2, 16>, scalar_prefetch = 0 : i64, scratch_operands = 45 : i64, tpu.core_type = #tpu.core_type<sc_vector_subcore>, window_params = [{transform_indices = #map}, {transform_indices = #map}, {transform_indices = #map1}, {transform_indices = #map1}]} {
    %mul3A = arith.constant 50 : i32
    %mul3A_0 = arith.muli %arg1, %mul3A : i32
    %mul3A_1 = arith.constant 400 : i32
    %mul3A_2 = arith.muli %mul3A_0, %mul3A_1 : i32
    %add3A = arith.constant 0 : i32
    %add3A_3 = arith.addi %mul3A_2, %add3A : i32
    %multiple_of3A = tpu.assume_multiple %add3A_3, 80 : i32
    %dma_start3A = arith.constant 0 : i32
    %dma_start3A_4 = tpu.memref_slice %arg3[%dma_start3A, %multiple_of3A] : memref<2x320000xi32, #tpu.memory_space<hbm>> -> memref<1x400xi32, #tpu.memory_space<hbm>>
    %dma_start3A_5 = tpu.memref_squeeze %dma_start3A_4 : memref<1x400xi32, #tpu.memory_space<hbm>> -> memref<400xi32, #tpu.memory_space<hbm>>
    %dma_start3A_6 = tpu.memref_slice %arg3[%dma_start3A, %multiple_of3A] : memref<2x320000xi32, #tpu.memory_space<hbm>> -> memref<1x400xi32, #tpu.memory_space<hbm>>
    %dma_start3A_7 = tpu.memref_squeeze %dma_start3A_6 : memref<1x400xi32, #tpu.memory_space<hbm>> -> memref<400xi32, #tpu.memory_space<hbm>>
    tpu.enqueue_dma source(%dma_start3A_7 : memref<400xi32, #tpu.memory_space<hbm>>) target(%arg6 : memref<400xi32, #tpu.memory_space<vmem>>) target_semaphore(%arg45 : memref<!tpu.dma_semaphore, #tpu.memory_space<semaphore_mem>>)
    %dma_start3A_8 = arith.constant 1 : i32
    %dma_start3A_9 = tpu.memref_slice %arg3[%dma_start3A_8, %multiple_of3A] : memref<2x320000xi32, #tpu.memory_space<hbm>> -> memref<1x400xi32, #tpu.memory_space<hbm>>
    %dma_start3A_10 = tpu.memref_squeeze %dma_start3A_9 : memref<1x400xi32, #tpu.memory_space<hbm>> -> memref<400xi32, #tpu.memory_space<hbm>>
    %dma_start3A_11 = tpu.memref_slice %arg3[%dma_start3A_8, %multiple_of3A] : memref<2x320000xi32, #tpu.memory_space<hbm>> -> memref<1x400xi32, #tpu.memory_space<hbm>>
    %dma_start3A_12 = tpu.memref_squeeze %dma_start3A_11 : memref<1x400xi32, #tpu.memory_space<hbm>> -> memref<400xi32, #tpu.memory_space<hbm>>
    tpu.enqueue_dma source(%dma_start3A_12 : memref<400xi32, #tpu.memory_space<hbm>>) target(%arg8 : memref<400xi32, #tpu.memory_space<vmem>>) target_semaphore(%arg45 : memref<!tpu.dma_semaphore, #tpu.memory_space<semaphore_mem>>)
    %scan3A = arith.constant 0 : i32
    %scan3A_13 = arith.constant 80 : i32
    %scan3A_14 = arith.addi %scan3A, %scan3A_13 : i32
    %scan3A_15 = arith.constant 1 : i32
    scf.for %scan3A_576 = %scan3A to %scan3A_14 step %scan3A_15  : i32 {
      %mul3A_577 = arith.constant 1 : i32
      %mul3A_578 = arith.muli %scan3A_576, %mul3A_577 : i32
      %add3A_579 = arith.constant 0 : i32
      %add3A_580 = arith.addi %add3A_579, %mul3A_578 : i32
      %broadcast_in_dim3A = arith.constant 0.000000e+00 : f32
      %broadcast_in_dim3A_581 = vector.broadcast %broadcast_in_dim3A : f32 to vector<16xf32>
      %swap3A_582 = arith.index_cast %add3A_580 : i32 to index
      %swap3A_583 = arith.constant 0 : index
      %swap3A_584 = tpu.vector_load %arg40[%swap3A_582, %swap3A_583] {strides = array<i32>} : memref<80x64xf32, #tpu.memory_space<vmem>>, vector<1x16xf32>,
      %swap3A_585 = vector.shape_cast %swap3A_584 : vector<1x16xf32> to vector<16xf32>
      %swap3A_586 = vector.shape_cast %broadcast_in_dim3A_581 : vector<16xf32> to vector<1x16xf32>
      tpu.vector_store %arg40[%swap3A_582, %swap3A_583], %swap3A_586 {strides = array<i32>} : memref<80x64xf32, #tpu.memory_space<vmem>>, vector<1x16xf32>,
      %broadcast_in_dim3A_587 = arith.constant 0.000000e+00 : f32
      %broadcast_in_dim3A_588 = vector.broadcast %broadcast_in_dim3A_587 : f32 to vector<16xf32>
      %swap3A_589 = arith.index_cast %add3A_580 : i32 to index
      %swap3A_590 = arith.constant 16 : index
      %swap3A_591 = tpu.vector_load %arg40[%swap3A_589, %swap3A_590] {strides = array<i32>} : memref<80x64xf32, #tpu.memory_space<vmem>>, vector<1x16xf32>,
      %swap3A_592 = vector.shape_cast %swap3A_591 : vector<1x16xf32> to vector<16xf32>
      %swap3A_593 = vector.shape_cast %broadcast_in_dim3A_588 : vector<16xf32> to vector<1x16xf32>
      tpu.vector_store %arg40[%swap3A_589, %swap3A_590], %swap3A_593 {strides = array<i32>} : memref<80x64xf32, #tpu.memory_space<vmem>>, vector<1x16xf32>,
      %broadcast_in_dim3A_594 = arith.constant 0.000000e+00 : f32
      %broadcast_in_dim3A_595 = vector.broadcast %broadcast_in_dim3A_594 : f32 to vector<16xf32>
      %swap3A_596 = arith.index_cast %add3A_580 : i32 to index
      %swap3A_597 = arith.constant 32 : index
      %swap3A_598 = tpu.vector_load %arg40[%swap3A_596, %swap3A_597] {strides = array<i32>} : memref<80x64xf32, #tpu.memory_space<vmem>>, vector<1x16xf32>,
      %swap3A_599 = vector.shape_cast %swap3A_598 : vector<1x16xf32> to vector<16xf32>
      %swap3A_600 = vector.shape_cast %broadcast_in_dim3A_595 : vector<16xf32> to vector<1x16xf32>
      tpu.vector_store %arg40[%swap3A_596, %swap3A_597], %swap3A_600 {strides = array<i32>} : memref<80x64xf32, #tpu.memory_space<vmem>>, vector<1x16xf32>,
      %broadcast_in_dim3A_601 = arith.constant 0.000000e+00 : f32
      %broadcast_in_dim3A_602 = vector.broadcast %broadcast_in_dim3A_601 : f32 to vector<16xf32>
      %swap3A_603 = arith.index_cast %add3A_580 : i32 to index
      %swap3A_604 = arith.constant 48 : index
      %swap3A_605 = tpu.vector_load %arg40[%swap3A_603, %swap3A_604] {strides = array<i32>} : memref<80x64xf32, #tpu.memory_space<vmem>>, vector<1x16xf32>,
      %swap3A_606 = vector.shape_cast %swap3A_605 : vector<1x16xf32> to vector<16xf32>
      %swap3A_607 = vector.shape_cast %broadcast_in_dim3A_602 : vector<16xf32> to vector<1x16xf32>
      tpu.vector_store %arg40[%swap3A_603, %swap3A_604], %swap3A_607 {strides = array<i32>} : memref<80x64xf32, #tpu.memory_space<vmem>>, vector<1x16xf32>,
    }
    %scan3A_16 = arith.constant 80 : i32
    %mul3A_17 = arith.constant 640 : i32
    %mul3A_18 = arith.muli %arg1, %mul3A_17 : i32
    %add3A_19 = arith.constant 0 : i32
    %add3A_20 = arith.addi %mul3A_18, %add3A_19 : i32
    "tpu.region"() ({
      %run_scoped3A = tpu.sem_alloc : memref<!tpu.dma_semaphore, #tpu.memory_space<semaphore_mem>>
      %dma_start3A_576 = arith.constant 0 : i32
      %dma_start3A_577 = tpu.memref_slice %arg43[%add3A_20, %dma_start3A_576] : memref<10240x64xf32, #tpu.memory_space<vmem_shared>> -> memref<80x64xf32, #tpu.memory_space<vmem_shared>>
      %dma_start3A_578 = arith.constant 0 : i32
      %dma_start3A_579 = tpu.memref_slice %arg43[%add3A_20, %dma_start3A_578] : memref<10240x64xf32, #tpu.memory_space<vmem_shared>> -> memref<80x64xf32, #tpu.memory_space<vmem_shared>>
      tpu.enqueue_dma source(%arg40 : memref<80x64xf32, #tpu.memory_space<vmem>>) target(%dma_start3A_579 : memref<80x64xf32, #tpu.memory_space<vmem_shared>>) target_semaphore(%run_scoped3A : memref<!tpu.dma_semaphore, #tpu.memory_space<semaphore_mem>>)
      %dma_wait3A_580 = arith.constant 0 : i32
      %dma_wait3A_581 = tpu.memref_slice %arg43[%add3A_20, %dma_wait3A_580] : memref<10240x64xf32, #tpu.memory_space<vmem_shared>> -> memref<80x64xf32, #tpu.memory_space<vmem_shared>>
      %dma_wait3A_582 = arith.constant 0 : i32
      %dma_wait3A_583 = tpu.memref_slice %arg43[%add3A_20, %dma_wait3A_582] : memref<10240x64xf32, #tpu.memory_space<vmem_shared>> -> memref<80x64xf32, #tpu.memory_space<vmem_shared>>
      tpu.wait_dma2 semaphore(%run_scoped3A : memref<!tpu.dma_semaphore, #tpu.memory_space<semaphore_mem>>) src(%arg40 : memref<80x64xf32, #tpu.memory_space<vmem>>) dst(%dma_wait3A_583 : memref<80x64xf32, #tpu.memory_space<vmem_shared>>)
      tpu.yield
    }) : () -> ()
    %mul3A_21 = arith.constant 640 : i32
    %mul3A_22 = arith.muli %arg1, %mul3A_21 : i32
    %add3A_23 = arith.constant 80 : i32
    %add3A_24 = arith.addi %mul3A_22, %add3A_23 : i32
    "tpu.region"() ({
      %run_scoped3A = tpu.sem_alloc : memref<!tpu.dma_semaphore, #tpu.memory_space<semaphore_mem>>
      %dma_start3A_576 = arith.constant 0 : i32
      %dma_start3A_577 = tpu.memref_slice %arg43[%add3A_24, %dma_start3A_576] : memref<10240x64xf32, #tpu.memory_space<vmem_shared>> -> memref<80x64xf32, #tpu.memory_space<vmem_shared>>
      %dma_start3A_578 = arith.constant 0 : i32
      %dma_start3A_579 = tpu.memref_slice %arg43[%add3A_24, %dma_start3A_578] : memref<10240x64xf32, #tpu.memory_space<vmem_shared>> -> memref<80x64xf32, #tpu.memory_space<vmem_shared>>
      tpu.enqueue_dma source(%arg40 : memref<80x64xf32, #tpu.memory_space<vmem>>) target(%dma_start3A_579 : memref<80x64xf32, #tpu.memory_space<vmem_shared>>) target_semaphore(%run_scoped3A : memref<!tpu.dma_semaphore, #tpu.memory_space<semaphore_mem>>)
      %dma_wait3A_580 = arith.constant 0 : i32
      %dma_wait3A_581 = tpu.memref_slice %arg43[%add3A_24, %dma_wait3A_580] : memref<10240x64xf32, #tpu.memory_space<vmem_shared>> -> memref<80x64xf32, #tpu.memory_space<vmem_shared>>
      %dma_wait3A_582 = arith.constant 0 : i32
      %dma_wait3A_583 = tpu.memref_slice %arg43[%add3A_24, %dma_wait3A_582] : memref<10240x64xf32, #tpu.memory_space<vmem_shared>> -> memref<80x64xf32, #tpu.memory_space<vmem_shared>>
      tpu.wait_dma2 semaphore(%run_scoped3A : memref<!tpu.dma_semaphore, #tpu.memory_space<semaphore_mem>>) src(%arg40 : memref<80x64xf32, #tpu.memory_space<vmem>>) dst(%dma_wait3A_583 : memref<80x64xf32, #tpu.memory_space<vmem_shared>>)
      tpu.yield
    }) : () -> ()
    %mul3A_25 = arith.constant 640 : i32
    %mul3A_26 = arith.muli %arg1, %mul3A_25 : i32
    %add3A_27 = arith.constant 160 : i32
    %add3A_28 = arith.addi %mul3A_26, %add3A_27 : i32
    "tpu.region"() ({
      %run_scoped3A = tpu.sem_alloc : memref<!tpu.dma_semaphore, #tpu.memory_space<semaphore_mem>>
      %dma_start3A_576 = arith.constant 0 : i32
      %dma_start3A_577 = tpu.memref_slice %arg43[%add3A_28, %dma_start3A_576] : memref<10240x64xf32, #tpu.memory_space<vmem_shared>> -> memref<80x64xf32, #tpu.memory_space<vmem_shared>>
      %dma_start3A_578 = arith.constant 0 : i32
      %dma_start3A_579 = tpu.memref_slice %arg43[%add3A_28, %dma_start3A_578] : memref<10240x64xf32, #tpu.memory_space<vmem_shared>> -> memref<80x64xf32, #tpu.memory_space<vmem_shared>>
      tpu.enqueue_dma source(%arg40 : memref<80x64xf32, #tpu.memory_space<vmem>>) target(%dma_start3A_579 : memref<80x64xf32, #tpu.memory_space<vmem_shared>>) target_semaphore(%run_scoped3A : memref<!tpu.dma_semaphore, #tpu.memory_space<semaphore_mem>>)
      %dma_wait3A_580 = arith.constant 0 : i32
      %dma_wait3A_581 = tpu.memref_slice %arg43[%add3A_28, %dma_wait3A_580] : memref<10240x64xf32, #tpu.memory_space<vmem_shared>> -> memref<80x64xf32, #tpu.memory_space<vmem_shared>>
      %dma_wait3A_582 = arith.constant 0 : i32
      %dma_wait3A_583 = tpu.memref_slice %arg43[%add3A_28, %dma_wait3A_582] : memref<10240x64xf32, #tpu.memory_space<vmem_shared>> -> memref<80x64xf32, #tpu.memory_space<vmem_shared>>
      tpu.wait_dma2 semaphore(%run_scoped3A : memref<!tpu.dma_semaphore, #tpu.memory_space<semaphore_mem>>) src(%arg40 : memref<80x64xf32, #tpu.memory_space<vmem>>) dst(%dma_wait3A_583 : memref<80x64xf32, #tpu.memory_space<vmem_shared>>)
      tpu.yield
    }) : () -> ()
    %mul3A_29 = arith.constant 640 : i32
    %mul3A_30 = arith.muli %arg1, %mul3A_29 : i32
    %add3A_31 = arith.constant 240 : i32
    %add3A_32 = arith.addi %mul3A_30, %add3A_31 : i32
    "tpu.region"() ({
      %run_scoped3A = tpu.sem_alloc : memref<!tpu.dma_semaphore, #tpu.memory_space<semaphore_mem>>
      %dma_start3A_576 = arith.constant 0 : i32
      %dma_start3A_577 = tpu.memref_slice %arg43[%add3A_32, %dma_start3A_576] : memref<10240x64xf32, #tpu.memory_space<vmem_shared>> -> memref<80x64xf32, #tpu.memory_space<vmem_shared>>
      %dma_start3A_578 = arith.constant 0 : i32
      %dma_start3A_579 = tpu.memref_slice %arg43[%add3A_32, %dma_start3A_578] : memref<10240x64xf32, #tpu.memory_space<vmem_shared>> -> memref<80x64xf32, #tpu.memory_space<vmem_shared>>
      tpu.enqueue_dma source(%arg40 : memref<80x64xf32, #tpu.memory_space<vmem>>) target(%dma_start3A_579 : memref<80x64xf32, #tpu.memory_space<vmem_shared>>) target_semaphore(%run_scoped3A : memref<!tpu.dma_semaphore, #tpu.memory_space<semaphore_mem>>)
      %dma_wait3A_580 = arith.constant 0 : i32
      %dma_wait3A_581 = tpu.memref_slice %arg43[%add3A_32, %dma_wait3A_580] : memref<10240x64xf32, #tpu.memory_space<vmem_shared>> -> memref<80x64xf32, #tpu.memory_space<vmem_shared>>
      %dma_wait3A_582 = arith.constant 0 : i32
      %dma_wait3A_583 = tpu.memref_slice %arg43[%add3A_32, %dma_wait3A_582] : memref<10240x64xf32, #tpu.memory_space<vmem_shared>> -> memref<80x64xf32, #tpu.memory_space<vmem_shared>>
      tpu.wait_dma2 semaphore(%run_scoped3A : memref<!tpu.dma_semaphore, #tpu.memory_space<semaphore_mem>>) src(%arg40 : memref<80x64xf32, #tpu.memory_space<vmem>>) dst(%dma_wait3A_583 : memref<80x64xf32, #tpu.memory_space<vmem_shared>>)
      tpu.yield
    }) : () -> ()
    %mul3A_33 = arith.constant 640 : i32
    %mul3A_34 = arith.muli %arg1, %mul3A_33 : i32
    %add3A_35 = arith.constant 320 : i32
    %add3A_36 = arith.addi %mul3A_34, %add3A_35 : i32
    "tpu.region"() ({
      %run_scoped3A = tpu.sem_alloc : memref<!tpu.dma_semaphore, #tpu.memory_space<semaphore_mem>>
      %dma_start3A_576 = arith.constant 0 : i32
      %dma_start3A_577 = tpu.memref_slice %arg43[%add3A_36, %dma_start3A_576] : memref<10240x64xf32, #tpu.memory_space<vmem_shared>> -> memref<80x64xf32, #tpu.memory_space<vmem_shared>>
      %dma_start3A_578 = arith.constant 0 : i32
      %dma_start3A_579 = tpu.memref_slice %arg43[%add3A_36, %dma_start3A_578] : memref<10240x64xf32, #tpu.memory_space<vmem_shared>> -> memref<80x64xf32, #tpu.memory_space<vmem_shared>>
      tpu.enqueue_dma source(%arg40 : memref<80x64xf32, #tpu.memory_space<vmem>>) target(%dma_start3A_579 : memref<80x64xf32, #tpu.memory_space<vmem_shared>>) target_semaphore(%run_scoped3A : memref<!tpu.dma_semaphore, #tpu.memory_space<semaphore_mem>>)
      %dma_wait3A_580 = arith.constant 0 : i32
      %dma_wait3A_581 = tpu.memref_slice %arg43[%add3A_36, %dma_wait3A_580] : memref<10240x64xf32, #tpu.memory_space<vmem_shared>> -> memref<80x64xf32, #tpu.memory_space<vmem_shared>>
      %dma_wait3A_582 = arith.constant 0 : i32
      %dma_wait3A_583 = tpu.memref_slice %arg43[%add3A_36, %dma_wait3A_582] : memref<10240x64xf32, #tpu.memory_space<vmem_shared>> -> memref<80x64xf32, #tpu.memory_space<vmem_shared>>
      tpu.wait_dma2 semaphore(%run_scoped3A : memref<!tpu.dma_semaphore, #tpu.memory_space<semaphore_mem>>) src(%arg40 : memref<80x64xf32, #tpu.memory_space<vmem>>) dst(%dma_wait3A_583 : memref<80x64xf32, #tpu.memory_space<vmem_shared>>)
      tpu.yield
    }) : () -> ()
    %mul3A_37 = arith.constant 640 : i32
    %mul3A_38 = arith.muli %arg1, %mul3A_37 : i32
    %add3A_39 = arith.constant 400 : i32
    %add3A_40 = arith.addi %mul3A_38, %add3A_39 : i32
    "tpu.region"() ({
      %run_scoped3A = tpu.sem_alloc : memref<!tpu.dma_semaphore, #tpu.memory_space<semaphore_mem>>
      %dma_start3A_576 = arith.constant 0 : i32
      %dma_start3A_577 = tpu.memref_slice %arg43[%add3A_40, %dma_start3A_576] : memref<10240x64xf32, #tpu.memory_space<vmem_shared>> -> memref<80x64xf32, #tpu.memory_space<vmem_shared>>
      %dma_start3A_578 = arith.constant 0 : i32
      %dma_start3A_579 = tpu.memref_slice %arg43[%add3A_40, %dma_start3A_578] : memref<10240x64xf32, #tpu.memory_space<vmem_shared>> -> memref<80x64xf32, #tpu.memory_space<vmem_shared>>
      tpu.enqueue_dma source(%arg40 : memref<80x64xf32, #tpu.memory_space<vmem>>) target(%dma_start3A_579 : memref<80x64xf32, #tpu.memory_space<vmem_shared>>) target_semaphore(%run_scoped3A : memref<!tpu.dma_semaphore, #tpu.memory_space<semaphore_mem>>)
      %dma_wait3A_580 = arith.constant 0 : i32
      %dma_wait3A_581 = tpu.memref_slice %arg43[%add3A_40, %dma_wait3A_580] : memref<10240x64xf32, #tpu.memory_space<vmem_shared>> -> memref<80x64xf32, #tpu.memory_space<vmem_shared>>
      %dma_wait3A_582 = arith.constant 0 : i32
      %dma_wait3A_583 = tpu.memref_slice %arg43[%add3A_40, %dma_wait3A_582] : memref<10240x64xf32, #tpu.memory_space<vmem_shared>> -> memref<80x64xf32, #tpu.memory_space<vmem_shared>>
      tpu.wait_dma2 semaphore(%run_scoped3A : memref<!tpu.dma_semaphore, #tpu.memory_space<semaphore_mem>>) src(%arg40 : memref<80x64xf32, #tpu.memory_space<vmem>>) dst(%dma_wait3A_583 : memref<80x64xf32, #tpu.memory_space<vmem_shared>>)
      tpu.yield
    }) : () -> ()
    %mul3A_41 = arith.constant 640 : i32
    %mul3A_42 = arith.muli %arg1, %mul3A_41 : i32
    %add3A_43 = arith.constant 480 : i32
    %add3A_44 = arith.addi %mul3A_42, %add3A_43 : i32
    "tpu.region"() ({
      %run_scoped3A = tpu.sem_alloc : memref<!tpu.dma_semaphore, #tpu.memory_space<semaphore_mem>>
      %dma_start3A_576 = arith.constant 0 : i32
      %dma_start3A_577 = tpu.memref_slice %arg43[%add3A_44, %dma_start3A_576] : memref<10240x64xf32, #tpu.memory_space<vmem_shared>> -> memref<80x64xf32, #tpu.memory_space<vmem_shared>>
      %dma_start3A_578 = arith.constant 0 : i32
      %dma_start3A_579 = tpu.memref_slice %arg43[%add3A_44, %dma_start3A_578] : memref<10240x64xf32, #tpu.memory_space<vmem_shared>> -> memref<80x64xf32, #tpu.memory_space<vmem_shared>>
      tpu.enqueue_dma source(%arg40 : memref<80x64xf32, #tpu.memory_space<vmem>>) target(%dma_start3A_579 : memref<80x64xf32, #tpu.memory_space<vmem_shared>>) target_semaphore(%run_scoped3A : memref<!tpu.dma_semaphore, #tpu.memory_space<semaphore_mem>>)
      %dma_wait3A_580 = arith.constant 0 : i32
      %dma_wait3A_581 = tpu.memref_slice %arg43[%add3A_44, %dma_wait3A_580] : memref<10240x64xf32, #tpu.memory_space<vmem_shared>> -> memref<80x64xf32, #tpu.memory_space<vmem_shared>>
      %dma_wait3A_582 = arith.constant 0 : i32
      %dma_wait3A_583 = tpu.memref_slice %arg43[%add3A_44, %dma_wait3A_582] : memref<10240x64xf32, #tpu.memory_space<vmem_shared>> -> memref<80x64xf32, #tpu.memory_space<vmem_shared>>
      tpu.wait_dma2 semaphore(%run_scoped3A : memref<!tpu.dma_semaphore, #tpu.memory_space<semaphore_mem>>) src(%arg40 : memref<80x64xf32, #tpu.memory_space<vmem>>) dst(%dma_wait3A_583 : memref<80x64xf32, #tpu.memory_space<vmem_shared>>)
      tpu.yield
    }) : () -> ()
    %mul3A_45 = arith.constant 640 : i32
    %mul3A_46 = arith.muli %arg1, %mul3A_45 : i32
    %add3A_47 = arith.constant 560 : i32
    %add3A_48 = arith.addi %mul3A_46, %add3A_47 : i32
    "tpu.region"() ({
      %run_scoped3A = tpu.sem_alloc : memref<!tpu.dma_semaphore, #tpu.memory_space<semaphore_mem>>
      %dma_start3A_576 = arith.constant 0 : i32
      %dma_start3A_577 = tpu.memref_slice %arg43[%add3A_48, %dma_start3A_576] : memref<10240x64xf32, #tpu.memory_space<vmem_shared>> -> memref<80x64xf32, #tpu.memory_space<vmem_shared>>
      %dma_start3A_578 = arith.constant 0 : i32
      %dma_start3A_579 = tpu.memref_slice %arg43[%add3A_48, %dma_start3A_578] : memref<10240x64xf32, #tpu.memory_space<vmem_shared>> -> memref<80x64xf32, #tpu.memory_space<vmem_shared>>
      tpu.enqueue_dma source(%arg40 : memref<80x64xf32, #tpu.memory_space<vmem>>) target(%dma_start3A_579 : memref<80x64xf32, #tpu.memory_space<vmem_shared>>) target_semaphore(%run_scoped3A : memref<!tpu.dma_semaphore, #tpu.memory_space<semaphore_mem>>)
      %dma_wait3A_580 = arith.constant 0 : i32
      %dma_wait3A_581 = tpu.memref_slice %arg43[%add3A_48, %dma_wait3A_580] : memref<10240x64xf32, #tpu.memory_space<vmem_shared>> -> memref<80x64xf32, #tpu.memory_space<vmem_shared>>
      %dma_wait3A_582 = arith.constant 0 : i32
      %dma_wait3A_583 = tpu.memref_slice %arg43[%add3A_48, %dma_wait3A_582] : memref<10240x64xf32, #tpu.memory_space<vmem_shared>> -> memref<80x64xf32, #tpu.memory_space<vmem_shared>>
      tpu.wait_dma2 semaphore(%run_scoped3A : memref<!tpu.dma_semaphore, #tpu.memory_space<semaphore_mem>>) src(%arg40 : memref<80x64xf32, #tpu.memory_space<vmem>>) dst(%dma_wait3A_583 : memref<80x64xf32, #tpu.memory_space<vmem_shared>>)
      tpu.yield
    }) : () -> ()
    %scan3A_49 = arith.constant 0 : i32
    %scan3A_50 = arith.constant 80 : i32
    %scan3A_51 = arith.addi %scan3A_49, %scan3A_50 : i32
    %scan3A_52 = arith.constant 1 : i32
    scf.for %scan3A_576 = %scan3A_49 to %scan3A_51 step %scan3A_52  : i32 {
      %mul3A_577 = arith.constant 1 : i32
      %mul3A_578 = arith.muli %scan3A_576, %mul3A_577 : i32
      %add3A_579 = arith.constant 0 : i32
      %add3A_580 = arith.addi %add3A_579, %mul3A_578 : i32
      %broadcast_in_dim3A = arith.constant 1.000000e+00 : f32
      %broadcast_in_dim3A_581 = vector.broadcast %broadcast_in_dim3A : f32 to vector<16xf32>
      %swap3A_582 = arith.index_cast %add3A_580 : i32 to index
      %swap3A_583 = arith.constant 0 : index
      %swap3A_584 = tpu.vector_load %arg41[%swap3A_582, %swap3A_583] {strides = array<i32>} : memref<80x16xf32, #tpu.memory_space<vmem>>, vector<1x16xf32>,
      %swap3A_585 = vector.shape_cast %swap3A_584 : vector<1x16xf32> to vector<16xf32>
      %swap3A_586 = vector.shape_cast %broadcast_in_dim3A_581 : vector<16xf32> to vector<1x16xf32>
      tpu.vector_store %arg41[%swap3A_582, %swap3A_583], %swap3A_586 {strides = array<i32>} : memref<80x16xf32, #tpu.memory_space<vmem>>, vector<1x16xf32>,
    }
    %scan3A_53 = arith.constant 80 : i32
    %scan3A_54 = arith.constant 0 : i32
    %scan3A_55 = arith.constant 320 : i32
    %scan3A_56 = arith.addi %scan3A_54, %scan3A_55 : i32
    %scan3A_57 = arith.constant 1 : i32
    scf.for %scan3A_576 = %scan3A_54 to %scan3A_56 step %scan3A_57  : i32 {
      %mul3A_577 = arith.constant 1 : i32
      %mul3A_578 = arith.muli %scan3A_576, %mul3A_577 : i32
      %add3A_579 = arith.constant 0 : i32
      %add3A_580 = arith.addi %add3A_579, %mul3A_578 : i32
      %broadcast_in_dim3A = arith.constant 0.000000e+00 : f32
      %broadcast_in_dim3A_581 = vector.broadcast %broadcast_in_dim3A : f32 to vector<16xf32>
      %swap3A_582 = arith.index_cast %add3A_580 : i32 to index
      %swap3A_583 = arith.constant 0 : index
      %swap3A_584 = tpu.vector_load %arg42[%swap3A_582, %swap3A_583] {strides = array<i32>} : memref<320x16xf32, #tpu.memory_space<vmem>>, vector<1x16xf32>,
      %swap3A_585 = vector.shape_cast %swap3A_584 : vector<1x16xf32> to vector<16xf32>
      %swap3A_586 = vector.shape_cast %broadcast_in_dim3A_581 : vector<16xf32> to vector<1x16xf32>
      tpu.vector_store %arg42[%swap3A_582, %swap3A_583], %swap3A_586 {strides = array<i32>} : memref<320x16xf32, #tpu.memory_space<vmem>>, vector<1x16xf32>,
    }
    %scan3A_58 = arith.constant 320 : i32
    %mul3A_59 = arith.constant 640 : i32
    %mul3A_60 = arith.muli %arg1, %mul3A_59 : i32
    %add3A_61 = arith.constant 0 : i32
    %add3A_62 = arith.addi %mul3A_60, %add3A_61 : i32
    "tpu.region"() ({
      %run_scoped3A = tpu.sem_alloc : memref<!tpu.dma_semaphore, #tpu.memory_space<semaphore_mem>>
      %dma_start3A_576 = arith.constant 0 : i32
      %dma_start3A_577 = tpu.memref_slice %arg44[%add3A_62, %dma_start3A_576] : memref<10240x16xf32, #tpu.memory_space<vmem_shared>> -> memref<320x16xf32, #tpu.memory_space<vmem_shared>>
      %dma_start3A_578 = arith.constant 0 : i32
      %dma_start3A_579 = tpu.memref_slice %arg44[%add3A_62, %dma_start3A_578] : memref<10240x16xf32, #tpu.memory_space<vmem_shared>> -> memref<320x16xf32, #tpu.memory_space<vmem_shared>>
      tpu.enqueue_dma source(%arg42 : memref<320x16xf32, #tpu.memory_space<vmem>>) target(%dma_start3A_579 : memref<320x16xf32, #tpu.memory_space<vmem_shared>>) target_semaphore(%run_scoped3A : memref<!tpu.dma_semaphore, #tpu.memory_space<semaphore_mem>>)
      %dma_wait3A_580 = arith.constant 0 : i32
      %dma_wait3A_581 = tpu.memref_slice %arg44[%add3A_62, %dma_wait3A_580] : memref<10240x16xf32, #tpu.memory_space<vmem_shared>> -> memref<320x16xf32, #tpu.memory_space<vmem_shared>>
      %dma_wait3A_582 = arith.constant 0 : i32
      %dma_wait3A_583 = tpu.memref_slice %arg44[%add3A_62, %dma_wait3A_582] : memref<10240x16xf32, #tpu.memory_space<vmem_shared>> -> memref<320x16xf32, #tpu.memory_space<vmem_shared>>
      tpu.wait_dma2 semaphore(%run_scoped3A : memref<!tpu.dma_semaphore, #tpu.memory_space<semaphore_mem>>) src(%arg42 : memref<320x16xf32, #tpu.memory_space<vmem>>) dst(%dma_wait3A_583 : memref<320x16xf32, #tpu.memory_space<vmem_shared>>)
      tpu.yield
    }) : () -> ()
    %mul3A_63 = arith.constant 640 : i32
    %mul3A_64 = arith.muli %arg1, %mul3A_63 : i32
    %add3A_65 = arith.constant 320 : i32
    %add3A_66 = arith.addi %mul3A_64, %add3A_65 : i32
    "tpu.region"() ({
      %run_scoped3A = tpu.sem_alloc : memref<!tpu.dma_semaphore, #tpu.memory_space<semaphore_mem>>
      %dma_start3A_576 = arith.constant 0 : i32
      %dma_start3A_577 = tpu.memref_slice %arg44[%add3A_66, %dma_start3A_576] : memref<10240x16xf32, #tpu.memory_space<vmem_shared>> -> memref<320x16xf32, #tpu.memory_space<vmem_shared>>
      %dma_start3A_578 = arith.constant 0 : i32
      %dma_start3A_579 = tpu.memref_slice %arg44[%add3A_66, %dma_start3A_578] : memref<10240x16xf32, #tpu.memory_space<vmem_shared>> -> memref<320x16xf32, #tpu.memory_space<vmem_shared>>
      tpu.enqueue_dma source(%arg42 : memref<320x16xf32, #tpu.memory_space<vmem>>) target(%dma_start3A_579 : memref<320x16xf32, #tpu.memory_space<vmem_shared>>) target_semaphore(%run_scoped3A : memref<!tpu.dma_semaphore, #tpu.memory_space<semaphore_mem>>)
      %dma_wait3A_580 = arith.constant 0 : i32
      %dma_wait3A_581 = tpu.memref_slice %arg44[%add3A_66, %dma_wait3A_580] : memref<10240x16xf32, #tpu.memory_space<vmem_shared>> -> memref<320x16xf32, #tpu.memory_space<vmem_shared>>
      %dma_wait3A_582 = arith.constant 0 : i32
      %dma_wait3A_583 = tpu.memref_slice %arg44[%add3A_66, %dma_wait3A_582] : memref<10240x16xf32, #tpu.memory_space<vmem_shared>> -> memref<320x16xf32, #tpu.memory_space<vmem_shared>>
      tpu.wait_dma2 semaphore(%run_scoped3A : memref<!tpu.dma_semaphore, #tpu.memory_space<semaphore_mem>>) src(%arg42 : memref<320x16xf32, #tpu.memory_space<vmem>>) dst(%dma_wait3A_583 : memref<320x16xf32, #tpu.memory_space<vmem_shared>>)
      tpu.yield
    }) : () -> ()
    %barrier3A = arith.constant 0 : index
    tpu.barrier barrier_id(%barrier3A)
    %dma_wait3A = arith.constant 0 : i32
    %dma_wait3A_67 = arith.constant 0 : i32
    %dma_wait3A_68 = tpu.memref_slice %arg3[%dma_wait3A, %dma_wait3A_67] : memref<2x320000xi32, #tpu.memory_space<hbm>> -> memref<1x400xi32, #tpu.memory_space<hbm>>
    %dma_wait3A_69 = tpu.memref_squeeze %dma_wait3A_68 : memref<1x400xi32, #tpu.memory_space<hbm>> -> memref<400xi32, #tpu.memory_space<hbm>>
    %dma_wait3A_70 = arith.constant 0 : i32
    %dma_wait3A_71 = tpu.memref_slice %arg3[%dma_wait3A, %dma_wait3A_70] : memref<2x320000xi32, #tpu.memory_space<hbm>> -> memref<1x400xi32, #tpu.memory_space<hbm>>
    %dma_wait3A_72 = tpu.memref_squeeze %dma_wait3A_71 : memref<1x400xi32, #tpu.memory_space<hbm>> -> memref<400xi32, #tpu.memory_space<hbm>>
    tpu.wait_dma2 semaphore(%arg45 : memref<!tpu.dma_semaphore, #tpu.memory_space<semaphore_mem>>) src(%dma_wait3A_72 : memref<400xi32, #tpu.memory_space<hbm>>) dst(%arg6 : memref<400xi32, #tpu.memory_space<vmem>>)
    %dma_wait3A_73 = arith.constant 1 : i32
    %dma_wait3A_74 = arith.constant 0 : i32
    %dma_wait3A_75 = tpu.memref_slice %arg3[%dma_wait3A_73, %dma_wait3A_74] : memref<2x320000xi32, #tpu.memory_space<hbm>> -> memref<1x400xi32, #tpu.memory_space<hbm>>
    %dma_wait3A_76 = tpu.memref_squeeze %dma_wait3A_75 : memref<1x400xi32, #tpu.memory_space<hbm>> -> memref<400xi32, #tpu.memory_space<hbm>>
    %dma_wait3A_77 = arith.constant 0 : i32
    %dma_wait3A_78 = tpu.memref_slice %arg3[%dma_wait3A_73, %dma_wait3A_77] : memref<2x320000xi32, #tpu.memory_space<hbm>> -> memref<1x400xi32, #tpu.memory_space<hbm>>
    %dma_wait3A_79 = tpu.memref_squeeze %dma_wait3A_78 : memref<1x400xi32, #tpu.memory_space<hbm>> -> memref<400xi32, #tpu.memory_space<hbm>>
    tpu.wait_dma2 semaphore(%arg45 : memref<!tpu.dma_semaphore, #tpu.memory_space<semaphore_mem>>) src(%dma_wait3A_79 : memref<400xi32, #tpu.memory_space<hbm>>) dst(%arg8 : memref<400xi32, #tpu.memory_space<vmem>>)
    %get3A = arith.constant 0 : index
    %get3A_80 = tpu.vector_load %arg6[%get3A] {strides = array<i32>} : memref<400xi32, #tpu.memory_space<vmem>>, vector<16xi32>,
    %get3A_81 = vector.shape_cast %get3A_80 : vector<16xi32> to vector<16xi32>
    %add3A_82 = arith.addi %get3A_81, %get3A_81 : vector<16xi32>
    %add3A_83 = vector.broadcast %arg0 : i32 to vector<16xi32>
    %add3A_84 = arith.addi %add3A_82, %add3A_83 : vector<16xi32>
    %swap3A = arith.constant 0 : index
    %swap3A_85 = tpu.vector_load %arg10[%swap3A] {strides = array<i32>} : memref<80xi32, #tpu.memory_space<vmem>>, vector<16xi32>,
    %swap3A_86 = vector.shape_cast %swap3A_85 : vector<16xi32> to vector<16xi32>
    %swap3A_87 = vector.shape_cast %add3A_84 : vector<16xi32> to vector<16xi32>
    tpu.vector_store %arg10[%swap3A], %swap3A_87 {strides = array<i32>} : memref<80xi32, #tpu.memory_space<vmem>>, vector<16xi32>,
    %get3A_88 = arith.constant 0 : index
    %get3A_89 = tpu.vector_load %arg8[%get3A_88] {strides = array<i32>} : memref<400xi32, #tpu.memory_space<vmem>>, vector<16xi32>,
    %get3A_90 = vector.shape_cast %get3A_89 : vector<16xi32> to vector<16xi32>
    %swap3A_91 = arith.constant 0 : index
    %swap3A_92 = tpu.vector_load %arg20[%swap3A_91] {strides = array<i32>} : memref<80xi32, #tpu.memory_space<vmem>>, vector<16xi32>,
    %swap3A_93 = vector.shape_cast %swap3A_92 : vector<16xi32> to vector<16xi32>
    %swap3A_94 = vector.shape_cast %get3A_90 : vector<16xi32> to vector<16xi32>
    tpu.vector_store %arg20[%swap3A_91], %swap3A_94 {strides = array<i32>} : memref<80xi32, #tpu.memory_space<vmem>>, vector<16xi32>,
    %get3A_95 = arith.constant 16 : index
    %get3A_96 = tpu.vector_load %arg6[%get3A_95] {strides = array<i32>} : memref<400xi32, #tpu.memory_space<vmem>>, vector<16xi32>,
    %get3A_97 = vector.shape_cast %get3A_96 : vector<16xi32> to vector<16xi32>
    %add3A_98 = arith.addi %get3A_97, %get3A_97 : vector<16xi32>
    %add3A_99 = vector.broadcast %arg0 : i32 to vector<16xi32>
    %add3A_100 = arith.addi %add3A_98, %add3A_99 : vector<16xi32>
    %swap3A_101 = arith.constant 16 : index
    %swap3A_102 = tpu.vector_load %arg10[%swap3A_101] {strides = array<i32>} : memref<80xi32, #tpu.memory_space<vmem>>, vector<16xi32>,
    %swap3A_103 = vector.shape_cast %swap3A_102 : vector<16xi32> to vector<16xi32>
    %swap3A_104 = vector.shape_cast %add3A_100 : vector<16xi32> to vector<16xi32>
    tpu.vector_store %arg10[%swap3A_101], %swap3A_104 {strides = array<i32>} : memref<80xi32, #tpu.memory_space<vmem>>, vector<16xi32>,
    %get3A_105 = arith.constant 16 : index
    %get3A_106 = tpu.vector_load %arg8[%get3A_105] {strides = array<i32>} : memref<400xi32, #tpu.memory_space<vmem>>, vector<16xi32>,
    %get3A_107 = vector.shape_cast %get3A_106 : vector<16xi32> to vector<16xi32>
    %swap3A_108 = arith.constant 16 : index
    %swap3A_109 = tpu.vector_load %arg20[%swap3A_108] {strides = array<i32>} : memref<80xi32, #tpu.memory_space<vmem>>, vector<16xi32>,
    %swap3A_110 = vector.shape_cast %swap3A_109 : vector<16xi32> to vector<16xi32>
    %swap3A_111 = vector.shape_cast %get3A_107 : vector<16xi32> to vector<16xi32>
    tpu.vector_store %arg20[%swap3A_108], %swap3A_111 {strides = array<i32>} : memref<80xi32, #tpu.memory_space<vmem>>, vector<16xi32>,
    %get3A_112 = arith.constant 32 : index
    %get3A_113 = tpu.vector_load %arg6[%get3A_112] {strides = array<i32>} : memref<400xi32, #tpu.memory_space<vmem>>, vector<16xi32>,
    %get3A_114 = vector.shape_cast %get3A_113 : vector<16xi32> to vector<16xi32>
    %add3A_115 = arith.addi %get3A_114, %get3A_114 : vector<16xi32>
    %add3A_116 = vector.broadcast %arg0 : i32 to vector<16xi32>
    %add3A_117 = arith.addi %add3A_115, %add3A_116 : vector<16xi32>
    %swap3A_118 = arith.constant 32 : index
    %swap3A_119 = tpu.vector_load %arg10[%swap3A_118] {strides = array<i32>} : memref<80xi32, #tpu.memory_space<vmem>>, vector<16xi32>,
    %swap3A_120 = vector.shape_cast %swap3A_119 : vector<16xi32> to vector<16xi32>
    %swap3A_121 = vector.shape_cast %add3A_117 : vector<16xi32> to vector<16xi32>
    tpu.vector_store %arg10[%swap3A_118], %swap3A_121 {strides = array<i32>} : memref<80xi32, #tpu.memory_space<vmem>>, vector<16xi32>,
    %get3A_122 = arith.constant 32 : index
    %get3A_123 = tpu.vector_load %arg8[%get3A_122] {strides = array<i32>} : memref<400xi32, #tpu.memory_space<vmem>>, vector<16xi32>,
    %get3A_124 = vector.shape_cast %get3A_123 : vector<16xi32> to vector<16xi32>
    %swap3A_125 = arith.constant 32 : index
    %swap3A_126 = tpu.vector_load %arg20[%swap3A_125] {strides = array<i32>} : memref<80xi32, #tpu.memory_space<vmem>>, vector<16xi32>,
    %swap3A_127 = vector.shape_cast %swap3A_126 : vector<16xi32> to vector<16xi32>
    %swap3A_128 = vector.shape_cast %get3A_124 : vector<16xi32> to vector<16xi32>
    tpu.vector_store %arg20[%swap3A_125], %swap3A_128 {strides = array<i32>} : memref<80xi32, #tpu.memory_space<vmem>>, vector<16xi32>,
    %get3A_129 = arith.constant 48 : index
    %get3A_130 = tpu.vector_load %arg6[%get3A_129] {strides = array<i32>} : memref<400xi32, #tpu.memory_space<vmem>>, vector<16xi32>,
    %get3A_131 = vector.shape_cast %get3A_130 : vector<16xi32> to vector<16xi32>
    %add3A_132 = arith.addi %get3A_131, %get3A_131 : vector<16xi32>
    %add3A_133 = vector.broadcast %arg0 : i32 to vector<16xi32>
    %add3A_134 = arith.addi %add3A_132, %add3A_133 : vector<16xi32>
    %swap3A_135 = arith.constant 48 : index
    %swap3A_136 = tpu.vector_load %arg10[%swap3A_135] {strides = array<i32>} : memref<80xi32, #tpu.memory_space<vmem>>, vector<16xi32>,
    %swap3A_137 = vector.shape_cast %swap3A_136 : vector<16xi32> to vector<16xi32>
    %swap3A_138 = vector.shape_cast %add3A_134 : vector<16xi32> to vector<16xi32>
    tpu.vector_store %arg10[%swap3A_135], %swap3A_138 {strides = array<i32>} : memref<80xi32, #tpu.memory_space<vmem>>, vector<16xi32>,
    %get3A_139 = arith.constant 48 : index
    %get3A_140 = tpu.vector_load %arg8[%get3A_139] {strides = array<i32>} : memref<400xi32, #tpu.memory_space<vmem>>, vector<16xi32>,
    %get3A_141 = vector.shape_cast %get3A_140 : vector<16xi32> to vector<16xi32>
    %swap3A_142 = arith.constant 48 : index
    %swap3A_143 = tpu.vector_load %arg20[%swap3A_142] {strides = array<i32>} : memref<80xi32, #tpu.memory_space<vmem>>, vector<16xi32>,
    %swap3A_144 = vector.shape_cast %swap3A_143 : vector<16xi32> to vector<16xi32>
    %swap3A_145 = vector.shape_cast %get3A_141 : vector<16xi32> to vector<16xi32>
    tpu.vector_store %arg20[%swap3A_142], %swap3A_145 {strides = array<i32>} : memref<80xi32, #tpu.memory_space<vmem>>, vector<16xi32>,
    %get3A_146 = arith.constant 64 : index
    %get3A_147 = tpu.vector_load %arg6[%get3A_146] {strides = array<i32>} : memref<400xi32, #tpu.memory_space<vmem>>, vector<16xi32>,
    %get3A_148 = vector.shape_cast %get3A_147 : vector<16xi32> to vector<16xi32>
    %add3A_149 = arith.addi %get3A_148, %get3A_148 : vector<16xi32>
    %add3A_150 = vector.broadcast %arg0 : i32 to vector<16xi32>
    %add3A_151 = arith.addi %add3A_149, %add3A_150 : vector<16xi32>
    %swap3A_152 = arith.constant 64 : index
    %swap3A_153 = tpu.vector_load %arg10[%swap3A_152] {strides = array<i32>} : memref<80xi32, #tpu.memory_space<vmem>>, vector<16xi32>,
    %swap3A_154 = vector.shape_cast %swap3A_153 : vector<16xi32> to vector<16xi32>
    %swap3A_155 = vector.shape_cast %add3A_151 : vector<16xi32> to vector<16xi32>
    tpu.vector_store %arg10[%swap3A_152], %swap3A_155 {strides = array<i32>} : memref<80xi32, #tpu.memory_space<vmem>>, vector<16xi32>,
    %get3A_156 = arith.constant 64 : index
    %get3A_157 = tpu.vector_load %arg8[%get3A_156] {strides = array<i32>} : memref<400xi32, #tpu.memory_space<vmem>>, vector<16xi32>,
    %get3A_158 = vector.shape_cast %get3A_157 : vector<16xi32> to vector<16xi32>
    %swap3A_159 = arith.constant 64 : index
    %swap3A_160 = tpu.vector_load %arg20[%swap3A_159] {strides = array<i32>} : memref<80xi32, #tpu.memory_space<vmem>>, vector<16xi32>,
    %swap3A_161 = vector.shape_cast %swap3A_160 : vector<16xi32> to vector<16xi32>
    %swap3A_162 = vector.shape_cast %get3A_158 : vector<16xi32> to vector<16xi32>
    tpu.vector_store %arg20[%swap3A_159], %swap3A_162 {strides = array<i32>} : memref<80xi32, #tpu.memory_space<vmem>>, vector<16xi32>,
    %dma_start3A_163 = arith.constant 0 : i32
    %dma_start3A_164 = arith.constant 0 : i32
    %dma_start3A_165 = tpu.memref_slice %arg2[%dma_start3A_163, %dma_start3A_164] : memref<20000x64xf32, #tpu.memory_space<hbm>> -> memref<20000x64xf32, #tpu.memory_space<hbm>>
    tpu.enqueue_indirect_dma source(%dma_start3A_165 : memref<20000x64xf32, #tpu.memory_space<hbm>>) target(%arg30 : memref<80x64xf32, #tpu.memory_space<vmem>>) offsets(%arg10 : memref<80xi32, #tpu.memory_space<vmem>>) semaphore(%arg47 : memref<!tpu.dma_semaphore, #tpu.memory_space<semaphore_mem>>)
    %get3A_166 = arith.constant 80 : index
    %get3A_167 = tpu.vector_load %arg6[%get3A_166] {strides = array<i32>} : memref<400xi32, #tpu.memory_space<vmem>>, vector<16xi32>,
    %get3A_168 = vector.shape_cast %get3A_167 : vector<16xi32> to vector<16xi32>
    %add3A_169 = arith.addi %get3A_168, %get3A_168 : vector<16xi32>
    %add3A_170 = vector.broadcast %arg0 : i32 to vector<16xi32>
    %add3A_171 = arith.addi %add3A_169, %add3A_170 : vector<16xi32>
    %swap3A_172 = arith.constant 0 : index
    %swap3A_173 = tpu.vector_load %arg11[%swap3A_172] {strides = array<i32>} : memref<80xi32, #tpu.memory_space<vmem>>, vector<16xi32>,
    %swap3A_174 = vector.shape_cast %swap3A_173 : vector<16xi32> to vector<16xi32>
    %swap3A_175 = vector.shape_cast %add3A_171 : vector<16xi32> to vector<16xi32>
    tpu.vector_store %arg11[%swap3A_172], %swap3A_175 {strides = array<i32>} : memref<80xi32, #tpu.memory_space<vmem>>, vector<16xi32>,
    %get3A_176 = arith.constant 80 : index
    %get3A_177 = tpu.vector_load %arg8[%get3A_176] {strides = array<i32>} : memref<400xi32, #tpu.memory_space<vmem>>, vector<16xi32>,
    %get3A_178 = vector.shape_cast %get3A_177 : vector<16xi32> to vector<16xi32>
    %swap3A_179 = arith.constant 0 : index
    %swap3A_180 = tpu.vector_load %arg21[%swap3A_179] {strides = array<i32>} : memref<80xi32, #tpu.memory_space<vmem>>, vector<16xi32>,
    %swap3A_181 = vector.shape_cast %swap3A_180 : vector<16xi32> to vector<16xi32>
    %swap3A_182 = vector.shape_cast %get3A_178 : vector<16xi32> to vector<16xi32>
    tpu.vector_store %arg21[%swap3A_179], %swap3A_182 {strides = array<i32>} : memref<80xi32, #tpu.memory_space<vmem>>, vector<16xi32>,
    %get3A_183 = arith.constant 96 : index
    %get3A_184 = tpu.vector_load %arg6[%get3A_183] {strides = array<i32>} : memref<400xi32, #tpu.memory_space<vmem>>, vector<16xi32>,
    %get3A_185 = vector.shape_cast %get3A_184 : vector<16xi32> to vector<16xi32>
    %add3A_186 = arith.addi %get3A_185, %get3A_185 : vector<16xi32>
    %add3A_187 = vector.broadcast %arg0 : i32 to vector<16xi32>
    %add3A_188 = arith.addi %add3A_186, %add3A_187 : vector<16xi32>
    %swap3A_189 = arith.constant 16 : index
    %swap3A_190 = tpu.vector_load %arg11[%swap3A_189] {strides = array<i32>} : memref<80xi32, #tpu.memory_space<vmem>>, vector<16xi32>,
    %swap3A_191 = vector.shape_cast %swap3A_190 : vector<16xi32> to vector<16xi32>
    %swap3A_192 = vector.shape_cast %add3A_188 : vector<16xi32> to vector<16xi32>
    tpu.vector_store %arg11[%swap3A_189], %swap3A_192 {strides = array<i32>} : memref<80xi32, #tpu.memory_space<vmem>>, vector<16xi32>,
    %get3A_193 = arith.constant 96 : index
    %get3A_194 = tpu.vector_load %arg8[%get3A_193] {strides = array<i32>} : memref<400xi32, #tpu.memory_space<vmem>>, vector<16xi32>,
    %get3A_195 = vector.shape_cast %get3A_194 : vector<16xi32> to vector<16xi32>
    %swap3A_196 = arith.constant 16 : index
    %swap3A_197 = tpu.vector_load %arg21[%swap3A_196] {strides = array<i32>} : memref<80xi32, #tpu.memory_space<vmem>>, vector<16xi32>,
    %swap3A_198 = vector.shape_cast %swap3A_197 : vector<16xi32> to vector<16xi32>
    %swap3A_199 = vector.shape_cast %get3A_195 : vector<16xi32> to vector<16xi32>
    tpu.vector_store %arg21[%swap3A_196], %swap3A_199 {strides = array<i32>} : memref<80xi32, #tpu.memory_space<vmem>>, vector<16xi32>,
    %get3A_200 = arith.constant 112 : index
    %get3A_201 = tpu.vector_load %arg6[%get3A_200] {strides = array<i32>} : memref<400xi32, #tpu.memory_space<vmem>>, vector<16xi32>,
    %get3A_202 = vector.shape_cast %get3A_201 : vector<16xi32> to vector<16xi32>
    %add3A_203 = arith.addi %get3A_202, %get3A_202 : vector<16xi32>
    %add3A_204 = vector.broadcast %arg0 : i32 to vector<16xi32>
    %add3A_205 = arith.addi %add3A_203, %add3A_204 : vector<16xi32>
    %swap3A_206 = arith.constant 32 : index
    %swap3A_207 = tpu.vector_load %arg11[%swap3A_206] {strides = array<i32>} : memref<80xi32, #tpu.memory_space<vmem>>, vector<16xi32>,
    %swap3A_208 = vector.shape_cast %swap3A_207 : vector<16xi32> to vector<16xi32>
    %swap3A_209 = vector.shape_cast %add3A_205 : vector<16xi32> to vector<16xi32>
    tpu.vector_store %arg11[%swap3A_206], %swap3A_209 {strides = array<i32>} : memref<80xi32, #tpu.memory_space<vmem>>, vector<16xi32>,
    %get3A_210 = arith.constant 112 : index
    %get3A_211 = tpu.vector_load %arg8[%get3A_210] {strides = array<i32>} : memref<400xi32, #tpu.memory_space<vmem>>, vector<16xi32>,
    %get3A_212 = vector.shape_cast %get3A_211 : vector<16xi32> to vector<16xi32>
    %swap3A_213 = arith.constant 32 : index
    %swap3A_214 = tpu.vector_load %arg21[%swap3A_213] {strides = array<i32>} : memref<80xi32, #tpu.memory_space<vmem>>, vector<16xi32>,
    %swap3A_215 = vector.shape_cast %swap3A_214 : vector<16xi32> to vector<16xi32>
    %swap3A_216 = vector.shape_cast %get3A_212 : vector<16xi32> to vector<16xi32>
    tpu.vector_store %arg21[%swap3A_213], %swap3A_216 {strides = array<i32>} : memref<80xi32, #tpu.memory_space<vmem>>, vector<16xi32>,
    %get3A_217 = arith.constant 128 : index
    %get3A_218 = tpu.vector_load %arg6[%get3A_217] {strides = array<i32>} : memref<400xi32, #tpu.memory_space<vmem>>, vector<16xi32>,
    %get3A_219 = vector.shape_cast %get3A_218 : vector<16xi32> to vector<16xi32>
    %add3A_220 = arith.addi %get3A_219, %get3A_219 : vector<16xi32>
    %add3A_221 = vector.broadcast %arg0 : i32 to vector<16xi32>
    %add3A_222 = arith.addi %add3A_220, %add3A_221 : vector<16xi32>
    %swap3A_223 = arith.constant 48 : index
    %swap3A_224 = tpu.vector_load %arg11[%swap3A_223] {strides = array<i32>} : memref<80xi32, #tpu.memory_space<vmem>>, vector<16xi32>,
    %swap3A_225 = vector.shape_cast %swap3A_224 : vector<16xi32> to vector<16xi32>
    %swap3A_226 = vector.shape_cast %add3A_222 : vector<16xi32> to vector<16xi32>
    tpu.vector_store %arg11[%swap3A_223], %swap3A_226 {strides = array<i32>} : memref<80xi32, #tpu.memory_space<vmem>>, vector<16xi32>,
    %get3A_227 = arith.constant 128 : index
    %get3A_228 = tpu.vector_load %arg8[%get3A_227] {strides = array<i32>} : memref<400xi32, #tpu.memory_space<vmem>>, vector<16xi32>,
    %get3A_229 = vector.shape_cast %get3A_228 : vector<16xi32> to vector<16xi32>
    %swap3A_230 = arith.constant 48 : index
    %swap3A_231 = tpu.vector_load %arg21[%swap3A_230] {strides = array<i32>} : memref<80xi32, #tpu.memory_space<vmem>>, vector<16xi32>,
    %swap3A_232 = vector.shape_cast %swap3A_231 : vector<16xi32> to vector<16xi32>
    %swap3A_233 = vector.shape_cast %get3A_229 : vector<16xi32> to vector<16xi32>
    tpu.vector_store %arg21[%swap3A_230], %swap3A_233 {strides = array<i32>} : memref<80xi32, #tpu.memory_space<vmem>>, vector<16xi32>,
    %get3A_234 = arith.constant 144 : index
    %get3A_235 = tpu.vector_load %arg6[%get3A_234] {strides = array<i32>} : memref<400xi32, #tpu.memory_space<vmem>>, vector<16xi32>,
    %get3A_236 = vector.shape_cast %get3A_235 : vector<16xi32> to vector<16xi32>
    %add3A_237 = arith.addi %get3A_236, %get3A_236 : vector<16xi32>
    %add3A_238 = vector.broadcast %arg0 : i32 to vector<16xi32>
    %add3A_239 = arith.addi %add3A_237, %add3A_238 : vector<16xi32>
    %swap3A_240 = arith.constant 64 : index
    %swap3A_241 = tpu.vector_load %arg11[%swap3A_240] {strides = array<i32>} : memref<80xi32, #tpu.memory_space<vmem>>, vector<16xi32>,
    %swap3A_242 = vector.shape_cast %swap3A_241 : vector<16xi32> to vector<16xi32>
    %swap3A_243 = vector.shape_cast %add3A_239 : vector<16xi32> to vector<16xi32>
    tpu.vector_store %arg11[%swap3A_240], %swap3A_243 {strides = array<i32>} : memref<80xi32, #tpu.memory_space<vmem>>, vector<16xi32>,
    %get3A_244 = arith.constant 144 : index
    %get3A_245 = tpu.vector_load %arg8[%get3A_244] {strides = array<i32>} : memref<400xi32, #tpu.memory_space<vmem>>, vector<16xi32>,
    %get3A_246 = vector.shape_cast %get3A_245 : vector<16xi32> to vector<16xi32>
    %swap3A_247 = arith.constant 64 : index
    %swap3A_248 = tpu.vector_load %arg21[%swap3A_247] {strides = array<i32>} : memref<80xi32, #tpu.memory_space<vmem>>, vector<16xi32>,
    %swap3A_249 = vector.shape_cast %swap3A_248 : vector<16xi32> to vector<16xi32>
    %swap3A_250 = vector.shape_cast %get3A_246 : vector<16xi32> to vector<16xi32>
    tpu.vector_store %arg21[%swap3A_247], %swap3A_250 {strides = array<i32>} : memref<80xi32, #tpu.memory_space<vmem>>, vector<16xi32>,
    %dma_start3A_251 = arith.constant 0 : i32
    %dma_start3A_252 = arith.constant 0 : i32
    %dma_start3A_253 = tpu.memref_slice %arg2[%dma_start3A_251, %dma_start3A_252] : memref<20000x64xf32, #tpu.memory_space<hbm>> -> memref<20000x64xf32, #tpu.memory_space<hbm>>
    tpu.enqueue_indirect_dma source(%dma_start3A_253 : memref<20000x64xf32, #tpu.memory_space<hbm>>) target(%arg31 : memref<80x64xf32, #tpu.memory_space<vmem>>) offsets(%arg11 : memref<80xi32, #tpu.memory_space<vmem>>) semaphore(%arg47 : memref<!tpu.dma_semaphore, #tpu.memory_space<semaphore_mem>>)
    %get3A_254 = arith.constant 160 : index
    %get3A_255 = tpu.vector_load %arg6[%get3A_254] {strides = array<i32>} : memref<400xi32, #tpu.memory_space<vmem>>, vector<16xi32>,
    %get3A_256 = vector.shape_cast %get3A_255 : vector<16xi32> to vector<16xi32>
    %add3A_257 = arith.addi %get3A_256, %get3A_256 : vector<16xi32>
    %add3A_258 = vector.broadcast %arg0 : i32 to vector<16xi32>
    %add3A_259 = arith.addi %add3A_257, %add3A_258 : vector<16xi32>
    %swap3A_260 = arith.constant 0 : index
    %swap3A_261 = tpu.vector_load %arg12[%swap3A_260] {strides = array<i32>} : memref<80xi32, #tpu.memory_space<vmem>>, vector<16xi32>,
    %swap3A_262 = vector.shape_cast %swap3A_261 : vector<16xi32> to vector<16xi32>
    %swap3A_263 = vector.shape_cast %add3A_259 : vector<16xi32> to vector<16xi32>
    tpu.vector_store %arg12[%swap3A_260], %swap3A_263 {strides = array<i32>} : memref<80xi32, #tpu.memory_space<vmem>>, vector<16xi32>,
    %get3A_264 = arith.constant 160 : index
    %get3A_265 = tpu.vector_load %arg8[%get3A_264] {strides = array<i32>} : memref<400xi32, #tpu.memory_space<vmem>>, vector<16xi32>,
    %get3A_266 = vector.shape_cast %get3A_265 : vector<16xi32> to vector<16xi32>
    %swap3A_267 = arith.constant 0 : index
    %swap3A_268 = tpu.vector_load %arg22[%swap3A_267] {strides = array<i32>} : memref<80xi32, #tpu.memory_space<vmem>>, vector<16xi32>,
    %swap3A_269 = vector.shape_cast %swap3A_268 : vector<16xi32> to vector<16xi32>
    %swap3A_270 = vector.shape_cast %get3A_266 : vector<16xi32> to vector<16xi32>
    tpu.vector_store %arg22[%swap3A_267], %swap3A_270 {strides = array<i32>} : memref<80xi32, #tpu.memory_space<vmem>>, vector<16xi32>,
    %get3A_271 = arith.constant 176 : index
    %get3A_272 = tpu.vector_load %arg6[%get3A_271] {strides = array<i32>} : memref<400xi32, #tpu.memory_space<vmem>>, vector<16xi32>,
    %get3A_273 = vector.shape_cast %get3A_272 : vector<16xi32> to vector<16xi32>
    %add3A_274 = arith.addi %get3A_273, %get3A_273 : vector<16xi32>
    %add3A_275 = vector.broadcast %arg0 : i32 to vector<16xi32>
    %add3A_276 = arith.addi %add3A_274, %add3A_275 : vector<16xi32>
    %swap3A_277 = arith.constant 16 : index
    %swap3A_278 = tpu.vector_load %arg12[%swap3A_277] {strides = array<i32>} : memref<80xi32, #tpu.memory_space<vmem>>, vector<16xi32>,
    %swap3A_279 = vector.shape_cast %swap3A_278 : vector<16xi32> to vector<16xi32>
    %swap3A_280 = vector.shape_cast %add3A_276 : vector<16xi32> to vector<16xi32>
    tpu.vector_store %arg12[%swap3A_277], %swap3A_280 {strides = array<i32>} : memref<80xi32, #tpu.memory_space<vmem>>, vector<16xi32>,
    %get3A_281 = arith.constant 176 : index
    %get3A_282 = tpu.vector_load %arg8[%get3A_281] {strides = array<i32>} : memref<400xi32, #tpu.memory_space<vmem>>, vector<16xi32>,
    %get3A_283 = vector.shape_cast %get3A_282 : vector<16xi32> to vector<16xi32>
    %swap3A_284 = arith.constant 16 : index
    %swap3A_285 = tpu.vector_load %arg22[%swap3A_284] {strides = array<i32>} : memref<80xi32, #tpu.memory_space<vmem>>, vector<16xi32>,
    %swap3A_286 = vector.shape_cast %swap3A_285 : vector<16xi32> to vector<16xi32>
    %swap3A_287 = vector.shape_cast %get3A_283 : vector<16xi32> to vector<16xi32>
    tpu.vector_store %arg22[%swap3A_284], %swap3A_287 {strides = array<i32>} : memref<80xi32, #tpu.memory_space<vmem>>, vector<16xi32>,
    %get3A_288 = arith.constant 192 : index
    %get3A_289 = tpu.vector_load %arg6[%get3A_288] {strides = array<i32>} : memref<400xi32, #tpu.memory_space<vmem>>, vector<16xi32>,
    %get3A_290 = vector.shape_cast %get3A_289 : vector<16xi32> to vector<16xi32>
    %add3A_291 = arith.addi %get3A_290, %get3A_290 : vector<16xi32>
    %add3A_292 = vector.broadcast %arg0 : i32 to vector<16xi32>
    %add3A_293 = arith.addi %add3A_291, %add3A_292 : vector<16xi32>
    %swap3A_294 = arith.constant 32 : index
    %swap3A_295 = tpu.vector_load %arg12[%swap3A_294] {strides = array<i32>} : memref<80xi32, #tpu.memory_space<vmem>>, vector<16xi32>,
    %swap3A_296 = vector.shape_cast %swap3A_295 : vector<16xi32> to vector<16xi32>
    %swap3A_297 = vector.shape_cast %add3A_293 : vector<16xi32> to vector<16xi32>
    tpu.vector_store %arg12[%swap3A_294], %swap3A_297 {strides = array<i32>} : memref<80xi32, #tpu.memory_space<vmem>>, vector<16xi32>,
    %get3A_298 = arith.constant 192 : index
    %get3A_299 = tpu.vector_load %arg8[%get3A_298] {strides = array<i32>} : memref<400xi32, #tpu.memory_space<vmem>>, vector<16xi32>,
    %get3A_300 = vector.shape_cast %get3A_299 : vector<16xi32> to vector<16xi32>
    %swap3A_301 = arith.constant 32 : index
    %swap3A_302 = tpu.vector_load %arg22[%swap3A_301] {strides = array<i32>} : memref<80xi32, #tpu.memory_space<vmem>>, vector<16xi32>,
    %swap3A_303 = vector.shape_cast %swap3A_302 : vector<16xi32> to vector<16xi32>
    %swap3A_304 = vector.shape_cast %get3A_300 : vector<16xi32> to vector<16xi32>
    tpu.vector_store %arg22[%swap3A_301], %swap3A_304 {strides = array<i32>} : memref<80xi32, #tpu.memory_space<vmem>>, vector<16xi32>,
    %get3A_305 = arith.constant 208 : index
    %get3A_306 = tpu.vector_load %arg6[%get3A_305] {strides = array<i32>} : memref<400xi32, #tpu.memory_space<vmem>>, vector<16xi32>,
    %get3A_307 = vector.shape_cast %get3A_306 : vector<16xi32> to vector<16xi32>
    %add3A_308 = arith.addi %get3A_307, %get3A_307 : vector<16xi32>
    %add3A_309 = vector.broadcast %arg0 : i32 to vector<16xi32>
    %add3A_310 = arith.addi %add3A_308, %add3A_309 : vector<16xi32>
    %swap3A_311 = arith.constant 48 : index
    %swap3A_312 = tpu.vector_load %arg12[%swap3A_311] {strides = array<i32>} : memref<80xi32, #tpu.memory_space<vmem>>, vector<16xi32>,
    %swap3A_313 = vector.shape_cast %swap3A_312 : vector<16xi32> to vector<16xi32>
    %swap3A_314 = vector.shape_cast %add3A_310 : vector<16xi32> to vector<16xi32>
    tpu.vector_store %arg12[%swap3A_311], %swap3A_314 {strides = array<i32>} : memref<80xi32, #tpu.memory_space<vmem>>, vector<16xi32>,
    %get3A_315 = arith.constant 208 : index
    %get3A_316 = tpu.vector_load %arg8[%get3A_315] {strides = array<i32>} : memref<400xi32, #tpu.memory_space<vmem>>, vector<16xi32>,
    %get3A_317 = vector.shape_cast %get3A_316 : vector<16xi32> to vector<16xi32>
    %swap3A_318 = arith.constant 48 : index
    %swap3A_319 = tpu.vector_load %arg22[%swap3A_318] {strides = array<i32>} : memref<80xi32, #tpu.memory_space<vmem>>, vector<16xi32>,
    %swap3A_320 = vector.shape_cast %swap3A_319 : vector<16xi32> to vector<16xi32>
    %swap3A_321 = vector.shape_cast %get3A_317 : vector<16xi32> to vector<16xi32>
    tpu.vector_store %arg22[%swap3A_318], %swap3A_321 {strides = array<i32>} : memref<80xi32, #tpu.memory_space<vmem>>, vector<16xi32>,
    %get3A_322 = arith.constant 224 : index
    %get3A_323 = tpu.vector_load %arg6[%get3A_322] {strides = array<i32>} : memref<400xi32, #tpu.memory_space<vmem>>, vector<16xi32>,
    %get3A_324 = vector.shape_cast %get3A_323 : vector<16xi32> to vector<16xi32>
    %add3A_325 = arith.addi %get3A_324, %get3A_324 : vector<16xi32>
    %add3A_326 = vector.broadcast %arg0 : i32 to vector<16xi32>
    %add3A_327 = arith.addi %add3A_325, %add3A_326 : vector<16xi32>
    %swap3A_328 = arith.constant 64 : index
    %swap3A_329 = tpu.vector_load %arg12[%swap3A_328] {strides = array<i32>} : memref<80xi32, #tpu.memory_space<vmem>>, vector<16xi32>,
    %swap3A_330 = vector.shape_cast %swap3A_329 : vector<16xi32> to vector<16xi32>
    %swap3A_331 = vector.shape_cast %add3A_327 : vector<16xi32> to vector<16xi32>
    tpu.vector_store %arg12[%swap3A_328], %swap3A_331 {strides = array<i32>} : memref<80xi32, #tpu.memory_space<vmem>>, vector<16xi32>,
    %get3A_332 = arith.constant 224 : index
    %get3A_333 = tpu.vector_load %arg8[%get3A_332] {strides = array<i32>} : memref<400xi32, #tpu.memory_space<vmem>>, vector<16xi32>,
    %get3A_334 = vector.shape_cast %get3A_333 : vector<16xi32> to vector<16xi32>
    %swap3A_335 = arith.constant 64 : index
    %swap3A_336 = tpu.vector_load %arg22[%swap3A_335] {strides = array<i32>} : memref<80xi32, #tpu.memory_space<vmem>>, vector<16xi32>,
    %swap3A_337 = vector.shape_cast %swap3A_336 : vector<16xi32> to vector<16xi32>
    %swap3A_338 = vector.shape_cast %get3A_334 : vector<16xi32> to vector<16xi32>
    tpu.vector_store %arg22[%swap3A_335], %swap3A_338 {strides = array<i32>} : memref<80xi32, #tpu.memory_space<vmem>>, vector<16xi32>,
    %dma_start3A_339 = arith.constant 0 : i32
    %dma_start3A_340 = arith.constant 0 : i32
    %dma_start3A_341 = tpu.memref_slice %arg2[%dma_start3A_339, %dma_start3A_340] : memref<20000x64xf32, #tpu.memory_space<hbm>> -> memref<20000x64xf32, #tpu.memory_space<hbm>>
    tpu.enqueue_indirect_dma source(%dma_start3A_341 : memref<20000x64xf32, #tpu.memory_space<hbm>>) target(%arg32 : memref<80x64xf32, #tpu.memory_space<vmem>>) offsets(%arg12 : memref<80xi32, #tpu.memory_space<vmem>>) semaphore(%arg47 : memref<!tpu.dma_semaphore, #tpu.memory_space<semaphore_mem>>)
    %get3A_342 = arith.constant 240 : index
    %get3A_343 = tpu.vector_load %arg6[%get3A_342] {strides = array<i32>} : memref<400xi32, #tpu.memory_space<vmem>>, vector<16xi32>,
    %get3A_344 = vector.shape_cast %get3A_343 : vector<16xi32> to vector<16xi32>
    %add3A_345 = arith.addi %get3A_344, %get3A_344 : vector<16xi32>
    %add3A_346 = vector.broadcast %arg0 : i32 to vector<16xi32>
    %add3A_347 = arith.addi %add3A_345, %add3A_346 : vector<16xi32>
    %swap3A_348 = arith.constant 0 : index
    %swap3A_349 = tpu.vector_load %arg13[%swap3A_348] {strides = array<i32>} : memref<80xi32, #tpu.memory_space<vmem>>, vector<16xi32>,
    %swap3A_350 = vector.shape_cast %swap3A_349 : vector<16xi32> to vector<16xi32>
    %swap3A_351 = vector.shape_cast %add3A_347 : vector<16xi32> to vector<16xi32>
    tpu.vector_store %arg13[%swap3A_348], %swap3A_351 {strides = array<i32>} : memref<80xi32, #tpu.memory_space<vmem>>, vector<16xi32>,
    %get3A_352 = arith.constant 240 : index
    %get3A_353 = tpu.vector_load %arg8[%get3A_352] {strides = array<i32>} : memref<400xi32, #tpu.memory_space<vmem>>, vector<16xi32>,
    %get3A_354 = vector.shape_cast %get3A_353 : vector<16xi32> to vector<16xi32>
    %swap3A_355 = arith.constant 0 : index
    %swap3A_356 = tpu.vector_load %arg23[%swap3A_355] {strides = array<i32>} : memref<80xi32, #tpu.memory_space<vmem>>, vector<16xi32>,
    %swap3A_357 = vector.shape_cast %swap3A_356 : vector<16xi32> to vector<16xi32>
    %swap3A_358 = vector.shape_cast %get3A_354 : vector<16xi32> to vector<16xi32>
    tpu.vector_store %arg23[%swap3A_355], %swap3A_358 {strides = array<i32>} : memref<80xi32, #tpu.memory_space<vmem>>, vector<16xi32>,
    %get3A_359 = arith.constant 256 : index
    %get3A_360 = tpu.vector_load %arg6[%get3A_359] {strides = array<i32>} : memref<400xi32, #tpu.memory_space<vmem>>, vector<16xi32>,
    %get3A_361 = vector.shape_cast %get3A_360 : vector<16xi32> to vector<16xi32>
    %add3A_362 = arith.addi %get3A_361, %get3A_361 : vector<16xi32>
    %add3A_363 = vector.broadcast %arg0 : i32 to vector<16xi32>
    %add3A_364 = arith.addi %add3A_362, %add3A_363 : vector<16xi32>
    %swap3A_365 = arith.constant 16 : index
    %swap3A_366 = tpu.vector_load %arg13[%swap3A_365] {strides = array<i32>} : memref<80xi32, #tpu.memory_space<vmem>>, vector<16xi32>,
    %swap3A_367 = vector.shape_cast %swap3A_366 : vector<16xi32> to vector<16xi32>
    %swap3A_368 = vector.shape_cast %add3A_364 : vector<16xi32> to vector<16xi32>
    tpu.vector_store %arg13[%swap3A_365], %swap3A_368 {strides = array<i32>} : memref<80xi32, #tpu.memory_space<vmem>>, vector<16xi32>,
    %get3A_369 = arith.constant 256 : index
    %get3A_370 = tpu.vector_load %arg8[%get3A_369] {strides = array<i32>} : memref<400xi32, #tpu.memory_space<vmem>>, vector<16xi32>,
    %get3A_371 = vector.shape_cast %get3A_370 : vector<16xi32> to vector<16xi32>
    %swap3A_372 = arith.constant 16 : index
    %swap3A_373 = tpu.vector_load %arg23[%swap3A_372] {strides = array<i32>} : memref<80xi32, #tpu.memory_space<vmem>>, vector<16xi32>,
    %swap3A_374 = vector.shape_cast %swap3A_373 : vector<16xi32> to vector<16xi32>
    %swap3A_375 = vector.shape_cast %get3A_371 : vector<16xi32> to vector<16xi32>
    tpu.vector_store %arg23[%swap3A_372], %swap3A_375 {strides = array<i32>} : memref<80xi32, #tpu.memory_space<vmem>>, vector<16xi32>,
    %get3A_376 = arith.constant 272 : index
    %get3A_377 = tpu.vector_load %arg6[%get3A_376] {strides = array<i32>} : memref<400xi32, #tpu.memory_space<vmem>>, vector<16xi32>,
    %get3A_378 = vector.shape_cast %get3A_377 : vector<16xi32> to vector<16xi32>
    %add3A_379 = arith.addi %get3A_378, %get3A_378 : vector<16xi32>
    %add3A_380 = vector.broadcast %arg0 : i32 to vector<16xi32>
    %add3A_381 = arith.addi %add3A_379, %add3A_380 : vector<16xi32>
    %swap3A_382 = arith.constant 32 : index
    %swap3A_383 = tpu.vector_load %arg13[%swap3A_382] {strides = array<i32>} : memref<80xi32, #tpu.memory_space<vmem>>, vector<16xi32>,
    %swap3A_384 = vector.shape_cast %swap3A_383 : vector<16xi32> to vector<16xi32>
    %swap3A_385 = vector.shape_cast %add3A_381 : vector<16xi32> to vector<16xi32>
    tpu.vector_store %arg13[%swap3A_382], %swap3A_385 {strides = array<i32>} : memref<80xi32, #tpu.memory_space<vmem>>, vector<16xi32>,
    %get3A_386 = arith.constant 272 : index
    %get3A_387 = tpu.vector_load %arg8[%get3A_386] {strides = array<i32>} : memref<400xi32, #tpu.memory_space<vmem>>, vector<16xi32>,
    %get3A_388 = vector.shape_cast %get3A_387 : vector<16xi32> to vector<16xi32>
    %swap3A_389 = arith.constant 32 : index
    %swap3A_390 = tpu.vector_load %arg23[%swap3A_389] {strides = array<i32>} : memref<80xi32, #tpu.memory_space<vmem>>, vector<16xi32>,
    %swap3A_391 = vector.shape_cast %swap3A_390 : vector<16xi32> to vector<16xi32>
    %swap3A_392 = vector.shape_cast %get3A_388 : vector<16xi32> to vector<16xi32>
    tpu.vector_store %arg23[%swap3A_389], %swap3A_392 {strides = array<i32>} : memref<80xi32, #tpu.memory_space<vmem>>, vector<16xi32>,
    %get3A_393 = arith.constant 288 : index
    %get3A_394 = tpu.vector_load %arg6[%get3A_393] {strides = array<i32>} : memref<400xi32, #tpu.memory_space<vmem>>, vector<16xi32>,
    %get3A_395 = vector.shape_cast %get3A_394 : vector<16xi32> to vector<16xi32>
    %add3A_396 = arith.addi %get3A_395, %get3A_395 : vector<16xi32>
    %add3A_397 = vector.broadcast %arg0 : i32 to vector<16xi32>
    %add3A_398 = arith.addi %add3A_396, %add3A_397 : vector<16xi32>
    %swap3A_399 = arith.constant 48 : index
    %swap3A_400 = tpu.vector_load %arg13[%swap3A_399] {strides = array<i32>} : memref<80xi32, #tpu.memory_space<vmem>>, vector<16xi32>,
    %swap3A_401 = vector.shape_cast %swap3A_400 : vector<16xi32> to vector<16xi32>
    %swap3A_402 = vector.shape_cast %add3A_398 : vector<16xi32> to vector<16xi32>
    tpu.vector_store %arg13[%swap3A_399], %swap3A_402 {strides = array<i32>} : memref<80xi32, #tpu.memory_space<vmem>>, vector<16xi32>,
    %get3A_403 = arith.constant 288 : index
    %get3A_404 = tpu.vector_load %arg8[%get3A_403] {strides = array<i32>} : memref<400xi32, #tpu.memory_space<vmem>>, vector<16xi32>,
    %get3A_405 = vector.shape_cast %get3A_404 : vector<16xi32> to vector<16xi32>
    %swap3A_406 = arith.constant 48 : index
    %swap3A_407 = tpu.vector_load %arg23[%swap3A_406] {strides = array<i32>} : memref<80xi32, #tpu.memory_space<vmem>>, vector<16xi32>,
    %swap3A_408 = vector.shape_cast %swap3A_407 : vector<16xi32> to vector<16xi32>
    %swap3A_409 = vector.shape_cast %get3A_405 : vector<16xi32> to vector<16xi32>
    tpu.vector_store %arg23[%swap3A_406], %swap3A_409 {strides = array<i32>} : memref<80xi32, #tpu.memory_space<vmem>>, vector<16xi32>,
    %get3A_410 = arith.constant 304 : index
    %get3A_411 = tpu.vector_load %arg6[%get3A_410] {strides = array<i32>} : memref<400xi32, #tpu.memory_space<vmem>>, vector<16xi32>,
    %get3A_412 = vector.shape_cast %get3A_411 : vector<16xi32> to vector<16xi32>
    %add3A_413 = arith.addi %get3A_412, %get3A_412 : vector<16xi32>
    %add3A_414 = vector.broadcast %arg0 : i32 to vector<16xi32>
    %add3A_415 = arith.addi %add3A_413, %add3A_414 : vector<16xi32>
    %swap3A_416 = arith.constant 64 : index
    %swap3A_417 = tpu.vector_load %arg13[%swap3A_416] {strides = array<i32>} : memref<80xi32, #tpu.memory_space<vmem>>, vector<16xi32>,
    %swap3A_418 = vector.shape_cast %swap3A_417 : vector<16xi32> to vector<16xi32>
    %swap3A_419 = vector.shape_cast %add3A_415 : vector<16xi32> to vector<16xi32>
    tpu.vector_store %arg13[%swap3A_416], %swap3A_419 {strides = array<i32>} : memref<80xi32, #tpu.memory_space<vmem>>, vector<16xi32>,
    %get3A_420 = arith.constant 304 : index
    %get3A_421 = tpu.vector_load %arg8[%get3A_420] {strides = array<i32>} : memref<400xi32, #tpu.memory_space<vmem>>, vector<16xi32>,
    %get3A_422 = vector.shape_cast %get3A_421 : vector<16xi32> to vector<16xi32>
    %swap3A_423 = arith.constant 64 : index
    %swap3A_424 = tpu.vector_load %arg23[%swap3A_423] {strides = array<i32>} : memref<80xi32, #tpu.memory_space<vmem>>, vector<16xi32>,
    %swap3A_425 = vector.shape_cast %swap3A_424 : vector<16xi32> to vector<16xi32>
    %swap3A_426 = vector.shape_cast %get3A_422 : vector<16xi32> to vector<16xi32>
    tpu.vector_store %arg23[%swap3A_423], %swap3A_426 {strides = array<i32>} : memref<80xi32, #tpu.memory_space<vmem>>, vector<16xi32>,
    %dma_start3A_427 = arith.constant 0 : i32
    %dma_start3A_428 = arith.constant 0 : i32
    %dma_start3A_429 = tpu.memref_slice %arg2[%dma_start3A_427, %dma_start3A_428] : memref<20000x64xf32, #tpu.memory_space<hbm>> -> memref<20000x64xf32, #tpu.memory_space<hbm>>
    tpu.enqueue_indirect_dma source(%dma_start3A_429 : memref<20000x64xf32, #tpu.memory_space<hbm>>) target(%arg33 : memref<80x64xf32, #tpu.memory_space<vmem>>) offsets(%arg13 : memref<80xi32, #tpu.memory_space<vmem>>) semaphore(%arg47 : memref<!tpu.dma_semaphore, #tpu.memory_space<semaphore_mem>>)
    %get3A_430 = arith.constant 320 : index
    %get3A_431 = tpu.vector_load %arg6[%get3A_430] {strides = array<i32>} : memref<400xi32, #tpu.memory_space<vmem>>, vector<16xi32>,
    %get3A_432 = vector.shape_cast %get3A_431 : vector<16xi32> to vector<16xi32>
    %add3A_433 = arith.addi %get3A_432, %get3A_432 : vector<16xi32>
    %add3A_434 = vector.broadcast %arg0 : i32 to vector<16xi32>
    %add3A_435 = arith.addi %add3A_433, %add3A_434 : vector<16xi32>
    %swap3A_436 = arith.constant 0 : index
    %swap3A_437 = tpu.vector_load %arg14[%swap3A_436] {strides = array<i32>} : memref<80xi32, #tpu.memory_space<vmem>>, vector<16xi32>,
    %swap3A_438 = vector.shape_cast %swap3A_437 : vector<16xi32> to vector<16xi32>
    %swap3A_439 = vector.shape_cast %add3A_435 : vector<16xi32> to vector<16xi32>
    tpu.vector_store %arg14[%swap3A_436], %swap3A_439 {strides = array<i32>} : memref<80xi32, #tpu.memory_space<vmem>>, vector<16xi32>,
    %get3A_440 = arith.constant 320 : index
    %get3A_441 = tpu.vector_load %arg8[%get3A_440] {strides = array<i32>} : memref<400xi32, #tpu.memory_space<vmem>>, vector<16xi32>,
    %get3A_442 = vector.shape_cast %get3A_441 : vector<16xi32> to vector<16xi32>
    %swap3A_443 = arith.constant 0 : index
    %swap3A_444 = tpu.vector_load %arg24[%swap3A_443] {strides = array<i32>} : memref<80xi32, #tpu.memory_space<vmem>>, vector<16xi32>,
    %swap3A_445 = vector.shape_cast %swap3A_444 : vector<16xi32> to vector<16xi32>
    %swap3A_446 = vector.shape_cast %get3A_442 : vector<16xi32> to vector<16xi32>
    tpu.vector_store %arg24[%swap3A_443], %swap3A_446 {strides = array<i32>} : memref<80xi32, #tpu.memory_space<vmem>>, vector<16xi32>,
    %get3A_447 = arith.constant 336 : index
    %get3A_448 = tpu.vector_load %arg6[%get3A_447] {strides = array<i32>} : memref<400xi32, #tpu.memory_space<vmem>>, vector<16xi32>,
    %get3A_449 = vector.shape_cast %get3A_448 : vector<16xi32> to vector<16xi32>
    %add3A_450 = arith.addi %get3A_449, %get3A_449 : vector<16xi32>
    %add3A_451 = vector.broadcast %arg0 : i32 to vector<16xi32>
    %add3A_452 = arith.addi %add3A_450, %add3A_451 : vector<16xi32>
    %swap3A_453 = arith.constant 16 : index
    %swap3A_454 = tpu.vector_load %arg14[%swap3A_453] {strides = array<i32>} : memref<80xi32, #tpu.memory_space<vmem>>, vector<16xi32>,
    %swap3A_455 = vector.shape_cast %swap3A_454 : vector<16xi32> to vector<16xi32>
    %swap3A_456 = vector.shape_cast %add3A_452 : vector<16xi32> to vector<16xi32>
    tpu.vector_store %arg14[%swap3A_453], %swap3A_456 {strides = array<i32>} : memref<80xi32, #tpu.memory_space<vmem>>, vector<16xi32>,
    %get3A_457 = arith.constant 336 : index
    %get3A_458 = tpu.vector_load %arg8[%get3A_457] {strides = array<i32>} : memref<400xi32, #tpu.memory_space<vmem>>, vector<16xi32>,
    %get3A_459 = vector.shape_cast %get3A_458 : vector<16xi32> to vector<16xi32>
    %swap3A_460 = arith.constant 16 : index
    %swap3A_461 = tpu.vector_load %arg24[%swap3A_460] {strides = array<i32>} : memref<80xi32, #tpu.memory_space<vmem>>, vector<16xi32>,
    %swap3A_462 = vector.shape_cast %swap3A_461 : vector<16xi32> to vector<16xi32>
    %swap3A_463 = vector.shape_cast %get3A_459 : vector<16xi32> to vector<16xi32>
    tpu.vector_store %arg24[%swap3A_460], %swap3A_463 {strides = array<i32>} : memref<80xi32, #tpu.memory_space<vmem>>, vector<16xi32>,
    %get3A_464 = arith.constant 352 : index
    %get3A_465 = tpu.vector_load %arg6[%get3A_464] {strides = array<i32>} : memref<400xi32, #tpu.memory_space<vmem>>, vector<16xi32>,
    %get3A_466 = vector.shape_cast %get3A_465 : vector<16xi32> to vector<16xi32>
    %add3A_467 = arith.addi %get3A_466, %get3A_466 : vector<16xi32>
    %add3A_468 = vector.broadcast %arg0 : i32 to vector<16xi32>
    %add3A_469 = arith.addi %add3A_467, %add3A_468 : vector<16xi32>
    %swap3A_470 = arith.constant 32 : index
    %swap3A_471 = tpu.vector_load %arg14[%swap3A_470] {strides = array<i32>} : memref<80xi32, #tpu.memory_space<vmem>>, vector<16xi32>,
    %swap3A_472 = vector.shape_cast %swap3A_471 : vector<16xi32> to vector<16xi32>
    %swap3A_473 = vector.shape_cast %add3A_469 : vector<16xi32> to vector<16xi32>
    tpu.vector_store %arg14[%swap3A_470], %swap3A_473 {strides = array<i32>} : memref<80xi32, #tpu.memory_space<vmem>>, vector<16xi32>,
    %get3A_474 = arith.constant 352 : index
    %get3A_475 = tpu.vector_load %arg8[%get3A_474] {strides = array<i32>} : memref<400xi32, #tpu.memory_space<vmem>>, vector<16xi32>,
    %get3A_476 = vector.shape_cast %get3A_475 : vector<16xi32> to vector<16xi32>
    %swap3A_477 = arith.constant 32 : index
    %swap3A_478 = tpu.vector_load %arg24[%swap3A_477] {strides = array<i32>} : memref<80xi32, #tpu.memory_space<vmem>>, vector<16xi32>,
    %swap3A_479 = vector.shape_cast %swap3A_478 : vector<16xi32> to vector<16xi32>
    %swap3A_480 = vector.shape_cast %get3A_476 : vector<16xi32> to vector<16xi32>
    tpu.vector_store %arg24[%swap3A_477], %swap3A_480 {strides = array<i32>} : memref<80xi32, #tpu.memory_space<vmem>>, vector<16xi32>,
    %get3A_481 = arith.constant 368 : index
    %get3A_482 = tpu.vector_load %arg6[%get3A_481] {strides = array<i32>} : memref<400xi32, #tpu.memory_space<vmem>>, vector<16xi32>,
    %get3A_483 = vector.shape_cast %get3A_482 : vector<16xi32> to vector<16xi32>
    %add3A_484 = arith.addi %get3A_483, %get3A_483 : vector<16xi32>
    %add3A_485 = vector.broadcast %arg0 : i32 to vector<16xi32>
    %add3A_486 = arith.addi %add3A_484, %add3A_485 : vector<16xi32>
    %swap3A_487 = arith.constant 48 : index
    %swap3A_488 = tpu.vector_load %arg14[%swap3A_487] {strides = array<i32>} : memref<80xi32, #tpu.memory_space<vmem>>, vector<16xi32>,
    %swap3A_489 = vector.shape_cast %swap3A_488 : vector<16xi32> to vector<16xi32>
    %swap3A_490 = vector.shape_cast %add3A_486 : vector<16xi32> to vector<16xi32>
    tpu.vector_store %arg14[%swap3A_487], %swap3A_490 {strides = array<i32>} : memref<80xi32, #tpu.memory_space<vmem>>, vector<16xi32>,
    %get3A_491 = arith.constant 368 : index
    %get3A_492 = tpu.vector_load %arg8[%get3A_491] {strides = array<i32>} : memref<400xi32, #tpu.memory_space<vmem>>, vector<16xi32>,
    %get3A_493 = vector.shape_cast %get3A_492 : vector<16xi32> to vector<16xi32>
    %swap3A_494 = arith.constant 48 : index
    %swap3A_495 = tpu.vector_load %arg24[%swap3A_494] {strides = array<i32>} : memref<80xi32, #tpu.memory_space<vmem>>, vector<16xi32>,
    %swap3A_496 = vector.shape_cast %swap3A_495 : vector<16xi32> to vector<16xi32>
    %swap3A_497 = vector.shape_cast %get3A_493 : vector<16xi32> to vector<16xi32>
    tpu.vector_store %arg24[%swap3A_494], %swap3A_497 {strides = array<i32>} : memref<80xi32, #tpu.memory_space<vmem>>, vector<16xi32>,
    %get3A_498 = arith.constant 384 : index
    %get3A_499 = tpu.vector_load %arg6[%get3A_498] {strides = array<i32>} : memref<400xi32, #tpu.memory_space<vmem>>, vector<16xi32>,
    %get3A_500 = vector.shape_cast %get3A_499 : vector<16xi32> to vector<16xi32>
    %add3A_501 = arith.addi %get3A_500, %get3A_500 : vector<16xi32>
    %add3A_502 = vector.broadcast %arg0 : i32 to vector<16xi32>
    %add3A_503 = arith.addi %add3A_501, %add3A_502 : vector<16xi32>
    %swap3A_504 = arith.constant 64 : index
    %swap3A_505 = tpu.vector_load %arg14[%swap3A_504] {strides = array<i32>} : memref<80xi32, #tpu.memory_space<vmem>>, vector<16xi32>,
    %swap3A_506 = vector.shape_cast %swap3A_505 : vector<16xi32> to vector<16xi32>
    %swap3A_507 = vector.shape_cast %add3A_503 : vector<16xi32> to vector<16xi32>
    tpu.vector_store %arg14[%swap3A_504], %swap3A_507 {strides = array<i32>} : memref<80xi32, #tpu.memory_space<vmem>>, vector<16xi32>,
    %get3A_508 = arith.constant 384 : index
    %get3A_509 = tpu.vector_load %arg8[%get3A_508] {strides = array<i32>} : memref<400xi32, #tpu.memory_space<vmem>>, vector<16xi32>,
    %get3A_510 = vector.shape_cast %get3A_509 : vector<16xi32> to vector<16xi32>
    %swap3A_511 = arith.constant 64 : index
    %swap3A_512 = tpu.vector_load %arg24[%swap3A_511] {strides = array<i32>} : memref<80xi32, #tpu.memory_space<vmem>>, vector<16xi32>,
    %swap3A_513 = vector.shape_cast %swap3A_512 : vector<16xi32> to vector<16xi32>
    %swap3A_514 = vector.shape_cast %get3A_510 : vector<16xi32> to vector<16xi32>
    tpu.vector_store %arg24[%swap3A_511], %swap3A_514 {strides = array<i32>} : memref<80xi32, #tpu.memory_space<vmem>>, vector<16xi32>,
    %dma_start3A_515 = arith.constant 0 : i32
    %dma_start3A_516 = arith.constant 0 : i32
    %dma_start3A_517 = tpu.memref_slice %arg2[%dma_start3A_515, %dma_start3A_516] : memref<20000x64xf32, #tpu.memory_space<hbm>> -> memref<20000x64xf32, #tpu.memory_space<hbm>>
    tpu.enqueue_indirect_dma source(%dma_start3A_517 : memref<20000x64xf32, #tpu.memory_space<hbm>>) target(%arg34 : memref<80x64xf32, #tpu.memory_space<vmem>>) offsets(%arg14 : memref<80xi32, #tpu.memory_space<vmem>>) semaphore(%arg47 : memref<!tpu.dma_semaphore, #tpu.memory_space<semaphore_mem>>)
    %add3A_518 = arith.constant 400 : i32
    %add3A_519 = arith.addi %mul3A_2, %add3A_518 : i32
    %multiple_of3A_520 = tpu.assume_multiple %add3A_519, 80 : i32
    %dma_start3A_521 = arith.constant 0 : i32
    %dma_start3A_522 = tpu.memref_slice %arg3[%dma_start3A_521, %multiple_of3A_520] : memref<2x320000xi32, #tpu.memory_space<hbm>> -> memref<1x400xi32, #tpu.memory_space<hbm>>
    %dma_start3A_523 = tpu.memref_squeeze %dma_start3A_522 : memref<1x400xi32, #tpu.memory_space<hbm>> -> memref<400xi32, #tpu.memory_space<hbm>>
    %dma_start3A_524 = tpu.memref_slice %arg3[%dma_start3A_521, %multiple_of3A_520] : memref<2x320000xi32, #tpu.memory_space<hbm>> -> memref<1x400xi32, #tpu.memory_space<hbm>>
    %dma_start3A_525 = tpu.memref_squeeze %dma_start3A_524 : memref<1x400xi32, #tpu.memory_space<hbm>> -> memref<400xi32, #tpu.memory_space<hbm>>
    tpu.enqueue_dma source(%dma_start3A_525 : memref<400xi32, #tpu.memory_space<hbm>>) target(%arg7 : memref<400xi32, #tpu.memory_space<vmem>>) target_semaphore(%arg46 : memref<!tpu.dma_semaphore, #tpu.memory_space<semaphore_mem>>)
    %dma_start3A_526 = arith.constant 1 : i32
    %dma_start3A_527 = tpu.memref_slice %arg3[%dma_start3A_526, %multiple_of3A_520] : memref<2x320000xi32, #tpu.memory_space<hbm>> -> memref<1x400xi32, #tpu.memory_space<hbm>>
    %dma_start3A_528 = tpu.memref_squeeze %dma_start3A_527 : memref<1x400xi32, #tpu.memory_space<hbm>> -> memref<400xi32, #tpu.memory_space<hbm>>
    %dma_start3A_529 = tpu.memref_slice %arg3[%dma_start3A_526, %multiple_of3A_520] : memref<2x320000xi32, #tpu.memory_space<hbm>> -> memref<1x400xi32, #tpu.memory_space<hbm>>
    %dma_start3A_530 = tpu.memref_squeeze %dma_start3A_529 : memref<1x400xi32, #tpu.memory_space<hbm>> -> memref<400xi32, #tpu.memory_space<hbm>>
    tpu.enqueue_dma source(%dma_start3A_530 : memref<400xi32, #tpu.memory_space<hbm>>) target(%arg9 : memref<400xi32, #tpu.memory_space<vmem>>) target_semaphore(%arg46 : memref<!tpu.dma_semaphore, #tpu.memory_space<semaphore_mem>>)
    %scan3A_531 = arith.constant 0 : i32
    %scan3A_532 = arith.constant 25 : i32
    %scan3A_533 = arith.addi %scan3A_531, %scan3A_532 : i32
    %scan3A_534 = arith.constant 1 : i32
    scf.for %scan3A_576 = %scan3A_531 to %scan3A_533 step %scan3A_534  : i32 {
      %mul3A_577 = arith.constant 2 : i32
      %mul3A_578 = arith.muli %scan3A_576, %mul3A_577 : i32
      %add3A_579 = arith.constant 0 : i32
      %add3A_580 = arith.addi %add3A_579, %mul3A_578 : i32
      %add3A_581 = arith.constant 1 : i32
      %add3A_582 = arith.addi %add3A_580, %add3A_581 : i32
      %lt3A = arith.constant 50 : i32
      %lt3A_583 = arith.cmpi slt, %add3A_582, %lt3A : i32
      %convert_element_type3A_584 = arith.extui %lt3A_583 : i1 to i32
      %cond3A_585 = arith.constant 0 : i32
      %cond3A_586 = arith.cmpi ne, %convert_element_type3A_584, %cond3A_585 : i32
      scf.if %cond3A_586 {
        %dma_wait3A_636 = arith.constant 0 : i32
        %dma_wait3A_637 = arith.constant 0 : i32
        %dma_wait3A_638 = tpu.memref_slice %arg3[%dma_wait3A_636, %dma_wait3A_637] : memref<2x320000xi32, #tpu.memory_space<hbm>> -> memref<1x400xi32, #tpu.memory_space<hbm>>
        %dma_wait3A_639 = tpu.memref_squeeze %dma_wait3A_638 : memref<1x400xi32, #tpu.memory_space<hbm>> -> memref<400xi32, #tpu.memory_space<hbm>>
        %dma_wait3A_640 = arith.constant 0 : i32
        %dma_wait3A_641 = tpu.memref_slice %arg3[%dma_wait3A_636, %dma_wait3A_640] : memref<2x320000xi32, #tpu.memory_space<hbm>> -> memref<1x400xi32, #tpu.memory_space<hbm>>
        %dma_wait3A_642 = tpu.memref_squeeze %dma_wait3A_641 : memref<1x400xi32, #tpu.memory_space<hbm>> -> memref<400xi32, #tpu.memory_space<hbm>>
        tpu.wait_dma2 semaphore(%arg46 : memref<!tpu.dma_semaphore, #tpu.memory_space<semaphore_mem>>) src(%dma_wait3A_642 : memref<400xi32, #tpu.memory_space<hbm>>) dst(%arg7 : memref<400xi32, #tpu.memory_space<vmem>>)
        %dma_wait3A_643 = arith.constant 1 : i32
        %dma_wait3A_644 = arith.constant 0 : i32
        %dma_wait3A_645 = tpu.memref_slice %arg3[%dma_wait3A_643, %dma_wait3A_644] : memref<2x320000xi32, #tpu.memory_space<hbm>> -> memref<1x400xi32, #tpu.memory_space<hbm>>
        %dma_wait3A_646 = tpu.memref_squeeze %dma_wait3A_645 : memref<1x400xi32, #tpu.memory_space<hbm>> -> memref<400xi32, #tpu.memory_space<hbm>>
        %dma_wait3A_647 = arith.constant 0 : i32
        %dma_wait3A_648 = tpu.memref_slice %arg3[%dma_wait3A_643, %dma_wait3A_647] : memref<2x320000xi32, #tpu.memory_space<hbm>> -> memref<1x400xi32, #tpu.memory_space<hbm>>
        %dma_wait3A_649 = tpu.memref_squeeze %dma_wait3A_648 : memref<1x400xi32, #tpu.memory_space<hbm>> -> memref<400xi32, #tpu.memory_space<hbm>>
        tpu.wait_dma2 semaphore(%arg46 : memref<!tpu.dma_semaphore, #tpu.memory_space<semaphore_mem>>) src(%dma_wait3A_649 : memref<400xi32, #tpu.memory_space<hbm>>) dst(%arg9 : memref<400xi32, #tpu.memory_space<vmem>>)
        %ge3A = arith.constant 1 : i32
        %ge3A_650 = arith.cmpi sge, %add3A_580, %ge3A : i32
        %convert_element_type3A_651 = arith.extui %ge3A_650 : i1 to i32
        %cond3A_652 = arith.constant 0 : i32
        %cond3A_653 = arith.cmpi ne, %convert_element_type3A_651, %cond3A_652 : i32
        scf.if %cond3A_653 {
          %dma_wait3A_1094 = arith.constant 0 : i32
          %dma_wait3A_1095 = arith.constant 0 : i32
          %dma_wait3A_1096 = tpu.memref_slice %arg43[%dma_wait3A_1094, %dma_wait3A_1095] : memref<10240x64xf32, #tpu.memory_space<vmem_shared>> -> memref<10240x64xf32, #tpu.memory_space<vmem_shared>>
          tpu.wait_indirect_dma semaphore(%arg50 : memref<!tpu.dma_semaphore, #tpu.memory_space<semaphore_mem>>) src(%arg35 : memref<80x64xf32, #tpu.memory_space<vmem>>) dst(%dma_wait3A_1096 : memref<10240x64xf32, #tpu.memory_space<vmem_shared>>)
          %dma_wait3A_1097 = arith.constant 0 : i32
          %dma_wait3A_1098 = arith.constant 0 : i32
          %dma_wait3A_1099 = tpu.memref_slice %arg43[%dma_wait3A_1097, %dma_wait3A_1098] : memref<10240x64xf32, #tpu.memory_space<vmem_shared>> -> memref<10240x64xf32, #tpu.memory_space<vmem_shared>>
          tpu.wait_indirect_dma semaphore(%arg50 : memref<!tpu.dma_semaphore, #tpu.memory_space<semaphore_mem>>) src(%arg36 : memref<80x64xf32, #tpu.memory_space<vmem>>) dst(%dma_wait3A_1099 : memref<10240x64xf32, #tpu.memory_space<vmem_shared>>)
          %dma_wait3A_1100 = arith.constant 0 : i32
          %dma_wait3A_1101 = arith.constant 0 : i32
          %dma_wait3A_1102 = tpu.memref_slice %arg43[%dma_wait3A_1100, %dma_wait3A_1101] : memref<10240x64xf32, #tpu.memory_space<vmem_shared>> -> memref<10240x64xf32, #tpu.memory_space<vmem_shared>>
          tpu.wait_indirect_dma semaphore(%arg50 : memref<!tpu.dma_semaphore, #tpu.memory_space<semaphore_mem>>) src(%arg37 : memref<80x64xf32, #tpu.memory_space<vmem>>) dst(%dma_wait3A_1102 : memref<10240x64xf32, #tpu.memory_space<vmem_shared>>)
          %dma_wait3A_1103 = arith.constant 0 : i32
          %dma_wait3A_1104 = arith.constant 0 : i32
          %dma_wait3A_1105 = tpu.memref_slice %arg43[%dma_wait3A_1103, %dma_wait3A_1104] : memref<10240x64xf32, #tpu.memory_space<vmem_shared>> -> memref<10240x64xf32, #tpu.memory_space<vmem_shared>>
          tpu.wait_indirect_dma semaphore(%arg50 : memref<!tpu.dma_semaphore, #tpu.memory_space<semaphore_mem>>) src(%arg38 : memref<80x64xf32, #tpu.memory_space<vmem>>) dst(%dma_wait3A_1105 : memref<10240x64xf32, #tpu.memory_space<vmem_shared>>)
          %dma_wait3A_1106 = arith.constant 0 : i32
          %dma_wait3A_1107 = arith.constant 0 : i32
          %dma_wait3A_1108 = tpu.memref_slice %arg43[%dma_wait3A_1106, %dma_wait3A_1107] : memref<10240x64xf32, #tpu.memory_space<vmem_shared>> -> memref<10240x64xf32, #tpu.memory_space<vmem_shared>>
          tpu.wait_indirect_dma semaphore(%arg50 : memref<!tpu.dma_semaphore, #tpu.memory_space<semaphore_mem>>) src(%arg39 : memref<80x64xf32, #tpu.memory_space<vmem>>) dst(%dma_wait3A_1108 : memref<10240x64xf32, #tpu.memory_space<vmem_shared>>)
          %eq3A_1109 = arith.constant 1 : i32
          %eq3A_1110 = arith.cmpi eq, %arg0, %eq3A_1109 : i32
          %convert_element_type3A_1111 = arith.extui %eq3A_1110 : i1 to i32
          %cond3A_1112 = arith.constant 0 : i32
          %cond3A_1113 = arith.cmpi ne, %convert_element_type3A_1111, %cond3A_1112 : i32
          scf.if %cond3A_1113 {
            %dma_wait3A_1114 = arith.constant 0 : i32
            %dma_wait3A_1115 = arith.constant 0 : i32
            %dma_wait3A_1116 = tpu.memref_slice %arg44[%dma_wait3A_1114, %dma_wait3A_1115] : memref<10240x16xf32, #tpu.memory_space<vmem_shared>> -> memref<10240x16xf32, #tpu.memory_space<vmem_shared>>
            tpu.wait_indirect_dma semaphore(%arg50 : memref<!tpu.dma_semaphore, #tpu.memory_space<semaphore_mem>>) src(%arg41 : memref<80x16xf32, #tpu.memory_space<vmem>>) dst(%dma_wait3A_1116 : memref<10240x16xf32, #tpu.memory_space<vmem_shared>>)
            %dma_wait3A_1117 = arith.constant 0 : i32
            %dma_wait3A_1118 = arith.constant 0 : i32
            %dma_wait3A_1119 = tpu.memref_slice %arg44[%dma_wait3A_1117, %dma_wait3A_1118] : memref<10240x16xf32, #tpu.memory_space<vmem_shared>> -> memref<10240x16xf32, #tpu.memory_space<vmem_shared>>
            tpu.wait_indirect_dma semaphore(%arg50 : memref<!tpu.dma_semaphore, #tpu.memory_space<semaphore_mem>>) src(%arg41 : memref<80x16xf32, #tpu.memory_space<vmem>>) dst(%dma_wait3A_1119 : memref<10240x16xf32, #tpu.memory_space<vmem_shared>>)
            %dma_wait3A_1120 = arith.constant 0 : i32
            %dma_wait3A_1121 = arith.constant 0 : i32
            %dma_wait3A_1122 = tpu.memref_slice %arg44[%dma_wait3A_1120, %dma_wait3A_1121] : memref<10240x16xf32, #tpu.memory_space<vmem_shared>> -> memref<10240x16xf32, #tpu.memory_space<vmem_shared>>
            tpu.wait_indirect_dma semaphore(%arg50 : memref<!tpu.dma_semaphore, #tpu.memory_space<semaphore_mem>>) src(%arg41 : memref<80x16xf32, #tpu.memory_space<vmem>>) dst(%dma_wait3A_1122 : memref<10240x16xf32, #tpu.memory_space<vmem_shared>>)
            %dma_wait3A_1123 = arith.constant 0 : i32
            %dma_wait3A_1124 = arith.constant 0 : i32
            %dma_wait3A_1125 = tpu.memref_slice %arg44[%dma_wait3A_1123, %dma_wait3A_1124] : memref<10240x16xf32, #tpu.memory_space<vmem_shared>> -> memref<10240x16xf32, #tpu.memory_space<vmem_shared>>
            tpu.wait_indirect_dma semaphore(%arg50 : memref<!tpu.dma_semaphore, #tpu.memory_space<semaphore_mem>>) src(%arg41 : memref<80x16xf32, #tpu.memory_space<vmem>>) dst(%dma_wait3A_1125 : memref<10240x16xf32, #tpu.memory_space<vmem_shared>>)
            %dma_wait3A_1126 = arith.constant 0 : i32
            %dma_wait3A_1127 = arith.constant 0 : i32
            %dma_wait3A_1128 = tpu.memref_slice %arg44[%dma_wait3A_1126, %dma_wait3A_1127] : memref<10240x16xf32, #tpu.memory_space<vmem_shared>> -> memref<10240x16xf32, #tpu.memory_space<vmem_shared>>
            tpu.wait_indirect_dma semaphore(%arg50 : memref<!tpu.dma_semaphore, #tpu.memory_space<semaphore_mem>>) src(%arg41 : memref<80x16xf32, #tpu.memory_space<vmem>>) dst(%dma_wait3A_1128 : memref<10240x16xf32, #tpu.memory_space<vmem_shared>>)
          } else {
          }
        } else {
        }
        %get3A_654 = arith.constant 0 : index
        %get3A_655 = tpu.vector_load %arg7[%get3A_654] {strides = array<i32>} : memref<400xi32, #tpu.memory_space<vmem>>, vector<16xi32>,
        %get3A_656 = vector.shape_cast %get3A_655 : vector<16xi32> to vector<16xi32>
        %add3A_657 = arith.addi %get3A_656, %get3A_656 : vector<16xi32>
        %add3A_658 = vector.broadcast %arg0 : i32 to vector<16xi32>
        %add3A_659 = arith.addi %add3A_657, %add3A_658 : vector<16xi32>
        %swap3A_660 = arith.constant 0 : index
        %swap3A_661 = tpu.vector_load %arg15[%swap3A_660] {strides = array<i32>} : memref<80xi32, #tpu.memory_space<vmem>>, vector<16xi32>,
        %swap3A_662 = vector.shape_cast %swap3A_661 : vector<16xi32> to vector<16xi32>
        %swap3A_663 = vector.shape_cast %add3A_659 : vector<16xi32> to vector<16xi32>
        tpu.vector_store %arg15[%swap3A_660], %swap3A_663 {strides = array<i32>} : memref<80xi32, #tpu.memory_space<vmem>>, vector<16xi32>,
        %get3A_664 = arith.constant 0 : index
        %get3A_665 = tpu.vector_load %arg9[%get3A_664] {strides = array<i32>} : memref<400xi32, #tpu.memory_space<vmem>>, vector<16xi32>,
        %get3A_666 = vector.shape_cast %get3A_665 : vector<16xi32> to vector<16xi32>
        %swap3A_667 = arith.constant 0 : index
        %swap3A_668 = tpu.vector_load %arg25[%swap3A_667] {strides = array<i32>} : memref<80xi32, #tpu.memory_space<vmem>>, vector<16xi32>,
        %swap3A_669 = vector.shape_cast %swap3A_668 : vector<16xi32> to vector<16xi32>
        %swap3A_670 = vector.shape_cast %get3A_666 : vector<16xi32> to vector<16xi32>
        tpu.vector_store %arg25[%swap3A_667], %swap3A_670 {strides = array<i32>} : memref<80xi32, #tpu.memory_space<vmem>>, vector<16xi32>,
        %get3A_671 = arith.constant 16 : index
        %get3A_672 = tpu.vector_load %arg7[%get3A_671] {strides = array<i32>} : memref<400xi32, #tpu.memory_space<vmem>>, vector<16xi32>,
        %get3A_673 = vector.shape_cast %get3A_672 : vector<16xi32> to vector<16xi32>
        %add3A_674 = arith.addi %get3A_673, %get3A_673 : vector<16xi32>
        %add3A_675 = vector.broadcast %arg0 : i32 to vector<16xi32>
        %add3A_676 = arith.addi %add3A_674, %add3A_675 : vector<16xi32>
        %swap3A_677 = arith.constant 16 : index
        %swap3A_678 = tpu.vector_load %arg15[%swap3A_677] {strides = array<i32>} : memref<80xi32, #tpu.memory_space<vmem>>, vector<16xi32>,
        %swap3A_679 = vector.shape_cast %swap3A_678 : vector<16xi32> to vector<16xi32>
        %swap3A_680 = vector.shape_cast %add3A_676 : vector<16xi32> to vector<16xi32>
        tpu.vector_store %arg15[%swap3A_677], %swap3A_680 {strides = array<i32>} : memref<80xi32, #tpu.memory_space<vmem>>, vector<16xi32>,
        %get3A_681 = arith.constant 16 : index
        %get3A_682 = tpu.vector_load %arg9[%get3A_681] {strides = array<i32>} : memref<400xi32, #tpu.memory_space<vmem>>, vector<16xi32>,
        %get3A_683 = vector.shape_cast %get3A_682 : vector<16xi32> to vector<16xi32>
        %swap3A_684 = arith.constant 16 : index
        %swap3A_685 = tpu.vector_load %arg25[%swap3A_684] {strides = array<i32>} : memref<80xi32, #tpu.memory_space<vmem>>, vector<16xi32>,
        %swap3A_686 = vector.shape_cast %swap3A_685 : vector<16xi32> to vector<16xi32>
        %swap3A_687 = vector.shape_cast %get3A_683 : vector<16xi32> to vector<16xi32>
        tpu.vector_store %arg25[%swap3A_684], %swap3A_687 {strides = array<i32>} : memref<80xi32, #tpu.memory_space<vmem>>, vector<16xi32>,
        %get3A_688 = arith.constant 32 : index
        %get3A_689 = tpu.vector_load %arg7[%get3A_688] {strides = array<i32>} : memref<400xi32, #tpu.memory_space<vmem>>, vector<16xi32>,
        %get3A_690 = vector.shape_cast %get3A_689 : vector<16xi32> to vector<16xi32>
        %add3A_691 = arith.addi %get3A_690, %get3A_690 : vector<16xi32>
        %add3A_692 = vector.broadcast %arg0 : i32 to vector<16xi32>
        %add3A_693 = arith.addi %add3A_691, %add3A_692 : vector<16xi32>
        %swap3A_694 = arith.constant 32 : index
        %swap3A_695 = tpu.vector_load %arg15[%swap3A_694] {strides = array<i32>} : memref<80xi32, #tpu.memory_space<vmem>>, vector<16xi32>,
        %swap3A_696 = vector.shape_cast %swap3A_695 : vector<16xi32> to vector<16xi32>
        %swap3A_697 = vector.shape_cast %add3A_693 : vector<16xi32> to vector<16xi32>
        tpu.vector_store %arg15[%swap3A_694], %swap3A_697 {strides = array<i32>} : memref<80xi32, #tpu.memory_space<vmem>>, vector<16xi32>,
        %get3A_698 = arith.constant 32 : index
        %get3A_699 = tpu.vector_load %arg9[%get3A_698] {strides = array<i32>} : memref<400xi32, #tpu.memory_space<vmem>>, vector<16xi32>,
        %get3A_700 = vector.shape_cast %get3A_699 : vector<16xi32> to vector<16xi32>
        %swap3A_701 = arith.constant 32 : index
        %swap3A_702 = tpu.vector_load %arg25[%swap3A_701] {strides = array<i32>} : memref<80xi32, #tpu.memory_space<vmem>>, vector<16xi32>,
        %swap3A_703 = vector.shape_cast %swap3A_702 : vector<16xi32> to vector<16xi32>
        %swap3A_704 = vector.shape_cast %get3A_700 : vector<16xi32> to vector<16xi32>
        tpu.vector_store %arg25[%swap3A_701], %swap3A_704 {strides = array<i32>} : memref<80xi32, #tpu.memory_space<vmem>>, vector<16xi32>,
        %get3A_705 = arith.constant 48 : index
        %get3A_706 = tpu.vector_load %arg7[%get3A_705] {strides = array<i32>} : memref<400xi32, #tpu.memory_space<vmem>>, vector<16xi32>,
        %get3A_707 = vector.shape_cast %get3A_706 : vector<16xi32> to vector<16xi32>
        %add3A_708 = arith.addi %get3A_707, %get3A_707 : vector<16xi32>
        %add3A_709 = vector.broadcast %arg0 : i32 to vector<16xi32>
        %add3A_710 = arith.addi %add3A_708, %add3A_709 : vector<16xi32>
        %swap3A_711 = arith.constant 48 : index
        %swap3A_712 = tpu.vector_load %arg15[%swap3A_711] {strides = array<i32>} : memref<80xi32, #tpu.memory_space<vmem>>, vector<16xi32>,
        %swap3A_713 = vector.shape_cast %swap3A_712 : vector<16xi32> to vector<16xi32>
        %swap3A_714 = vector.shape_cast %add3A_710 : vector<16xi32> to vector<16xi32>
        tpu.vector_store %arg15[%swap3A_711], %swap3A_714 {strides = array<i32>} : memref<80xi32, #tpu.memory_space<vmem>>, vector<16xi32>,
        %get3A_715 = arith.constant 48 : index
        %get3A_716 = tpu.vector_load %arg9[%get3A_715] {strides = array<i32>} : memref<400xi32, #tpu.memory_space<vmem>>, vector<16xi32>,
        %get3A_717 = vector.shape_cast %get3A_716 : vector<16xi32> to vector<16xi32>
        %swap3A_718 = arith.constant 48 : index
        %swap3A_719 = tpu.vector_load %arg25[%swap3A_718] {strides = array<i32>} : memref<80xi32, #tpu.memory_space<vmem>>, vector<16xi32>,
        %swap3A_720 = vector.shape_cast %swap3A_719 : vector<16xi32> to vector<16xi32>
        %swap3A_721 = vector.shape_cast %get3A_717 : vector<16xi32> to vector<16xi32>
        tpu.vector_store %arg25[%swap3A_718], %swap3A_721 {strides = array<i32>} : memref<80xi32, #tpu.memory_space<vmem>>, vector<16xi32>,
        %get3A_722 = arith.constant 64 : index
        %get3A_723 = tpu.vector_load %arg7[%get3A_722] {strides = array<i32>} : memref<400xi32, #tpu.memory_space<vmem>>, vector<16xi32>,
        %get3A_724 = vector.shape_cast %get3A_723 : vector<16xi32> to vector<16xi32>
        %add3A_725 = arith.addi %get3A_724, %get3A_724 : vector<16xi32>
        %add3A_726 = vector.broadcast %arg0 : i32 to vector<16xi32>
        %add3A_727 = arith.addi %add3A_725, %add3A_726 : vector<16xi32>
        %swap3A_728 = arith.constant 64 : index
        %swap3A_729 = tpu.vector_load %arg15[%swap3A_728] {strides = array<i32>} : memref<80xi32, #tpu.memory_space<vmem>>, vector<16xi32>,
        %swap3A_730 = vector.shape_cast %swap3A_729 : vector<16xi32> to vector<16xi32>
        %swap3A_731 = vector.shape_cast %add3A_727 : vector<16xi32> to vector<16xi32>
        tpu.vector_store %arg15[%swap3A_728], %swap3A_731 {strides = array<i32>} : memref<80xi32, #tpu.memory_space<vmem>>, vector<16xi32>,
        %get3A_732 = arith.constant 64 : index
        %get3A_733 = tpu.vector_load %arg9[%get3A_732] {strides = array<i32>} : memref<400xi32, #tpu.memory_space<vmem>>, vector<16xi32>,
        %get3A_734 = vector.shape_cast %get3A_733 : vector<16xi32> to vector<16xi32>
        %swap3A_735 = arith.constant 64 : index
        %swap3A_736 = tpu.vector_load %arg25[%swap3A_735] {strides = array<i32>} : memref<80xi32, #tpu.memory_space<vmem>>, vector<16xi32>,
        %swap3A_737 = vector.shape_cast %swap3A_736 : vector<16xi32> to vector<16xi32>
        %swap3A_738 = vector.shape_cast %get3A_734 : vector<16xi32> to vector<16xi32>
        tpu.vector_store %arg25[%swap3A_735], %swap3A_738 {strides = array<i32>} : memref<80xi32, #tpu.memory_space<vmem>>, vector<16xi32>,
        %dma_start3A_739 = arith.constant 0 : i32
        %dma_start3A_740 = arith.constant 0 : i32
        %dma_start3A_741 = tpu.memref_slice %arg2[%dma_start3A_739, %dma_start3A_740] : memref<20000x64xf32, #tpu.memory_space<hbm>> -> memref<20000x64xf32, #tpu.memory_space<hbm>>
        tpu.enqueue_indirect_dma source(%dma_start3A_741 : memref<20000x64xf32, #tpu.memory_space<hbm>>) target(%arg35 : memref<80x64xf32, #tpu.memory_space<vmem>>) offsets(%arg15 : memref<80xi32, #tpu.memory_space<vmem>>) semaphore(%arg48 : memref<!tpu.dma_semaphore, #tpu.memory_space<semaphore_mem>>)
        %get3A_742 = arith.constant 80 : index
        %get3A_743 = tpu.vector_load %arg7[%get3A_742] {strides = array<i32>} : memref<400xi32, #tpu.memory_space<vmem>>, vector<16xi32>,
        %get3A_744 = vector.shape_cast %get3A_743 : vector<16xi32> to vector<16xi32>
        %add3A_745 = arith.addi %get3A_744, %get3A_744 : vector<16xi32>
        %add3A_746 = vector.broadcast %arg0 : i32 to vector<16xi32>
        %add3A_747 = arith.addi %add3A_745, %add3A_746 : vector<16xi32>
        %swap3A_748 = arith.constant 0 : index
        %swap3A_749 = tpu.vector_load %arg16[%swap3A_748] {strides = array<i32>} : memref<80xi32, #tpu.memory_space<vmem>>, vector<16xi32>,
        %swap3A_750 = vector.shape_cast %swap3A_749 : vector<16xi32> to vector<16xi32>
        %swap3A_751 = vector.shape_cast %add3A_747 : vector<16xi32> to vector<16xi32>
        tpu.vector_store %arg16[%swap3A_748], %swap3A_751 {strides = array<i32>} : memref<80xi32, #tpu.memory_space<vmem>>, vector<16xi32>,
        %get3A_752 = arith.constant 80 : index
        %get3A_753 = tpu.vector_load %arg9[%get3A_752] {strides = array<i32>} : memref<400xi32, #tpu.memory_space<vmem>>, vector<16xi32>,
        %get3A_754 = vector.shape_cast %get3A_753 : vector<16xi32> to vector<16xi32>
        %swap3A_755 = arith.constant 0 : index
        %swap3A_756 = tpu.vector_load %arg26[%swap3A_755] {strides = array<i32>} : memref<80xi32, #tpu.memory_space<vmem>>, vector<16xi32>,
        %swap3A_757 = vector.shape_cast %swap3A_756 : vector<16xi32> to vector<16xi32>
        %swap3A_758 = vector.shape_cast %get3A_754 : vector<16xi32> to vector<16xi32>
        tpu.vector_store %arg26[%swap3A_755], %swap3A_758 {strides = array<i32>} : memref<80xi32, #tpu.memory_space<vmem>>, vector<16xi32>,
        %get3A_759 = arith.constant 96 : index
        %get3A_760 = tpu.vector_load %arg7[%get3A_759] {strides = array<i32>} : memref<400xi32, #tpu.memory_space<vmem>>, vector<16xi32>,
        %get3A_761 = vector.shape_cast %get3A_760 : vector<16xi32> to vector<16xi32>
        %add3A_762 = arith.addi %get3A_761, %get3A_761 : vector<16xi32>
        %add3A_763 = vector.broadcast %arg0 : i32 to vector<16xi32>
        %add3A_764 = arith.addi %add3A_762, %add3A_763 : vector<16xi32>
        %swap3A_765 = arith.constant 16 : index
        %swap3A_766 = tpu.vector_load %arg16[%swap3A_765] {strides = array<i32>} : memref<80xi32, #tpu.memory_space<vmem>>, vector<16xi32>,
        %swap3A_767 = vector.shape_cast %swap3A_766 : vector<16xi32> to vector<16xi32>
        %swap3A_768 = vector.shape_cast %add3A_764 : vector<16xi32> to vector<16xi32>
        tpu.vector_store %arg16[%swap3A_765], %swap3A_768 {strides = array<i32>} : memref<80xi32, #tpu.memory_space<vmem>>, vector<16xi32>,
        %get3A_769 = arith.constant 96 : index
        %get3A_770 = tpu.vector_load %arg9[%get3A_769] {strides = array<i32>} : memref<400xi32, #tpu.memory_space<vmem>>, vector<16xi32>,
        %get3A_771 = vector.shape_cast %get3A_770 : vector<16xi32> to vector<16xi32>
        %swap3A_772 = arith.constant 16 : index
        %swap3A_773 = tpu.vector_load %arg26[%swap3A_772] {strides = array<i32>} : memref<80xi32, #tpu.memory_space<vmem>>, vector<16xi32>,
        %swap3A_774 = vector.shape_cast %swap3A_773 : vector<16xi32> to vector<16xi32>
        %swap3A_775 = vector.shape_cast %get3A_771 : vector<16xi32> to vector<16xi32>
        tpu.vector_store %arg26[%swap3A_772], %swap3A_775 {strides = array<i32>} : memref<80xi32, #tpu.memory_space<vmem>>, vector<16xi32>,
        %get3A_776 = arith.constant 112 : index
        %get3A_777 = tpu.vector_load %arg7[%get3A_776] {strides = array<i32>} : memref<400xi32, #tpu.memory_space<vmem>>, vector<16xi32>,
        %get3A_778 = vector.shape_cast %get3A_777 : vector<16xi32> to vector<16xi32>
        %add3A_779 = arith.addi %get3A_778, %get3A_778 : vector<16xi32>
        %add3A_780 = vector.broadcast %arg0 : i32 to vector<16xi32>
        %add3A_781 = arith.addi %add3A_779, %add3A_780 : vector<16xi32>
        %swap3A_782 = arith.constant 32 : index
        %swap3A_783 = tpu.vector_load %arg16[%swap3A_782] {strides = array<i32>} : memref<80xi32, #tpu.memory_space<vmem>>, vector<16xi32>,
        %swap3A_784 = vector.shape_cast %swap3A_783 : vector<16xi32> to vector<16xi32>
        %swap3A_785 = vector.shape_cast %add3A_781 : vector<16xi32> to vector<16xi32>
        tpu.vector_store %arg16[%swap3A_782], %swap3A_785 {strides = array<i32>} : memref<80xi32, #tpu.memory_space<vmem>>, vector<16xi32>,
        %get3A_786 = arith.constant 112 : index
        %get3A_787 = tpu.vector_load %arg9[%get3A_786] {strides = array<i32>} : memref<400xi32, #tpu.memory_space<vmem>>, vector<16xi32>,
        %get3A_788 = vector.shape_cast %get3A_787 : vector<16xi32> to vector<16xi32>
        %swap3A_789 = arith.constant 32 : index
        %swap3A_790 = tpu.vector_load %arg26[%swap3A_789] {strides = array<i32>} : memref<80xi32, #tpu.memory_space<vmem>>, vector<16xi32>,
        %swap3A_791 = vector.shape_cast %swap3A_790 : vector<16xi32> to vector<16xi32>
        %swap3A_792 = vector.shape_cast %get3A_788 : vector<16xi32> to vector<16xi32>
        tpu.vector_store %arg26[%swap3A_789], %swap3A_792 {strides = array<i32>} : memref<80xi32, #tpu.memory_space<vmem>>, vector<16xi32>,
        %get3A_793 = arith.constant 128 : index
        %get3A_794 = tpu.vector_load %arg7[%get3A_793] {strides = array<i32>} : memref<400xi32, #tpu.memory_space<vmem>>, vector<16xi32>,
        %get3A_795 = vector.shape_cast %get3A_794 : vector<16xi32> to vector<16xi32>
        %add3A_796 = arith.addi %get3A_795, %get3A_795 : vector<16xi32>
        %add3A_797 = vector.broadcast %arg0 : i32 to vector<16xi32>
        %add3A_798 = arith.addi %add3A_796, %add3A_797 : vector<16xi32>
        %swap3A_799 = arith.constant 48 : index
        %swap3A_800 = tpu.vector_load %arg16[%swap3A_799] {strides = array<i32>} : memref<80xi32, #tpu.memory_space<vmem>>, vector<16xi32>,
        %swap3A_801 = vector.shape_cast %swap3A_800 : vector<16xi32> to vector<16xi32>
        %swap3A_802 = vector.shape_cast %add3A_798 : vector<16xi32> to vector<16xi32>
        tpu.vector_store %arg16[%swap3A_799], %swap3A_802 {strides = array<i32>} : memref<80xi32, #tpu.memory_space<vmem>>, vector<16xi32>,
        %get3A_803 = arith.constant 128 : index
        %get3A_804 = tpu.vector_load %arg9[%get3A_803] {strides = array<i32>} : memref<400xi32, #tpu.memory_space<vmem>>, vector<16xi32>,
        %get3A_805 = vector.shape_cast %get3A_804 : vector<16xi32> to vector<16xi32>
        %swap3A_806 = arith.constant 48 : index
        %swap3A_807 = tpu.vector_load %arg26[%swap3A_806] {strides = array<i32>} : memref<80xi32, #tpu.memory_space<vmem>>, vector<16xi32>,
        %swap3A_808 = vector.shape_cast %swap3A_807 : vector<16xi32> to vector<16xi32>
        %swap3A_809 = vector.shape_cast %get3A_805 : vector<16xi32> to vector<16xi32>
        tpu.vector_store %arg26[%swap3A_806], %swap3A_809 {strides = array<i32>} : memref<80xi32, #tpu.memory_space<vmem>>, vector<16xi32>,
        %get3A_810 = arith.constant 144 : index
        %get3A_811 = tpu.vector_load %arg7[%get3A_810] {strides = array<i32>} : memref<400xi32, #tpu.memory_space<vmem>>, vector<16xi32>,
        %get3A_812 = vector.shape_cast %get3A_811 : vector<16xi32> to vector<16xi32>
        %add3A_813 = arith.addi %get3A_812, %get3A_812 : vector<16xi32>
        %add3A_814 = vector.broadcast %arg0 : i32 to vector<16xi32>
        %add3A_815 = arith.addi %add3A_813, %add3A_814 : vector<16xi32>
        %swap3A_816 = arith.constant 64 : index
        %swap3A_817 = tpu.vector_load %arg16[%swap3A_816] {strides = array<i32>} : memref<80xi32, #tpu.memory_space<vmem>>, vector<16xi32>,
        %swap3A_818 = vector.shape_cast %swap3A_817 : vector<16xi32> to vector<16xi32>
        %swap3A_819 = vector.shape_cast %add3A_815 : vector<16xi32> to vector<16xi32>
        tpu.vector_store %arg16[%swap3A_816], %swap3A_819 {strides = array<i32>} : memref<80xi32, #tpu.memory_space<vmem>>, vector<16xi32>,
        %get3A_820 = arith.constant 144 : index
        %get3A_821 = tpu.vector_load %arg9[%get3A_820] {strides = array<i32>} : memref<400xi32, #tpu.memory_space<vmem>>, vector<16xi32>,
        %get3A_822 = vector.shape_cast %get3A_821 : vector<16xi32> to vector<16xi32>
        %swap3A_823 = arith.constant 64 : index
        %swap3A_824 = tpu.vector_load %arg26[%swap3A_823] {strides = array<i32>} : memref<80xi32, #tpu.memory_space<vmem>>, vector<16xi32>,
        %swap3A_825 = vector.shape_cast %swap3A_824 : vector<16xi32> to vector<16xi32>
        %swap3A_826 = vector.shape_cast %get3A_822 : vector<16xi32> to vector<16xi32>
        tpu.vector_store %arg26[%swap3A_823], %swap3A_826 {strides = array<i32>} : memref<80xi32, #tpu.memory_space<vmem>>, vector<16xi32>,
        %dma_start3A_827 = arith.constant 0 : i32
        %dma_start3A_828 = arith.constant 0 : i32
        %dma_start3A_829 = tpu.memref_slice %arg2[%dma_start3A_827, %dma_start3A_828] : memref<20000x64xf32, #tpu.memory_space<hbm>> -> memref<20000x64xf32, #tpu.memory_space<hbm>>
        tpu.enqueue_indirect_dma source(%dma_start3A_829 : memref<20000x64xf32, #tpu.memory_space<hbm>>) target(%arg36 : memref<80x64xf32, #tpu.memory_space<vmem>>) offsets(%arg16 : memref<80xi32, #tpu.memory_space<vmem>>) semaphore(%arg48 : memref<!tpu.dma_semaphore, #tpu.memory_space<semaphore_mem>>)
        %get3A_830 = arith.constant 160 : index
        %get3A_831 = tpu.vector_load %arg7[%get3A_830] {strides = array<i32>} : memref<400xi32, #tpu.memory_space<vmem>>, vector<16xi32>,
        %get3A_832 = vector.shape_cast %get3A_831 : vector<16xi32> to vector<16xi32>
        %add3A_833 = arith.addi %get3A_832, %get3A_832 : vector<16xi32>
        %add3A_834 = vector.broadcast %arg0 : i32 to vector<16xi32>
        %add3A_835 = arith.addi %add3A_833, %add3A_834 : vector<16xi32>
        %swap3A_836 = arith.constant 0 : index
        %swap3A_837 = tpu.vector_load %arg17[%swap3A_836] {strides = array<i32>} : memref<80xi32, #tpu.memory_space<vmem>>, vector<16xi32>,
        %swap3A_838 = vector.shape_cast %swap3A_837 : vector<16xi32> to vector<16xi32>
        %swap3A_839 = vector.shape_cast %add3A_835 : vector<16xi32> to vector<16xi32>
        tpu.vector_store %arg17[%swap3A_836], %swap3A_839 {strides = array<i32>} : memref<80xi32, #tpu.memory_space<vmem>>, vector<16xi32>,
        %get3A_840 = arith.constant 160 : index
        %get3A_841 = tpu.vector_load %arg9[%get3A_840] {strides = array<i32>} : memref<400xi32, #tpu.memory_space<vmem>>, vector<16xi32>,
        %get3A_842 = vector.shape_cast %get3A_841 : vector<16xi32> to vector<16xi32>
        %swap3A_843 = arith.constant 0 : index
        %swap3A_844 = tpu.vector_load %arg27[%swap3A_843] {strides = array<i32>} : memref<80xi32, #tpu.memory_space<vmem>>, vector<16xi32>,
        %swap3A_845 = vector.shape_cast %swap3A_844 : vector<16xi32> to vector<16xi32>
        %swap3A_846 = vector.shape_cast %get3A_842 : vector<16xi32> to vector<16xi32>
        tpu.vector_store %arg27[%swap3A_843], %swap3A_846 {strides = array<i32>} : memref<80xi32, #tpu.memory_space<vmem>>, vector<16xi32>,
        %get3A_847 = arith.constant 176 : index
        %get3A_848 = tpu.vector_load %arg7[%get3A_847] {strides = array<i32>} : memref<400xi32, #tpu.memory_space<vmem>>, vector<16xi32>,
        %get3A_849 = vector.shape_cast %get3A_848 : vector<16xi32> to vector<16xi32>
        %add3A_850 = arith.addi %get3A_849, %get3A_849 : vector<16xi32>
        %add3A_851 = vector.broadcast %arg0 : i32 to vector<16xi32>
        %add3A_852 = arith.addi %add3A_850, %add3A_851 : vector<16xi32>
        %swap3A_853 = arith.constant 16 : index
        %swap3A_854 = tpu.vector_load %arg17[%swap3A_853] {strides = array<i32>} : memref<80xi32, #tpu.memory_space<vmem>>, vector<16xi32>,
        %swap3A_855 = vector.shape_cast %swap3A_854 : vector<16xi32> to vector<16xi32>
        %swap3A_856 = vector.shape_cast %add3A_852 : vector<16xi32> to vector<16xi32>
        tpu.vector_store %arg17[%swap3A_853], %swap3A_856 {strides = array<i32>} : memref<80xi32, #tpu.memory_space<vmem>>, vector<16xi32>,
        %get3A_857 = arith.constant 176 : index
        %get3A_858 = tpu.vector_load %arg9[%get3A_857] {strides = array<i32>} : memref<400xi32, #tpu.memory_space<vmem>>, vector<16xi32>,
        %get3A_859 = vector.shape_cast %get3A_858 : vector<16xi32> to vector<16xi32>
        %swap3A_860 = arith.constant 16 : index
        %swap3A_861 = tpu.vector_load %arg27[%swap3A_860] {strides = array<i32>} : memref<80xi32, #tpu.memory_space<vmem>>, vector<16xi32>,
        %swap3A_862 = vector.shape_cast %swap3A_861 : vector<16xi32> to vector<16xi32>
        %swap3A_863 = vector.shape_cast %get3A_859 : vector<16xi32> to vector<16xi32>
        tpu.vector_store %arg27[%swap3A_860], %swap3A_863 {strides = array<i32>} : memref<80xi32, #tpu.memory_space<vmem>>, vector<16xi32>,
        %get3A_864 = arith.constant 192 : index
        %get3A_865 = tpu.vector_load %arg7[%get3A_864] {strides = array<i32>} : memref<400xi32, #tpu.memory_space<vmem>>, vector<16xi32>,
        %get3A_866 = vector.shape_cast %get3A_865 : vector<16xi32> to vector<16xi32>
        %add3A_867 = arith.addi %get3A_866, %get3A_866 : vector<16xi32>
        %add3A_868 = vector.broadcast %arg0 : i32 to vector<16xi32>
        %add3A_869 = arith.addi %add3A_867, %add3A_868 : vector<16xi32>
        %swap3A_870 = arith.constant 32 : index
        %swap3A_871 = tpu.vector_load %arg17[%swap3A_870] {strides = array<i32>} : memref<80xi32, #tpu.memory_space<vmem>>, vector<16xi32>,
        %swap3A_872 = vector.shape_cast %swap3A_871 : vector<16xi32> to vector<16xi32>
        %swap3A_873 = vector.shape_cast %add3A_869 : vector<16xi32> to vector<16xi32>
        tpu.vector_store %arg17[%swap3A_870], %swap3A_873 {strides = array<i32>} : memref<80xi32, #tpu.memory_space<vmem>>, vector<16xi32>,
        %get3A_874 = arith.constant 192 : index
        %get3A_875 = tpu.vector_load %arg9[%get3A_874] {strides = array<i32>} : memref<400xi32, #tpu.memory_space<vmem>>, vector<16xi32>,
        %get3A_876 = vector.shape_cast %get3A_875 : vector<16xi32> to vector<16xi32>
        %swap3A_877 = arith.constant 32 : index
        %swap3A_878 = tpu.vector_load %arg27[%swap3A_877] {strides = array<i32>} : memref<80xi32, #tpu.memory_space<vmem>>, vector<16xi32>,
        %swap3A_879 = vector.shape_cast %swap3A_878 : vector<16xi32> to vector<16xi32>
        %swap3A_880 = vector.shape_cast %get3A_876 : vector<16xi32> to vector<16xi32>
        tpu.vector_store %arg27[%swap3A_877], %swap3A_880 {strides = array<i32>} : memref<80xi32, #tpu.memory_space<vmem>>, vector<16xi32>,
        %get3A_881 = arith.constant 208 : index
        %get3A_882 = tpu.vector_load %arg7[%get3A_881] {strides = array<i32>} : memref<400xi32, #tpu.memory_space<vmem>>, vector<16xi32>,
        %get3A_883 = vector.shape_cast %get3A_882 : vector<16xi32> to vector<16xi32>
        %add3A_884 = arith.addi %get3A_883, %get3A_883 : vector<16xi32>
        %add3A_885 = vector.broadcast %arg0 : i32 to vector<16xi32>
        %add3A_886 = arith.addi %add3A_884, %add3A_885 : vector<16xi32>
        %swap3A_887 = arith.constant 48 : index
        %swap3A_888 = tpu.vector_load %arg17[%swap3A_887] {strides = array<i32>} : memref<80xi32, #tpu.memory_space<vmem>>, vector<16xi32>,
        %swap3A_889 = vector.shape_cast %swap3A_888 : vector<16xi32> to vector<16xi32>
        %swap3A_890 = vector.shape_cast %add3A_886 : vector<16xi32> to vector<16xi32>
        tpu.vector_store %arg17[%swap3A_887], %swap3A_890 {strides = array<i32>} : memref<80xi32, #tpu.memory_space<vmem>>, vector<16xi32>,
        %get3A_891 = arith.constant 208 : index
        %get3A_892 = tpu.vector_load %arg9[%get3A_891] {strides = array<i32>} : memref<400xi32, #tpu.memory_space<vmem>>, vector<16xi32>,
        %get3A_893 = vector.shape_cast %get3A_892 : vector<16xi32> to vector<16xi32>
        %swap3A_894 = arith.constant 48 : index
        %swap3A_895 = tpu.vector_load %arg27[%swap3A_894] {strides = array<i32>} : memref<80xi32, #tpu.memory_space<vmem>>, vector<16xi32>,
        %swap3A_896 = vector.shape_cast %swap3A_895 : vector<16xi32> to vector<16xi32>
        %swap3A_897 = vector.shape_cast %get3A_893 : vector<16xi32> to vector<16xi32>
        tpu.vector_store %arg27[%swap3A_894], %swap3A_897 {strides = array<i32>} : memref<80xi32, #tpu.memory_space<vmem>>, vector<16xi32>,
        %get3A_898 = arith.constant 224 : index
        %get3A_899 = tpu.vector_load %arg7[%get3A_898] {strides = array<i32>} : memref<400xi32, #tpu.memory_space<vmem>>, vector<16xi32>,
        %get3A_900 = vector.shape_cast %get3A_899 : vector<16xi32> to vector<16xi32>
        %add3A_901 = arith.addi %get3A_900, %get3A_900 : vector<16xi32>
        %add3A_902 = vector.broadcast %arg0 : i32 to vector<16xi32>
        %add3A_903 = arith.addi %add3A_901, %add3A_902 : vector<16xi32>
        %swap3A_904 = arith.constant 64 : index
        %swap3A_905 = tpu.vector_load %arg17[%swap3A_904] {strides = array<i32>} : memref<80xi32, #tpu.memory_space<vmem>>, vector<16xi32>,
        %swap3A_906 = vector.shape_cast %swap3A_905 : vector<16xi32> to vector<16xi32>
        %swap3A_907 = vector.shape_cast %add3A_903 : vector<16xi32> to vector<16xi32>
        tpu.vector_store %arg17[%swap3A_904], %swap3A_907 {strides = array<i32>} : memref<80xi32, #tpu.memory_space<vmem>>, vector<16xi32>,
        %get3A_908 = arith.constant 224 : index
        %get3A_909 = tpu.vector_load %arg9[%get3A_908] {strides = array<i32>} : memref<400xi32, #tpu.memory_space<vmem>>, vector<16xi32>,
        %get3A_910 = vector.shape_cast %get3A_909 : vector<16xi32> to vector<16xi32>
        %swap3A_911 = arith.constant 64 : index
        %swap3A_912 = tpu.vector_load %arg27[%swap3A_911] {strides = array<i32>} : memref<80xi32, #tpu.memory_space<vmem>>, vector<16xi32>,
        %swap3A_913 = vector.shape_cast %swap3A_912 : vector<16xi32> to vector<16xi32>
        %swap3A_914 = vector.shape_cast %get3A_910 : vector<16xi32> to vector<16xi32>
        tpu.vector_store %arg27[%swap3A_911], %swap3A_914 {strides = array<i32>} : memref<80xi32, #tpu.memory_space<vmem>>, vector<16xi32>,
        %dma_start3A_915 = arith.constant 0 : i32
        %dma_start3A_916 = arith.constant 0 : i32
        %dma_start3A_917 = tpu.memref_slice %arg2[%dma_start3A_915, %dma_start3A_916] : memref<20000x64xf32, #tpu.memory_space<hbm>> -> memref<20000x64xf32, #tpu.memory_space<hbm>>
        tpu.enqueue_indirect_dma source(%dma_start3A_917 : memref<20000x64xf32, #tpu.memory_space<hbm>>) target(%arg37 : memref<80x64xf32, #tpu.memory_space<vmem>>) offsets(%arg17 : memref<80xi32, #tpu.memory_space<vmem>>) semaphore(%arg48 : memref<!tpu.dma_semaphore, #tpu.memory_space<semaphore_mem>>)
        %get3A_918 = arith.constant 240 : index
        %get3A_919 = tpu.vector_load %arg7[%get3A_918] {strides = array<i32>} : memref<400xi32, #tpu.memory_space<vmem>>, vector<16xi32>,
        %get3A_920 = vector.shape_cast %get3A_919 : vector<16xi32> to vector<16xi32>
        %add3A_921 = arith.addi %get3A_920, %get3A_920 : vector<16xi32>
        %add3A_922 = vector.broadcast %arg0 : i32 to vector<16xi32>
        %add3A_923 = arith.addi %add3A_921, %add3A_922 : vector<16xi32>
        %swap3A_924 = arith.constant 0 : index
        %swap3A_925 = tpu.vector_load %arg18[%swap3A_924] {strides = array<i32>} : memref<80xi32, #tpu.memory_space<vmem>>, vector<16xi32>,
        %swap3A_926 = vector.shape_cast %swap3A_925 : vector<16xi32> to vector<16xi32>
        %swap3A_927 = vector.shape_cast %add3A_923 : vector<16xi32> to vector<16xi32>
        tpu.vector_store %arg18[%swap3A_924], %swap3A_927 {strides = array<i32>} : memref<80xi32, #tpu.memory_space<vmem>>, vector<16xi32>,
        %get3A_928 = arith.constant 240 : index
        %get3A_929 = tpu.vector_load %arg9[%get3A_928] {strides = array<i32>} : memref<400xi32, #tpu.memory_space<vmem>>, vector<16xi32>,
        %get3A_930 = vector.shape_cast %get3A_929 : vector<16xi32> to vector<16xi32>
        %swap3A_931 = arith.constant 0 : index
        %swap3A_932 = tpu.vector_load %arg28[%swap3A_931] {strides = array<i32>} : memref<80xi32, #tpu.memory_space<vmem>>, vector<16xi32>,
        %swap3A_933 = vector.shape_cast %swap3A_932 : vector<16xi32> to vector<16xi32>
        %swap3A_934 = vector.shape_cast %get3A_930 : vector<16xi32> to vector<16xi32>
        tpu.vector_store %arg28[%swap3A_931], %swap3A_934 {strides = array<i32>} : memref<80xi32, #tpu.memory_space<vmem>>, vector<16xi32>,
        %get3A_935 = arith.constant 256 : index
        %get3A_936 = tpu.vector_load %arg7[%get3A_935] {strides = array<i32>} : memref<400xi32, #tpu.memory_space<vmem>>, vector<16xi32>,
        %get3A_937 = vector.shape_cast %get3A_936 : vector<16xi32> to vector<16xi32>
        %add3A_938 = arith.addi %get3A_937, %get3A_937 : vector<16xi32>
        %add3A_939 = vector.broadcast %arg0 : i32 to vector<16xi32>
        %add3A_940 = arith.addi %add3A_938, %add3A_939 : vector<16xi32>
        %swap3A_941 = arith.constant 16 : index
        %swap3A_942 = tpu.vector_load %arg18[%swap3A_941] {strides = array<i32>} : memref<80xi32, #tpu.memory_space<vmem>>, vector<16xi32>,
        %swap3A_943 = vector.shape_cast %swap3A_942 : vector<16xi32> to vector<16xi32>
        %swap3A_944 = vector.shape_cast %add3A_940 : vector<16xi32> to vector<16xi32>
        tpu.vector_store %arg18[%swap3A_941], %swap3A_944 {strides = array<i32>} : memref<80xi32, #tpu.memory_space<vmem>>, vector<16xi32>,
        %get3A_945 = arith.constant 256 : index
        %get3A_946 = tpu.vector_load %arg9[%get3A_945] {strides = array<i32>} : memref<400xi32, #tpu.memory_space<vmem>>, vector<16xi32>,
        %get3A_947 = vector.shape_cast %get3A_946 : vector<16xi32> to vector<16xi32>
        %swap3A_948 = arith.constant 16 : index
        %swap3A_949 = tpu.vector_load %arg28[%swap3A_948] {strides = array<i32>} : memref<80xi32, #tpu.memory_space<vmem>>, vector<16xi32>,
        %swap3A_950 = vector.shape_cast %swap3A_949 : vector<16xi32> to vector<16xi32>
        %swap3A_951 = vector.shape_cast %get3A_947 : vector<16xi32> to vector<16xi32>
        tpu.vector_store %arg28[%swap3A_948], %swap3A_951 {strides = array<i32>} : memref<80xi32, #tpu.memory_space<vmem>>, vector<16xi32>,
        %get3A_952 = arith.constant 272 : index
        %get3A_953 = tpu.vector_load %arg7[%get3A_952] {strides = array<i32>} : memref<400xi32, #tpu.memory_space<vmem>>, vector<16xi32>,
        %get3A_954 = vector.shape_cast %get3A_953 : vector<16xi32> to vector<16xi32>
        %add3A_955 = arith.addi %get3A_954, %get3A_954 : vector<16xi32>
        %add3A_956 = vector.broadcast %arg0 : i32 to vector<16xi32>
        %add3A_957 = arith.addi %add3A_955, %add3A_956 : vector<16xi32>
        %swap3A_958 = arith.constant 32 : index
        %swap3A_959 = tpu.vector_load %arg18[%swap3A_958] {strides = array<i32>} : memref<80xi32, #tpu.memory_space<vmem>>, vector<16xi32>,
        %swap3A_960 = vector.shape_cast %swap3A_959 : vector<16xi32> to vector<16xi32>
        %swap3A_961 = vector.shape_cast %add3A_957 : vector<16xi32> to vector<16xi32>
        tpu.vector_store %arg18[%swap3A_958], %swap3A_961 {strides = array<i32>} : memref<80xi32, #tpu.memory_space<vmem>>, vector<16xi32>,
        %get3A_962 = arith.constant 272 : index
        %get3A_963 = tpu.vector_load %arg9[%get3A_962] {strides = array<i32>} : memref<400xi32, #tpu.memory_space<vmem>>, vector<16xi32>,
        %get3A_964 = vector.shape_cast %get3A_963 : vector<16xi32> to vector<16xi32>
        %swap3A_965 = arith.constant 32 : index
        %swap3A_966 = tpu.vector_load %arg28[%swap3A_965] {strides = array<i32>} : memref<80xi32, #tpu.memory_space<vmem>>, vector<16xi32>,
        %swap3A_967 = vector.shape_cast %swap3A_966 : vector<16xi32> to vector<16xi32>
        %swap3A_968 = vector.shape_cast %get3A_964 : vector<16xi32> to vector<16xi32>
        tpu.vector_store %arg28[%swap3A_965], %swap3A_968 {strides = array<i32>} : memref<80xi32, #tpu.memory_space<vmem>>, vector<16xi32>,
        %get3A_969 = arith.constant 288 : index
        %get3A_970 = tpu.vector_load %arg7[%get3A_969] {strides = array<i32>} : memref<400xi32, #tpu.memory_space<vmem>>, vector<16xi32>,
        %get3A_971 = vector.shape_cast %get3A_970 : vector<16xi32> to vector<16xi32>
        %add3A_972 = arith.addi %get3A_971, %get3A_971 : vector<16xi32>
        %add3A_973 = vector.broadcast %arg0 : i32 to vector<16xi32>
        %add3A_974 = arith.addi %add3A_972, %add3A_973 : vector<16xi32>
        %swap3A_975 = arith.constant 48 : index
        %swap3A_976 = tpu.vector_load %arg18[%swap3A_975] {strides = array<i32>} : memref<80xi32, #tpu.memory_space<vmem>>, vector<16xi32>,
        %swap3A_977 = vector.shape_cast %swap3A_976 : vector<16xi32> to vector<16xi32>
        %swap3A_978 = vector.shape_cast %add3A_974 : vector<16xi32> to vector<16xi32>
        tpu.vector_store %arg18[%swap3A_975], %swap3A_978 {strides = array<i32>} : memref<80xi32, #tpu.memory_space<vmem>>, vector<16xi32>,
        %get3A_979 = arith.constant 288 : index
        %get3A_980 = tpu.vector_load %arg9[%get3A_979] {strides = array<i32>} : memref<400xi32, #tpu.memory_space<vmem>>, vector<16xi32>,
        %get3A_981 = vector.shape_cast %get3A_980 : vector<16xi32> to vector<16xi32>
        %swap3A_982 = arith.constant 48 : index
        %swap3A_983 = tpu.vector_load %arg28[%swap3A_982] {strides = array<i32>} : memref<80xi32, #tpu.memory_space<vmem>>, vector<16xi32>,
        %swap3A_984 = vector.shape_cast %swap3A_983 : vector<16xi32> to vector<16xi32>
        %swap3A_985 = vector.shape_cast %get3A_981 : vector<16xi32> to vector<16xi32>
        tpu.vector_store %arg28[%swap3A_982], %swap3A_985 {strides = array<i32>} : memref<80xi32, #tpu.memory_space<vmem>>, vector<16xi32>,
        %get3A_986 = arith.constant 304 : index
        %get3A_987 = tpu.vector_load %arg7[%get3A_986] {strides = array<i32>} : memref<400xi32, #tpu.memory_space<vmem>>, vector<16xi32>,
        %get3A_988 = vector.shape_cast %get3A_987 : vector<16xi32> to vector<16xi32>
        %add3A_989 = arith.addi %get3A_988, %get3A_988 : vector<16xi32>
        %add3A_990 = vector.broadcast %arg0 : i32 to vector<16xi32>
        %add3A_991 = arith.addi %add3A_989, %add3A_990 : vector<16xi32>
        %swap3A_992 = arith.constant 64 : index
        %swap3A_993 = tpu.vector_load %arg18[%swap3A_992] {strides = array<i32>} : memref<80xi32, #tpu.memory_space<vmem>>, vector<16xi32>,
        %swap3A_994 = vector.shape_cast %swap3A_993 : vector<16xi32> to vector<16xi32>
        %swap3A_995 = vector.shape_cast %add3A_991 : vector<16xi32> to vector<16xi32>
        tpu.vector_store %arg18[%swap3A_992], %swap3A_995 {strides = array<i32>} : memref<80xi32, #tpu.memory_space<vmem>>, vector<16xi32>,
        %get3A_996 = arith.constant 304 : index
        %get3A_997 = tpu.vector_load %arg9[%get3A_996] {strides = array<i32>} : memref<400xi32, #tpu.memory_space<vmem>>, vector<16xi32>,
        %get3A_998 = vector.shape_cast %get3A_997 : vector<16xi32> to vector<16xi32>
        %swap3A_999 = arith.constant 64 : index
        %swap3A_1000 = tpu.vector_load %arg28[%swap3A_999] {strides = array<i32>} : memref<80xi32, #tpu.memory_space<vmem>>, vector<16xi32>,
        %swap3A_1001 = vector.shape_cast %swap3A_1000 : vector<16xi32> to vector<16xi32>
        %swap3A_1002 = vector.shape_cast %get3A_998 : vector<16xi32> to vector<16xi32>
        tpu.vector_store %arg28[%swap3A_999], %swap3A_1002 {strides = array<i32>} : memref<80xi32, #tpu.memory_space<vmem>>, vector<16xi32>,
        %dma_start3A_1003 = arith.constant 0 : i32
        %dma_start3A_1004 = arith.constant 0 : i32
        %dma_start3A_1005 = tpu.memref_slice %arg2[%dma_start3A_1003, %dma_start3A_1004] : memref<20000x64xf32, #tpu.memory_space<hbm>> -> memref<20000x64xf32, #tpu.memory_space<hbm>>
        tpu.enqueue_indirect_dma source(%dma_start3A_1005 : memref<20000x64xf32, #tpu.memory_space<hbm>>) target(%arg38 : memref<80x64xf32, #tpu.memory_space<vmem>>) offsets(%arg18 : memref<80xi32, #tpu.memory_space<vmem>>) semaphore(%arg48 : memref<!tpu.dma_semaphore, #tpu.memory_space<semaphore_mem>>)
        %get3A_1006 = arith.constant 320 : index
        %get3A_1007 = tpu.vector_load %arg7[%get3A_1006] {strides = array<i32>} : memref<400xi32, #tpu.memory_space<vmem>>, vector<16xi32>,
        %get3A_1008 = vector.shape_cast %get3A_1007 : vector<16xi32> to vector<16xi32>
        %add3A_1009 = arith.addi %get3A_1008, %get3A_1008 : vector<16xi32>
        %add3A_1010 = vector.broadcast %arg0 : i32 to vector<16xi32>
        %add3A_1011 = arith.addi %add3A_1009, %add3A_1010 : vector<16xi32>
        %swap3A_1012 = arith.constant 0 : index
        %swap3A_1013 = tpu.vector_load %arg19[%swap3A_1012] {strides = array<i32>} : memref<80xi32, #tpu.memory_space<vmem>>, vector<16xi32>,
        %swap3A_1014 = vector.shape_cast %swap3A_1013 : vector<16xi32> to vector<16xi32>
        %swap3A_1015 = vector.shape_cast %add3A_1011 : vector<16xi32> to vector<16xi32>
        tpu.vector_store %arg19[%swap3A_1012], %swap3A_1015 {strides = array<i32>} : memref<80xi32, #tpu.memory_space<vmem>>, vector<16xi32>,
        %get3A_1016 = arith.constant 320 : index
        %get3A_1017 = tpu.vector_load %arg9[%get3A_1016] {strides = array<i32>} : memref<400xi32, #tpu.memory_space<vmem>>, vector<16xi32>,
        %get3A_1018 = vector.shape_cast %get3A_1017 : vector<16xi32> to vector<16xi32>
        %swap3A_1019 = arith.constant 0 : index
        %swap3A_1020 = tpu.vector_load %arg29[%swap3A_1019] {strides = array<i32>} : memref<80xi32, #tpu.memory_space<vmem>>, vector<16xi32>,
        %swap3A_1021 = vector.shape_cast %swap3A_1020 : vector<16xi32> to vector<16xi32>
        %swap3A_1022 = vector.shape_cast %get3A_1018 : vector<16xi32> to vector<16xi32>
        tpu.vector_store %arg29[%swap3A_1019], %swap3A_1022 {strides = array<i32>} : memref<80xi32, #tpu.memory_space<vmem>>, vector<16xi32>,
        %get3A_1023 = arith.constant 336 : index
        %get3A_1024 = tpu.vector_load %arg7[%get3A_1023] {strides = array<i32>} : memref<400xi32, #tpu.memory_space<vmem>>, vector<16xi32>,
        %get3A_1025 = vector.shape_cast %get3A_1024 : vector<16xi32> to vector<16xi32>
        %add3A_1026 = arith.addi %get3A_1025, %get3A_1025 : vector<16xi32>
        %add3A_1027 = vector.broadcast %arg0 : i32 to vector<16xi32>
        %add3A_1028 = arith.addi %add3A_1026, %add3A_1027 : vector<16xi32>
        %swap3A_1029 = arith.constant 16 : index
        %swap3A_1030 = tpu.vector_load %arg19[%swap3A_1029] {strides = array<i32>} : memref<80xi32, #tpu.memory_space<vmem>>, vector<16xi32>,
        %swap3A_1031 = vector.shape_cast %swap3A_1030 : vector<16xi32> to vector<16xi32>
        %swap3A_1032 = vector.shape_cast %add3A_1028 : vector<16xi32> to vector<16xi32>
        tpu.vector_store %arg19[%swap3A_1029], %swap3A_1032 {strides = array<i32>} : memref<80xi32, #tpu.memory_space<vmem>>, vector<16xi32>,
        %get3A_1033 = arith.constant 336 : index
        %get3A_1034 = tpu.vector_load %arg9[%get3A_1033] {strides = array<i32>} : memref<400xi32, #tpu.memory_space<vmem>>, vector<16xi32>,
        %get3A_1035 = vector.shape_cast %get3A_1034 : vector<16xi32> to vector<16xi32>
        %swap3A_1036 = arith.constant 16 : index
        %swap3A_1037 = tpu.vector_load %arg29[%swap3A_1036] {strides = array<i32>} : memref<80xi32, #tpu.memory_space<vmem>>, vector<16xi32>,
        %swap3A_1038 = vector.shape_cast %swap3A_1037 : vector<16xi32> to vector<16xi32>
        %swap3A_1039 = vector.shape_cast %get3A_1035 : vector<16xi32> to vector<16xi32>
        tpu.vector_store %arg29[%swap3A_1036], %swap3A_1039 {strides = array<i32>} : memref<80xi32, #tpu.memory_space<vmem>>, vector<16xi32>,
        %get3A_1040 = arith.constant 352 : index
        %get3A_1041 = tpu.vector_load %arg7[%get3A_1040] {strides = array<i32>} : memref<400xi32, #tpu.memory_space<vmem>>, vector<16xi32>,
        %get3A_1042 = vector.shape_cast %get3A_1041 : vector<16xi32> to vector<16xi32>
        %add3A_1043 = arith.addi %get3A_1042, %get3A_1042 : vector<16xi32>
        %add3A_1044 = vector.broadcast %arg0 : i32 to vector<16xi32>
        %add3A_1045 = arith.addi %add3A_1043, %add3A_1044 : vector<16xi32>
        %swap3A_1046 = arith.constant 32 : index
        %swap3A_1047 = tpu.vector_load %arg19[%swap3A_1046] {strides = array<i32>} : memref<80xi32, #tpu.memory_space<vmem>>, vector<16xi32>,
        %swap3A_1048 = vector.shape_cast %swap3A_1047 : vector<16xi32> to vector<16xi32>
        %swap3A_1049 = vector.shape_cast %add3A_1045 : vector<16xi32> to vector<16xi32>
        tpu.vector_store %arg19[%swap3A_1046], %swap3A_1049 {strides = array<i32>} : memref<80xi32, #tpu.memory_space<vmem>>, vector<16xi32>,
        %get3A_1050 = arith.constant 352 : index
        %get3A_1051 = tpu.vector_load %arg9[%get3A_1050] {strides = array<i32>} : memref<400xi32, #tpu.memory_space<vmem>>, vector<16xi32>,
        %get3A_1052 = vector.shape_cast %get3A_1051 : vector<16xi32> to vector<16xi32>
        %swap3A_1053 = arith.constant 32 : index
        %swap3A_1054 = tpu.vector_load %arg29[%swap3A_1053] {strides = array<i32>} : memref<80xi32, #tpu.memory_space<vmem>>, vector<16xi32>,
        %swap3A_1055 = vector.shape_cast %swap3A_1054 : vector<16xi32> to vector<16xi32>
        %swap3A_1056 = vector.shape_cast %get3A_1052 : vector<16xi32> to vector<16xi32>
        tpu.vector_store %arg29[%swap3A_1053], %swap3A_1056 {strides = array<i32>} : memref<80xi32, #tpu.memory_space<vmem>>, vector<16xi32>,
        %get3A_1057 = arith.constant 368 : index
        %get3A_1058 = tpu.vector_load %arg7[%get3A_1057] {strides = array<i32>} : memref<400xi32, #tpu.memory_space<vmem>>, vector<16xi32>,
        %get3A_1059 = vector.shape_cast %get3A_1058 : vector<16xi32> to vector<16xi32>
        %add3A_1060 = arith.addi %get3A_1059, %get3A_1059 : vector<16xi32>
        %add3A_1061 = vector.broadcast %arg0 : i32 to vector<16xi32>
        %add3A_1062 = arith.addi %add3A_1060, %add3A_1061 : vector<16xi32>
        %swap3A_1063 = arith.constant 48 : index
        %swap3A_1064 = tpu.vector_load %arg19[%swap3A_1063] {strides = array<i32>} : memref<80xi32, #tpu.memory_space<vmem>>, vector<16xi32>,
        %swap3A_1065 = vector.shape_cast %swap3A_1064 : vector<16xi32> to vector<16xi32>
        %swap3A_1066 = vector.shape_cast %add3A_1062 : vector<16xi32> to vector<16xi32>
        tpu.vector_store %arg19[%swap3A_1063], %swap3A_1066 {strides = array<i32>} : memref<80xi32, #tpu.memory_space<vmem>>, vector<16xi32>,
        %get3A_1067 = arith.constant 368 : index
        %get3A_1068 = tpu.vector_load %arg9[%get3A_1067] {strides = array<i32>} : memref<400xi32, #tpu.memory_space<vmem>>, vector<16xi32>,
        %get3A_1069 = vector.shape_cast %get3A_1068 : vector<16xi32> to vector<16xi32>
        %swap3A_1070 = arith.constant 48 : index
        %swap3A_1071 = tpu.vector_load %arg29[%swap3A_1070] {strides = array<i32>} : memref<80xi32, #tpu.memory_space<vmem>>, vector<16xi32>,
        %swap3A_1072 = vector.shape_cast %swap3A_1071 : vector<16xi32> to vector<16xi32>
        %swap3A_1073 = vector.shape_cast %get3A_1069 : vector<16xi32> to vector<16xi32>
        tpu.vector_store %arg29[%swap3A_1070], %swap3A_1073 {strides = array<i32>} : memref<80xi32, #tpu.memory_space<vmem>>, vector<16xi32>,
        %get3A_1074 = arith.constant 384 : index
        %get3A_1075 = tpu.vector_load %arg7[%get3A_1074] {strides = array<i32>} : memref<400xi32, #tpu.memory_space<vmem>>, vector<16xi32>,
        %get3A_1076 = vector.shape_cast %get3A_1075 : vector<16xi32> to vector<16xi32>
        %add3A_1077 = arith.addi %get3A_1076, %get3A_1076 : vector<16xi32>
        %add3A_1078 = vector.broadcast %arg0 : i32 to vector<16xi32>
        %add3A_1079 = arith.addi %add3A_1077, %add3A_1078 : vector<16xi32>
        %swap3A_1080 = arith.constant 64 : index
        %swap3A_1081 = tpu.vector_load %arg19[%swap3A_1080] {strides = array<i32>} : memref<80xi32, #tpu.memory_space<vmem>>, vector<16xi32>,
        %swap3A_1082 = vector.shape_cast %swap3A_1081 : vector<16xi32> to vector<16xi32>
        %swap3A_1083 = vector.shape_cast %add3A_1079 : vector<16xi32> to vector<16xi32>
        tpu.vector_store %arg19[%swap3A_1080], %swap3A_1083 {strides = array<i32>} : memref<80xi32, #tpu.memory_space<vmem>>, vector<16xi32>,
        %get3A_1084 = arith.constant 384 : index
        %get3A_1085 = tpu.vector_load %arg9[%get3A_1084] {strides = array<i32>} : memref<400xi32, #tpu.memory_space<vmem>>, vector<16xi32>,
        %get3A_1086 = vector.shape_cast %get3A_1085 : vector<16xi32> to vector<16xi32>
        %swap3A_1087 = arith.constant 64 : index
        %swap3A_1088 = tpu.vector_load %arg29[%swap3A_1087] {strides = array<i32>} : memref<80xi32, #tpu.memory_space<vmem>>, vector<16xi32>,
        %swap3A_1089 = vector.shape_cast %swap3A_1088 : vector<16xi32> to vector<16xi32>
        %swap3A_1090 = vector.shape_cast %get3A_1086 : vector<16xi32> to vector<16xi32>
        tpu.vector_store %arg29[%swap3A_1087], %swap3A_1090 {strides = array<i32>} : memref<80xi32, #tpu.memory_space<vmem>>, vector<16xi32>,
        %dma_start3A_1091 = arith.constant 0 : i32
        %dma_start3A_1092 = arith.constant 0 : i32
        %dma_start3A_1093 = tpu.memref_slice %arg2[%dma_start3A_1091, %dma_start3A_1092] : memref<20000x64xf32, #tpu.memory_space<hbm>> -> memref<20000x64xf32, #tpu.memory_space<hbm>>
        tpu.enqueue_indirect_dma source(%dma_start3A_1093 : memref<20000x64xf32, #tpu.memory_space<hbm>>) target(%arg39 : memref<80x64xf32, #tpu.memory_space<vmem>>) offsets(%arg19 : memref<80xi32, #tpu.memory_space<vmem>>) semaphore(%arg48 : memref<!tpu.dma_semaphore, #tpu.memory_space<semaphore_mem>>)
      } else {
      }
      %add3A_587 = arith.constant 2 : i32
      %add3A_588 = arith.addi %add3A_580, %add3A_587 : i32
      %lt3A_589 = arith.constant 50 : i32
      %lt3A_590 = arith.cmpi slt, %add3A_588, %lt3A_589 : i32
      %convert_element_type3A_591 = arith.extui %lt3A_590 : i1 to i32
      %cond3A_592 = arith.constant 0 : i32
      %cond3A_593 = arith.cmpi ne, %convert_element_type3A_591, %cond3A_592 : i32
      scf.if %cond3A_593 {
        %add3A_636 = arith.constant 2 : i32
        %add3A_637 = arith.addi %add3A_580, %add3A_636 : i32
        %mul3A_638 = arith.constant 400 : i32
        %mul3A_639 = arith.muli %add3A_637, %mul3A_638 : i32
        %add3A_640 = arith.addi %mul3A_2, %mul3A_639 : i32
        %multiple_of3A_641 = tpu.assume_multiple %add3A_640, 80 : i32
        %dma_start3A_642 = arith.constant 0 : i32
        %dma_start3A_643 = tpu.memref_slice %arg3[%dma_start3A_642, %multiple_of3A_641] : memref<2x320000xi32, #tpu.memory_space<hbm>> -> memref<1x400xi32, #tpu.memory_space<hbm>>
        %dma_start3A_644 = tpu.memref_squeeze %dma_start3A_643 : memref<1x400xi32, #tpu.memory_space<hbm>> -> memref<400xi32, #tpu.memory_space<hbm>>
        %dma_start3A_645 = tpu.memref_slice %arg3[%dma_start3A_642, %multiple_of3A_641] : memref<2x320000xi32, #tpu.memory_space<hbm>> -> memref<1x400xi32, #tpu.memory_space<hbm>>
        %dma_start3A_646 = tpu.memref_squeeze %dma_start3A_645 : memref<1x400xi32, #tpu.memory_space<hbm>> -> memref<400xi32, #tpu.memory_space<hbm>>
        tpu.enqueue_dma source(%dma_start3A_646 : memref<400xi32, #tpu.memory_space<hbm>>) target(%arg6 : memref<400xi32, #tpu.memory_space<vmem>>) target_semaphore(%arg45 : memref<!tpu.dma_semaphore, #tpu.memory_space<semaphore_mem>>)
        %dma_start3A_647 = arith.constant 1 : i32
        %dma_start3A_648 = tpu.memref_slice %arg3[%dma_start3A_647, %multiple_of3A_641] : memref<2x320000xi32, #tpu.memory_space<hbm>> -> memref<1x400xi32, #tpu.memory_space<hbm>>
        %dma_start3A_649 = tpu.memref_squeeze %dma_start3A_648 : memref<1x400xi32, #tpu.memory_space<hbm>> -> memref<400xi32, #tpu.memory_space<hbm>>
        %dma_start3A_650 = tpu.memref_slice %arg3[%dma_start3A_647, %multiple_of3A_641] : memref<2x320000xi32, #tpu.memory_space<hbm>> -> memref<1x400xi32, #tpu.memory_space<hbm>>
        %dma_start3A_651 = tpu.memref_squeeze %dma_start3A_650 : memref<1x400xi32, #tpu.memory_space<hbm>> -> memref<400xi32, #tpu.memory_space<hbm>>
        tpu.enqueue_dma source(%dma_start3A_651 : memref<400xi32, #tpu.memory_space<hbm>>) target(%arg8 : memref<400xi32, #tpu.memory_space<vmem>>) target_semaphore(%arg45 : memref<!tpu.dma_semaphore, #tpu.memory_space<semaphore_mem>>)
      } else {
      }
      %dma_wait3A_594 = arith.constant 0 : i32
      %dma_wait3A_595 = arith.constant 0 : i32
      %dma_wait3A_596 = tpu.memref_slice %arg2[%dma_wait3A_594, %dma_wait3A_595] : memref<20000x64xf32, #tpu.memory_space<hbm>> -> memref<20000x64xf32, #tpu.memory_space<hbm>>
      tpu.wait_indirect_dma semaphore(%arg47 : memref<!tpu.dma_semaphore, #tpu.memory_space<semaphore_mem>>) src(%dma_wait3A_596 : memref<20000x64xf32, #tpu.memory_space<hbm>>) dst(%arg30 : memref<80x64xf32, #tpu.memory_space<vmem>>)
      %dma_start3A_597 = arith.constant 0 : i32
      %dma_start3A_598 = arith.constant 0 : i32
      %dma_start3A_599 = tpu.memref_slice %arg43[%dma_start3A_597, %dma_start3A_598] : memref<10240x64xf32, #tpu.memory_space<vmem_shared>> -> memref<10240x64xf32, #tpu.memory_space<vmem_shared>>
      tpu.enqueue_indirect_dma source(%arg30 : memref<80x64xf32, #tpu.memory_space<vmem>>) target(%dma_start3A_599 : memref<10240x64xf32, #tpu.memory_space<vmem_shared>>) offsets(%arg20 : memref<80xi32, #tpu.memory_space<vmem>>) semaphore(%arg49 : memref<!tpu.dma_semaphore, #tpu.memory_space<semaphore_mem>>) {add = true}
      %dma_wait3A_600 = arith.constant 0 : i32
      %dma_wait3A_601 = arith.constant 0 : i32
      %dma_wait3A_602 = tpu.memref_slice %arg2[%dma_wait3A_600, %dma_wait3A_601] : memref<20000x64xf32, #tpu.memory_space<hbm>> -> memref<20000x64xf32, #tpu.memory_space<hbm>>
      tpu.wait_indirect_dma semaphore(%arg47 : memref<!tpu.dma_semaphore, #tpu.memory_space<semaphore_mem>>) src(%dma_wait3A_602 : memref<20000x64xf32, #tpu.memory_space<hbm>>) dst(%arg31 : memref<80x64xf32, #tpu.memory_space<vmem>>)
      %dma_start3A_603 = arith.constant 0 : i32
      %dma_start3A_604 = arith.constant 0 : i32
      %dma_start3A_605 = tpu.memref_slice %arg43[%dma_start3A_603, %dma_start3A_604] : memref<10240x64xf32, #tpu.memory_space<vmem_shared>> -> memref<10240x64xf32, #tpu.memory_space<vmem_shared>>
      tpu.enqueue_indirect_dma source(%arg31 : memref<80x64xf32, #tpu.memory_space<vmem>>) target(%dma_start3A_605 : memref<10240x64xf32, #tpu.memory_space<vmem_shared>>) offsets(%arg21 : memref<80xi32, #tpu.memory_space<vmem>>) semaphore(%arg49 : memref<!tpu.dma_semaphore, #tpu.memory_space<semaphore_mem>>) {add = true}
      %dma_wait3A_606 = arith.constant 0 : i32
      %dma_wait3A_607 = arith.constant 0 : i32
      %dma_wait3A_608 = tpu.memref_slice %arg2[%dma_wait3A_606, %dma_wait3A_607] : memref<20000x64xf32, #tpu.memory_space<hbm>> -> memref<20000x64xf32, #tpu.memory_space<hbm>>
      tpu.wait_indirect_dma semaphore(%arg47 : memref<!tpu.dma_semaphore, #tpu.memory_space<semaphore_mem>>) src(%dma_wait3A_608 : memref<20000x64xf32, #tpu.memory_space<hbm>>) dst(%arg32 : memref<80x64xf32, #tpu.memory_space<vmem>>)
      %dma_start3A_609 = arith.constant 0 : i32
      %dma_start3A_610 = arith.constant 0 : i32
      %dma_start3A_611 = tpu.memref_slice %arg43[%dma_start3A_609, %dma_start3A_610] : memref<10240x64xf32, #tpu.memory_space<vmem_shared>> -> memref<10240x64xf32, #tpu.memory_space<vmem_shared>>
      tpu.enqueue_indirect_dma source(%arg32 : memref<80x64xf32, #tpu.memory_space<vmem>>) target(%dma_start3A_611 : memref<10240x64xf32, #tpu.memory_space<vmem_shared>>) offsets(%arg22 : memref<80xi32, #tpu.memory_space<vmem>>) semaphore(%arg49 : memref<!tpu.dma_semaphore, #tpu.memory_space<semaphore_mem>>) {add = true}
      %dma_wait3A_612 = arith.constant 0 : i32
      %dma_wait3A_613 = arith.constant 0 : i32
      %dma_wait3A_614 = tpu.memref_slice %arg2[%dma_wait3A_612, %dma_wait3A_613] : memref<20000x64xf32, #tpu.memory_space<hbm>> -> memref<20000x64xf32, #tpu.memory_space<hbm>>
      tpu.wait_indirect_dma semaphore(%arg47 : memref<!tpu.dma_semaphore, #tpu.memory_space<semaphore_mem>>) src(%dma_wait3A_614 : memref<20000x64xf32, #tpu.memory_space<hbm>>) dst(%arg33 : memref<80x64xf32, #tpu.memory_space<vmem>>)
      %dma_start3A_615 = arith.constant 0 : i32
      %dma_start3A_616 = arith.constant 0 : i32
      %dma_start3A_617 = tpu.memref_slice %arg43[%dma_start3A_615, %dma_start3A_616] : memref<10240x64xf32, #tpu.memory_space<vmem_shared>> -> memref<10240x64xf32, #tpu.memory_space<vmem_shared>>
      tpu.enqueue_indirect_dma source(%arg33 : memref<80x64xf32, #tpu.memory_space<vmem>>) target(%dma_start3A_617 : memref<10240x64xf32, #tpu.memory_space<vmem_shared>>) offsets(%arg23 : memref<80xi32, #tpu.memory_space<vmem>>) semaphore(%arg49 : memref<!tpu.dma_semaphore, #tpu.memory_space<semaphore_mem>>) {add = true}
      %dma_wait3A_618 = arith.constant 0 : i32
      %dma_wait3A_619 = arith.constant 0 : i32
      %dma_wait3A_620 = tpu.memref_slice %arg2[%dma_wait3A_618, %dma_wait3A_619] : memref<20000x64xf32, #tpu.memory_space<hbm>> -> memref<20000x64xf32, #tpu.memory_space<hbm>>
      tpu.wait_indirect_dma semaphore(%arg47 : memref<!tpu.dma_semaphore, #tpu.memory_space<semaphore_mem>>) src(%dma_wait3A_620 : memref<20000x64xf32, #tpu.memory_space<hbm>>) dst(%arg34 : memref<80x64xf32, #tpu.memory_space<vmem>>)
      %dma_start3A_621 = arith.constant 0 : i32
      %dma_start3A_622 = arith.constant 0 : i32
      %dma_start3A_623 = tpu.memref_slice %arg43[%dma_start3A_621, %dma_start3A_622] : memref<10240x64xf32, #tpu.memory_space<vmem_shared>> -> memref<10240x64xf32, #tpu.memory_space<vmem_shared>>
      tpu.enqueue_indirect_dma source(%arg34 : memref<80x64xf32, #tpu.memory_space<vmem>>) target(%dma_start3A_623 : memref<10240x64xf32, #tpu.memory_space<vmem_shared>>) offsets(%arg24 : memref<80xi32, #tpu.memory_space<vmem>>) semaphore(%arg49 : memref<!tpu.dma_semaphore, #tpu.memory_space<semaphore_mem>>) {add = true}
      %eq3A_624 = arith.constant 0 : i32
      %eq3A_625 = arith.cmpi eq, %arg0, %eq3A_624 : i32
      %convert_element_type3A_626 = arith.extui %eq3A_625 : i1 to i32
      %cond3A_627 = arith.constant 0 : i32
      %cond3A_628 = arith.cmpi ne, %convert_element_type3A_626, %cond3A_627 : i32
      scf.if %cond3A_628 {
        %dma_start3A_636 = arith.constant 0 : i32
        %dma_start3A_637 = arith.constant 0 : i32
        %dma_start3A_638 = tpu.memref_slice %arg44[%dma_start3A_636, %dma_start3A_637] : memref<10240x16xf32, #tpu.memory_space<vmem_shared>> -> memref<10240x16xf32, #tpu.memory_space<vmem_shared>>
        tpu.enqueue_indirect_dma source(%arg41 : memref<80x16xf32, #tpu.memory_space<vmem>>) target(%dma_start3A_638 : memref<10240x16xf32, #tpu.memory_space<vmem_shared>>) offsets(%arg20 : memref<80xi32, #tpu.memory_space<vmem>>) semaphore(%arg49 : memref<!tpu.dma_semaphore, #tpu.memory_space<semaphore_mem>>) {add = true}
        %dma_start3A_639 = arith.constant 0 : i32
        %dma_start3A_640 = arith.constant 0 : i32
        %dma_start3A_641 = tpu.memref_slice %arg44[%dma_start3A_639, %dma_start3A_640] : memref<10240x16xf32, #tpu.memory_space<vmem_shared>> -> memref<10240x16xf32, #tpu.memory_space<vmem_shared>>
        tpu.enqueue_indirect_dma source(%arg41 : memref<80x16xf32, #tpu.memory_space<vmem>>) target(%dma_start3A_641 : memref<10240x16xf32, #tpu.memory_space<vmem_shared>>) offsets(%arg21 : memref<80xi32, #tpu.memory_space<vmem>>) semaphore(%arg49 : memref<!tpu.dma_semaphore, #tpu.memory_space<semaphore_mem>>) {add = true}
        %dma_start3A_642 = arith.constant 0 : i32
        %dma_start3A_643 = arith.constant 0 : i32
        %dma_start3A_644 = tpu.memref_slice %arg44[%dma_start3A_642, %dma_start3A_643] : memref<10240x16xf32, #tpu.memory_space<vmem_shared>> -> memref<10240x16xf32, #tpu.memory_space<vmem_shared>>
        tpu.enqueue_indirect_dma source(%arg41 : memref<80x16xf32, #tpu.memory_space<vmem>>) target(%dma_start3A_644 : memref<10240x16xf32, #tpu.memory_space<vmem_shared>>) offsets(%arg22 : memref<80xi32, #tpu.memory_space<vmem>>) semaphore(%arg49 : memref<!tpu.dma_semaphore, #tpu.memory_space<semaphore_mem>>) {add = true}
        %dma_start3A_645 = arith.constant 0 : i32
        %dma_start3A_646 = arith.constant 0 : i32
        %dma_start3A_647 = tpu.memref_slice %arg44[%dma_start3A_645, %dma_start3A_646] : memref<10240x16xf32, #tpu.memory_space<vmem_shared>> -> memref<10240x16xf32, #tpu.memory_space<vmem_shared>>
        tpu.enqueue_indirect_dma source(%arg41 : memref<80x16xf32, #tpu.memory_space<vmem>>) target(%dma_start3A_647 : memref<10240x16xf32, #tpu.memory_space<vmem_shared>>) offsets(%arg23 : memref<80xi32, #tpu.memory_space<vmem>>) semaphore(%arg49 : memref<!tpu.dma_semaphore, #tpu.memory_space<semaphore_mem>>) {add = true}
        %dma_start3A_648 = arith.constant 0 : i32
        %dma_start3A_649 = arith.constant 0 : i32
        %dma_start3A_650 = tpu.memref_slice %arg44[%dma_start3A_648, %dma_start3A_649] : memref<10240x16xf32, #tpu.memory_space<vmem_shared>> -> memref<10240x16xf32, #tpu.memory_space<vmem_shared>>
        tpu.enqueue_indirect_dma source(%arg41 : memref<80x16xf32, #tpu.memory_space<vmem>>) target(%dma_start3A_650 : memref<10240x16xf32, #tpu.memory_space<vmem_shared>>) offsets(%arg24 : memref<80xi32, #tpu.memory_space<vmem>>) semaphore(%arg49 : memref<!tpu.dma_semaphore, #tpu.memory_space<semaphore_mem>>) {add = true}
      } else {
      }
      %add3A_629 = arith.constant 1 : i32
      %add3A_630 = arith.addi %add3A_580, %add3A_629 : i32
      %lt3A_631 = arith.constant 50 : i32
      %lt3A_632 = arith.cmpi slt, %add3A_630, %lt3A_631 : i32
      %convert_element_type3A_633 = arith.extui %lt3A_632 : i1 to i32
      %cond3A_634 = arith.constant 0 : i32
      %cond3A_635 = arith.cmpi ne, %convert_element_type3A_633, %cond3A_634 : i32
      scf.if %cond3A_635 {
        %add3A_636 = arith.constant 1 : i32
        %add3A_637 = arith.addi %add3A_580, %add3A_636 : i32
        %add3A_638 = arith.constant 1 : i32
        %add3A_639 = arith.addi %add3A_637, %add3A_638 : i32
        %lt3A_640 = arith.constant 50 : i32
        %lt3A_641 = arith.cmpi slt, %add3A_639, %lt3A_640 : i32
        %convert_element_type3A_642 = arith.extui %lt3A_641 : i1 to i32
        %cond3A_643 = arith.constant 0 : i32
        %cond3A_644 = arith.cmpi ne, %convert_element_type3A_642, %cond3A_643 : i32
        scf.if %cond3A_644 {
          %dma_wait3A_687 = arith.constant 0 : i32
          %dma_wait3A_688 = arith.constant 0 : i32
          %dma_wait3A_689 = tpu.memref_slice %arg3[%dma_wait3A_687, %dma_wait3A_688] : memref<2x320000xi32, #tpu.memory_space<hbm>> -> memref<1x400xi32, #tpu.memory_space<hbm>>
          %dma_wait3A_690 = tpu.memref_squeeze %dma_wait3A_689 : memref<1x400xi32, #tpu.memory_space<hbm>> -> memref<400xi32, #tpu.memory_space<hbm>>
          %dma_wait3A_691 = arith.constant 0 : i32
          %dma_wait3A_692 = tpu.memref_slice %arg3[%dma_wait3A_687, %dma_wait3A_691] : memref<2x320000xi32, #tpu.memory_space<hbm>> -> memref<1x400xi32, #tpu.memory_space<hbm>>
          %dma_wait3A_693 = tpu.memref_squeeze %dma_wait3A_692 : memref<1x400xi32, #tpu.memory_space<hbm>> -> memref<400xi32, #tpu.memory_space<hbm>>
          tpu.wait_dma2 semaphore(%arg45 : memref<!tpu.dma_semaphore, #tpu.memory_space<semaphore_mem>>) src(%dma_wait3A_693 : memref<400xi32, #tpu.memory_space<hbm>>) dst(%arg6 : memref<400xi32, #tpu.memory_space<vmem>>)
          %dma_wait3A_694 = arith.constant 1 : i32
          %dma_wait3A_695 = arith.constant 0 : i32
          %dma_wait3A_696 = tpu.memref_slice %arg3[%dma_wait3A_694, %dma_wait3A_695] : memref<2x320000xi32, #tpu.memory_space<hbm>> -> memref<1x400xi32, #tpu.memory_space<hbm>>
          %dma_wait3A_697 = tpu.memref_squeeze %dma_wait3A_696 : memref<1x400xi32, #tpu.memory_space<hbm>> -> memref<400xi32, #tpu.memory_space<hbm>>
          %dma_wait3A_698 = arith.constant 0 : i32
          %dma_wait3A_699 = tpu.memref_slice %arg3[%dma_wait3A_694, %dma_wait3A_698] : memref<2x320000xi32, #tpu.memory_space<hbm>> -> memref<1x400xi32, #tpu.memory_space<hbm>>
          %dma_wait3A_700 = tpu.memref_squeeze %dma_wait3A_699 : memref<1x400xi32, #tpu.memory_space<hbm>> -> memref<400xi32, #tpu.memory_space<hbm>>
          tpu.wait_dma2 semaphore(%arg45 : memref<!tpu.dma_semaphore, #tpu.memory_space<semaphore_mem>>) src(%dma_wait3A_700 : memref<400xi32, #tpu.memory_space<hbm>>) dst(%arg8 : memref<400xi32, #tpu.memory_space<vmem>>)
          %ge3A = arith.constant 1 : i32
          %ge3A_701 = arith.cmpi sge, %add3A_637, %ge3A : i32
          %convert_element_type3A_702 = arith.extui %ge3A_701 : i1 to i32
          %cond3A_703 = arith.constant 0 : i32
          %cond3A_704 = arith.cmpi ne, %convert_element_type3A_702, %cond3A_703 : i32
          scf.if %cond3A_704 {
            %dma_wait3A_1145 = arith.constant 0 : i32
            %dma_wait3A_1146 = arith.constant 0 : i32
            %dma_wait3A_1147 = tpu.memref_slice %arg43[%dma_wait3A_1145, %dma_wait3A_1146] : memref<10240x64xf32, #tpu.memory_space<vmem_shared>> -> memref<10240x64xf32, #tpu.memory_space<vmem_shared>>
            tpu.wait_indirect_dma semaphore(%arg49 : memref<!tpu.dma_semaphore, #tpu.memory_space<semaphore_mem>>) src(%arg30 : memref<80x64xf32, #tpu.memory_space<vmem>>) dst(%dma_wait3A_1147 : memref<10240x64xf32, #tpu.memory_space<vmem_shared>>)
            %dma_wait3A_1148 = arith.constant 0 : i32
            %dma_wait3A_1149 = arith.constant 0 : i32
            %dma_wait3A_1150 = tpu.memref_slice %arg43[%dma_wait3A_1148, %dma_wait3A_1149] : memref<10240x64xf32, #tpu.memory_space<vmem_shared>> -> memref<10240x64xf32, #tpu.memory_space<vmem_shared>>
            tpu.wait_indirect_dma semaphore(%arg49 : memref<!tpu.dma_semaphore, #tpu.memory_space<semaphore_mem>>) src(%arg31 : memref<80x64xf32, #tpu.memory_space<vmem>>) dst(%dma_wait3A_1150 : memref<10240x64xf32, #tpu.memory_space<vmem_shared>>)
            %dma_wait3A_1151 = arith.constant 0 : i32
            %dma_wait3A_1152 = arith.constant 0 : i32
            %dma_wait3A_1153 = tpu.memref_slice %arg43[%dma_wait3A_1151, %dma_wait3A_1152] : memref<10240x64xf32, #tpu.memory_space<vmem_shared>> -> memref<10240x64xf32, #tpu.memory_space<vmem_shared>>
            tpu.wait_indirect_dma semaphore(%arg49 : memref<!tpu.dma_semaphore, #tpu.memory_space<semaphore_mem>>) src(%arg32 : memref<80x64xf32, #tpu.memory_space<vmem>>) dst(%dma_wait3A_1153 : memref<10240x64xf32, #tpu.memory_space<vmem_shared>>)
            %dma_wait3A_1154 = arith.constant 0 : i32
            %dma_wait3A_1155 = arith.constant 0 : i32
            %dma_wait3A_1156 = tpu.memref_slice %arg43[%dma_wait3A_1154, %dma_wait3A_1155] : memref<10240x64xf32, #tpu.memory_space<vmem_shared>> -> memref<10240x64xf32, #tpu.memory_space<vmem_shared>>
            tpu.wait_indirect_dma semaphore(%arg49 : memref<!tpu.dma_semaphore, #tpu.memory_space<semaphore_mem>>) src(%arg33 : memref<80x64xf32, #tpu.memory_space<vmem>>) dst(%dma_wait3A_1156 : memref<10240x64xf32, #tpu.memory_space<vmem_shared>>)
            %dma_wait3A_1157 = arith.constant 0 : i32
            %dma_wait3A_1158 = arith.constant 0 : i32
            %dma_wait3A_1159 = tpu.memref_slice %arg43[%dma_wait3A_1157, %dma_wait3A_1158] : memref<10240x64xf32, #tpu.memory_space<vmem_shared>> -> memref<10240x64xf32, #tpu.memory_space<vmem_shared>>
            tpu.wait_indirect_dma semaphore(%arg49 : memref<!tpu.dma_semaphore, #tpu.memory_space<semaphore_mem>>) src(%arg34 : memref<80x64xf32, #tpu.memory_space<vmem>>) dst(%dma_wait3A_1159 : memref<10240x64xf32, #tpu.memory_space<vmem_shared>>)
            %eq3A_1160 = arith.constant 0 : i32
            %eq3A_1161 = arith.cmpi eq, %arg0, %eq3A_1160 : i32
            %convert_element_type3A_1162 = arith.extui %eq3A_1161 : i1 to i32
            %cond3A_1163 = arith.constant 0 : i32
            %cond3A_1164 = arith.cmpi ne, %convert_element_type3A_1162, %cond3A_1163 : i32
            scf.if %cond3A_1164 {
              %dma_wait3A_1165 = arith.constant 0 : i32
              %dma_wait3A_1166 = arith.constant 0 : i32
              %dma_wait3A_1167 = tpu.memref_slice %arg44[%dma_wait3A_1165, %dma_wait3A_1166] : memref<10240x16xf32, #tpu.memory_space<vmem_shared>> -> memref<10240x16xf32, #tpu.memory_space<vmem_shared>>
              tpu.wait_indirect_dma semaphore(%arg49 : memref<!tpu.dma_semaphore, #tpu.memory_space<semaphore_mem>>) src(%arg41 : memref<80x16xf32, #tpu.memory_space<vmem>>) dst(%dma_wait3A_1167 : memref<10240x16xf32, #tpu.memory_space<vmem_shared>>)
              %dma_wait3A_1168 = arith.constant 0 : i32
              %dma_wait3A_1169 = arith.constant 0 : i32
              %dma_wait3A_1170 = tpu.memref_slice %arg44[%dma_wait3A_1168, %dma_wait3A_1169] : memref<10240x16xf32, #tpu.memory_space<vmem_shared>> -> memref<10240x16xf32, #tpu.memory_space<vmem_shared>>
              tpu.wait_indirect_dma semaphore(%arg49 : memref<!tpu.dma_semaphore, #tpu.memory_space<semaphore_mem>>) src(%arg41 : memref<80x16xf32, #tpu.memory_space<vmem>>) dst(%dma_wait3A_1170 : memref<10240x16xf32, #tpu.memory_space<vmem_shared>>)
              %dma_wait3A_1171 = arith.constant 0 : i32
              %dma_wait3A_1172 = arith.constant 0 : i32
              %dma_wait3A_1173 = tpu.memref_slice %arg44[%dma_wait3A_1171, %dma_wait3A_1172] : memref<10240x16xf32, #tpu.memory_space<vmem_shared>> -> memref<10240x16xf32, #tpu.memory_space<vmem_shared>>
              tpu.wait_indirect_dma semaphore(%arg49 : memref<!tpu.dma_semaphore, #tpu.memory_space<semaphore_mem>>) src(%arg41 : memref<80x16xf32, #tpu.memory_space<vmem>>) dst(%dma_wait3A_1173 : memref<10240x16xf32, #tpu.memory_space<vmem_shared>>)
              %dma_wait3A_1174 = arith.constant 0 : i32
              %dma_wait3A_1175 = arith.constant 0 : i32
              %dma_wait3A_1176 = tpu.memref_slice %arg44[%dma_wait3A_1174, %dma_wait3A_1175] : memref<10240x16xf32, #tpu.memory_space<vmem_shared>> -> memref<10240x16xf32, #tpu.memory_space<vmem_shared>>
              tpu.wait_indirect_dma semaphore(%arg49 : memref<!tpu.dma_semaphore, #tpu.memory_space<semaphore_mem>>) src(%arg41 : memref<80x16xf32, #tpu.memory_space<vmem>>) dst(%dma_wait3A_1176 : memref<10240x16xf32, #tpu.memory_space<vmem_shared>>)
              %dma_wait3A_1177 = arith.constant 0 : i32
              %dma_wait3A_1178 = arith.constant 0 : i32
              %dma_wait3A_1179 = tpu.memref_slice %arg44[%dma_wait3A_1177, %dma_wait3A_1178] : memref<10240x16xf32, #tpu.memory_space<vmem_shared>> -> memref<10240x16xf32, #tpu.memory_space<vmem_shared>>
              tpu.wait_indirect_dma semaphore(%arg49 : memref<!tpu.dma_semaphore, #tpu.memory_space<semaphore_mem>>) src(%arg41 : memref<80x16xf32, #tpu.memory_space<vmem>>) dst(%dma_wait3A_1179 : memref<10240x16xf32, #tpu.memory_space<vmem_shared>>)
            } else {
            }
          } else {
          }
          %get3A_705 = arith.constant 0 : index
          %get3A_706 = tpu.vector_load %arg6[%get3A_705] {strides = array<i32>} : memref<400xi32, #tpu.memory_space<vmem>>, vector<16xi32>,
          %get3A_707 = vector.shape_cast %get3A_706 : vector<16xi32> to vector<16xi32>
          %add3A_708 = arith.addi %get3A_707, %get3A_707 : vector<16xi32>
          %add3A_709 = vector.broadcast %arg0 : i32 to vector<16xi32>
          %add3A_710 = arith.addi %add3A_708, %add3A_709 : vector<16xi32>
          %swap3A_711 = arith.constant 0 : index
          %swap3A_712 = tpu.vector_load %arg10[%swap3A_711] {strides = array<i32>} : memref<80xi32, #tpu.memory_space<vmem>>, vector<16xi32>,
          %swap3A_713 = vector.shape_cast %swap3A_712 : vector<16xi32> to vector<16xi32>
          %swap3A_714 = vector.shape_cast %add3A_710 : vector<16xi32> to vector<16xi32>
          tpu.vector_store %arg10[%swap3A_711], %swap3A_714 {strides = array<i32>} : memref<80xi32, #tpu.memory_space<vmem>>, vector<16xi32>,
          %get3A_715 = arith.constant 0 : index
          %get3A_716 = tpu.vector_load %arg8[%get3A_715] {strides = array<i32>} : memref<400xi32, #tpu.memory_space<vmem>>, vector<16xi32>,
          %get3A_717 = vector.shape_cast %get3A_716 : vector<16xi32> to vector<16xi32>
          %swap3A_718 = arith.constant 0 : index
          %swap3A_719 = tpu.vector_load %arg20[%swap3A_718] {strides = array<i32>} : memref<80xi32, #tpu.memory_space<vmem>>, vector<16xi32>,
          %swap3A_720 = vector.shape_cast %swap3A_719 : vector<16xi32> to vector<16xi32>
          %swap3A_721 = vector.shape_cast %get3A_717 : vector<16xi32> to vector<16xi32>
          tpu.vector_store %arg20[%swap3A_718], %swap3A_721 {strides = array<i32>} : memref<80xi32, #tpu.memory_space<vmem>>, vector<16xi32>,
          %get3A_722 = arith.constant 16 : index
          %get3A_723 = tpu.vector_load %arg6[%get3A_722] {strides = array<i32>} : memref<400xi32, #tpu.memory_space<vmem>>, vector<16xi32>,
          %get3A_724 = vector.shape_cast %get3A_723 : vector<16xi32> to vector<16xi32>
          %add3A_725 = arith.addi %get3A_724, %get3A_724 : vector<16xi32>
          %add3A_726 = vector.broadcast %arg0 : i32 to vector<16xi32>
          %add3A_727 = arith.addi %add3A_725, %add3A_726 : vector<16xi32>
          %swap3A_728 = arith.constant 16 : index
          %swap3A_729 = tpu.vector_load %arg10[%swap3A_728] {strides = array<i32>} : memref<80xi32, #tpu.memory_space<vmem>>, vector<16xi32>,
          %swap3A_730 = vector.shape_cast %swap3A_729 : vector<16xi32> to vector<16xi32>
          %swap3A_731 = vector.shape_cast %add3A_727 : vector<16xi32> to vector<16xi32>
          tpu.vector_store %arg10[%swap3A_728], %swap3A_731 {strides = array<i32>} : memref<80xi32, #tpu.memory_space<vmem>>, vector<16xi32>,
          %get3A_732 = arith.constant 16 : index
          %get3A_733 = tpu.vector_load %arg8[%get3A_732] {strides = array<i32>} : memref<400xi32, #tpu.memory_space<vmem>>, vector<16xi32>,
          %get3A_734 = vector.shape_cast %get3A_733 : vector<16xi32> to vector<16xi32>
          %swap3A_735 = arith.constant 16 : index
          %swap3A_736 = tpu.vector_load %arg20[%swap3A_735] {strides = array<i32>} : memref<80xi32, #tpu.memory_space<vmem>>, vector<16xi32>,
          %swap3A_737 = vector.shape_cast %swap3A_736 : vector<16xi32> to vector<16xi32>
          %swap3A_738 = vector.shape_cast %get3A_734 : vector<16xi32> to vector<16xi32>
          tpu.vector_store %arg20[%swap3A_735], %swap3A_738 {strides = array<i32>} : memref<80xi32, #tpu.memory_space<vmem>>, vector<16xi32>,
          %get3A_739 = arith.constant 32 : index
          %get3A_740 = tpu.vector_load %arg6[%get3A_739] {strides = array<i32>} : memref<400xi32, #tpu.memory_space<vmem>>, vector<16xi32>,
          %get3A_741 = vector.shape_cast %get3A_740 : vector<16xi32> to vector<16xi32>
          %add3A_742 = arith.addi %get3A_741, %get3A_741 : vector<16xi32>
          %add3A_743 = vector.broadcast %arg0 : i32 to vector<16xi32>
          %add3A_744 = arith.addi %add3A_742, %add3A_743 : vector<16xi32>
          %swap3A_745 = arith.constant 32 : index
          %swap3A_746 = tpu.vector_load %arg10[%swap3A_745] {strides = array<i32>} : memref<80xi32, #tpu.memory_space<vmem>>, vector<16xi32>,
          %swap3A_747 = vector.shape_cast %swap3A_746 : vector<16xi32> to vector<16xi32>
          %swap3A_748 = vector.shape_cast %add3A_744 : vector<16xi32> to vector<16xi32>
          tpu.vector_store %arg10[%swap3A_745], %swap3A_748 {strides = array<i32>} : memref<80xi32, #tpu.memory_space<vmem>>, vector<16xi32>,
          %get3A_749 = arith.constant 32 : index
          %get3A_750 = tpu.vector_load %arg8[%get3A_749] {strides = array<i32>} : memref<400xi32, #tpu.memory_space<vmem>>, vector<16xi32>,
          %get3A_751 = vector.shape_cast %get3A_750 : vector<16xi32> to vector<16xi32>
          %swap3A_752 = arith.constant 32 : index
          %swap3A_753 = tpu.vector_load %arg20[%swap3A_752] {strides = array<i32>} : memref<80xi32, #tpu.memory_space<vmem>>, vector<16xi32>,
          %swap3A_754 = vector.shape_cast %swap3A_753 : vector<16xi32> to vector<16xi32>
          %swap3A_755 = vector.shape_cast %get3A_751 : vector<16xi32> to vector<16xi32>
          tpu.vector_store %arg20[%swap3A_752], %swap3A_755 {strides = array<i32>} : memref<80xi32, #tpu.memory_space<vmem>>, vector<16xi32>,
          %get3A_756 = arith.constant 48 : index
          %get3A_757 = tpu.vector_load %arg6[%get3A_756] {strides = array<i32>} : memref<400xi32, #tpu.memory_space<vmem>>, vector<16xi32>,
          %get3A_758 = vector.shape_cast %get3A_757 : vector<16xi32> to vector<16xi32>
          %add3A_759 = arith.addi %get3A_758, %get3A_758 : vector<16xi32>
          %add3A_760 = vector.broadcast %arg0 : i32 to vector<16xi32>
          %add3A_761 = arith.addi %add3A_759, %add3A_760 : vector<16xi32>
          %swap3A_762 = arith.constant 48 : index
          %swap3A_763 = tpu.vector_load %arg10[%swap3A_762] {strides = array<i32>} : memref<80xi32, #tpu.memory_space<vmem>>, vector<16xi32>,
          %swap3A_764 = vector.shape_cast %swap3A_763 : vector<16xi32> to vector<16xi32>
          %swap3A_765 = vector.shape_cast %add3A_761 : vector<16xi32> to vector<16xi32>
          tpu.vector_store %arg10[%swap3A_762], %swap3A_765 {strides = array<i32>} : memref<80xi32, #tpu.memory_space<vmem>>, vector<16xi32>,
          %get3A_766 = arith.constant 48 : index
          %get3A_767 = tpu.vector_load %arg8[%get3A_766] {strides = array<i32>} : memref<400xi32, #tpu.memory_space<vmem>>, vector<16xi32>,
          %get3A_768 = vector.shape_cast %get3A_767 : vector<16xi32> to vector<16xi32>
          %swap3A_769 = arith.constant 48 : index
          %swap3A_770 = tpu.vector_load %arg20[%swap3A_769] {strides = array<i32>} : memref<80xi32, #tpu.memory_space<vmem>>, vector<16xi32>,
          %swap3A_771 = vector.shape_cast %swap3A_770 : vector<16xi32> to vector<16xi32>
          %swap3A_772 = vector.shape_cast %get3A_768 : vector<16xi32> to vector<16xi32>
          tpu.vector_store %arg20[%swap3A_769], %swap3A_772 {strides = array<i32>} : memref<80xi32, #tpu.memory_space<vmem>>, vector<16xi32>,
          %get3A_773 = arith.constant 64 : index
          %get3A_774 = tpu.vector_load %arg6[%get3A_773] {strides = array<i32>} : memref<400xi32, #tpu.memory_space<vmem>>, vector<16xi32>,
          %get3A_775 = vector.shape_cast %get3A_774 : vector<16xi32> to vector<16xi32>
          %add3A_776 = arith.addi %get3A_775, %get3A_775 : vector<16xi32>
          %add3A_777 = vector.broadcast %arg0 : i32 to vector<16xi32>
          %add3A_778 = arith.addi %add3A_776, %add3A_777 : vector<16xi32>
          %swap3A_779 = arith.constant 64 : index
          %swap3A_780 = tpu.vector_load %arg10[%swap3A_779] {strides = array<i32>} : memref<80xi32, #tpu.memory_space<vmem>>, vector<16xi32>,
          %swap3A_781 = vector.shape_cast %swap3A_780 : vector<16xi32> to vector<16xi32>
          %swap3A_782 = vector.shape_cast %add3A_778 : vector<16xi32> to vector<16xi32>
          tpu.vector_store %arg10[%swap3A_779], %swap3A_782 {strides = array<i32>} : memref<80xi32, #tpu.memory_space<vmem>>, vector<16xi32>,
          %get3A_783 = arith.constant 64 : index
          %get3A_784 = tpu.vector_load %arg8[%get3A_783] {strides = array<i32>} : memref<400xi32, #tpu.memory_space<vmem>>, vector<16xi32>,
          %get3A_785 = vector.shape_cast %get3A_784 : vector<16xi32> to vector<16xi32>
          %swap3A_786 = arith.constant 64 : index
          %swap3A_787 = tpu.vector_load %arg20[%swap3A_786] {strides = array<i32>} : memref<80xi32, #tpu.memory_space<vmem>>, vector<16xi32>,
          %swap3A_788 = vector.shape_cast %swap3A_787 : vector<16xi32> to vector<16xi32>
          %swap3A_789 = vector.shape_cast %get3A_785 : vector<16xi32> to vector<16xi32>
          tpu.vector_store %arg20[%swap3A_786], %swap3A_789 {strides = array<i32>} : memref<80xi32, #tpu.memory_space<vmem>>, vector<16xi32>,
          %dma_start3A_790 = arith.constant 0 : i32
          %dma_start3A_791 = arith.constant 0 : i32
          %dma_start3A_792 = tpu.memref_slice %arg2[%dma_start3A_790, %dma_start3A_791] : memref<20000x64xf32, #tpu.memory_space<hbm>> -> memref<20000x64xf32, #tpu.memory_space<hbm>>
          tpu.enqueue_indirect_dma source(%dma_start3A_792 : memref<20000x64xf32, #tpu.memory_space<hbm>>) target(%arg30 : memref<80x64xf32, #tpu.memory_space<vmem>>) offsets(%arg10 : memref<80xi32, #tpu.memory_space<vmem>>) semaphore(%arg47 : memref<!tpu.dma_semaphore, #tpu.memory_space<semaphore_mem>>)
          %get3A_793 = arith.constant 80 : index
          %get3A_794 = tpu.vector_load %arg6[%get3A_793] {strides = array<i32>} : memref<400xi32, #tpu.memory_space<vmem>>, vector<16xi32>,
          %get3A_795 = vector.shape_cast %get3A_794 : vector<16xi32> to vector<16xi32>
          %add3A_796 = arith.addi %get3A_795, %get3A_795 : vector<16xi32>
          %add3A_797 = vector.broadcast %arg0 : i32 to vector<16xi32>
          %add3A_798 = arith.addi %add3A_796, %add3A_797 : vector<16xi32>
          %swap3A_799 = arith.constant 0 : index
          %swap3A_800 = tpu.vector_load %arg11[%swap3A_799] {strides = array<i32>} : memref<80xi32, #tpu.memory_space<vmem>>, vector<16xi32>,
          %swap3A_801 = vector.shape_cast %swap3A_800 : vector<16xi32> to vector<16xi32>
          %swap3A_802 = vector.shape_cast %add3A_798 : vector<16xi32> to vector<16xi32>
          tpu.vector_store %arg11[%swap3A_799], %swap3A_802 {strides = array<i32>} : memref<80xi32, #tpu.memory_space<vmem>>, vector<16xi32>,
          %get3A_803 = arith.constant 80 : index
          %get3A_804 = tpu.vector_load %arg8[%get3A_803] {strides = array<i32>} : memref<400xi32, #tpu.memory_space<vmem>>, vector<16xi32>,
          %get3A_805 = vector.shape_cast %get3A_804 : vector<16xi32> to vector<16xi32>
          %swap3A_806 = arith.constant 0 : index
          %swap3A_807 = tpu.vector_load %arg21[%swap3A_806] {strides = array<i32>} : memref<80xi32, #tpu.memory_space<vmem>>, vector<16xi32>,
          %swap3A_808 = vector.shape_cast %swap3A_807 : vector<16xi32> to vector<16xi32>
          %swap3A_809 = vector.shape_cast %get3A_805 : vector<16xi32> to vector<16xi32>
          tpu.vector_store %arg21[%swap3A_806], %swap3A_809 {strides = array<i32>} : memref<80xi32, #tpu.memory_space<vmem>>, vector<16xi32>,
          %get3A_810 = arith.constant 96 : index
          %get3A_811 = tpu.vector_load %arg6[%get3A_810] {strides = array<i32>} : memref<400xi32, #tpu.memory_space<vmem>>, vector<16xi32>,
          %get3A_812 = vector.shape_cast %get3A_811 : vector<16xi32> to vector<16xi32>
          %add3A_813 = arith.addi %get3A_812, %get3A_812 : vector<16xi32>
          %add3A_814 = vector.broadcast %arg0 : i32 to vector<16xi32>
          %add3A_815 = arith.addi %add3A_813, %add3A_814 : vector<16xi32>
          %swap3A_816 = arith.constant 16 : index
          %swap3A_817 = tpu.vector_load %arg11[%swap3A_816] {strides = array<i32>} : memref<80xi32, #tpu.memory_space<vmem>>, vector<16xi32>,
          %swap3A_818 = vector.shape_cast %swap3A_817 : vector<16xi32> to vector<16xi32>
          %swap3A_819 = vector.shape_cast %add3A_815 : vector<16xi32> to vector<16xi32>
          tpu.vector_store %arg11[%swap3A_816], %swap3A_819 {strides = array<i32>} : memref<80xi32, #tpu.memory_space<vmem>>, vector<16xi32>,
          %get3A_820 = arith.constant 96 : index
          %get3A_821 = tpu.vector_load %arg8[%get3A_820] {strides = array<i32>} : memref<400xi32, #tpu.memory_space<vmem>>, vector<16xi32>,
          %get3A_822 = vector.shape_cast %get3A_821 : vector<16xi32> to vector<16xi32>
          %swap3A_823 = arith.constant 16 : index
          %swap3A_824 = tpu.vector_load %arg21[%swap3A_823] {strides = array<i32>} : memref<80xi32, #tpu.memory_space<vmem>>, vector<16xi32>,
          %swap3A_825 = vector.shape_cast %swap3A_824 : vector<16xi32> to vector<16xi32>
          %swap3A_826 = vector.shape_cast %get3A_822 : vector<16xi32> to vector<16xi32>
          tpu.vector_store %arg21[%swap3A_823], %swap3A_826 {strides = array<i32>} : memref<80xi32, #tpu.memory_space<vmem>>, vector<16xi32>,
          %get3A_827 = arith.constant 112 : index
          %get3A_828 = tpu.vector_load %arg6[%get3A_827] {strides = array<i32>} : memref<400xi32, #tpu.memory_space<vmem>>, vector<16xi32>,
          %get3A_829 = vector.shape_cast %get3A_828 : vector<16xi32> to vector<16xi32>
          %add3A_830 = arith.addi %get3A_829, %get3A_829 : vector<16xi32>
          %add3A_831 = vector.broadcast %arg0 : i32 to vector<16xi32>
          %add3A_832 = arith.addi %add3A_830, %add3A_831 : vector<16xi32>
          %swap3A_833 = arith.constant 32 : index
          %swap3A_834 = tpu.vector_load %arg11[%swap3A_833] {strides = array<i32>} : memref<80xi32, #tpu.memory_space<vmem>>, vector<16xi32>,
          %swap3A_835 = vector.shape_cast %swap3A_834 : vector<16xi32> to vector<16xi32>
          %swap3A_836 = vector.shape_cast %add3A_832 : vector<16xi32> to vector<16xi32>
          tpu.vector_store %arg11[%swap3A_833], %swap3A_836 {strides = array<i32>} : memref<80xi32, #tpu.memory_space<vmem>>, vector<16xi32>,
          %get3A_837 = arith.constant 112 : index
          %get3A_838 = tpu.vector_load %arg8[%get3A_837] {strides = array<i32>} : memref<400xi32, #tpu.memory_space<vmem>>, vector<16xi32>,
          %get3A_839 = vector.shape_cast %get3A_838 : vector<16xi32> to vector<16xi32>
          %swap3A_840 = arith.constant 32 : index
          %swap3A_841 = tpu.vector_load %arg21[%swap3A_840] {strides = array<i32>} : memref<80xi32, #tpu.memory_space<vmem>>, vector<16xi32>,
          %swap3A_842 = vector.shape_cast %swap3A_841 : vector<16xi32> to vector<16xi32>
          %swap3A_843 = vector.shape_cast %get3A_839 : vector<16xi32> to vector<16xi32>
          tpu.vector_store %arg21[%swap3A_840], %swap3A_843 {strides = array<i32>} : memref<80xi32, #tpu.memory_space<vmem>>, vector<16xi32>,
          %get3A_844 = arith.constant 128 : index
          %get3A_845 = tpu.vector_load %arg6[%get3A_844] {strides = array<i32>} : memref<400xi32, #tpu.memory_space<vmem>>, vector<16xi32>,
          %get3A_846 = vector.shape_cast %get3A_845 : vector<16xi32> to vector<16xi32>
          %add3A_847 = arith.addi %get3A_846, %get3A_846 : vector<16xi32>
          %add3A_848 = vector.broadcast %arg0 : i32 to vector<16xi32>
          %add3A_849 = arith.addi %add3A_847, %add3A_848 : vector<16xi32>
          %swap3A_850 = arith.constant 48 : index
          %swap3A_851 = tpu.vector_load %arg11[%swap3A_850] {strides = array<i32>} : memref<80xi32, #tpu.memory_space<vmem>>, vector<16xi32>,
          %swap3A_852 = vector.shape_cast %swap3A_851 : vector<16xi32> to vector<16xi32>
          %swap3A_853 = vector.shape_cast %add3A_849 : vector<16xi32> to vector<16xi32>
          tpu.vector_store %arg11[%swap3A_850], %swap3A_853 {strides = array<i32>} : memref<80xi32, #tpu.memory_space<vmem>>, vector<16xi32>,
          %get3A_854 = arith.constant 128 : index
          %get3A_855 = tpu.vector_load %arg8[%get3A_854] {strides = array<i32>} : memref<400xi32, #tpu.memory_space<vmem>>, vector<16xi32>,
          %get3A_856 = vector.shape_cast %get3A_855 : vector<16xi32> to vector<16xi32>
          %swap3A_857 = arith.constant 48 : index
          %swap3A_858 = tpu.vector_load %arg21[%swap3A_857] {strides = array<i32>} : memref<80xi32, #tpu.memory_space<vmem>>, vector<16xi32>,
          %swap3A_859 = vector.shape_cast %swap3A_858 : vector<16xi32> to vector<16xi32>
          %swap3A_860 = vector.shape_cast %get3A_856 : vector<16xi32> to vector<16xi32>
          tpu.vector_store %arg21[%swap3A_857], %swap3A_860 {strides = array<i32>} : memref<80xi32, #tpu.memory_space<vmem>>, vector<16xi32>,
          %get3A_861 = arith.constant 144 : index
          %get3A_862 = tpu.vector_load %arg6[%get3A_861] {strides = array<i32>} : memref<400xi32, #tpu.memory_space<vmem>>, vector<16xi32>,
          %get3A_863 = vector.shape_cast %get3A_862 : vector<16xi32> to vector<16xi32>
          %add3A_864 = arith.addi %get3A_863, %get3A_863 : vector<16xi32>
          %add3A_865 = vector.broadcast %arg0 : i32 to vector<16xi32>
          %add3A_866 = arith.addi %add3A_864, %add3A_865 : vector<16xi32>
          %swap3A_867 = arith.constant 64 : index
          %swap3A_868 = tpu.vector_load %arg11[%swap3A_867] {strides = array<i32>} : memref<80xi32, #tpu.memory_space<vmem>>, vector<16xi32>,
          %swap3A_869 = vector.shape_cast %swap3A_868 : vector<16xi32> to vector<16xi32>
          %swap3A_870 = vector.shape_cast %add3A_866 : vector<16xi32> to vector<16xi32>
          tpu.vector_store %arg11[%swap3A_867], %swap3A_870 {strides = array<i32>} : memref<80xi32, #tpu.memory_space<vmem>>, vector<16xi32>,
          %get3A_871 = arith.constant 144 : index
          %get3A_872 = tpu.vector_load %arg8[%get3A_871] {strides = array<i32>} : memref<400xi32, #tpu.memory_space<vmem>>, vector<16xi32>,
          %get3A_873 = vector.shape_cast %get3A_872 : vector<16xi32> to vector<16xi32>
          %swap3A_874 = arith.constant 64 : index
          %swap3A_875 = tpu.vector_load %arg21[%swap3A_874] {strides = array<i32>} : memref<80xi32, #tpu.memory_space<vmem>>, vector<16xi32>,
          %swap3A_876 = vector.shape_cast %swap3A_875 : vector<16xi32> to vector<16xi32>
          %swap3A_877 = vector.shape_cast %get3A_873 : vector<16xi32> to vector<16xi32>
          tpu.vector_store %arg21[%swap3A_874], %swap3A_877 {strides = array<i32>} : memref<80xi32, #tpu.memory_space<vmem>>, vector<16xi32>,
          %dma_start3A_878 = arith.constant 0 : i32
          %dma_start3A_879 = arith.constant 0 : i32
          %dma_start3A_880 = tpu.memref_slice %arg2[%dma_start3A_878, %dma_start3A_879] : memref<20000x64xf32, #tpu.memory_space<hbm>> -> memref<20000x64xf32, #tpu.memory_space<hbm>>
          tpu.enqueue_indirect_dma source(%dma_start3A_880 : memref<20000x64xf32, #tpu.memory_space<hbm>>) target(%arg31 : memref<80x64xf32, #tpu.memory_space<vmem>>) offsets(%arg11 : memref<80xi32, #tpu.memory_space<vmem>>) semaphore(%arg47 : memref<!tpu.dma_semaphore, #tpu.memory_space<semaphore_mem>>)
          %get3A_881 = arith.constant 160 : index
          %get3A_882 = tpu.vector_load %arg6[%get3A_881] {strides = array<i32>} : memref<400xi32, #tpu.memory_space<vmem>>, vector<16xi32>,
          %get3A_883 = vector.shape_cast %get3A_882 : vector<16xi32> to vector<16xi32>
          %add3A_884 = arith.addi %get3A_883, %get3A_883 : vector<16xi32>
          %add3A_885 = vector.broadcast %arg0 : i32 to vector<16xi32>
          %add3A_886 = arith.addi %add3A_884, %add3A_885 : vector<16xi32>
          %swap3A_887 = arith.constant 0 : index
          %swap3A_888 = tpu.vector_load %arg12[%swap3A_887] {strides = array<i32>} : memref<80xi32, #tpu.memory_space<vmem>>, vector<16xi32>,
          %swap3A_889 = vector.shape_cast %swap3A_888 : vector<16xi32> to vector<16xi32>
          %swap3A_890 = vector.shape_cast %add3A_886 : vector<16xi32> to vector<16xi32>
          tpu.vector_store %arg12[%swap3A_887], %swap3A_890 {strides = array<i32>} : memref<80xi32, #tpu.memory_space<vmem>>, vector<16xi32>,
          %get3A_891 = arith.constant 160 : index
          %get3A_892 = tpu.vector_load %arg8[%get3A_891] {strides = array<i32>} : memref<400xi32, #tpu.memory_space<vmem>>, vector<16xi32>,
          %get3A_893 = vector.shape_cast %get3A_892 : vector<16xi32> to vector<16xi32>
          %swap3A_894 = arith.constant 0 : index
          %swap3A_895 = tpu.vector_load %arg22[%swap3A_894] {strides = array<i32>} : memref<80xi32, #tpu.memory_space<vmem>>, vector<16xi32>,
          %swap3A_896 = vector.shape_cast %swap3A_895 : vector<16xi32> to vector<16xi32>
          %swap3A_897 = vector.shape_cast %get3A_893 : vector<16xi32> to vector<16xi32>
          tpu.vector_store %arg22[%swap3A_894], %swap3A_897 {strides = array<i32>} : memref<80xi32, #tpu.memory_space<vmem>>, vector<16xi32>,
          %get3A_898 = arith.constant 176 : index
          %get3A_899 = tpu.vector_load %arg6[%get3A_898] {strides = array<i32>} : memref<400xi32, #tpu.memory_space<vmem>>, vector<16xi32>,
          %get3A_900 = vector.shape_cast %get3A_899 : vector<16xi32> to vector<16xi32>
          %add3A_901 = arith.addi %get3A_900, %get3A_900 : vector<16xi32>
          %add3A_902 = vector.broadcast %arg0 : i32 to vector<16xi32>
          %add3A_903 = arith.addi %add3A_901, %add3A_902 : vector<16xi32>
          %swap3A_904 = arith.constant 16 : index
          %swap3A_905 = tpu.vector_load %arg12[%swap3A_904] {strides = array<i32>} : memref<80xi32, #tpu.memory_space<vmem>>, vector<16xi32>,
          %swap3A_906 = vector.shape_cast %swap3A_905 : vector<16xi32> to vector<16xi32>
          %swap3A_907 = vector.shape_cast %add3A_903 : vector<16xi32> to vector<16xi32>
          tpu.vector_store %arg12[%swap3A_904], %swap3A_907 {strides = array<i32>} : memref<80xi32, #tpu.memory_space<vmem>>, vector<16xi32>,
          %get3A_908 = arith.constant 176 : index
          %get3A_909 = tpu.vector_load %arg8[%get3A_908] {strides = array<i32>} : memref<400xi32, #tpu.memory_space<vmem>>, vector<16xi32>,
          %get3A_910 = vector.shape_cast %get3A_909 : vector<16xi32> to vector<16xi32>
          %swap3A_911 = arith.constant 16 : index
          %swap3A_912 = tpu.vector_load %arg22[%swap3A_911] {strides = array<i32>} : memref<80xi32, #tpu.memory_space<vmem>>, vector<16xi32>,
          %swap3A_913 = vector.shape_cast %swap3A_912 : vector<16xi32> to vector<16xi32>
          %swap3A_914 = vector.shape_cast %get3A_910 : vector<16xi32> to vector<16xi32>
          tpu.vector_store %arg22[%swap3A_911], %swap3A_914 {strides = array<i32>} : memref<80xi32, #tpu.memory_space<vmem>>, vector<16xi32>,
          %get3A_915 = arith.constant 192 : index
          %get3A_916 = tpu.vector_load %arg6[%get3A_915] {strides = array<i32>} : memref<400xi32, #tpu.memory_space<vmem>>, vector<16xi32>,
          %get3A_917 = vector.shape_cast %get3A_916 : vector<16xi32> to vector<16xi32>
          %add3A_918 = arith.addi %get3A_917, %get3A_917 : vector<16xi32>
          %add3A_919 = vector.broadcast %arg0 : i32 to vector<16xi32>
          %add3A_920 = arith.addi %add3A_918, %add3A_919 : vector<16xi32>
          %swap3A_921 = arith.constant 32 : index
          %swap3A_922 = tpu.vector_load %arg12[%swap3A_921] {strides = array<i32>} : memref<80xi32, #tpu.memory_space<vmem>>, vector<16xi32>,
          %swap3A_923 = vector.shape_cast %swap3A_922 : vector<16xi32> to vector<16xi32>
          %swap3A_924 = vector.shape_cast %add3A_920 : vector<16xi32> to vector<16xi32>
          tpu.vector_store %arg12[%swap3A_921], %swap3A_924 {strides = array<i32>} : memref<80xi32, #tpu.memory_space<vmem>>, vector<16xi32>,
          %get3A_925 = arith.constant 192 : index
          %get3A_926 = tpu.vector_load %arg8[%get3A_925] {strides = array<i32>} : memref<400xi32, #tpu.memory_space<vmem>>, vector<16xi32>,
          %get3A_927 = vector.shape_cast %get3A_926 : vector<16xi32> to vector<16xi32>
          %swap3A_928 = arith.constant 32 : index
          %swap3A_929 = tpu.vector_load %arg22[%swap3A_928] {strides = array<i32>} : memref<80xi32, #tpu.memory_space<vmem>>, vector<16xi32>,
          %swap3A_930 = vector.shape_cast %swap3A_929 : vector<16xi32> to vector<16xi32>
          %swap3A_931 = vector.shape_cast %get3A_927 : vector<16xi32> to vector<16xi32>
          tpu.vector_store %arg22[%swap3A_928], %swap3A_931 {strides = array<i32>} : memref<80xi32, #tpu.memory_space<vmem>>, vector<16xi32>,
          %get3A_932 = arith.constant 208 : index
          %get3A_933 = tpu.vector_load %arg6[%get3A_932] {strides = array<i32>} : memref<400xi32, #tpu.memory_space<vmem>>, vector<16xi32>,
          %get3A_934 = vector.shape_cast %get3A_933 : vector<16xi32> to vector<16xi32>
          %add3A_935 = arith.addi %get3A_934, %get3A_934 : vector<16xi32>
          %add3A_936 = vector.broadcast %arg0 : i32 to vector<16xi32>
          %add3A_937 = arith.addi %add3A_935, %add3A_936 : vector<16xi32>
          %swap3A_938 = arith.constant 48 : index
          %swap3A_939 = tpu.vector_load %arg12[%swap3A_938] {strides = array<i32>} : memref<80xi32, #tpu.memory_space<vmem>>, vector<16xi32>,
          %swap3A_940 = vector.shape_cast %swap3A_939 : vector<16xi32> to vector<16xi32>
          %swap3A_941 = vector.shape_cast %add3A_937 : vector<16xi32> to vector<16xi32>
          tpu.vector_store %arg12[%swap3A_938], %swap3A_941 {strides = array<i32>} : memref<80xi32, #tpu.memory_space<vmem>>, vector<16xi32>,
          %get3A_942 = arith.constant 208 : index
          %get3A_943 = tpu.vector_load %arg8[%get3A_942] {strides = array<i32>} : memref<400xi32, #tpu.memory_space<vmem>>, vector<16xi32>,
          %get3A_944 = vector.shape_cast %get3A_943 : vector<16xi32> to vector<16xi32>
          %swap3A_945 = arith.constant 48 : index
          %swap3A_946 = tpu.vector_load %arg22[%swap3A_945] {strides = array<i32>} : memref<80xi32, #tpu.memory_space<vmem>>, vector<16xi32>,
          %swap3A_947 = vector.shape_cast %swap3A_946 : vector<16xi32> to vector<16xi32>
          %swap3A_948 = vector.shape_cast %get3A_944 : vector<16xi32> to vector<16xi32>
          tpu.vector_store %arg22[%swap3A_945], %swap3A_948 {strides = array<i32>} : memref<80xi32, #tpu.memory_space<vmem>>, vector<16xi32>,
          %get3A_949 = arith.constant 224 : index
          %get3A_950 = tpu.vector_load %arg6[%get3A_949] {strides = array<i32>} : memref<400xi32, #tpu.memory_space<vmem>>, vector<16xi32>,
          %get3A_951 = vector.shape_cast %get3A_950 : vector<16xi32> to vector<16xi32>
          %add3A_952 = arith.addi %get3A_951, %get3A_951 : vector<16xi32>
          %add3A_953 = vector.broadcast %arg0 : i32 to vector<16xi32>
          %add3A_954 = arith.addi %add3A_952, %add3A_953 : vector<16xi32>
          %swap3A_955 = arith.constant 64 : index
          %swap3A_956 = tpu.vector_load %arg12[%swap3A_955] {strides = array<i32>} : memref<80xi32, #tpu.memory_space<vmem>>, vector<16xi32>,
          %swap3A_957 = vector.shape_cast %swap3A_956 : vector<16xi32> to vector<16xi32>
          %swap3A_958 = vector.shape_cast %add3A_954 : vector<16xi32> to vector<16xi32>
          tpu.vector_store %arg12[%swap3A_955], %swap3A_958 {strides = array<i32>} : memref<80xi32, #tpu.memory_space<vmem>>, vector<16xi32>,
          %get3A_959 = arith.constant 224 : index
          %get3A_960 = tpu.vector_load %arg8[%get3A_959] {strides = array<i32>} : memref<400xi32, #tpu.memory_space<vmem>>, vector<16xi32>,
          %get3A_961 = vector.shape_cast %get3A_960 : vector<16xi32> to vector<16xi32>
          %swap3A_962 = arith.constant 64 : index
          %swap3A_963 = tpu.vector_load %arg22[%swap3A_962] {strides = array<i32>} : memref<80xi32, #tpu.memory_space<vmem>>, vector<16xi32>,
          %swap3A_964 = vector.shape_cast %swap3A_963 : vector<16xi32> to vector<16xi32>
          %swap3A_965 = vector.shape_cast %get3A_961 : vector<16xi32> to vector<16xi32>
          tpu.vector_store %arg22[%swap3A_962], %swap3A_965 {strides = array<i32>} : memref<80xi32, #tpu.memory_space<vmem>>, vector<16xi32>,
          %dma_start3A_966 = arith.constant 0 : i32
          %dma_start3A_967 = arith.constant 0 : i32
          %dma_start3A_968 = tpu.memref_slice %arg2[%dma_start3A_966, %dma_start3A_967] : memref<20000x64xf32, #tpu.memory_space<hbm>> -> memref<20000x64xf32, #tpu.memory_space<hbm>>
          tpu.enqueue_indirect_dma source(%dma_start3A_968 : memref<20000x64xf32, #tpu.memory_space<hbm>>) target(%arg32 : memref<80x64xf32, #tpu.memory_space<vmem>>) offsets(%arg12 : memref<80xi32, #tpu.memory_space<vmem>>) semaphore(%arg47 : memref<!tpu.dma_semaphore, #tpu.memory_space<semaphore_mem>>)
          %get3A_969 = arith.constant 240 : index
          %get3A_970 = tpu.vector_load %arg6[%get3A_969] {strides = array<i32>} : memref<400xi32, #tpu.memory_space<vmem>>, vector<16xi32>,
          %get3A_971 = vector.shape_cast %get3A_970 : vector<16xi32> to vector<16xi32>
          %add3A_972 = arith.addi %get3A_971, %get3A_971 : vector<16xi32>
          %add3A_973 = vector.broadcast %arg0 : i32 to vector<16xi32>
          %add3A_974 = arith.addi %add3A_972, %add3A_973 : vector<16xi32>
          %swap3A_975 = arith.constant 0 : index
          %swap3A_976 = tpu.vector_load %arg13[%swap3A_975] {strides = array<i32>} : memref<80xi32, #tpu.memory_space<vmem>>, vector<16xi32>,
          %swap3A_977 = vector.shape_cast %swap3A_976 : vector<16xi32> to vector<16xi32>
          %swap3A_978 = vector.shape_cast %add3A_974 : vector<16xi32> to vector<16xi32>
          tpu.vector_store %arg13[%swap3A_975], %swap3A_978 {strides = array<i32>} : memref<80xi32, #tpu.memory_space<vmem>>, vector<16xi32>,
          %get3A_979 = arith.constant 240 : index
          %get3A_980 = tpu.vector_load %arg8[%get3A_979] {strides = array<i32>} : memref<400xi32, #tpu.memory_space<vmem>>, vector<16xi32>,
          %get3A_981 = vector.shape_cast %get3A_980 : vector<16xi32> to vector<16xi32>
          %swap3A_982 = arith.constant 0 : index
          %swap3A_983 = tpu.vector_load %arg23[%swap3A_982] {strides = array<i32>} : memref<80xi32, #tpu.memory_space<vmem>>, vector<16xi32>,
          %swap3A_984 = vector.shape_cast %swap3A_983 : vector<16xi32> to vector<16xi32>
          %swap3A_985 = vector.shape_cast %get3A_981 : vector<16xi32> to vector<16xi32>
          tpu.vector_store %arg23[%swap3A_982], %swap3A_985 {strides = array<i32>} : memref<80xi32, #tpu.memory_space<vmem>>, vector<16xi32>,
          %get3A_986 = arith.constant 256 : index
          %get3A_987 = tpu.vector_load %arg6[%get3A_986] {strides = array<i32>} : memref<400xi32, #tpu.memory_space<vmem>>, vector<16xi32>,
          %get3A_988 = vector.shape_cast %get3A_987 : vector<16xi32> to vector<16xi32>
          %add3A_989 = arith.addi %get3A_988, %get3A_988 : vector<16xi32>
          %add3A_990 = vector.broadcast %arg0 : i32 to vector<16xi32>
          %add3A_991 = arith.addi %add3A_989, %add3A_990 : vector<16xi32>
          %swap3A_992 = arith.constant 16 : index
          %swap3A_993 = tpu.vector_load %arg13[%swap3A_992] {strides = array<i32>} : memref<80xi32, #tpu.memory_space<vmem>>, vector<16xi32>,
          %swap3A_994 = vector.shape_cast %swap3A_993 : vector<16xi32> to vector<16xi32>
          %swap3A_995 = vector.shape_cast %add3A_991 : vector<16xi32> to vector<16xi32>
          tpu.vector_store %arg13[%swap3A_992], %swap3A_995 {strides = array<i32>} : memref<80xi32, #tpu.memory_space<vmem>>, vector<16xi32>,
          %get3A_996 = arith.constant 256 : index
          %get3A_997 = tpu.vector_load %arg8[%get3A_996] {strides = array<i32>} : memref<400xi32, #tpu.memory_space<vmem>>, vector<16xi32>,
          %get3A_998 = vector.shape_cast %get3A_997 : vector<16xi32> to vector<16xi32>
          %swap3A_999 = arith.constant 16 : index
          %swap3A_1000 = tpu.vector_load %arg23[%swap3A_999] {strides = array<i32>} : memref<80xi32, #tpu.memory_space<vmem>>, vector<16xi32>,
          %swap3A_1001 = vector.shape_cast %swap3A_1000 : vector<16xi32> to vector<16xi32>
          %swap3A_1002 = vector.shape_cast %get3A_998 : vector<16xi32> to vector<16xi32>
          tpu.vector_store %arg23[%swap3A_999], %swap3A_1002 {strides = array<i32>} : memref<80xi32, #tpu.memory_space<vmem>>, vector<16xi32>,
          %get3A_1003 = arith.constant 272 : index
          %get3A_1004 = tpu.vector_load %arg6[%get3A_1003] {strides = array<i32>} : memref<400xi32, #tpu.memory_space<vmem>>, vector<16xi32>,
          %get3A_1005 = vector.shape_cast %get3A_1004 : vector<16xi32> to vector<16xi32>
          %add3A_1006 = arith.addi %get3A_1005, %get3A_1005 : vector<16xi32>
          %add3A_1007 = vector.broadcast %arg0 : i32 to vector<16xi32>
          %add3A_1008 = arith.addi %add3A_1006, %add3A_1007 : vector<16xi32>
          %swap3A_1009 = arith.constant 32 : index
          %swap3A_1010 = tpu.vector_load %arg13[%swap3A_1009] {strides = array<i32>} : memref<80xi32, #tpu.memory_space<vmem>>, vector<16xi32>,
          %swap3A_1011 = vector.shape_cast %swap3A_1010 : vector<16xi32> to vector<16xi32>
          %swap3A_1012 = vector.shape_cast %add3A_1008 : vector<16xi32> to vector<16xi32>
          tpu.vector_store %arg13[%swap3A_1009], %swap3A_1012 {strides = array<i32>} : memref<80xi32, #tpu.memory_space<vmem>>, vector<16xi32>,
          %get3A_1013 = arith.constant 272 : index
          %get3A_1014 = tpu.vector_load %arg8[%get3A_1013] {strides = array<i32>} : memref<400xi32, #tpu.memory_space<vmem>>, vector<16xi32>,
          %get3A_1015 = vector.shape_cast %get3A_1014 : vector<16xi32> to vector<16xi32>
          %swap3A_1016 = arith.constant 32 : index
          %swap3A_1017 = tpu.vector_load %arg23[%swap3A_1016] {strides = array<i32>} : memref<80xi32, #tpu.memory_space<vmem>>, vector<16xi32>,
          %swap3A_1018 = vector.shape_cast %swap3A_1017 : vector<16xi32> to vector<16xi32>
          %swap3A_1019 = vector.shape_cast %get3A_1015 : vector<16xi32> to vector<16xi32>
          tpu.vector_store %arg23[%swap3A_1016], %swap3A_1019 {strides = array<i32>} : memref<80xi32, #tpu.memory_space<vmem>>, vector<16xi32>,
          %get3A_1020 = arith.constant 288 : index
          %get3A_1021 = tpu.vector_load %arg6[%get3A_1020] {strides = array<i32>} : memref<400xi32, #tpu.memory_space<vmem>>, vector<16xi32>,
          %get3A_1022 = vector.shape_cast %get3A_1021 : vector<16xi32> to vector<16xi32>
          %add3A_1023 = arith.addi %get3A_1022, %get3A_1022 : vector<16xi32>
          %add3A_1024 = vector.broadcast %arg0 : i32 to vector<16xi32>
          %add3A_1025 = arith.addi %add3A_1023, %add3A_1024 : vector<16xi32>
          %swap3A_1026 = arith.constant 48 : index
          %swap3A_1027 = tpu.vector_load %arg13[%swap3A_1026] {strides = array<i32>} : memref<80xi32, #tpu.memory_space<vmem>>, vector<16xi32>,
          %swap3A_1028 = vector.shape_cast %swap3A_1027 : vector<16xi32> to vector<16xi32>
          %swap3A_1029 = vector.shape_cast %add3A_1025 : vector<16xi32> to vector<16xi32>
          tpu.vector_store %arg13[%swap3A_1026], %swap3A_1029 {strides = array<i32>} : memref<80xi32, #tpu.memory_space<vmem>>, vector<16xi32>,
          %get3A_1030 = arith.constant 288 : index
          %get3A_1031 = tpu.vector_load %arg8[%get3A_1030] {strides = array<i32>} : memref<400xi32, #tpu.memory_space<vmem>>, vector<16xi32>,
          %get3A_1032 = vector.shape_cast %get3A_1031 : vector<16xi32> to vector<16xi32>
          %swap3A_1033 = arith.constant 48 : index
          %swap3A_1034 = tpu.vector_load %arg23[%swap3A_1033] {strides = array<i32>} : memref<80xi32, #tpu.memory_space<vmem>>, vector<16xi32>,
          %swap3A_1035 = vector.shape_cast %swap3A_1034 : vector<16xi32> to vector<16xi32>
          %swap3A_1036 = vector.shape_cast %get3A_1032 : vector<16xi32> to vector<16xi32>
          tpu.vector_store %arg23[%swap3A_1033], %swap3A_1036 {strides = array<i32>} : memref<80xi32, #tpu.memory_space<vmem>>, vector<16xi32>,
          %get3A_1037 = arith.constant 304 : index
          %get3A_1038 = tpu.vector_load %arg6[%get3A_1037] {strides = array<i32>} : memref<400xi32, #tpu.memory_space<vmem>>, vector<16xi32>,
          %get3A_1039 = vector.shape_cast %get3A_1038 : vector<16xi32> to vector<16xi32>
          %add3A_1040 = arith.addi %get3A_1039, %get3A_1039 : vector<16xi32>
          %add3A_1041 = vector.broadcast %arg0 : i32 to vector<16xi32>
          %add3A_1042 = arith.addi %add3A_1040, %add3A_1041 : vector<16xi32>
          %swap3A_1043 = arith.constant 64 : index
          %swap3A_1044 = tpu.vector_load %arg13[%swap3A_1043] {strides = array<i32>} : memref<80xi32, #tpu.memory_space<vmem>>, vector<16xi32>,
          %swap3A_1045 = vector.shape_cast %swap3A_1044 : vector<16xi32> to vector<16xi32>
          %swap3A_1046 = vector.shape_cast %add3A_1042 : vector<16xi32> to vector<16xi32>
          tpu.vector_store %arg13[%swap3A_1043], %swap3A_1046 {strides = array<i32>} : memref<80xi32, #tpu.memory_space<vmem>>, vector<16xi32>,
          %get3A_1047 = arith.constant 304 : index
          %get3A_1048 = tpu.vector_load %arg8[%get3A_1047] {strides = array<i32>} : memref<400xi32, #tpu.memory_space<vmem>>, vector<16xi32>,
          %get3A_1049 = vector.shape_cast %get3A_1048 : vector<16xi32> to vector<16xi32>
          %swap3A_1050 = arith.constant 64 : index
          %swap3A_1051 = tpu.vector_load %arg23[%swap3A_1050] {strides = array<i32>} : memref<80xi32, #tpu.memory_space<vmem>>, vector<16xi32>,
          %swap3A_1052 = vector.shape_cast %swap3A_1051 : vector<16xi32> to vector<16xi32>
          %swap3A_1053 = vector.shape_cast %get3A_1049 : vector<16xi32> to vector<16xi32>
          tpu.vector_store %arg23[%swap3A_1050], %swap3A_1053 {strides = array<i32>} : memref<80xi32, #tpu.memory_space<vmem>>, vector<16xi32>,
          %dma_start3A_1054 = arith.constant 0 : i32
          %dma_start3A_1055 = arith.constant 0 : i32
          %dma_start3A_1056 = tpu.memref_slice %arg2[%dma_start3A_1054, %dma_start3A_1055] : memref<20000x64xf32, #tpu.memory_space<hbm>> -> memref<20000x64xf32, #tpu.memory_space<hbm>>
          tpu.enqueue_indirect_dma source(%dma_start3A_1056 : memref<20000x64xf32, #tpu.memory_space<hbm>>) target(%arg33 : memref<80x64xf32, #tpu.memory_space<vmem>>) offsets(%arg13 : memref<80xi32, #tpu.memory_space<vmem>>) semaphore(%arg47 : memref<!tpu.dma_semaphore, #tpu.memory_space<semaphore_mem>>)
          %get3A_1057 = arith.constant 320 : index
          %get3A_1058 = tpu.vector_load %arg6[%get3A_1057] {strides = array<i32>} : memref<400xi32, #tpu.memory_space<vmem>>, vector<16xi32>,
          %get3A_1059 = vector.shape_cast %get3A_1058 : vector<16xi32> to vector<16xi32>
          %add3A_1060 = arith.addi %get3A_1059, %get3A_1059 : vector<16xi32>
          %add3A_1061 = vector.broadcast %arg0 : i32 to vector<16xi32>
          %add3A_1062 = arith.addi %add3A_1060, %add3A_1061 : vector<16xi32>
          %swap3A_1063 = arith.constant 0 : index
          %swap3A_1064 = tpu.vector_load %arg14[%swap3A_1063] {strides = array<i32>} : memref<80xi32, #tpu.memory_space<vmem>>, vector<16xi32>,
          %swap3A_1065 = vector.shape_cast %swap3A_1064 : vector<16xi32> to vector<16xi32>
          %swap3A_1066 = vector.shape_cast %add3A_1062 : vector<16xi32> to vector<16xi32>
          tpu.vector_store %arg14[%swap3A_1063], %swap3A_1066 {strides = array<i32>} : memref<80xi32, #tpu.memory_space<vmem>>, vector<16xi32>,
          %get3A_1067 = arith.constant 320 : index
          %get3A_1068 = tpu.vector_load %arg8[%get3A_1067] {strides = array<i32>} : memref<400xi32, #tpu.memory_space<vmem>>, vector<16xi32>,
          %get3A_1069 = vector.shape_cast %get3A_1068 : vector<16xi32> to vector<16xi32>
          %swap3A_1070 = arith.constant 0 : index
          %swap3A_1071 = tpu.vector_load %arg24[%swap3A_1070] {strides = array<i32>} : memref<80xi32, #tpu.memory_space<vmem>>, vector<16xi32>,
          %swap3A_1072 = vector.shape_cast %swap3A_1071 : vector<16xi32> to vector<16xi32>
          %swap3A_1073 = vector.shape_cast %get3A_1069 : vector<16xi32> to vector<16xi32>
          tpu.vector_store %arg24[%swap3A_1070], %swap3A_1073 {strides = array<i32>} : memref<80xi32, #tpu.memory_space<vmem>>, vector<16xi32>,
          %get3A_1074 = arith.constant 336 : index
          %get3A_1075 = tpu.vector_load %arg6[%get3A_1074] {strides = array<i32>} : memref<400xi32, #tpu.memory_space<vmem>>, vector<16xi32>,
          %get3A_1076 = vector.shape_cast %get3A_1075 : vector<16xi32> to vector<16xi32>
          %add3A_1077 = arith.addi %get3A_1076, %get3A_1076 : vector<16xi32>
          %add3A_1078 = vector.broadcast %arg0 : i32 to vector<16xi32>
          %add3A_1079 = arith.addi %add3A_1077, %add3A_1078 : vector<16xi32>
          %swap3A_1080 = arith.constant 16 : index
          %swap3A_1081 = tpu.vector_load %arg14[%swap3A_1080] {strides = array<i32>} : memref<80xi32, #tpu.memory_space<vmem>>, vector<16xi32>,
          %swap3A_1082 = vector.shape_cast %swap3A_1081 : vector<16xi32> to vector<16xi32>
          %swap3A_1083 = vector.shape_cast %add3A_1079 : vector<16xi32> to vector<16xi32>
          tpu.vector_store %arg14[%swap3A_1080], %swap3A_1083 {strides = array<i32>} : memref<80xi32, #tpu.memory_space<vmem>>, vector<16xi32>,
          %get3A_1084 = arith.constant 336 : index
          %get3A_1085 = tpu.vector_load %arg8[%get3A_1084] {strides = array<i32>} : memref<400xi32, #tpu.memory_space<vmem>>, vector<16xi32>,
          %get3A_1086 = vector.shape_cast %get3A_1085 : vector<16xi32> to vector<16xi32>
          %swap3A_1087 = arith.constant 16 : index
          %swap3A_1088 = tpu.vector_load %arg24[%swap3A_1087] {strides = array<i32>} : memref<80xi32, #tpu.memory_space<vmem>>, vector<16xi32>,
          %swap3A_1089 = vector.shape_cast %swap3A_1088 : vector<16xi32> to vector<16xi32>
          %swap3A_1090 = vector.shape_cast %get3A_1086 : vector<16xi32> to vector<16xi32>
          tpu.vector_store %arg24[%swap3A_1087], %swap3A_1090 {strides = array<i32>} : memref<80xi32, #tpu.memory_space<vmem>>, vector<16xi32>,
          %get3A_1091 = arith.constant 352 : index
          %get3A_1092 = tpu.vector_load %arg6[%get3A_1091] {strides = array<i32>} : memref<400xi32, #tpu.memory_space<vmem>>, vector<16xi32>,
          %get3A_1093 = vector.shape_cast %get3A_1092 : vector<16xi32> to vector<16xi32>
          %add3A_1094 = arith.addi %get3A_1093, %get3A_1093 : vector<16xi32>
          %add3A_1095 = vector.broadcast %arg0 : i32 to vector<16xi32>
          %add3A_1096 = arith.addi %add3A_1094, %add3A_1095 : vector<16xi32>
          %swap3A_1097 = arith.constant 32 : index
          %swap3A_1098 = tpu.vector_load %arg14[%swap3A_1097] {strides = array<i32>} : memref<80xi32, #tpu.memory_space<vmem>>, vector<16xi32>,
          %swap3A_1099 = vector.shape_cast %swap3A_1098 : vector<16xi32> to vector<16xi32>
          %swap3A_1100 = vector.shape_cast %add3A_1096 : vector<16xi32> to vector<16xi32>
          tpu.vector_store %arg14[%swap3A_1097], %swap3A_1100 {strides = array<i32>} : memref<80xi32, #tpu.memory_space<vmem>>, vector<16xi32>,
          %get3A_1101 = arith.constant 352 : index
          %get3A_1102 = tpu.vector_load %arg8[%get3A_1101] {strides = array<i32>} : memref<400xi32, #tpu.memory_space<vmem>>, vector<16xi32>,
          %get3A_1103 = vector.shape_cast %get3A_1102 : vector<16xi32> to vector<16xi32>
          %swap3A_1104 = arith.constant 32 : index
          %swap3A_1105 = tpu.vector_load %arg24[%swap3A_1104] {strides = array<i32>} : memref<80xi32, #tpu.memory_space<vmem>>, vector<16xi32>,
          %swap3A_1106 = vector.shape_cast %swap3A_1105 : vector<16xi32> to vector<16xi32>
          %swap3A_1107 = vector.shape_cast %get3A_1103 : vector<16xi32> to vector<16xi32>
          tpu.vector_store %arg24[%swap3A_1104], %swap3A_1107 {strides = array<i32>} : memref<80xi32, #tpu.memory_space<vmem>>, vector<16xi32>,
          %get3A_1108 = arith.constant 368 : index
          %get3A_1109 = tpu.vector_load %arg6[%get3A_1108] {strides = array<i32>} : memref<400xi32, #tpu.memory_space<vmem>>, vector<16xi32>,
          %get3A_1110 = vector.shape_cast %get3A_1109 : vector<16xi32> to vector<16xi32>
          %add3A_1111 = arith.addi %get3A_1110, %get3A_1110 : vector<16xi32>
          %add3A_1112 = vector.broadcast %arg0 : i32 to vector<16xi32>
          %add3A_1113 = arith.addi %add3A_1111, %add3A_1112 : vector<16xi32>
          %swap3A_1114 = arith.constant 48 : index
          %swap3A_1115 = tpu.vector_load %arg14[%swap3A_1114] {strides = array<i32>} : memref<80xi32, #tpu.memory_space<vmem>>, vector<16xi32>,
          %swap3A_1116 = vector.shape_cast %swap3A_1115 : vector<16xi32> to vector<16xi32>
          %swap3A_1117 = vector.shape_cast %add3A_1113 : vector<16xi32> to vector<16xi32>
          tpu.vector_store %arg14[%swap3A_1114], %swap3A_1117 {strides = array<i32>} : memref<80xi32, #tpu.memory_space<vmem>>, vector<16xi32>,
          %get3A_1118 = arith.constant 368 : index
          %get3A_1119 = tpu.vector_load %arg8[%get3A_1118] {strides = array<i32>} : memref<400xi32, #tpu.memory_space<vmem>>, vector<16xi32>,
          %get3A_1120 = vector.shape_cast %get3A_1119 : vector<16xi32> to vector<16xi32>
          %swap3A_1121 = arith.constant 48 : index
          %swap3A_1122 = tpu.vector_load %arg24[%swap3A_1121] {strides = array<i32>} : memref<80xi32, #tpu.memory_space<vmem>>, vector<16xi32>,
          %swap3A_1123 = vector.shape_cast %swap3A_1122 : vector<16xi32> to vector<16xi32>
          %swap3A_1124 = vector.shape_cast %get3A_1120 : vector<16xi32> to vector<16xi32>
          tpu.vector_store %arg24[%swap3A_1121], %swap3A_1124 {strides = array<i32>} : memref<80xi32, #tpu.memory_space<vmem>>, vector<16xi32>,
          %get3A_1125 = arith.constant 384 : index
          %get3A_1126 = tpu.vector_load %arg6[%get3A_1125] {strides = array<i32>} : memref<400xi32, #tpu.memory_space<vmem>>, vector<16xi32>,
          %get3A_1127 = vector.shape_cast %get3A_1126 : vector<16xi32> to vector<16xi32>
          %add3A_1128 = arith.addi %get3A_1127, %get3A_1127 : vector<16xi32>
          %add3A_1129 = vector.broadcast %arg0 : i32 to vector<16xi32>
          %add3A_1130 = arith.addi %add3A_1128, %add3A_1129 : vector<16xi32>
          %swap3A_1131 = arith.constant 64 : index
          %swap3A_1132 = tpu.vector_load %arg14[%swap3A_1131] {strides = array<i32>} : memref<80xi32, #tpu.memory_space<vmem>>, vector<16xi32>,
          %swap3A_1133 = vector.shape_cast %swap3A_1132 : vector<16xi32> to vector<16xi32>
          %swap3A_1134 = vector.shape_cast %add3A_1130 : vector<16xi32> to vector<16xi32>
          tpu.vector_store %arg14[%swap3A_1131], %swap3A_1134 {strides = array<i32>} : memref<80xi32, #tpu.memory_space<vmem>>, vector<16xi32>,
          %get3A_1135 = arith.constant 384 : index
          %get3A_1136 = tpu.vector_load %arg8[%get3A_1135] {strides = array<i32>} : memref<400xi32, #tpu.memory_space<vmem>>, vector<16xi32>,
          %get3A_1137 = vector.shape_cast %get3A_1136 : vector<16xi32> to vector<16xi32>
          %swap3A_1138 = arith.constant 64 : index
          %swap3A_1139 = tpu.vector_load %arg24[%swap3A_1138] {strides = array<i32>} : memref<80xi32, #tpu.memory_space<vmem>>, vector<16xi32>,
          %swap3A_1140 = vector.shape_cast %swap3A_1139 : vector<16xi32> to vector<16xi32>
          %swap3A_1141 = vector.shape_cast %get3A_1137 : vector<16xi32> to vector<16xi32>
          tpu.vector_store %arg24[%swap3A_1138], %swap3A_1141 {strides = array<i32>} : memref<80xi32, #tpu.memory_space<vmem>>, vector<16xi32>,
          %dma_start3A_1142 = arith.constant 0 : i32
          %dma_start3A_1143 = arith.constant 0 : i32
          %dma_start3A_1144 = tpu.memref_slice %arg2[%dma_start3A_1142, %dma_start3A_1143] : memref<20000x64xf32, #tpu.memory_space<hbm>> -> memref<20000x64xf32, #tpu.memory_space<hbm>>
          tpu.enqueue_indirect_dma source(%dma_start3A_1144 : memref<20000x64xf32, #tpu.memory_space<hbm>>) target(%arg34 : memref<80x64xf32, #tpu.memory_space<vmem>>) offsets(%arg14 : memref<80xi32, #tpu.memory_space<vmem>>) semaphore(%arg47 : memref<!tpu.dma_semaphore, #tpu.memory_space<semaphore_mem>>)
        } else {
        }
        %add3A_645 = arith.constant 2 : i32
        %add3A_646 = arith.addi %add3A_637, %add3A_645 : i32
        %lt3A_647 = arith.constant 50 : i32
        %lt3A_648 = arith.cmpi slt, %add3A_646, %lt3A_647 : i32
        %convert_element_type3A_649 = arith.extui %lt3A_648 : i1 to i32
        %cond3A_650 = arith.constant 0 : i32
        %cond3A_651 = arith.cmpi ne, %convert_element_type3A_649, %cond3A_650 : i32
        scf.if %cond3A_651 {
          %add3A_687 = arith.constant 2 : i32
          %add3A_688 = arith.addi %add3A_637, %add3A_687 : i32
          %mul3A_689 = arith.constant 400 : i32
          %mul3A_690 = arith.muli %add3A_688, %mul3A_689 : i32
          %add3A_691 = arith.addi %mul3A_2, %mul3A_690 : i32
          %multiple_of3A_692 = tpu.assume_multiple %add3A_691, 80 : i32
          %dma_start3A_693 = arith.constant 0 : i32
          %dma_start3A_694 = tpu.memref_slice %arg3[%dma_start3A_693, %multiple_of3A_692] : memref<2x320000xi32, #tpu.memory_space<hbm>> -> memref<1x400xi32, #tpu.memory_space<hbm>>
          %dma_start3A_695 = tpu.memref_squeeze %dma_start3A_694 : memref<1x400xi32, #tpu.memory_space<hbm>> -> memref<400xi32, #tpu.memory_space<hbm>>
          %dma_start3A_696 = tpu.memref_slice %arg3[%dma_start3A_693, %multiple_of3A_692] : memref<2x320000xi32, #tpu.memory_space<hbm>> -> memref<1x400xi32, #tpu.memory_space<hbm>>
          %dma_start3A_697 = tpu.memref_squeeze %dma_start3A_696 : memref<1x400xi32, #tpu.memory_space<hbm>> -> memref<400xi32, #tpu.memory_space<hbm>>
          tpu.enqueue_dma source(%dma_start3A_697 : memref<400xi32, #tpu.memory_space<hbm>>) target(%arg7 : memref<400xi32, #tpu.memory_space<vmem>>) target_semaphore(%arg46 : memref<!tpu.dma_semaphore, #tpu.memory_space<semaphore_mem>>)
          %dma_start3A_698 = arith.constant 1 : i32
          %dma_start3A_699 = tpu.memref_slice %arg3[%dma_start3A_698, %multiple_of3A_692] : memref<2x320000xi32, #tpu.memory_space<hbm>> -> memref<1x400xi32, #tpu.memory_space<hbm>>
          %dma_start3A_700 = tpu.memref_squeeze %dma_start3A_699 : memref<1x400xi32, #tpu.memory_space<hbm>> -> memref<400xi32, #tpu.memory_space<hbm>>
          %dma_start3A_701 = tpu.memref_slice %arg3[%dma_start3A_698, %multiple_of3A_692] : memref<2x320000xi32, #tpu.memory_space<hbm>> -> memref<1x400xi32, #tpu.memory_space<hbm>>
          %dma_start3A_702 = tpu.memref_squeeze %dma_start3A_701 : memref<1x400xi32, #tpu.memory_space<hbm>> -> memref<400xi32, #tpu.memory_space<hbm>>
          tpu.enqueue_dma source(%dma_start3A_702 : memref<400xi32, #tpu.memory_space<hbm>>) target(%arg9 : memref<400xi32, #tpu.memory_space<vmem>>) target_semaphore(%arg46 : memref<!tpu.dma_semaphore, #tpu.memory_space<semaphore_mem>>)
        } else {
        }
        %dma_wait3A_652 = arith.constant 0 : i32
        %dma_wait3A_653 = arith.constant 0 : i32
        %dma_wait3A_654 = tpu.memref_slice %arg2[%dma_wait3A_652, %dma_wait3A_653] : memref<20000x64xf32, #tpu.memory_space<hbm>> -> memref<20000x64xf32, #tpu.memory_space<hbm>>
        tpu.wait_indirect_dma semaphore(%arg48 : memref<!tpu.dma_semaphore, #tpu.memory_space<semaphore_mem>>) src(%dma_wait3A_654 : memref<20000x64xf32, #tpu.memory_space<hbm>>) dst(%arg35 : memref<80x64xf32, #tpu.memory_space<vmem>>)
        %dma_start3A_655 = arith.constant 0 : i32
        %dma_start3A_656 = arith.constant 0 : i32
        %dma_start3A_657 = tpu.memref_slice %arg43[%dma_start3A_655, %dma_start3A_656] : memref<10240x64xf32, #tpu.memory_space<vmem_shared>> -> memref<10240x64xf32, #tpu.memory_space<vmem_shared>>
        tpu.enqueue_indirect_dma source(%arg35 : memref<80x64xf32, #tpu.memory_space<vmem>>) target(%dma_start3A_657 : memref<10240x64xf32, #tpu.memory_space<vmem_shared>>) offsets(%arg25 : memref<80xi32, #tpu.memory_space<vmem>>) semaphore(%arg50 : memref<!tpu.dma_semaphore, #tpu.memory_space<semaphore_mem>>) {add = true}
        %dma_wait3A_658 = arith.constant 0 : i32
        %dma_wait3A_659 = arith.constant 0 : i32
        %dma_wait3A_660 = tpu.memref_slice %arg2[%dma_wait3A_658, %dma_wait3A_659] : memref<20000x64xf32, #tpu.memory_space<hbm>> -> memref<20000x64xf32, #tpu.memory_space<hbm>>
        tpu.wait_indirect_dma semaphore(%arg48 : memref<!tpu.dma_semaphore, #tpu.memory_space<semaphore_mem>>) src(%dma_wait3A_660 : memref<20000x64xf32, #tpu.memory_space<hbm>>) dst(%arg36 : memref<80x64xf32, #tpu.memory_space<vmem>>)
        %dma_start3A_661 = arith.constant 0 : i32
        %dma_start3A_662 = arith.constant 0 : i32
        %dma_start3A_663 = tpu.memref_slice %arg43[%dma_start3A_661, %dma_start3A_662] : memref<10240x64xf32, #tpu.memory_space<vmem_shared>> -> memref<10240x64xf32, #tpu.memory_space<vmem_shared>>
        tpu.enqueue_indirect_dma source(%arg36 : memref<80x64xf32, #tpu.memory_space<vmem>>) target(%dma_start3A_663 : memref<10240x64xf32, #tpu.memory_space<vmem_shared>>) offsets(%arg26 : memref<80xi32, #tpu.memory_space<vmem>>) semaphore(%arg50 : memref<!tpu.dma_semaphore, #tpu.memory_space<semaphore_mem>>) {add = true}
        %dma_wait3A_664 = arith.constant 0 : i32
        %dma_wait3A_665 = arith.constant 0 : i32
        %dma_wait3A_666 = tpu.memref_slice %arg2[%dma_wait3A_664, %dma_wait3A_665] : memref<20000x64xf32, #tpu.memory_space<hbm>> -> memref<20000x64xf32, #tpu.memory_space<hbm>>
        tpu.wait_indirect_dma semaphore(%arg48 : memref<!tpu.dma_semaphore, #tpu.memory_space<semaphore_mem>>) src(%dma_wait3A_666 : memref<20000x64xf32, #tpu.memory_space<hbm>>) dst(%arg37 : memref<80x64xf32, #tpu.memory_space<vmem>>)
        %dma_start3A_667 = arith.constant 0 : i32
        %dma_start3A_668 = arith.constant 0 : i32
        %dma_start3A_669 = tpu.memref_slice %arg43[%dma_start3A_667, %dma_start3A_668] : memref<10240x64xf32, #tpu.memory_space<vmem_shared>> -> memref<10240x64xf32, #tpu.memory_space<vmem_shared>>
        tpu.enqueue_indirect_dma source(%arg37 : memref<80x64xf32, #tpu.memory_space<vmem>>) target(%dma_start3A_669 : memref<10240x64xf32, #tpu.memory_space<vmem_shared>>) offsets(%arg27 : memref<80xi32, #tpu.memory_space<vmem>>) semaphore(%arg50 : memref<!tpu.dma_semaphore, #tpu.memory_space<semaphore_mem>>) {add = true}
        %dma_wait3A_670 = arith.constant 0 : i32
        %dma_wait3A_671 = arith.constant 0 : i32
        %dma_wait3A_672 = tpu.memref_slice %arg2[%dma_wait3A_670, %dma_wait3A_671] : memref<20000x64xf32, #tpu.memory_space<hbm>> -> memref<20000x64xf32, #tpu.memory_space<hbm>>
        tpu.wait_indirect_dma semaphore(%arg48 : memref<!tpu.dma_semaphore, #tpu.memory_space<semaphore_mem>>) src(%dma_wait3A_672 : memref<20000x64xf32, #tpu.memory_space<hbm>>) dst(%arg38 : memref<80x64xf32, #tpu.memory_space<vmem>>)
        %dma_start3A_673 = arith.constant 0 : i32
        %dma_start3A_674 = arith.constant 0 : i32
        %dma_start3A_675 = tpu.memref_slice %arg43[%dma_start3A_673, %dma_start3A_674] : memref<10240x64xf32, #tpu.memory_space<vmem_shared>> -> memref<10240x64xf32, #tpu.memory_space<vmem_shared>>
        tpu.enqueue_indirect_dma source(%arg38 : memref<80x64xf32, #tpu.memory_space<vmem>>) target(%dma_start3A_675 : memref<10240x64xf32, #tpu.memory_space<vmem_shared>>) offsets(%arg28 : memref<80xi32, #tpu.memory_space<vmem>>) semaphore(%arg50 : memref<!tpu.dma_semaphore, #tpu.memory_space<semaphore_mem>>) {add = true}
        %dma_wait3A_676 = arith.constant 0 : i32
        %dma_wait3A_677 = arith.constant 0 : i32
        %dma_wait3A_678 = tpu.memref_slice %arg2[%dma_wait3A_676, %dma_wait3A_677] : memref<20000x64xf32, #tpu.memory_space<hbm>> -> memref<20000x64xf32, #tpu.memory_space<hbm>>
        tpu.wait_indirect_dma semaphore(%arg48 : memref<!tpu.dma_semaphore, #tpu.memory_space<semaphore_mem>>) src(%dma_wait3A_678 : memref<20000x64xf32, #tpu.memory_space<hbm>>) dst(%arg39 : memref<80x64xf32, #tpu.memory_space<vmem>>)
        %dma_start3A_679 = arith.constant 0 : i32
        %dma_start3A_680 = arith.constant 0 : i32
        %dma_start3A_681 = tpu.memref_slice %arg43[%dma_start3A_679, %dma_start3A_680] : memref<10240x64xf32, #tpu.memory_space<vmem_shared>> -> memref<10240x64xf32, #tpu.memory_space<vmem_shared>>
        tpu.enqueue_indirect_dma source(%arg39 : memref<80x64xf32, #tpu.memory_space<vmem>>) target(%dma_start3A_681 : memref<10240x64xf32, #tpu.memory_space<vmem_shared>>) offsets(%arg29 : memref<80xi32, #tpu.memory_space<vmem>>) semaphore(%arg50 : memref<!tpu.dma_semaphore, #tpu.memory_space<semaphore_mem>>) {add = true}
        %eq3A_682 = arith.constant 1 : i32
        %eq3A_683 = arith.cmpi eq, %arg0, %eq3A_682 : i32
        %convert_element_type3A_684 = arith.extui %eq3A_683 : i1 to i32
        %cond3A_685 = arith.constant 0 : i32
        %cond3A_686 = arith.cmpi ne, %convert_element_type3A_684, %cond3A_685 : i32
        scf.if %cond3A_686 {
          %dma_start3A_687 = arith.constant 0 : i32
          %dma_start3A_688 = arith.constant 0 : i32
          %dma_start3A_689 = tpu.memref_slice %arg44[%dma_start3A_687, %dma_start3A_688] : memref<10240x16xf32, #tpu.memory_space<vmem_shared>> -> memref<10240x16xf32, #tpu.memory_space<vmem_shared>>
          tpu.enqueue_indirect_dma source(%arg41 : memref<80x16xf32, #tpu.memory_space<vmem>>) target(%dma_start3A_689 : memref<10240x16xf32, #tpu.memory_space<vmem_shared>>) offsets(%arg25 : memref<80xi32, #tpu.memory_space<vmem>>) semaphore(%arg50 : memref<!tpu.dma_semaphore, #tpu.memory_space<semaphore_mem>>) {add = true}
          %dma_start3A_690 = arith.constant 0 : i32
          %dma_start3A_691 = arith.constant 0 : i32
          %dma_start3A_692 = tpu.memref_slice %arg44[%dma_start3A_690, %dma_start3A_691] : memref<10240x16xf32, #tpu.memory_space<vmem_shared>> -> memref<10240x16xf32, #tpu.memory_space<vmem_shared>>
          tpu.enqueue_indirect_dma source(%arg41 : memref<80x16xf32, #tpu.memory_space<vmem>>) target(%dma_start3A_692 : memref<10240x16xf32, #tpu.memory_space<vmem_shared>>) offsets(%arg26 : memref<80xi32, #tpu.memory_space<vmem>>) semaphore(%arg50 : memref<!tpu.dma_semaphore, #tpu.memory_space<semaphore_mem>>) {add = true}
          %dma_start3A_693 = arith.constant 0 : i32
          %dma_start3A_694 = arith.constant 0 : i32
          %dma_start3A_695 = tpu.memref_slice %arg44[%dma_start3A_693, %dma_start3A_694] : memref<10240x16xf32, #tpu.memory_space<vmem_shared>> -> memref<10240x16xf32, #tpu.memory_space<vmem_shared>>
          tpu.enqueue_indirect_dma source(%arg41 : memref<80x16xf32, #tpu.memory_space<vmem>>) target(%dma_start3A_695 : memref<10240x16xf32, #tpu.memory_space<vmem_shared>>) offsets(%arg27 : memref<80xi32, #tpu.memory_space<vmem>>) semaphore(%arg50 : memref<!tpu.dma_semaphore, #tpu.memory_space<semaphore_mem>>) {add = true}
          %dma_start3A_696 = arith.constant 0 : i32
          %dma_start3A_697 = arith.constant 0 : i32
          %dma_start3A_698 = tpu.memref_slice %arg44[%dma_start3A_696, %dma_start3A_697] : memref<10240x16xf32, #tpu.memory_space<vmem_shared>> -> memref<10240x16xf32, #tpu.memory_space<vmem_shared>>
          tpu.enqueue_indirect_dma source(%arg41 : memref<80x16xf32, #tpu.memory_space<vmem>>) target(%dma_start3A_698 : memref<10240x16xf32, #tpu.memory_space<vmem_shared>>) offsets(%arg28 : memref<80xi32, #tpu.memory_space<vmem>>) semaphore(%arg50 : memref<!tpu.dma_semaphore, #tpu.memory_space<semaphore_mem>>) {add = true}
          %dma_start3A_699 = arith.constant 0 : i32
          %dma_start3A_700 = arith.constant 0 : i32
          %dma_start3A_701 = tpu.memref_slice %arg44[%dma_start3A_699, %dma_start3A_700] : memref<10240x16xf32, #tpu.memory_space<vmem_shared>> -> memref<10240x16xf32, #tpu.memory_space<vmem_shared>>
          tpu.enqueue_indirect_dma source(%arg41 : memref<80x16xf32, #tpu.memory_space<vmem>>) target(%dma_start3A_701 : memref<10240x16xf32, #tpu.memory_space<vmem_shared>>) offsets(%arg29 : memref<80xi32, #tpu.memory_space<vmem>>) semaphore(%arg50 : memref<!tpu.dma_semaphore, #tpu.memory_space<semaphore_mem>>) {add = true}
        } else {
        }
      } else {
      }
    }
    %scan3A_535 = arith.constant 25 : i32
    %dma_wait3A_536 = arith.constant 0 : i32
    %dma_wait3A_537 = arith.constant 0 : i32
    %dma_wait3A_538 = tpu.memref_slice %arg43[%dma_wait3A_536, %dma_wait3A_537] : memref<10240x64xf32, #tpu.memory_space<vmem_shared>> -> memref<10240x64xf32, #tpu.memory_space<vmem_shared>>
    tpu.wait_indirect_dma semaphore(%arg49 : memref<!tpu.dma_semaphore, #tpu.memory_space<semaphore_mem>>) src(%arg30 : memref<80x64xf32, #tpu.memory_space<vmem>>) dst(%dma_wait3A_538 : memref<10240x64xf32, #tpu.memory_space<vmem_shared>>)
    %dma_wait3A_539 = arith.constant 0 : i32
    %dma_wait3A_540 = arith.constant 0 : i32
    %dma_wait3A_541 = tpu.memref_slice %arg43[%dma_wait3A_539, %dma_wait3A_540] : memref<10240x64xf32, #tpu.memory_space<vmem_shared>> -> memref<10240x64xf32, #tpu.memory_space<vmem_shared>>
    tpu.wait_indirect_dma semaphore(%arg49 : memref<!tpu.dma_semaphore, #tpu.memory_space<semaphore_mem>>) src(%arg31 : memref<80x64xf32, #tpu.memory_space<vmem>>) dst(%dma_wait3A_541 : memref<10240x64xf32, #tpu.memory_space<vmem_shared>>)
    %dma_wait3A_542 = arith.constant 0 : i32
    %dma_wait3A_543 = arith.constant 0 : i32
    %dma_wait3A_544 = tpu.memref_slice %arg43[%dma_wait3A_542, %dma_wait3A_543] : memref<10240x64xf32, #tpu.memory_space<vmem_shared>> -> memref<10240x64xf32, #tpu.memory_space<vmem_shared>>
    tpu.wait_indirect_dma semaphore(%arg49 : memref<!tpu.dma_semaphore, #tpu.memory_space<semaphore_mem>>) src(%arg32 : memref<80x64xf32, #tpu.memory_space<vmem>>) dst(%dma_wait3A_544 : memref<10240x64xf32, #tpu.memory_space<vmem_shared>>)
    %dma_wait3A_545 = arith.constant 0 : i32
    %dma_wait3A_546 = arith.constant 0 : i32
    %dma_wait3A_547 = tpu.memref_slice %arg43[%dma_wait3A_545, %dma_wait3A_546] : memref<10240x64xf32, #tpu.memory_space<vmem_shared>> -> memref<10240x64xf32, #tpu.memory_space<vmem_shared>>
    tpu.wait_indirect_dma semaphore(%arg49 : memref<!tpu.dma_semaphore, #tpu.memory_space<semaphore_mem>>) src(%arg33 : memref<80x64xf32, #tpu.memory_space<vmem>>) dst(%dma_wait3A_547 : memref<10240x64xf32, #tpu.memory_space<vmem_shared>>)
    %dma_wait3A_548 = arith.constant 0 : i32
    %dma_wait3A_549 = arith.constant 0 : i32
    %dma_wait3A_550 = tpu.memref_slice %arg43[%dma_wait3A_548, %dma_wait3A_549] : memref<10240x64xf32, #tpu.memory_space<vmem_shared>> -> memref<10240x64xf32, #tpu.memory_space<vmem_shared>>
    tpu.wait_indirect_dma semaphore(%arg49 : memref<!tpu.dma_semaphore, #tpu.memory_space<semaphore_mem>>) src(%arg34 : memref<80x64xf32, #tpu.memory_space<vmem>>) dst(%dma_wait3A_550 : memref<10240x64xf32, #tpu.memory_space<vmem_shared>>)
    %eq3A = arith.constant 0 : i32
    %eq3A_551 = arith.cmpi eq, %arg0, %eq3A : i32
    %convert_element_type3A = arith.extui %eq3A_551 : i1 to i32
    %cond3A = arith.constant 0 : i32
    %cond3A_552 = arith.cmpi ne, %convert_element_type3A, %cond3A : i32
    scf.if %cond3A_552 {
      %dma_wait3A_576 = arith.constant 0 : i32
      %dma_wait3A_577 = arith.constant 0 : i32
      %dma_wait3A_578 = tpu.memref_slice %arg44[%dma_wait3A_576, %dma_wait3A_577] : memref<10240x16xf32, #tpu.memory_space<vmem_shared>> -> memref<10240x16xf32, #tpu.memory_space<vmem_shared>>
      tpu.wait_indirect_dma semaphore(%arg49 : memref<!tpu.dma_semaphore, #tpu.memory_space<semaphore_mem>>) src(%arg41 : memref<80x16xf32, #tpu.memory_space<vmem>>) dst(%dma_wait3A_578 : memref<10240x16xf32, #tpu.memory_space<vmem_shared>>)
      %dma_wait3A_579 = arith.constant 0 : i32
      %dma_wait3A_580 = arith.constant 0 : i32
      %dma_wait3A_581 = tpu.memref_slice %arg44[%dma_wait3A_579, %dma_wait3A_580] : memref<10240x16xf32, #tpu.memory_space<vmem_shared>> -> memref<10240x16xf32, #tpu.memory_space<vmem_shared>>
      tpu.wait_indirect_dma semaphore(%arg49 : memref<!tpu.dma_semaphore, #tpu.memory_space<semaphore_mem>>) src(%arg41 : memref<80x16xf32, #tpu.memory_space<vmem>>) dst(%dma_wait3A_581 : memref<10240x16xf32, #tpu.memory_space<vmem_shared>>)
      %dma_wait3A_582 = arith.constant 0 : i32
      %dma_wait3A_583 = arith.constant 0 : i32
      %dma_wait3A_584 = tpu.memref_slice %arg44[%dma_wait3A_582, %dma_wait3A_583] : memref<10240x16xf32, #tpu.memory_space<vmem_shared>> -> memref<10240x16xf32, #tpu.memory_space<vmem_shared>>
      tpu.wait_indirect_dma semaphore(%arg49 : memref<!tpu.dma_semaphore, #tpu.memory_space<semaphore_mem>>) src(%arg41 : memref<80x16xf32, #tpu.memory_space<vmem>>) dst(%dma_wait3A_584 : memref<10240x16xf32, #tpu.memory_space<vmem_shared>>)
      %dma_wait3A_585 = arith.constant 0 : i32
      %dma_wait3A_586 = arith.constant 0 : i32
      %dma_wait3A_587 = tpu.memref_slice %arg44[%dma_wait3A_585, %dma_wait3A_586] : memref<10240x16xf32, #tpu.memory_space<vmem_shared>> -> memref<10240x16xf32, #tpu.memory_space<vmem_shared>>
      tpu.wait_indirect_dma semaphore(%arg49 : memref<!tpu.dma_semaphore, #tpu.memory_space<semaphore_mem>>) src(%arg41 : memref<80x16xf32, #tpu.memory_space<vmem>>) dst(%dma_wait3A_587 : memref<10240x16xf32, #tpu.memory_space<vmem_shared>>)
      %dma_wait3A_588 = arith.constant 0 : i32
      %dma_wait3A_589 = arith.constant 0 : i32
      %dma_wait3A_590 = tpu.memref_slice %arg44[%dma_wait3A_588, %dma_wait3A_589] : memref<10240x16xf32, #tpu.memory_space<vmem_shared>> -> memref<10240x16xf32, #tpu.memory_space<vmem_shared>>
      tpu.wait_indirect_dma semaphore(%arg49 : memref<!tpu.dma_semaphore, #tpu.memory_space<semaphore_mem>>) src(%arg41 : memref<80x16xf32, #tpu.memory_space<vmem>>) dst(%dma_wait3A_590 : memref<10240x16xf32, #tpu.memory_space<vmem_shared>>)
    } else {
    }
    %dma_wait3A_553 = arith.constant 0 : i32
    %dma_wait3A_554 = arith.constant 0 : i32
    %dma_wait3A_555 = tpu.memref_slice %arg43[%dma_wait3A_553, %dma_wait3A_554] : memref<10240x64xf32, #tpu.memory_space<vmem_shared>> -> memref<10240x64xf32, #tpu.memory_space<vmem_shared>>
    tpu.wait_indirect_dma semaphore(%arg50 : memref<!tpu.dma_semaphore, #tpu.memory_space<semaphore_mem>>) src(%arg35 : memref<80x64xf32, #tpu.memory_space<vmem>>) dst(%dma_wait3A_555 : memref<10240x64xf32, #tpu.memory_space<vmem_shared>>)
    %dma_wait3A_556 = arith.constant 0 : i32
    %dma_wait3A_557 = arith.constant 0 : i32
    %dma_wait3A_558 = tpu.memref_slice %arg43[%dma_wait3A_556, %dma_wait3A_557] : memref<10240x64xf32, #tpu.memory_space<vmem_shared>> -> memref<10240x64xf32, #tpu.memory_space<vmem_shared>>
    tpu.wait_indirect_dma semaphore(%arg50 : memref<!tpu.dma_semaphore, #tpu.memory_space<semaphore_mem>>) src(%arg36 : memref<80x64xf32, #tpu.memory_space<vmem>>) dst(%dma_wait3A_558 : memref<10240x64xf32, #tpu.memory_space<vmem_shared>>)
    %dma_wait3A_559 = arith.constant 0 : i32
    %dma_wait3A_560 = arith.constant 0 : i32
    %dma_wait3A_561 = tpu.memref_slice %arg43[%dma_wait3A_559, %dma_wait3A_560] : memref<10240x64xf32, #tpu.memory_space<vmem_shared>> -> memref<10240x64xf32, #tpu.memory_space<vmem_shared>>
    tpu.wait_indirect_dma semaphore(%arg50 : memref<!tpu.dma_semaphore, #tpu.memory_space<semaphore_mem>>) src(%arg37 : memref<80x64xf32, #tpu.memory_space<vmem>>) dst(%dma_wait3A_561 : memref<10240x64xf32, #tpu.memory_space<vmem_shared>>)
    %dma_wait3A_562 = arith.constant 0 : i32
    %dma_wait3A_563 = arith.constant 0 : i32
    %dma_wait3A_564 = tpu.memref_slice %arg43[%dma_wait3A_562, %dma_wait3A_563] : memref<10240x64xf32, #tpu.memory_space<vmem_shared>> -> memref<10240x64xf32, #tpu.memory_space<vmem_shared>>
    tpu.wait_indirect_dma semaphore(%arg50 : memref<!tpu.dma_semaphore, #tpu.memory_space<semaphore_mem>>) src(%arg38 : memref<80x64xf32, #tpu.memory_space<vmem>>) dst(%dma_wait3A_564 : memref<10240x64xf32, #tpu.memory_space<vmem_shared>>)
    %dma_wait3A_565 = arith.constant 0 : i32
    %dma_wait3A_566 = arith.constant 0 : i32
    %dma_wait3A_567 = tpu.memref_slice %arg43[%dma_wait3A_565, %dma_wait3A_566] : memref<10240x64xf32, #tpu.memory_space<vmem_shared>> -> memref<10240x64xf32, #tpu.memory_space<vmem_shared>>
    tpu.wait_indirect_dma semaphore(%arg50 : memref<!tpu.dma_semaphore, #tpu.memory_space<semaphore_mem>>) src(%arg39 : memref<80x64xf32, #tpu.memory_space<vmem>>) dst(%dma_wait3A_567 : memref<10240x64xf32, #tpu.memory_space<vmem_shared>>)
    %eq3A_568 = arith.constant 1 : i32
    %eq3A_569 = arith.cmpi eq, %arg0, %eq3A_568 : i32
    %convert_element_type3A_570 = arith.extui %eq3A_569 : i1 to i32
    %cond3A_571 = arith.constant 0 : i32
    %cond3A_572 = arith.cmpi ne, %convert_element_type3A_570, %cond3A_571 : i32
    scf.if %cond3A_572 {
      %dma_wait3A_576 = arith.constant 0 : i32
      %dma_wait3A_577 = arith.constant 0 : i32
      %dma_wait3A_578 = tpu.memref_slice %arg44[%dma_wait3A_576, %dma_wait3A_577] : memref<10240x16xf32, #tpu.memory_space<vmem_shared>> -> memref<10240x16xf32, #tpu.memory_space<vmem_shared>>
      tpu.wait_indirect_dma semaphore(%arg50 : memref<!tpu.dma_semaphore, #tpu.memory_space<semaphore_mem>>) src(%arg41 : memref<80x16xf32, #tpu.memory_space<vmem>>) dst(%dma_wait3A_578 : memref<10240x16xf32, #tpu.memory_space<vmem_shared>>)
      %dma_wait3A_579 = arith.constant 0 : i32
      %dma_wait3A_580 = arith.constant 0 : i32
      %dma_wait3A_581 = tpu.memref_slice %arg44[%dma_wait3A_579, %dma_wait3A_580] : memref<10240x16xf32, #tpu.memory_space<vmem_shared>> -> memref<10240x16xf32, #tpu.memory_space<vmem_shared>>
      tpu.wait_indirect_dma semaphore(%arg50 : memref<!tpu.dma_semaphore, #tpu.memory_space<semaphore_mem>>) src(%arg41 : memref<80x16xf32, #tpu.memory_space<vmem>>) dst(%dma_wait3A_581 : memref<10240x16xf32, #tpu.memory_space<vmem_shared>>)
      %dma_wait3A_582 = arith.constant 0 : i32
      %dma_wait3A_583 = arith.constant 0 : i32
      %dma_wait3A_584 = tpu.memref_slice %arg44[%dma_wait3A_582, %dma_wait3A_583] : memref<10240x16xf32, #tpu.memory_space<vmem_shared>> -> memref<10240x16xf32, #tpu.memory_space<vmem_shared>>
      tpu.wait_indirect_dma semaphore(%arg50 : memref<!tpu.dma_semaphore, #tpu.memory_space<semaphore_mem>>) src(%arg41 : memref<80x16xf32, #tpu.memory_space<vmem>>) dst(%dma_wait3A_584 : memref<10240x16xf32, #tpu.memory_space<vmem_shared>>)
      %dma_wait3A_585 = arith.constant 0 : i32
      %dma_wait3A_586 = arith.constant 0 : i32
      %dma_wait3A_587 = tpu.memref_slice %arg44[%dma_wait3A_585, %dma_wait3A_586] : memref<10240x16xf32, #tpu.memory_space<vmem_shared>> -> memref<10240x16xf32, #tpu.memory_space<vmem_shared>>
      tpu.wait_indirect_dma semaphore(%arg50 : memref<!tpu.dma_semaphore, #tpu.memory_space<semaphore_mem>>) src(%arg41 : memref<80x16xf32, #tpu.memory_space<vmem>>) dst(%dma_wait3A_587 : memref<10240x16xf32, #tpu.memory_space<vmem_shared>>)
      %dma_wait3A_588 = arith.constant 0 : i32
      %dma_wait3A_589 = arith.constant 0 : i32
      %dma_wait3A_590 = tpu.memref_slice %arg44[%dma_wait3A_588, %dma_wait3A_589] : memref<10240x16xf32, #tpu.memory_space<vmem_shared>> -> memref<10240x16xf32, #tpu.memory_space<vmem_shared>>
      tpu.wait_indirect_dma semaphore(%arg50 : memref<!tpu.dma_semaphore, #tpu.memory_space<semaphore_mem>>) src(%arg41 : memref<80x16xf32, #tpu.memory_space<vmem>>) dst(%dma_wait3A_590 : memref<10240x16xf32, #tpu.memory_space<vmem_shared>>)
    } else {
    }
    %barrier3A_573 = arith.constant 0 : index
    tpu.barrier barrier_id(%barrier3A_573)
    %mul3A_574 = arith.constant 640 : i32
    %mul3A_575 = arith.muli %arg1, %mul3A_574 : i32
    "tpu.region"() ({
      %run_scoped3A = tpu.sem_alloc : memref<!tpu.dma_semaphore, #tpu.memory_space<semaphore_mem>>
      %dma_start3A_576 = arith.constant 0 : i32
      %dma_start3A_577 = tpu.memref_slice %arg4[%arg0, %mul3A_575, %dma_start3A_576] : memref<2x10240x64xf32, #tpu.memory_space<hbm>> -> memref<1x640x64xf32, #tpu.memory_space<hbm>>
      %dma_start3A_578 = tpu.memref_squeeze %dma_start3A_577 : memref<1x640x64xf32, #tpu.memory_space<hbm>> -> memref<640x64xf32, #tpu.memory_space<hbm>>
      %dma_start3A_579 = arith.constant 0 : i32
      %dma_start3A_580 = tpu.memref_slice %arg43[%mul3A_575, %dma_start3A_579] : memref<10240x64xf32, #tpu.memory_space<vmem_shared>> -> memref<640x64xf32, #tpu.memory_space<vmem_shared>>
      tpu.enqueue_dma source(%dma_start3A_580 : memref<640x64xf32, #tpu.memory_space<vmem_shared>>) target(%dma_start3A_578 : memref<640x64xf32, #tpu.memory_space<hbm>>) target_semaphore(%run_scoped3A : memref<!tpu.dma_semaphore, #tpu.memory_space<semaphore_mem>>)
      %dma_wait3A_581 = arith.constant 0 : i32
      %dma_wait3A_582 = tpu.memref_slice %arg4[%arg0, %mul3A_575, %dma_wait3A_581] : memref<2x10240x64xf32, #tpu.memory_space<hbm>> -> memref<1x640x64xf32, #tpu.memory_space<hbm>>
      %dma_wait3A_583 = tpu.memref_squeeze %dma_wait3A_582 : memref<1x640x64xf32, #tpu.memory_space<hbm>> -> memref<640x64xf32, #tpu.memory_space<hbm>>
      %dma_wait3A_584 = arith.constant 0 : i32
      %dma_wait3A_585 = tpu.memref_slice %arg43[%mul3A_575, %dma_wait3A_584] : memref<10240x64xf32, #tpu.memory_space<vmem_shared>> -> memref<640x64xf32, #tpu.memory_space<vmem_shared>>
      tpu.wait_dma2 semaphore(%run_scoped3A : memref<!tpu.dma_semaphore, #tpu.memory_space<semaphore_mem>>) src(%dma_wait3A_585 : memref<640x64xf32, #tpu.memory_space<vmem_shared>>) dst(%dma_wait3A_583 : memref<640x64xf32, #tpu.memory_space<hbm>>)
      tpu.yield
    }) : () -> ()
    "tpu.region"() ({
      %run_scoped3A = tpu.sem_alloc : memref<!tpu.dma_semaphore, #tpu.memory_space<semaphore_mem>>
      %dma_start3A_576 = arith.constant 0 : i32
      %dma_start3A_577 = tpu.memref_slice %arg5[%arg0, %mul3A_575, %dma_start3A_576] : memref<2x10240x16xf32, #tpu.memory_space<hbm>> -> memref<1x640x16xf32, #tpu.memory_space<hbm>>
      %dma_start3A_578 = tpu.memref_squeeze %dma_start3A_577 : memref<1x640x16xf32, #tpu.memory_space<hbm>> -> memref<640x16xf32, #tpu.memory_space<hbm>>
      %dma_start3A_579 = arith.constant 0 : i32
      %dma_start3A_580 = tpu.memref_slice %arg44[%mul3A_575, %dma_start3A_579] : memref<10240x16xf32, #tpu.memory_space<vmem_shared>> -> memref<640x16xf32, #tpu.memory_space<vmem_shared>>
      tpu.enqueue_dma source(%dma_start3A_580 : memref<640x16xf32, #tpu.memory_space<vmem_shared>>) target(%dma_start3A_578 : memref<640x16xf32, #tpu.memory_space<hbm>>) target_semaphore(%run_scoped3A : memref<!tpu.dma_semaphore, #tpu.memory_space<semaphore_mem>>)
      %dma_wait3A_581 = arith.constant 0 : i32
      %dma_wait3A_582 = tpu.memref_slice %arg5[%arg0, %mul3A_575, %dma_wait3A_581] : memref<2x10240x16xf32, #tpu.memory_space<hbm>> -> memref<1x640x16xf32, #tpu.memory_space<hbm>>
      %dma_wait3A_583 = tpu.memref_squeeze %dma_wait3A_582 : memref<1x640x16xf32, #tpu.memory_space<hbm>> -> memref<640x16xf32, #tpu.memory_space<hbm>>
      %dma_wait3A_584 = arith.constant 0 : i32
      %dma_wait3A_585 = tpu.memref_slice %arg44[%mul3A_575, %dma_wait3A_584] : memref<10240x16xf32, #tpu.memory_space<vmem_shared>> -> memref<640x16xf32, #tpu.memory_space<vmem_shared>>
      tpu.wait_dma2 semaphore(%run_scoped3A : memref<!tpu.dma_semaphore, #tpu.memory_space<semaphore_mem>>) src(%dma_wait3A_585 : memref<640x16xf32, #tpu.memory_space<vmem_shared>>) dst(%dma_wait3A_583 : memref<640x16xf32, #tpu.memory_space<hbm>>)
      tpu.yield
    }) : () -> ()
    return
  }
}

#map = affine_map<(d0, d1) -> (0, 0)>
#map1 = affine_map<(d0, d1) -> (0, 0, 0)>
module attributes {stable_mosaic.version = 14 : i64} {
  func.func @body(%arg0: i32, %arg1: i32, %arg2: memref<10000x16xf32, #tpu.memory_space<hbm>>, %arg3: memref<2x320000xi32, #tpu.memory_space<hbm>>, %arg4: memref<2x10240x16xf32, #tpu.memory_space<hbm>>, %arg5: memref<400xi32, #tpu.memory_space<vmem>>, %arg6: memref<400xi32, #tpu.memory_space<vmem>>, %arg7: memref<400xi32, #tpu.memory_space<vmem>>, %arg8: memref<400xi32, #tpu.memory_space<vmem>>, %arg9: memref<80xi32, #tpu.memory_space<vmem>>, %arg10: memref<80xi32, #tpu.memory_space<vmem>>, %arg11: memref<80xi32, #tpu.memory_space<vmem>>, %arg12: memref<80xi32, #tpu.memory_space<vmem>>, %arg13: memref<80xi32, #tpu.memory_space<vmem>>, %arg14: memref<80xi32, #tpu.memory_space<vmem>>, %arg15: memref<80xi32, #tpu.memory_space<vmem>>, %arg16: memref<80xi32, #tpu.memory_space<vmem>>, %arg17: memref<80xi32, #tpu.memory_space<vmem>>, %arg18: memref<80xi32, #tpu.memory_space<vmem>>, %arg19: memref<80xi32, #tpu.memory_space<vmem>>, %arg20: memref<80xi32, #tpu.memory_space<vmem>>, %arg21: memref<80xi32, #tpu.memory_space<vmem>>, %arg22: memref<80xi32, #tpu.memory_space<vmem>>, %arg23: memref<80xi32, #tpu.memory_space<vmem>>, %arg24: memref<80xi32, #tpu.memory_space<vmem>>, %arg25: memref<80xi32, #tpu.memory_space<vmem>>, %arg26: memref<80xi32, #tpu.memory_space<vmem>>, %arg27: memref<80xi32, #tpu.memory_space<vmem>>, %arg28: memref<80xi32, #tpu.memory_space<vmem>>, %arg29: memref<80x16xf32, #tpu.memory_space<vmem>>, %arg30: memref<80x16xf32, #tpu.memory_space<vmem>>, %arg31: memref<80x16xf32, #tpu.memory_space<vmem>>, %arg32: memref<80x16xf32, #tpu.memory_space<vmem>>, %arg33: memref<80x16xf32, #tpu.memory_space<vmem>>, %arg34: memref<80x16xf32, #tpu.memory_space<vmem>>, %arg35: memref<80x16xf32, #tpu.memory_space<vmem>>, %arg36: memref<80x16xf32, #tpu.memory_space<vmem>>, %arg37: memref<80x16xf32, #tpu.memory_space<vmem>>, %arg38: memref<80x16xf32, #tpu.memory_space<vmem>>, %arg39: memref<320x16xf32, #tpu.memory_space<vmem>>, %arg40: memref<10240x16xf32, #tpu.memory_space<vmem_shared>>, %arg41: memref<!tpu.dma_semaphore, #tpu.memory_space<semaphore_mem>>, %arg42: memref<!tpu.dma_semaphore, #tpu.memory_space<semaphore_mem>>, %arg43: memref<!tpu.dma_semaphore, #tpu.memory_space<semaphore_mem>>, %arg44: memref<!tpu.dma_semaphore, #tpu.memory_space<semaphore_mem>>, %arg45: memref<!tpu.dma_semaphore, #tpu.memory_space<semaphore_mem>>, %arg46: memref<!tpu.dma_semaphore, #tpu.memory_space<semaphore_mem>>) attributes {dimension_semantics = [#tpu.dimension_semantics<core_parallel>, #tpu.dimension_semantics<subcore_parallel>], iteration_bounds = array<i64: 2, 16>, scalar_prefetch = 0 : i64, scratch_operands = 42 : i64, tpu.core_type = #tpu.core_type<sc_vector_subcore>, window_params = [{transform_indices = #map}, {transform_indices = #map}, {transform_indices = #map1}]} {
    %mul3A = arith.constant 16 : i32
    %mul3A_0 = arith.muli %arg0, %mul3A : i32
    %add3A = arith.addi %mul3A_0, %arg1 : i32
    %mul3A_1 = arith.constant 25 : i32
    %mul3A_2 = arith.muli %add3A, %mul3A_1 : i32
    %mul3A_3 = arith.constant 400 : i32
    %mul3A_4 = arith.muli %mul3A_2, %mul3A_3 : i32
    %add3A_5 = arith.constant 0 : i32
    %add3A_6 = arith.addi %mul3A_4, %add3A_5 : i32
    %multiple_of3A = tpu.assume_multiple %add3A_6, 80 : i32
    %dma_start3A = arith.constant 0 : i32
    %dma_start3A_7 = tpu.memref_slice %arg3[%dma_start3A, %multiple_of3A] : memref<2x320000xi32, #tpu.memory_space<hbm>> -> memref<1x400xi32, #tpu.memory_space<hbm>>
    %dma_start3A_8 = tpu.memref_squeeze %dma_start3A_7 : memref<1x400xi32, #tpu.memory_space<hbm>> -> memref<400xi32, #tpu.memory_space<hbm>>
    %dma_start3A_9 = tpu.memref_slice %arg3[%dma_start3A, %multiple_of3A] : memref<2x320000xi32, #tpu.memory_space<hbm>> -> memref<1x400xi32, #tpu.memory_space<hbm>>
    %dma_start3A_10 = tpu.memref_squeeze %dma_start3A_9 : memref<1x400xi32, #tpu.memory_space<hbm>> -> memref<400xi32, #tpu.memory_space<hbm>>
    tpu.enqueue_dma source(%dma_start3A_10 : memref<400xi32, #tpu.memory_space<hbm>>) target(%arg5 : memref<400xi32, #tpu.memory_space<vmem>>) target_semaphore(%arg41 : memref<!tpu.dma_semaphore, #tpu.memory_space<semaphore_mem>>)
    %dma_start3A_11 = arith.constant 1 : i32
    %dma_start3A_12 = tpu.memref_slice %arg3[%dma_start3A_11, %multiple_of3A] : memref<2x320000xi32, #tpu.memory_space<hbm>> -> memref<1x400xi32, #tpu.memory_space<hbm>>
    %dma_start3A_13 = tpu.memref_squeeze %dma_start3A_12 : memref<1x400xi32, #tpu.memory_space<hbm>> -> memref<400xi32, #tpu.memory_space<hbm>>
    %dma_start3A_14 = tpu.memref_slice %arg3[%dma_start3A_11, %multiple_of3A] : memref<2x320000xi32, #tpu.memory_space<hbm>> -> memref<1x400xi32, #tpu.memory_space<hbm>>
    %dma_start3A_15 = tpu.memref_squeeze %dma_start3A_14 : memref<1x400xi32, #tpu.memory_space<hbm>> -> memref<400xi32, #tpu.memory_space<hbm>>
    tpu.enqueue_dma source(%dma_start3A_15 : memref<400xi32, #tpu.memory_space<hbm>>) target(%arg7 : memref<400xi32, #tpu.memory_space<vmem>>) target_semaphore(%arg41 : memref<!tpu.dma_semaphore, #tpu.memory_space<semaphore_mem>>)
    %scan3A = arith.constant 0 : i32
    %scan3A_16 = arith.constant 320 : i32
    %scan3A_17 = arith.addi %scan3A, %scan3A_16 : i32
    %scan3A_18 = arith.constant 1 : i32
    scf.for %scan3A_455 = %scan3A to %scan3A_17 step %scan3A_18  : i32 {
      %mul3A_456 = arith.constant 1 : i32
      %mul3A_457 = arith.muli %scan3A_455, %mul3A_456 : i32
      %add3A_458 = arith.constant 0 : i32
      %add3A_459 = arith.addi %add3A_458, %mul3A_457 : i32
      %broadcast_in_dim3A = arith.constant 0.000000e+00 : f32
      %broadcast_in_dim3A_460 = vector.broadcast %broadcast_in_dim3A : f32 to vector<16xf32>
      %swap3A_461 = arith.index_cast %add3A_459 : i32 to index
      %swap3A_462 = arith.constant 0 : index
      %swap3A_463 = tpu.vector_load %arg39[%swap3A_461, %swap3A_462] {strides = array<i32>} : memref<320x16xf32, #tpu.memory_space<vmem>>, vector<1x16xf32>,
      %swap3A_464 = vector.shape_cast %swap3A_463 : vector<1x16xf32> to vector<16xf32>
      %swap3A_465 = vector.shape_cast %broadcast_in_dim3A_460 : vector<16xf32> to vector<1x16xf32>
      tpu.vector_store %arg39[%swap3A_461, %swap3A_462], %swap3A_465 {strides = array<i32>} : memref<320x16xf32, #tpu.memory_space<vmem>>, vector<1x16xf32>,
    }
    %scan3A_19 = arith.constant 320 : i32
    %mul3A_20 = arith.constant 640 : i32
    %mul3A_21 = arith.muli %arg1, %mul3A_20 : i32
    %add3A_22 = arith.constant 0 : i32
    %add3A_23 = arith.addi %mul3A_21, %add3A_22 : i32
    "tpu.region"() ({
      %run_scoped3A = tpu.sem_alloc : memref<!tpu.dma_semaphore, #tpu.memory_space<semaphore_mem>>
      %dma_start3A_455 = arith.constant 0 : i32
      %dma_start3A_456 = tpu.memref_slice %arg40[%add3A_23, %dma_start3A_455] : memref<10240x16xf32, #tpu.memory_space<vmem_shared>> -> memref<320x16xf32, #tpu.memory_space<vmem_shared>>
      %dma_start3A_457 = arith.constant 0 : i32
      %dma_start3A_458 = tpu.memref_slice %arg40[%add3A_23, %dma_start3A_457] : memref<10240x16xf32, #tpu.memory_space<vmem_shared>> -> memref<320x16xf32, #tpu.memory_space<vmem_shared>>
      tpu.enqueue_dma source(%arg39 : memref<320x16xf32, #tpu.memory_space<vmem>>) target(%dma_start3A_458 : memref<320x16xf32, #tpu.memory_space<vmem_shared>>) target_semaphore(%run_scoped3A : memref<!tpu.dma_semaphore, #tpu.memory_space<semaphore_mem>>)
      %dma_wait3A_459 = arith.constant 0 : i32
      %dma_wait3A_460 = tpu.memref_slice %arg40[%add3A_23, %dma_wait3A_459] : memref<10240x16xf32, #tpu.memory_space<vmem_shared>> -> memref<320x16xf32, #tpu.memory_space<vmem_shared>>
      %dma_wait3A_461 = arith.constant 0 : i32
      %dma_wait3A_462 = tpu.memref_slice %arg40[%add3A_23, %dma_wait3A_461] : memref<10240x16xf32, #tpu.memory_space<vmem_shared>> -> memref<320x16xf32, #tpu.memory_space<vmem_shared>>
      tpu.wait_dma2 semaphore(%run_scoped3A : memref<!tpu.dma_semaphore, #tpu.memory_space<semaphore_mem>>) src(%arg39 : memref<320x16xf32, #tpu.memory_space<vmem>>) dst(%dma_wait3A_462 : memref<320x16xf32, #tpu.memory_space<vmem_shared>>)
      tpu.yield
    }) : () -> ()
    %mul3A_24 = arith.constant 640 : i32
    %mul3A_25 = arith.muli %arg1, %mul3A_24 : i32
    %add3A_26 = arith.constant 320 : i32
    %add3A_27 = arith.addi %mul3A_25, %add3A_26 : i32
    "tpu.region"() ({
      %run_scoped3A = tpu.sem_alloc : memref<!tpu.dma_semaphore, #tpu.memory_space<semaphore_mem>>
      %dma_start3A_455 = arith.constant 0 : i32
      %dma_start3A_456 = tpu.memref_slice %arg40[%add3A_27, %dma_start3A_455] : memref<10240x16xf32, #tpu.memory_space<vmem_shared>> -> memref<320x16xf32, #tpu.memory_space<vmem_shared>>
      %dma_start3A_457 = arith.constant 0 : i32
      %dma_start3A_458 = tpu.memref_slice %arg40[%add3A_27, %dma_start3A_457] : memref<10240x16xf32, #tpu.memory_space<vmem_shared>> -> memref<320x16xf32, #tpu.memory_space<vmem_shared>>
      tpu.enqueue_dma source(%arg39 : memref<320x16xf32, #tpu.memory_space<vmem>>) target(%dma_start3A_458 : memref<320x16xf32, #tpu.memory_space<vmem_shared>>) target_semaphore(%run_scoped3A : memref<!tpu.dma_semaphore, #tpu.memory_space<semaphore_mem>>)
      %dma_wait3A_459 = arith.constant 0 : i32
      %dma_wait3A_460 = tpu.memref_slice %arg40[%add3A_27, %dma_wait3A_459] : memref<10240x16xf32, #tpu.memory_space<vmem_shared>> -> memref<320x16xf32, #tpu.memory_space<vmem_shared>>
      %dma_wait3A_461 = arith.constant 0 : i32
      %dma_wait3A_462 = tpu.memref_slice %arg40[%add3A_27, %dma_wait3A_461] : memref<10240x16xf32, #tpu.memory_space<vmem_shared>> -> memref<320x16xf32, #tpu.memory_space<vmem_shared>>
      tpu.wait_dma2 semaphore(%run_scoped3A : memref<!tpu.dma_semaphore, #tpu.memory_space<semaphore_mem>>) src(%arg39 : memref<320x16xf32, #tpu.memory_space<vmem>>) dst(%dma_wait3A_462 : memref<320x16xf32, #tpu.memory_space<vmem_shared>>)
      tpu.yield
    }) : () -> ()
    %barrier3A = arith.constant 0 : index
    tpu.barrier barrier_id(%barrier3A)
    %dma_wait3A = arith.constant 0 : i32
    %dma_wait3A_28 = arith.constant 0 : i32
    %dma_wait3A_29 = tpu.memref_slice %arg3[%dma_wait3A, %dma_wait3A_28] : memref<2x320000xi32, #tpu.memory_space<hbm>> -> memref<1x400xi32, #tpu.memory_space<hbm>>
    %dma_wait3A_30 = tpu.memref_squeeze %dma_wait3A_29 : memref<1x400xi32, #tpu.memory_space<hbm>> -> memref<400xi32, #tpu.memory_space<hbm>>
    %dma_wait3A_31 = arith.constant 0 : i32
    %dma_wait3A_32 = tpu.memref_slice %arg3[%dma_wait3A, %dma_wait3A_31] : memref<2x320000xi32, #tpu.memory_space<hbm>> -> memref<1x400xi32, #tpu.memory_space<hbm>>
    %dma_wait3A_33 = tpu.memref_squeeze %dma_wait3A_32 : memref<1x400xi32, #tpu.memory_space<hbm>> -> memref<400xi32, #tpu.memory_space<hbm>>
    tpu.wait_dma2 semaphore(%arg41 : memref<!tpu.dma_semaphore, #tpu.memory_space<semaphore_mem>>) src(%dma_wait3A_33 : memref<400xi32, #tpu.memory_space<hbm>>) dst(%arg5 : memref<400xi32, #tpu.memory_space<vmem>>)
    %dma_wait3A_34 = arith.constant 1 : i32
    %dma_wait3A_35 = arith.constant 0 : i32
    %dma_wait3A_36 = tpu.memref_slice %arg3[%dma_wait3A_34, %dma_wait3A_35] : memref<2x320000xi32, #tpu.memory_space<hbm>> -> memref<1x400xi32, #tpu.memory_space<hbm>>
    %dma_wait3A_37 = tpu.memref_squeeze %dma_wait3A_36 : memref<1x400xi32, #tpu.memory_space<hbm>> -> memref<400xi32, #tpu.memory_space<hbm>>
    %dma_wait3A_38 = arith.constant 0 : i32
    %dma_wait3A_39 = tpu.memref_slice %arg3[%dma_wait3A_34, %dma_wait3A_38] : memref<2x320000xi32, #tpu.memory_space<hbm>> -> memref<1x400xi32, #tpu.memory_space<hbm>>
    %dma_wait3A_40 = tpu.memref_squeeze %dma_wait3A_39 : memref<1x400xi32, #tpu.memory_space<hbm>> -> memref<400xi32, #tpu.memory_space<hbm>>
    tpu.wait_dma2 semaphore(%arg41 : memref<!tpu.dma_semaphore, #tpu.memory_space<semaphore_mem>>) src(%dma_wait3A_40 : memref<400xi32, #tpu.memory_space<hbm>>) dst(%arg7 : memref<400xi32, #tpu.memory_space<vmem>>)
    %get3A = arith.constant 0 : index
    %get3A_41 = tpu.vector_load %arg5[%get3A] {strides = array<i32>} : memref<400xi32, #tpu.memory_space<vmem>>, vector<16xi32>,
    %get3A_42 = vector.shape_cast %get3A_41 : vector<16xi32> to vector<16xi32>
    %swap3A = arith.constant 0 : index
    %swap3A_43 = tpu.vector_load %arg9[%swap3A] {strides = array<i32>} : memref<80xi32, #tpu.memory_space<vmem>>, vector<16xi32>,
    %swap3A_44 = vector.shape_cast %swap3A_43 : vector<16xi32> to vector<16xi32>
    %swap3A_45 = vector.shape_cast %get3A_42 : vector<16xi32> to vector<16xi32>
    tpu.vector_store %arg9[%swap3A], %swap3A_45 {strides = array<i32>} : memref<80xi32, #tpu.memory_space<vmem>>, vector<16xi32>,
    %get3A_46 = arith.constant 0 : index
    %get3A_47 = tpu.vector_load %arg7[%get3A_46] {strides = array<i32>} : memref<400xi32, #tpu.memory_space<vmem>>, vector<16xi32>,
    %get3A_48 = vector.shape_cast %get3A_47 : vector<16xi32> to vector<16xi32>
    %swap3A_49 = arith.constant 0 : index
    %swap3A_50 = tpu.vector_load %arg19[%swap3A_49] {strides = array<i32>} : memref<80xi32, #tpu.memory_space<vmem>>, vector<16xi32>,
    %swap3A_51 = vector.shape_cast %swap3A_50 : vector<16xi32> to vector<16xi32>
    %swap3A_52 = vector.shape_cast %get3A_48 : vector<16xi32> to vector<16xi32>
    tpu.vector_store %arg19[%swap3A_49], %swap3A_52 {strides = array<i32>} : memref<80xi32, #tpu.memory_space<vmem>>, vector<16xi32>,
    %get3A_53 = arith.constant 16 : index
    %get3A_54 = tpu.vector_load %arg5[%get3A_53] {strides = array<i32>} : memref<400xi32, #tpu.memory_space<vmem>>, vector<16xi32>,
    %get3A_55 = vector.shape_cast %get3A_54 : vector<16xi32> to vector<16xi32>
    %swap3A_56 = arith.constant 16 : index
    %swap3A_57 = tpu.vector_load %arg9[%swap3A_56] {strides = array<i32>} : memref<80xi32, #tpu.memory_space<vmem>>, vector<16xi32>,
    %swap3A_58 = vector.shape_cast %swap3A_57 : vector<16xi32> to vector<16xi32>
    %swap3A_59 = vector.shape_cast %get3A_55 : vector<16xi32> to vector<16xi32>
    tpu.vector_store %arg9[%swap3A_56], %swap3A_59 {strides = array<i32>} : memref<80xi32, #tpu.memory_space<vmem>>, vector<16xi32>,
    %get3A_60 = arith.constant 16 : index
    %get3A_61 = tpu.vector_load %arg7[%get3A_60] {strides = array<i32>} : memref<400xi32, #tpu.memory_space<vmem>>, vector<16xi32>,
    %get3A_62 = vector.shape_cast %get3A_61 : vector<16xi32> to vector<16xi32>
    %swap3A_63 = arith.constant 16 : index
    %swap3A_64 = tpu.vector_load %arg19[%swap3A_63] {strides = array<i32>} : memref<80xi32, #tpu.memory_space<vmem>>, vector<16xi32>,
    %swap3A_65 = vector.shape_cast %swap3A_64 : vector<16xi32> to vector<16xi32>
    %swap3A_66 = vector.shape_cast %get3A_62 : vector<16xi32> to vector<16xi32>
    tpu.vector_store %arg19[%swap3A_63], %swap3A_66 {strides = array<i32>} : memref<80xi32, #tpu.memory_space<vmem>>, vector<16xi32>,
    %get3A_67 = arith.constant 32 : index
    %get3A_68 = tpu.vector_load %arg5[%get3A_67] {strides = array<i32>} : memref<400xi32, #tpu.memory_space<vmem>>, vector<16xi32>,
    %get3A_69 = vector.shape_cast %get3A_68 : vector<16xi32> to vector<16xi32>
    %swap3A_70 = arith.constant 32 : index
    %swap3A_71 = tpu.vector_load %arg9[%swap3A_70] {strides = array<i32>} : memref<80xi32, #tpu.memory_space<vmem>>, vector<16xi32>,
    %swap3A_72 = vector.shape_cast %swap3A_71 : vector<16xi32> to vector<16xi32>
    %swap3A_73 = vector.shape_cast %get3A_69 : vector<16xi32> to vector<16xi32>
    tpu.vector_store %arg9[%swap3A_70], %swap3A_73 {strides = array<i32>} : memref<80xi32, #tpu.memory_space<vmem>>, vector<16xi32>,
    %get3A_74 = arith.constant 32 : index
    %get3A_75 = tpu.vector_load %arg7[%get3A_74] {strides = array<i32>} : memref<400xi32, #tpu.memory_space<vmem>>, vector<16xi32>,
    %get3A_76 = vector.shape_cast %get3A_75 : vector<16xi32> to vector<16xi32>
    %swap3A_77 = arith.constant 32 : index
    %swap3A_78 = tpu.vector_load %arg19[%swap3A_77] {strides = array<i32>} : memref<80xi32, #tpu.memory_space<vmem>>, vector<16xi32>,
    %swap3A_79 = vector.shape_cast %swap3A_78 : vector<16xi32> to vector<16xi32>
    %swap3A_80 = vector.shape_cast %get3A_76 : vector<16xi32> to vector<16xi32>
    tpu.vector_store %arg19[%swap3A_77], %swap3A_80 {strides = array<i32>} : memref<80xi32, #tpu.memory_space<vmem>>, vector<16xi32>,
    %get3A_81 = arith.constant 48 : index
    %get3A_82 = tpu.vector_load %arg5[%get3A_81] {strides = array<i32>} : memref<400xi32, #tpu.memory_space<vmem>>, vector<16xi32>,
    %get3A_83 = vector.shape_cast %get3A_82 : vector<16xi32> to vector<16xi32>
    %swap3A_84 = arith.constant 48 : index
    %swap3A_85 = tpu.vector_load %arg9[%swap3A_84] {strides = array<i32>} : memref<80xi32, #tpu.memory_space<vmem>>, vector<16xi32>,
    %swap3A_86 = vector.shape_cast %swap3A_85 : vector<16xi32> to vector<16xi32>
    %swap3A_87 = vector.shape_cast %get3A_83 : vector<16xi32> to vector<16xi32>
    tpu.vector_store %arg9[%swap3A_84], %swap3A_87 {strides = array<i32>} : memref<80xi32, #tpu.memory_space<vmem>>, vector<16xi32>,
    %get3A_88 = arith.constant 48 : index
    %get3A_89 = tpu.vector_load %arg7[%get3A_88] {strides = array<i32>} : memref<400xi32, #tpu.memory_space<vmem>>, vector<16xi32>,
    %get3A_90 = vector.shape_cast %get3A_89 : vector<16xi32> to vector<16xi32>
    %swap3A_91 = arith.constant 48 : index
    %swap3A_92 = tpu.vector_load %arg19[%swap3A_91] {strides = array<i32>} : memref<80xi32, #tpu.memory_space<vmem>>, vector<16xi32>,
    %swap3A_93 = vector.shape_cast %swap3A_92 : vector<16xi32> to vector<16xi32>
    %swap3A_94 = vector.shape_cast %get3A_90 : vector<16xi32> to vector<16xi32>
    tpu.vector_store %arg19[%swap3A_91], %swap3A_94 {strides = array<i32>} : memref<80xi32, #tpu.memory_space<vmem>>, vector<16xi32>,
    %get3A_95 = arith.constant 64 : index
    %get3A_96 = tpu.vector_load %arg5[%get3A_95] {strides = array<i32>} : memref<400xi32, #tpu.memory_space<vmem>>, vector<16xi32>,
    %get3A_97 = vector.shape_cast %get3A_96 : vector<16xi32> to vector<16xi32>
    %swap3A_98 = arith.constant 64 : index
    %swap3A_99 = tpu.vector_load %arg9[%swap3A_98] {strides = array<i32>} : memref<80xi32, #tpu.memory_space<vmem>>, vector<16xi32>,
    %swap3A_100 = vector.shape_cast %swap3A_99 : vector<16xi32> to vector<16xi32>
    %swap3A_101 = vector.shape_cast %get3A_97 : vector<16xi32> to vector<16xi32>
    tpu.vector_store %arg9[%swap3A_98], %swap3A_101 {strides = array<i32>} : memref<80xi32, #tpu.memory_space<vmem>>, vector<16xi32>,
    %get3A_102 = arith.constant 64 : index
    %get3A_103 = tpu.vector_load %arg7[%get3A_102] {strides = array<i32>} : memref<400xi32, #tpu.memory_space<vmem>>, vector<16xi32>,
    %get3A_104 = vector.shape_cast %get3A_103 : vector<16xi32> to vector<16xi32>
    %swap3A_105 = arith.constant 64 : index
    %swap3A_106 = tpu.vector_load %arg19[%swap3A_105] {strides = array<i32>} : memref<80xi32, #tpu.memory_space<vmem>>, vector<16xi32>,
    %swap3A_107 = vector.shape_cast %swap3A_106 : vector<16xi32> to vector<16xi32>
    %swap3A_108 = vector.shape_cast %get3A_104 : vector<16xi32> to vector<16xi32>
    tpu.vector_store %arg19[%swap3A_105], %swap3A_108 {strides = array<i32>} : memref<80xi32, #tpu.memory_space<vmem>>, vector<16xi32>,
    %dma_start3A_109 = arith.constant 0 : i32
    %dma_start3A_110 = arith.constant 0 : i32
    %dma_start3A_111 = tpu.memref_slice %arg2[%dma_start3A_109, %dma_start3A_110] : memref<10000x16xf32, #tpu.memory_space<hbm>> -> memref<10000x16xf32, #tpu.memory_space<hbm>>
    tpu.enqueue_indirect_dma source(%dma_start3A_111 : memref<10000x16xf32, #tpu.memory_space<hbm>>) target(%arg29 : memref<80x16xf32, #tpu.memory_space<vmem>>) offsets(%arg9 : memref<80xi32, #tpu.memory_space<vmem>>) semaphore(%arg43 : memref<!tpu.dma_semaphore, #tpu.memory_space<semaphore_mem>>)
    %get3A_112 = arith.constant 80 : index
    %get3A_113 = tpu.vector_load %arg5[%get3A_112] {strides = array<i32>} : memref<400xi32, #tpu.memory_space<vmem>>, vector<16xi32>,
    %get3A_114 = vector.shape_cast %get3A_113 : vector<16xi32> to vector<16xi32>
    %swap3A_115 = arith.constant 0 : index
    %swap3A_116 = tpu.vector_load %arg10[%swap3A_115] {strides = array<i32>} : memref<80xi32, #tpu.memory_space<vmem>>, vector<16xi32>,
    %swap3A_117 = vector.shape_cast %swap3A_116 : vector<16xi32> to vector<16xi32>
    %swap3A_118 = vector.shape_cast %get3A_114 : vector<16xi32> to vector<16xi32>
    tpu.vector_store %arg10[%swap3A_115], %swap3A_118 {strides = array<i32>} : memref<80xi32, #tpu.memory_space<vmem>>, vector<16xi32>,
    %get3A_119 = arith.constant 80 : index
    %get3A_120 = tpu.vector_load %arg7[%get3A_119] {strides = array<i32>} : memref<400xi32, #tpu.memory_space<vmem>>, vector<16xi32>,
    %get3A_121 = vector.shape_cast %get3A_120 : vector<16xi32> to vector<16xi32>
    %swap3A_122 = arith.constant 0 : index
    %swap3A_123 = tpu.vector_load %arg20[%swap3A_122] {strides = array<i32>} : memref<80xi32, #tpu.memory_space<vmem>>, vector<16xi32>,
    %swap3A_124 = vector.shape_cast %swap3A_123 : vector<16xi32> to vector<16xi32>
    %swap3A_125 = vector.shape_cast %get3A_121 : vector<16xi32> to vector<16xi32>
    tpu.vector_store %arg20[%swap3A_122], %swap3A_125 {strides = array<i32>} : memref<80xi32, #tpu.memory_space<vmem>>, vector<16xi32>,
    %get3A_126 = arith.constant 96 : index
    %get3A_127 = tpu.vector_load %arg5[%get3A_126] {strides = array<i32>} : memref<400xi32, #tpu.memory_space<vmem>>, vector<16xi32>,
    %get3A_128 = vector.shape_cast %get3A_127 : vector<16xi32> to vector<16xi32>
    %swap3A_129 = arith.constant 16 : index
    %swap3A_130 = tpu.vector_load %arg10[%swap3A_129] {strides = array<i32>} : memref<80xi32, #tpu.memory_space<vmem>>, vector<16xi32>,
    %swap3A_131 = vector.shape_cast %swap3A_130 : vector<16xi32> to vector<16xi32>
    %swap3A_132 = vector.shape_cast %get3A_128 : vector<16xi32> to vector<16xi32>
    tpu.vector_store %arg10[%swap3A_129], %swap3A_132 {strides = array<i32>} : memref<80xi32, #tpu.memory_space<vmem>>, vector<16xi32>,
    %get3A_133 = arith.constant 96 : index
    %get3A_134 = tpu.vector_load %arg7[%get3A_133] {strides = array<i32>} : memref<400xi32, #tpu.memory_space<vmem>>, vector<16xi32>,
    %get3A_135 = vector.shape_cast %get3A_134 : vector<16xi32> to vector<16xi32>
    %swap3A_136 = arith.constant 16 : index
    %swap3A_137 = tpu.vector_load %arg20[%swap3A_136] {strides = array<i32>} : memref<80xi32, #tpu.memory_space<vmem>>, vector<16xi32>,
    %swap3A_138 = vector.shape_cast %swap3A_137 : vector<16xi32> to vector<16xi32>
    %swap3A_139 = vector.shape_cast %get3A_135 : vector<16xi32> to vector<16xi32>
    tpu.vector_store %arg20[%swap3A_136], %swap3A_139 {strides = array<i32>} : memref<80xi32, #tpu.memory_space<vmem>>, vector<16xi32>,
    %get3A_140 = arith.constant 112 : index
    %get3A_141 = tpu.vector_load %arg5[%get3A_140] {strides = array<i32>} : memref<400xi32, #tpu.memory_space<vmem>>, vector<16xi32>,
    %get3A_142 = vector.shape_cast %get3A_141 : vector<16xi32> to vector<16xi32>
    %swap3A_143 = arith.constant 32 : index
    %swap3A_144 = tpu.vector_load %arg10[%swap3A_143] {strides = array<i32>} : memref<80xi32, #tpu.memory_space<vmem>>, vector<16xi32>,
    %swap3A_145 = vector.shape_cast %swap3A_144 : vector<16xi32> to vector<16xi32>
    %swap3A_146 = vector.shape_cast %get3A_142 : vector<16xi32> to vector<16xi32>
    tpu.vector_store %arg10[%swap3A_143], %swap3A_146 {strides = array<i32>} : memref<80xi32, #tpu.memory_space<vmem>>, vector<16xi32>,
    %get3A_147 = arith.constant 112 : index
    %get3A_148 = tpu.vector_load %arg7[%get3A_147] {strides = array<i32>} : memref<400xi32, #tpu.memory_space<vmem>>, vector<16xi32>,
    %get3A_149 = vector.shape_cast %get3A_148 : vector<16xi32> to vector<16xi32>
    %swap3A_150 = arith.constant 32 : index
    %swap3A_151 = tpu.vector_load %arg20[%swap3A_150] {strides = array<i32>} : memref<80xi32, #tpu.memory_space<vmem>>, vector<16xi32>,
    %swap3A_152 = vector.shape_cast %swap3A_151 : vector<16xi32> to vector<16xi32>
    %swap3A_153 = vector.shape_cast %get3A_149 : vector<16xi32> to vector<16xi32>
    tpu.vector_store %arg20[%swap3A_150], %swap3A_153 {strides = array<i32>} : memref<80xi32, #tpu.memory_space<vmem>>, vector<16xi32>,
    %get3A_154 = arith.constant 128 : index
    %get3A_155 = tpu.vector_load %arg5[%get3A_154] {strides = array<i32>} : memref<400xi32, #tpu.memory_space<vmem>>, vector<16xi32>,
    %get3A_156 = vector.shape_cast %get3A_155 : vector<16xi32> to vector<16xi32>
    %swap3A_157 = arith.constant 48 : index
    %swap3A_158 = tpu.vector_load %arg10[%swap3A_157] {strides = array<i32>} : memref<80xi32, #tpu.memory_space<vmem>>, vector<16xi32>,
    %swap3A_159 = vector.shape_cast %swap3A_158 : vector<16xi32> to vector<16xi32>
    %swap3A_160 = vector.shape_cast %get3A_156 : vector<16xi32> to vector<16xi32>
    tpu.vector_store %arg10[%swap3A_157], %swap3A_160 {strides = array<i32>} : memref<80xi32, #tpu.memory_space<vmem>>, vector<16xi32>,
    %get3A_161 = arith.constant 128 : index
    %get3A_162 = tpu.vector_load %arg7[%get3A_161] {strides = array<i32>} : memref<400xi32, #tpu.memory_space<vmem>>, vector<16xi32>,
    %get3A_163 = vector.shape_cast %get3A_162 : vector<16xi32> to vector<16xi32>
    %swap3A_164 = arith.constant 48 : index
    %swap3A_165 = tpu.vector_load %arg20[%swap3A_164] {strides = array<i32>} : memref<80xi32, #tpu.memory_space<vmem>>, vector<16xi32>,
    %swap3A_166 = vector.shape_cast %swap3A_165 : vector<16xi32> to vector<16xi32>
    %swap3A_167 = vector.shape_cast %get3A_163 : vector<16xi32> to vector<16xi32>
    tpu.vector_store %arg20[%swap3A_164], %swap3A_167 {strides = array<i32>} : memref<80xi32, #tpu.memory_space<vmem>>, vector<16xi32>,
    %get3A_168 = arith.constant 144 : index
    %get3A_169 = tpu.vector_load %arg5[%get3A_168] {strides = array<i32>} : memref<400xi32, #tpu.memory_space<vmem>>, vector<16xi32>,
    %get3A_170 = vector.shape_cast %get3A_169 : vector<16xi32> to vector<16xi32>
    %swap3A_171 = arith.constant 64 : index
    %swap3A_172 = tpu.vector_load %arg10[%swap3A_171] {strides = array<i32>} : memref<80xi32, #tpu.memory_space<vmem>>, vector<16xi32>,
    %swap3A_173 = vector.shape_cast %swap3A_172 : vector<16xi32> to vector<16xi32>
    %swap3A_174 = vector.shape_cast %get3A_170 : vector<16xi32> to vector<16xi32>
    tpu.vector_store %arg10[%swap3A_171], %swap3A_174 {strides = array<i32>} : memref<80xi32, #tpu.memory_space<vmem>>, vector<16xi32>,
    %get3A_175 = arith.constant 144 : index
    %get3A_176 = tpu.vector_load %arg7[%get3A_175] {strides = array<i32>} : memref<400xi32, #tpu.memory_space<vmem>>, vector<16xi32>,
    %get3A_177 = vector.shape_cast %get3A_176 : vector<16xi32> to vector<16xi32>
    %swap3A_178 = arith.constant 64 : index
    %swap3A_179 = tpu.vector_load %arg20[%swap3A_178] {strides = array<i32>} : memref<80xi32, #tpu.memory_space<vmem>>, vector<16xi32>,
    %swap3A_180 = vector.shape_cast %swap3A_179 : vector<16xi32> to vector<16xi32>
    %swap3A_181 = vector.shape_cast %get3A_177 : vector<16xi32> to vector<16xi32>
    tpu.vector_store %arg20[%swap3A_178], %swap3A_181 {strides = array<i32>} : memref<80xi32, #tpu.memory_space<vmem>>, vector<16xi32>,
    %dma_start3A_182 = arith.constant 0 : i32
    %dma_start3A_183 = arith.constant 0 : i32
    %dma_start3A_184 = tpu.memref_slice %arg2[%dma_start3A_182, %dma_start3A_183] : memref<10000x16xf32, #tpu.memory_space<hbm>> -> memref<10000x16xf32, #tpu.memory_space<hbm>>
    tpu.enqueue_indirect_dma source(%dma_start3A_184 : memref<10000x16xf32, #tpu.memory_space<hbm>>) target(%arg30 : memref<80x16xf32, #tpu.memory_space<vmem>>) offsets(%arg10 : memref<80xi32, #tpu.memory_space<vmem>>) semaphore(%arg43 : memref<!tpu.dma_semaphore, #tpu.memory_space<semaphore_mem>>)
    %get3A_185 = arith.constant 160 : index
    %get3A_186 = tpu.vector_load %arg5[%get3A_185] {strides = array<i32>} : memref<400xi32, #tpu.memory_space<vmem>>, vector<16xi32>,
    %get3A_187 = vector.shape_cast %get3A_186 : vector<16xi32> to vector<16xi32>
    %swap3A_188 = arith.constant 0 : index
    %swap3A_189 = tpu.vector_load %arg11[%swap3A_188] {strides = array<i32>} : memref<80xi32, #tpu.memory_space<vmem>>, vector<16xi32>,
    %swap3A_190 = vector.shape_cast %swap3A_189 : vector<16xi32> to vector<16xi32>
    %swap3A_191 = vector.shape_cast %get3A_187 : vector<16xi32> to vector<16xi32>
    tpu.vector_store %arg11[%swap3A_188], %swap3A_191 {strides = array<i32>} : memref<80xi32, #tpu.memory_space<vmem>>, vector<16xi32>,
    %get3A_192 = arith.constant 160 : index
    %get3A_193 = tpu.vector_load %arg7[%get3A_192] {strides = array<i32>} : memref<400xi32, #tpu.memory_space<vmem>>, vector<16xi32>,
    %get3A_194 = vector.shape_cast %get3A_193 : vector<16xi32> to vector<16xi32>
    %swap3A_195 = arith.constant 0 : index
    %swap3A_196 = tpu.vector_load %arg21[%swap3A_195] {strides = array<i32>} : memref<80xi32, #tpu.memory_space<vmem>>, vector<16xi32>,
    %swap3A_197 = vector.shape_cast %swap3A_196 : vector<16xi32> to vector<16xi32>
    %swap3A_198 = vector.shape_cast %get3A_194 : vector<16xi32> to vector<16xi32>
    tpu.vector_store %arg21[%swap3A_195], %swap3A_198 {strides = array<i32>} : memref<80xi32, #tpu.memory_space<vmem>>, vector<16xi32>,
    %get3A_199 = arith.constant 176 : index
    %get3A_200 = tpu.vector_load %arg5[%get3A_199] {strides = array<i32>} : memref<400xi32, #tpu.memory_space<vmem>>, vector<16xi32>,
    %get3A_201 = vector.shape_cast %get3A_200 : vector<16xi32> to vector<16xi32>
    %swap3A_202 = arith.constant 16 : index
    %swap3A_203 = tpu.vector_load %arg11[%swap3A_202] {strides = array<i32>} : memref<80xi32, #tpu.memory_space<vmem>>, vector<16xi32>,
    %swap3A_204 = vector.shape_cast %swap3A_203 : vector<16xi32> to vector<16xi32>
    %swap3A_205 = vector.shape_cast %get3A_201 : vector<16xi32> to vector<16xi32>
    tpu.vector_store %arg11[%swap3A_202], %swap3A_205 {strides = array<i32>} : memref<80xi32, #tpu.memory_space<vmem>>, vector<16xi32>,
    %get3A_206 = arith.constant 176 : index
    %get3A_207 = tpu.vector_load %arg7[%get3A_206] {strides = array<i32>} : memref<400xi32, #tpu.memory_space<vmem>>, vector<16xi32>,
    %get3A_208 = vector.shape_cast %get3A_207 : vector<16xi32> to vector<16xi32>
    %swap3A_209 = arith.constant 16 : index
    %swap3A_210 = tpu.vector_load %arg21[%swap3A_209] {strides = array<i32>} : memref<80xi32, #tpu.memory_space<vmem>>, vector<16xi32>,
    %swap3A_211 = vector.shape_cast %swap3A_210 : vector<16xi32> to vector<16xi32>
    %swap3A_212 = vector.shape_cast %get3A_208 : vector<16xi32> to vector<16xi32>
    tpu.vector_store %arg21[%swap3A_209], %swap3A_212 {strides = array<i32>} : memref<80xi32, #tpu.memory_space<vmem>>, vector<16xi32>,
    %get3A_213 = arith.constant 192 : index
    %get3A_214 = tpu.vector_load %arg5[%get3A_213] {strides = array<i32>} : memref<400xi32, #tpu.memory_space<vmem>>, vector<16xi32>,
    %get3A_215 = vector.shape_cast %get3A_214 : vector<16xi32> to vector<16xi32>
    %swap3A_216 = arith.constant 32 : index
    %swap3A_217 = tpu.vector_load %arg11[%swap3A_216] {strides = array<i32>} : memref<80xi32, #tpu.memory_space<vmem>>, vector<16xi32>,
    %swap3A_218 = vector.shape_cast %swap3A_217 : vector<16xi32> to vector<16xi32>
    %swap3A_219 = vector.shape_cast %get3A_215 : vector<16xi32> to vector<16xi32>
    tpu.vector_store %arg11[%swap3A_216], %swap3A_219 {strides = array<i32>} : memref<80xi32, #tpu.memory_space<vmem>>, vector<16xi32>,
    %get3A_220 = arith.constant 192 : index
    %get3A_221 = tpu.vector_load %arg7[%get3A_220] {strides = array<i32>} : memref<400xi32, #tpu.memory_space<vmem>>, vector<16xi32>,
    %get3A_222 = vector.shape_cast %get3A_221 : vector<16xi32> to vector<16xi32>
    %swap3A_223 = arith.constant 32 : index
    %swap3A_224 = tpu.vector_load %arg21[%swap3A_223] {strides = array<i32>} : memref<80xi32, #tpu.memory_space<vmem>>, vector<16xi32>,
    %swap3A_225 = vector.shape_cast %swap3A_224 : vector<16xi32> to vector<16xi32>
    %swap3A_226 = vector.shape_cast %get3A_222 : vector<16xi32> to vector<16xi32>
    tpu.vector_store %arg21[%swap3A_223], %swap3A_226 {strides = array<i32>} : memref<80xi32, #tpu.memory_space<vmem>>, vector<16xi32>,
    %get3A_227 = arith.constant 208 : index
    %get3A_228 = tpu.vector_load %arg5[%get3A_227] {strides = array<i32>} : memref<400xi32, #tpu.memory_space<vmem>>, vector<16xi32>,
    %get3A_229 = vector.shape_cast %get3A_228 : vector<16xi32> to vector<16xi32>
    %swap3A_230 = arith.constant 48 : index
    %swap3A_231 = tpu.vector_load %arg11[%swap3A_230] {strides = array<i32>} : memref<80xi32, #tpu.memory_space<vmem>>, vector<16xi32>,
    %swap3A_232 = vector.shape_cast %swap3A_231 : vector<16xi32> to vector<16xi32>
    %swap3A_233 = vector.shape_cast %get3A_229 : vector<16xi32> to vector<16xi32>
    tpu.vector_store %arg11[%swap3A_230], %swap3A_233 {strides = array<i32>} : memref<80xi32, #tpu.memory_space<vmem>>, vector<16xi32>,
    %get3A_234 = arith.constant 208 : index
    %get3A_235 = tpu.vector_load %arg7[%get3A_234] {strides = array<i32>} : memref<400xi32, #tpu.memory_space<vmem>>, vector<16xi32>,
    %get3A_236 = vector.shape_cast %get3A_235 : vector<16xi32> to vector<16xi32>
    %swap3A_237 = arith.constant 48 : index
    %swap3A_238 = tpu.vector_load %arg21[%swap3A_237] {strides = array<i32>} : memref<80xi32, #tpu.memory_space<vmem>>, vector<16xi32>,
    %swap3A_239 = vector.shape_cast %swap3A_238 : vector<16xi32> to vector<16xi32>
    %swap3A_240 = vector.shape_cast %get3A_236 : vector<16xi32> to vector<16xi32>
    tpu.vector_store %arg21[%swap3A_237], %swap3A_240 {strides = array<i32>} : memref<80xi32, #tpu.memory_space<vmem>>, vector<16xi32>,
    %get3A_241 = arith.constant 224 : index
    %get3A_242 = tpu.vector_load %arg5[%get3A_241] {strides = array<i32>} : memref<400xi32, #tpu.memory_space<vmem>>, vector<16xi32>,
    %get3A_243 = vector.shape_cast %get3A_242 : vector<16xi32> to vector<16xi32>
    %swap3A_244 = arith.constant 64 : index
    %swap3A_245 = tpu.vector_load %arg11[%swap3A_244] {strides = array<i32>} : memref<80xi32, #tpu.memory_space<vmem>>, vector<16xi32>,
    %swap3A_246 = vector.shape_cast %swap3A_245 : vector<16xi32> to vector<16xi32>
    %swap3A_247 = vector.shape_cast %get3A_243 : vector<16xi32> to vector<16xi32>
    tpu.vector_store %arg11[%swap3A_244], %swap3A_247 {strides = array<i32>} : memref<80xi32, #tpu.memory_space<vmem>>, vector<16xi32>,
    %get3A_248 = arith.constant 224 : index
    %get3A_249 = tpu.vector_load %arg7[%get3A_248] {strides = array<i32>} : memref<400xi32, #tpu.memory_space<vmem>>, vector<16xi32>,
    %get3A_250 = vector.shape_cast %get3A_249 : vector<16xi32> to vector<16xi32>
    %swap3A_251 = arith.constant 64 : index
    %swap3A_252 = tpu.vector_load %arg21[%swap3A_251] {strides = array<i32>} : memref<80xi32, #tpu.memory_space<vmem>>, vector<16xi32>,
    %swap3A_253 = vector.shape_cast %swap3A_252 : vector<16xi32> to vector<16xi32>
    %swap3A_254 = vector.shape_cast %get3A_250 : vector<16xi32> to vector<16xi32>
    tpu.vector_store %arg21[%swap3A_251], %swap3A_254 {strides = array<i32>} : memref<80xi32, #tpu.memory_space<vmem>>, vector<16xi32>,
    %dma_start3A_255 = arith.constant 0 : i32
    %dma_start3A_256 = arith.constant 0 : i32
    %dma_start3A_257 = tpu.memref_slice %arg2[%dma_start3A_255, %dma_start3A_256] : memref<10000x16xf32, #tpu.memory_space<hbm>> -> memref<10000x16xf32, #tpu.memory_space<hbm>>
    tpu.enqueue_indirect_dma source(%dma_start3A_257 : memref<10000x16xf32, #tpu.memory_space<hbm>>) target(%arg31 : memref<80x16xf32, #tpu.memory_space<vmem>>) offsets(%arg11 : memref<80xi32, #tpu.memory_space<vmem>>) semaphore(%arg43 : memref<!tpu.dma_semaphore, #tpu.memory_space<semaphore_mem>>)
    %get3A_258 = arith.constant 240 : index
    %get3A_259 = tpu.vector_load %arg5[%get3A_258] {strides = array<i32>} : memref<400xi32, #tpu.memory_space<vmem>>, vector<16xi32>,
    %get3A_260 = vector.shape_cast %get3A_259 : vector<16xi32> to vector<16xi32>
    %swap3A_261 = arith.constant 0 : index
    %swap3A_262 = tpu.vector_load %arg12[%swap3A_261] {strides = array<i32>} : memref<80xi32, #tpu.memory_space<vmem>>, vector<16xi32>,
    %swap3A_263 = vector.shape_cast %swap3A_262 : vector<16xi32> to vector<16xi32>
    %swap3A_264 = vector.shape_cast %get3A_260 : vector<16xi32> to vector<16xi32>
    tpu.vector_store %arg12[%swap3A_261], %swap3A_264 {strides = array<i32>} : memref<80xi32, #tpu.memory_space<vmem>>, vector<16xi32>,
    %get3A_265 = arith.constant 240 : index
    %get3A_266 = tpu.vector_load %arg7[%get3A_265] {strides = array<i32>} : memref<400xi32, #tpu.memory_space<vmem>>, vector<16xi32>,
    %get3A_267 = vector.shape_cast %get3A_266 : vector<16xi32> to vector<16xi32>
    %swap3A_268 = arith.constant 0 : index
    %swap3A_269 = tpu.vector_load %arg22[%swap3A_268] {strides = array<i32>} : memref<80xi32, #tpu.memory_space<vmem>>, vector<16xi32>,
    %swap3A_270 = vector.shape_cast %swap3A_269 : vector<16xi32> to vector<16xi32>
    %swap3A_271 = vector.shape_cast %get3A_267 : vector<16xi32> to vector<16xi32>
    tpu.vector_store %arg22[%swap3A_268], %swap3A_271 {strides = array<i32>} : memref<80xi32, #tpu.memory_space<vmem>>, vector<16xi32>,
    %get3A_272 = arith.constant 256 : index
    %get3A_273 = tpu.vector_load %arg5[%get3A_272] {strides = array<i32>} : memref<400xi32, #tpu.memory_space<vmem>>, vector<16xi32>,
    %get3A_274 = vector.shape_cast %get3A_273 : vector<16xi32> to vector<16xi32>
    %swap3A_275 = arith.constant 16 : index
    %swap3A_276 = tpu.vector_load %arg12[%swap3A_275] {strides = array<i32>} : memref<80xi32, #tpu.memory_space<vmem>>, vector<16xi32>,
    %swap3A_277 = vector.shape_cast %swap3A_276 : vector<16xi32> to vector<16xi32>
    %swap3A_278 = vector.shape_cast %get3A_274 : vector<16xi32> to vector<16xi32>
    tpu.vector_store %arg12[%swap3A_275], %swap3A_278 {strides = array<i32>} : memref<80xi32, #tpu.memory_space<vmem>>, vector<16xi32>,
    %get3A_279 = arith.constant 256 : index
    %get3A_280 = tpu.vector_load %arg7[%get3A_279] {strides = array<i32>} : memref<400xi32, #tpu.memory_space<vmem>>, vector<16xi32>,
    %get3A_281 = vector.shape_cast %get3A_280 : vector<16xi32> to vector<16xi32>
    %swap3A_282 = arith.constant 16 : index
    %swap3A_283 = tpu.vector_load %arg22[%swap3A_282] {strides = array<i32>} : memref<80xi32, #tpu.memory_space<vmem>>, vector<16xi32>,
    %swap3A_284 = vector.shape_cast %swap3A_283 : vector<16xi32> to vector<16xi32>
    %swap3A_285 = vector.shape_cast %get3A_281 : vector<16xi32> to vector<16xi32>
    tpu.vector_store %arg22[%swap3A_282], %swap3A_285 {strides = array<i32>} : memref<80xi32, #tpu.memory_space<vmem>>, vector<16xi32>,
    %get3A_286 = arith.constant 272 : index
    %get3A_287 = tpu.vector_load %arg5[%get3A_286] {strides = array<i32>} : memref<400xi32, #tpu.memory_space<vmem>>, vector<16xi32>,
    %get3A_288 = vector.shape_cast %get3A_287 : vector<16xi32> to vector<16xi32>
    %swap3A_289 = arith.constant 32 : index
    %swap3A_290 = tpu.vector_load %arg12[%swap3A_289] {strides = array<i32>} : memref<80xi32, #tpu.memory_space<vmem>>, vector<16xi32>,
    %swap3A_291 = vector.shape_cast %swap3A_290 : vector<16xi32> to vector<16xi32>
    %swap3A_292 = vector.shape_cast %get3A_288 : vector<16xi32> to vector<16xi32>
    tpu.vector_store %arg12[%swap3A_289], %swap3A_292 {strides = array<i32>} : memref<80xi32, #tpu.memory_space<vmem>>, vector<16xi32>,
    %get3A_293 = arith.constant 272 : index
    %get3A_294 = tpu.vector_load %arg7[%get3A_293] {strides = array<i32>} : memref<400xi32, #tpu.memory_space<vmem>>, vector<16xi32>,
    %get3A_295 = vector.shape_cast %get3A_294 : vector<16xi32> to vector<16xi32>
    %swap3A_296 = arith.constant 32 : index
    %swap3A_297 = tpu.vector_load %arg22[%swap3A_296] {strides = array<i32>} : memref<80xi32, #tpu.memory_space<vmem>>, vector<16xi32>,
    %swap3A_298 = vector.shape_cast %swap3A_297 : vector<16xi32> to vector<16xi32>
    %swap3A_299 = vector.shape_cast %get3A_295 : vector<16xi32> to vector<16xi32>
    tpu.vector_store %arg22[%swap3A_296], %swap3A_299 {strides = array<i32>} : memref<80xi32, #tpu.memory_space<vmem>>, vector<16xi32>,
    %get3A_300 = arith.constant 288 : index
    %get3A_301 = tpu.vector_load %arg5[%get3A_300] {strides = array<i32>} : memref<400xi32, #tpu.memory_space<vmem>>, vector<16xi32>,
    %get3A_302 = vector.shape_cast %get3A_301 : vector<16xi32> to vector<16xi32>
    %swap3A_303 = arith.constant 48 : index
    %swap3A_304 = tpu.vector_load %arg12[%swap3A_303] {strides = array<i32>} : memref<80xi32, #tpu.memory_space<vmem>>, vector<16xi32>,
    %swap3A_305 = vector.shape_cast %swap3A_304 : vector<16xi32> to vector<16xi32>
    %swap3A_306 = vector.shape_cast %get3A_302 : vector<16xi32> to vector<16xi32>
    tpu.vector_store %arg12[%swap3A_303], %swap3A_306 {strides = array<i32>} : memref<80xi32, #tpu.memory_space<vmem>>, vector<16xi32>,
    %get3A_307 = arith.constant 288 : index
    %get3A_308 = tpu.vector_load %arg7[%get3A_307] {strides = array<i32>} : memref<400xi32, #tpu.memory_space<vmem>>, vector<16xi32>,
    %get3A_309 = vector.shape_cast %get3A_308 : vector<16xi32> to vector<16xi32>
    %swap3A_310 = arith.constant 48 : index
    %swap3A_311 = tpu.vector_load %arg22[%swap3A_310] {strides = array<i32>} : memref<80xi32, #tpu.memory_space<vmem>>, vector<16xi32>,
    %swap3A_312 = vector.shape_cast %swap3A_311 : vector<16xi32> to vector<16xi32>
    %swap3A_313 = vector.shape_cast %get3A_309 : vector<16xi32> to vector<16xi32>
    tpu.vector_store %arg22[%swap3A_310], %swap3A_313 {strides = array<i32>} : memref<80xi32, #tpu.memory_space<vmem>>, vector<16xi32>,
    %get3A_314 = arith.constant 304 : index
    %get3A_315 = tpu.vector_load %arg5[%get3A_314] {strides = array<i32>} : memref<400xi32, #tpu.memory_space<vmem>>, vector<16xi32>,
    %get3A_316 = vector.shape_cast %get3A_315 : vector<16xi32> to vector<16xi32>
    %swap3A_317 = arith.constant 64 : index
    %swap3A_318 = tpu.vector_load %arg12[%swap3A_317] {strides = array<i32>} : memref<80xi32, #tpu.memory_space<vmem>>, vector<16xi32>,
    %swap3A_319 = vector.shape_cast %swap3A_318 : vector<16xi32> to vector<16xi32>
    %swap3A_320 = vector.shape_cast %get3A_316 : vector<16xi32> to vector<16xi32>
    tpu.vector_store %arg12[%swap3A_317], %swap3A_320 {strides = array<i32>} : memref<80xi32, #tpu.memory_space<vmem>>, vector<16xi32>,
    %get3A_321 = arith.constant 304 : index
    %get3A_322 = tpu.vector_load %arg7[%get3A_321] {strides = array<i32>} : memref<400xi32, #tpu.memory_space<vmem>>, vector<16xi32>,
    %get3A_323 = vector.shape_cast %get3A_322 : vector<16xi32> to vector<16xi32>
    %swap3A_324 = arith.constant 64 : index
    %swap3A_325 = tpu.vector_load %arg22[%swap3A_324] {strides = array<i32>} : memref<80xi32, #tpu.memory_space<vmem>>, vector<16xi32>,
    %swap3A_326 = vector.shape_cast %swap3A_325 : vector<16xi32> to vector<16xi32>
    %swap3A_327 = vector.shape_cast %get3A_323 : vector<16xi32> to vector<16xi32>
    tpu.vector_store %arg22[%swap3A_324], %swap3A_327 {strides = array<i32>} : memref<80xi32, #tpu.memory_space<vmem>>, vector<16xi32>,
    %dma_start3A_328 = arith.constant 0 : i32
    %dma_start3A_329 = arith.constant 0 : i32
    %dma_start3A_330 = tpu.memref_slice %arg2[%dma_start3A_328, %dma_start3A_329] : memref<10000x16xf32, #tpu.memory_space<hbm>> -> memref<10000x16xf32, #tpu.memory_space<hbm>>
    tpu.enqueue_indirect_dma source(%dma_start3A_330 : memref<10000x16xf32, #tpu.memory_space<hbm>>) target(%arg32 : memref<80x16xf32, #tpu.memory_space<vmem>>) offsets(%arg12 : memref<80xi32, #tpu.memory_space<vmem>>) semaphore(%arg43 : memref<!tpu.dma_semaphore, #tpu.memory_space<semaphore_mem>>)
    %get3A_331 = arith.constant 320 : index
    %get3A_332 = tpu.vector_load %arg5[%get3A_331] {strides = array<i32>} : memref<400xi32, #tpu.memory_space<vmem>>, vector<16xi32>,
    %get3A_333 = vector.shape_cast %get3A_332 : vector<16xi32> to vector<16xi32>
    %swap3A_334 = arith.constant 0 : index
    %swap3A_335 = tpu.vector_load %arg13[%swap3A_334] {strides = array<i32>} : memref<80xi32, #tpu.memory_space<vmem>>, vector<16xi32>,
    %swap3A_336 = vector.shape_cast %swap3A_335 : vector<16xi32> to vector<16xi32>
    %swap3A_337 = vector.shape_cast %get3A_333 : vector<16xi32> to vector<16xi32>
    tpu.vector_store %arg13[%swap3A_334], %swap3A_337 {strides = array<i32>} : memref<80xi32, #tpu.memory_space<vmem>>, vector<16xi32>,
    %get3A_338 = arith.constant 320 : index
    %get3A_339 = tpu.vector_load %arg7[%get3A_338] {strides = array<i32>} : memref<400xi32, #tpu.memory_space<vmem>>, vector<16xi32>,
    %get3A_340 = vector.shape_cast %get3A_339 : vector<16xi32> to vector<16xi32>
    %swap3A_341 = arith.constant 0 : index
    %swap3A_342 = tpu.vector_load %arg23[%swap3A_341] {strides = array<i32>} : memref<80xi32, #tpu.memory_space<vmem>>, vector<16xi32>,
    %swap3A_343 = vector.shape_cast %swap3A_342 : vector<16xi32> to vector<16xi32>
    %swap3A_344 = vector.shape_cast %get3A_340 : vector<16xi32> to vector<16xi32>
    tpu.vector_store %arg23[%swap3A_341], %swap3A_344 {strides = array<i32>} : memref<80xi32, #tpu.memory_space<vmem>>, vector<16xi32>,
    %get3A_345 = arith.constant 336 : index
    %get3A_346 = tpu.vector_load %arg5[%get3A_345] {strides = array<i32>} : memref<400xi32, #tpu.memory_space<vmem>>, vector<16xi32>,
    %get3A_347 = vector.shape_cast %get3A_346 : vector<16xi32> to vector<16xi32>
    %swap3A_348 = arith.constant 16 : index
    %swap3A_349 = tpu.vector_load %arg13[%swap3A_348] {strides = array<i32>} : memref<80xi32, #tpu.memory_space<vmem>>, vector<16xi32>,
    %swap3A_350 = vector.shape_cast %swap3A_349 : vector<16xi32> to vector<16xi32>
    %swap3A_351 = vector.shape_cast %get3A_347 : vector<16xi32> to vector<16xi32>
    tpu.vector_store %arg13[%swap3A_348], %swap3A_351 {strides = array<i32>} : memref<80xi32, #tpu.memory_space<vmem>>, vector<16xi32>,
    %get3A_352 = arith.constant 336 : index
    %get3A_353 = tpu.vector_load %arg7[%get3A_352] {strides = array<i32>} : memref<400xi32, #tpu.memory_space<vmem>>, vector<16xi32>,
    %get3A_354 = vector.shape_cast %get3A_353 : vector<16xi32> to vector<16xi32>
    %swap3A_355 = arith.constant 16 : index
    %swap3A_356 = tpu.vector_load %arg23[%swap3A_355] {strides = array<i32>} : memref<80xi32, #tpu.memory_space<vmem>>, vector<16xi32>,
    %swap3A_357 = vector.shape_cast %swap3A_356 : vector<16xi32> to vector<16xi32>
    %swap3A_358 = vector.shape_cast %get3A_354 : vector<16xi32> to vector<16xi32>
    tpu.vector_store %arg23[%swap3A_355], %swap3A_358 {strides = array<i32>} : memref<80xi32, #tpu.memory_space<vmem>>, vector<16xi32>,
    %get3A_359 = arith.constant 352 : index
    %get3A_360 = tpu.vector_load %arg5[%get3A_359] {strides = array<i32>} : memref<400xi32, #tpu.memory_space<vmem>>, vector<16xi32>,
    %get3A_361 = vector.shape_cast %get3A_360 : vector<16xi32> to vector<16xi32>
    %swap3A_362 = arith.constant 32 : index
    %swap3A_363 = tpu.vector_load %arg13[%swap3A_362] {strides = array<i32>} : memref<80xi32, #tpu.memory_space<vmem>>, vector<16xi32>,
    %swap3A_364 = vector.shape_cast %swap3A_363 : vector<16xi32> to vector<16xi32>
    %swap3A_365 = vector.shape_cast %get3A_361 : vector<16xi32> to vector<16xi32>
    tpu.vector_store %arg13[%swap3A_362], %swap3A_365 {strides = array<i32>} : memref<80xi32, #tpu.memory_space<vmem>>, vector<16xi32>,
    %get3A_366 = arith.constant 352 : index
    %get3A_367 = tpu.vector_load %arg7[%get3A_366] {strides = array<i32>} : memref<400xi32, #tpu.memory_space<vmem>>, vector<16xi32>,
    %get3A_368 = vector.shape_cast %get3A_367 : vector<16xi32> to vector<16xi32>
    %swap3A_369 = arith.constant 32 : index
    %swap3A_370 = tpu.vector_load %arg23[%swap3A_369] {strides = array<i32>} : memref<80xi32, #tpu.memory_space<vmem>>, vector<16xi32>,
    %swap3A_371 = vector.shape_cast %swap3A_370 : vector<16xi32> to vector<16xi32>
    %swap3A_372 = vector.shape_cast %get3A_368 : vector<16xi32> to vector<16xi32>
    tpu.vector_store %arg23[%swap3A_369], %swap3A_372 {strides = array<i32>} : memref<80xi32, #tpu.memory_space<vmem>>, vector<16xi32>,
    %get3A_373 = arith.constant 368 : index
    %get3A_374 = tpu.vector_load %arg5[%get3A_373] {strides = array<i32>} : memref<400xi32, #tpu.memory_space<vmem>>, vector<16xi32>,
    %get3A_375 = vector.shape_cast %get3A_374 : vector<16xi32> to vector<16xi32>
    %swap3A_376 = arith.constant 48 : index
    %swap3A_377 = tpu.vector_load %arg13[%swap3A_376] {strides = array<i32>} : memref<80xi32, #tpu.memory_space<vmem>>, vector<16xi32>,
    %swap3A_378 = vector.shape_cast %swap3A_377 : vector<16xi32> to vector<16xi32>
    %swap3A_379 = vector.shape_cast %get3A_375 : vector<16xi32> to vector<16xi32>
    tpu.vector_store %arg13[%swap3A_376], %swap3A_379 {strides = array<i32>} : memref<80xi32, #tpu.memory_space<vmem>>, vector<16xi32>,
    %get3A_380 = arith.constant 368 : index
    %get3A_381 = tpu.vector_load %arg7[%get3A_380] {strides = array<i32>} : memref<400xi32, #tpu.memory_space<vmem>>, vector<16xi32>,
    %get3A_382 = vector.shape_cast %get3A_381 : vector<16xi32> to vector<16xi32>
    %swap3A_383 = arith.constant 48 : index
    %swap3A_384 = tpu.vector_load %arg23[%swap3A_383] {strides = array<i32>} : memref<80xi32, #tpu.memory_space<vmem>>, vector<16xi32>,
    %swap3A_385 = vector.shape_cast %swap3A_384 : vector<16xi32> to vector<16xi32>
    %swap3A_386 = vector.shape_cast %get3A_382 : vector<16xi32> to vector<16xi32>
    tpu.vector_store %arg23[%swap3A_383], %swap3A_386 {strides = array<i32>} : memref<80xi32, #tpu.memory_space<vmem>>, vector<16xi32>,
    %get3A_387 = arith.constant 384 : index
    %get3A_388 = tpu.vector_load %arg5[%get3A_387] {strides = array<i32>} : memref<400xi32, #tpu.memory_space<vmem>>, vector<16xi32>,
    %get3A_389 = vector.shape_cast %get3A_388 : vector<16xi32> to vector<16xi32>
    %swap3A_390 = arith.constant 64 : index
    %swap3A_391 = tpu.vector_load %arg13[%swap3A_390] {strides = array<i32>} : memref<80xi32, #tpu.memory_space<vmem>>, vector<16xi32>,
    %swap3A_392 = vector.shape_cast %swap3A_391 : vector<16xi32> to vector<16xi32>
    %swap3A_393 = vector.shape_cast %get3A_389 : vector<16xi32> to vector<16xi32>
    tpu.vector_store %arg13[%swap3A_390], %swap3A_393 {strides = array<i32>} : memref<80xi32, #tpu.memory_space<vmem>>, vector<16xi32>,
    %get3A_394 = arith.constant 384 : index
    %get3A_395 = tpu.vector_load %arg7[%get3A_394] {strides = array<i32>} : memref<400xi32, #tpu.memory_space<vmem>>, vector<16xi32>,
    %get3A_396 = vector.shape_cast %get3A_395 : vector<16xi32> to vector<16xi32>
    %swap3A_397 = arith.constant 64 : index
    %swap3A_398 = tpu.vector_load %arg23[%swap3A_397] {strides = array<i32>} : memref<80xi32, #tpu.memory_space<vmem>>, vector<16xi32>,
    %swap3A_399 = vector.shape_cast %swap3A_398 : vector<16xi32> to vector<16xi32>
    %swap3A_400 = vector.shape_cast %get3A_396 : vector<16xi32> to vector<16xi32>
    tpu.vector_store %arg23[%swap3A_397], %swap3A_400 {strides = array<i32>} : memref<80xi32, #tpu.memory_space<vmem>>, vector<16xi32>,
    %dma_start3A_401 = arith.constant 0 : i32
    %dma_start3A_402 = arith.constant 0 : i32
    %dma_start3A_403 = tpu.memref_slice %arg2[%dma_start3A_401, %dma_start3A_402] : memref<10000x16xf32, #tpu.memory_space<hbm>> -> memref<10000x16xf32, #tpu.memory_space<hbm>>
    tpu.enqueue_indirect_dma source(%dma_start3A_403 : memref<10000x16xf32, #tpu.memory_space<hbm>>) target(%arg33 : memref<80x16xf32, #tpu.memory_space<vmem>>) offsets(%arg13 : memref<80xi32, #tpu.memory_space<vmem>>) semaphore(%arg43 : memref<!tpu.dma_semaphore, #tpu.memory_space<semaphore_mem>>)
    %add3A_404 = arith.constant 400 : i32
    %add3A_405 = arith.addi %mul3A_4, %add3A_404 : i32
    %multiple_of3A_406 = tpu.assume_multiple %add3A_405, 80 : i32
    %dma_start3A_407 = arith.constant 0 : i32
    %dma_start3A_408 = tpu.memref_slice %arg3[%dma_start3A_407, %multiple_of3A_406] : memref<2x320000xi32, #tpu.memory_space<hbm>> -> memref<1x400xi32, #tpu.memory_space<hbm>>
    %dma_start3A_409 = tpu.memref_squeeze %dma_start3A_408 : memref<1x400xi32, #tpu.memory_space<hbm>> -> memref<400xi32, #tpu.memory_space<hbm>>
    %dma_start3A_410 = tpu.memref_slice %arg3[%dma_start3A_407, %multiple_of3A_406] : memref<2x320000xi32, #tpu.memory_space<hbm>> -> memref<1x400xi32, #tpu.memory_space<hbm>>
    %dma_start3A_411 = tpu.memref_squeeze %dma_start3A_410 : memref<1x400xi32, #tpu.memory_space<hbm>> -> memref<400xi32, #tpu.memory_space<hbm>>
    tpu.enqueue_dma source(%dma_start3A_411 : memref<400xi32, #tpu.memory_space<hbm>>) target(%arg6 : memref<400xi32, #tpu.memory_space<vmem>>) target_semaphore(%arg42 : memref<!tpu.dma_semaphore, #tpu.memory_space<semaphore_mem>>)
    %dma_start3A_412 = arith.constant 1 : i32
    %dma_start3A_413 = tpu.memref_slice %arg3[%dma_start3A_412, %multiple_of3A_406] : memref<2x320000xi32, #tpu.memory_space<hbm>> -> memref<1x400xi32, #tpu.memory_space<hbm>>
    %dma_start3A_414 = tpu.memref_squeeze %dma_start3A_413 : memref<1x400xi32, #tpu.memory_space<hbm>> -> memref<400xi32, #tpu.memory_space<hbm>>
    %dma_start3A_415 = tpu.memref_slice %arg3[%dma_start3A_412, %multiple_of3A_406] : memref<2x320000xi32, #tpu.memory_space<hbm>> -> memref<1x400xi32, #tpu.memory_space<hbm>>
    %dma_start3A_416 = tpu.memref_squeeze %dma_start3A_415 : memref<1x400xi32, #tpu.memory_space<hbm>> -> memref<400xi32, #tpu.memory_space<hbm>>
    tpu.enqueue_dma source(%dma_start3A_416 : memref<400xi32, #tpu.memory_space<hbm>>) target(%arg8 : memref<400xi32, #tpu.memory_space<vmem>>) target_semaphore(%arg42 : memref<!tpu.dma_semaphore, #tpu.memory_space<semaphore_mem>>)
    %scan3A_417 = arith.constant 0 : i32
    %scan3A_418 = arith.constant 13 : i32
    %scan3A_419 = arith.addi %scan3A_417, %scan3A_418 : i32
    %scan3A_420 = arith.constant 1 : i32
    scf.for %scan3A_455 = %scan3A_417 to %scan3A_419 step %scan3A_420  : i32 {
      %mul3A_456 = arith.constant 2 : i32
      %mul3A_457 = arith.muli %scan3A_455, %mul3A_456 : i32
      %add3A_458 = arith.constant 0 : i32
      %add3A_459 = arith.addi %add3A_458, %mul3A_457 : i32
      %add3A_460 = arith.constant 1 : i32
      %add3A_461 = arith.addi %add3A_459, %add3A_460 : i32
      %lt3A = arith.constant 25 : i32
      %lt3A_462 = arith.cmpi slt, %add3A_461, %lt3A : i32
      %convert_element_type3A = arith.extui %lt3A_462 : i1 to i32
      %cond3A = arith.constant 0 : i32
      %cond3A_463 = arith.cmpi ne, %convert_element_type3A, %cond3A : i32
      scf.if %cond3A_463 {
        %dma_wait3A_508 = arith.constant 0 : i32
        %dma_wait3A_509 = arith.constant 0 : i32
        %dma_wait3A_510 = tpu.memref_slice %arg3[%dma_wait3A_508, %dma_wait3A_509] : memref<2x320000xi32, #tpu.memory_space<hbm>> -> memref<1x400xi32, #tpu.memory_space<hbm>>
        %dma_wait3A_511 = tpu.memref_squeeze %dma_wait3A_510 : memref<1x400xi32, #tpu.memory_space<hbm>> -> memref<400xi32, #tpu.memory_space<hbm>>
        %dma_wait3A_512 = arith.constant 0 : i32
        %dma_wait3A_513 = tpu.memref_slice %arg3[%dma_wait3A_508, %dma_wait3A_512] : memref<2x320000xi32, #tpu.memory_space<hbm>> -> memref<1x400xi32, #tpu.memory_space<hbm>>
        %dma_wait3A_514 = tpu.memref_squeeze %dma_wait3A_513 : memref<1x400xi32, #tpu.memory_space<hbm>> -> memref<400xi32, #tpu.memory_space<hbm>>
        tpu.wait_dma2 semaphore(%arg42 : memref<!tpu.dma_semaphore, #tpu.memory_space<semaphore_mem>>) src(%dma_wait3A_514 : memref<400xi32, #tpu.memory_space<hbm>>) dst(%arg6 : memref<400xi32, #tpu.memory_space<vmem>>)
        %dma_wait3A_515 = arith.constant 1 : i32
        %dma_wait3A_516 = arith.constant 0 : i32
        %dma_wait3A_517 = tpu.memref_slice %arg3[%dma_wait3A_515, %dma_wait3A_516] : memref<2x320000xi32, #tpu.memory_space<hbm>> -> memref<1x400xi32, #tpu.memory_space<hbm>>
        %dma_wait3A_518 = tpu.memref_squeeze %dma_wait3A_517 : memref<1x400xi32, #tpu.memory_space<hbm>> -> memref<400xi32, #tpu.memory_space<hbm>>
        %dma_wait3A_519 = arith.constant 0 : i32
        %dma_wait3A_520 = tpu.memref_slice %arg3[%dma_wait3A_515, %dma_wait3A_519] : memref<2x320000xi32, #tpu.memory_space<hbm>> -> memref<1x400xi32, #tpu.memory_space<hbm>>
        %dma_wait3A_521 = tpu.memref_squeeze %dma_wait3A_520 : memref<1x400xi32, #tpu.memory_space<hbm>> -> memref<400xi32, #tpu.memory_space<hbm>>
        tpu.wait_dma2 semaphore(%arg42 : memref<!tpu.dma_semaphore, #tpu.memory_space<semaphore_mem>>) src(%dma_wait3A_521 : memref<400xi32, #tpu.memory_space<hbm>>) dst(%arg8 : memref<400xi32, #tpu.memory_space<vmem>>)
        %ge3A = arith.constant 1 : i32
        %ge3A_522 = arith.cmpi sge, %add3A_459, %ge3A : i32
        %convert_element_type3A_523 = arith.extui %ge3A_522 : i1 to i32
        %cond3A_524 = arith.constant 0 : i32
        %cond3A_525 = arith.cmpi ne, %convert_element_type3A_523, %cond3A_524 : i32
        scf.if %cond3A_525 {
          %dma_wait3A_891 = arith.constant 0 : i32
          %dma_wait3A_892 = arith.constant 0 : i32
          %dma_wait3A_893 = tpu.memref_slice %arg40[%dma_wait3A_891, %dma_wait3A_892] : memref<10240x16xf32, #tpu.memory_space<vmem_shared>> -> memref<10240x16xf32, #tpu.memory_space<vmem_shared>>
          tpu.wait_indirect_dma semaphore(%arg46 : memref<!tpu.dma_semaphore, #tpu.memory_space<semaphore_mem>>) src(%arg34 : memref<80x16xf32, #tpu.memory_space<vmem>>) dst(%dma_wait3A_893 : memref<10240x16xf32, #tpu.memory_space<vmem_shared>>)
          %dma_wait3A_894 = arith.constant 0 : i32
          %dma_wait3A_895 = arith.constant 0 : i32
          %dma_wait3A_896 = tpu.memref_slice %arg40[%dma_wait3A_894, %dma_wait3A_895] : memref<10240x16xf32, #tpu.memory_space<vmem_shared>> -> memref<10240x16xf32, #tpu.memory_space<vmem_shared>>
          tpu.wait_indirect_dma semaphore(%arg46 : memref<!tpu.dma_semaphore, #tpu.memory_space<semaphore_mem>>) src(%arg35 : memref<80x16xf32, #tpu.memory_space<vmem>>) dst(%dma_wait3A_896 : memref<10240x16xf32, #tpu.memory_space<vmem_shared>>)
          %dma_wait3A_897 = arith.constant 0 : i32
          %dma_wait3A_898 = arith.constant 0 : i32
          %dma_wait3A_899 = tpu.memref_slice %arg40[%dma_wait3A_897, %dma_wait3A_898] : memref<10240x16xf32, #tpu.memory_space<vmem_shared>> -> memref<10240x16xf32, #tpu.memory_space<vmem_shared>>
          tpu.wait_indirect_dma semaphore(%arg46 : memref<!tpu.dma_semaphore, #tpu.memory_space<semaphore_mem>>) src(%arg36 : memref<80x16xf32, #tpu.memory_space<vmem>>) dst(%dma_wait3A_899 : memref<10240x16xf32, #tpu.memory_space<vmem_shared>>)
          %dma_wait3A_900 = arith.constant 0 : i32
          %dma_wait3A_901 = arith.constant 0 : i32
          %dma_wait3A_902 = tpu.memref_slice %arg40[%dma_wait3A_900, %dma_wait3A_901] : memref<10240x16xf32, #tpu.memory_space<vmem_shared>> -> memref<10240x16xf32, #tpu.memory_space<vmem_shared>>
          tpu.wait_indirect_dma semaphore(%arg46 : memref<!tpu.dma_semaphore, #tpu.memory_space<semaphore_mem>>) src(%arg37 : memref<80x16xf32, #tpu.memory_space<vmem>>) dst(%dma_wait3A_902 : memref<10240x16xf32, #tpu.memory_space<vmem_shared>>)
          %dma_wait3A_903 = arith.constant 0 : i32
          %dma_wait3A_904 = arith.constant 0 : i32
          %dma_wait3A_905 = tpu.memref_slice %arg40[%dma_wait3A_903, %dma_wait3A_904] : memref<10240x16xf32, #tpu.memory_space<vmem_shared>> -> memref<10240x16xf32, #tpu.memory_space<vmem_shared>>
          tpu.wait_indirect_dma semaphore(%arg46 : memref<!tpu.dma_semaphore, #tpu.memory_space<semaphore_mem>>) src(%arg38 : memref<80x16xf32, #tpu.memory_space<vmem>>) dst(%dma_wait3A_905 : memref<10240x16xf32, #tpu.memory_space<vmem_shared>>)
        } else {
        }
        %get3A_526 = arith.constant 0 : index
        %get3A_527 = tpu.vector_load %arg6[%get3A_526] {strides = array<i32>} : memref<400xi32, #tpu.memory_space<vmem>>, vector<16xi32>,
        %get3A_528 = vector.shape_cast %get3A_527 : vector<16xi32> to vector<16xi32>
        %swap3A_529 = arith.constant 0 : index
        %swap3A_530 = tpu.vector_load %arg14[%swap3A_529] {strides = array<i32>} : memref<80xi32, #tpu.memory_space<vmem>>, vector<16xi32>,
        %swap3A_531 = vector.shape_cast %swap3A_530 : vector<16xi32> to vector<16xi32>
        %swap3A_532 = vector.shape_cast %get3A_528 : vector<16xi32> to vector<16xi32>
        tpu.vector_store %arg14[%swap3A_529], %swap3A_532 {strides = array<i32>} : memref<80xi32, #tpu.memory_space<vmem>>, vector<16xi32>,
        %get3A_533 = arith.constant 0 : index
        %get3A_534 = tpu.vector_load %arg8[%get3A_533] {strides = array<i32>} : memref<400xi32, #tpu.memory_space<vmem>>, vector<16xi32>,
        %get3A_535 = vector.shape_cast %get3A_534 : vector<16xi32> to vector<16xi32>
        %swap3A_536 = arith.constant 0 : index
        %swap3A_537 = tpu.vector_load %arg24[%swap3A_536] {strides = array<i32>} : memref<80xi32, #tpu.memory_space<vmem>>, vector<16xi32>,
        %swap3A_538 = vector.shape_cast %swap3A_537 : vector<16xi32> to vector<16xi32>
        %swap3A_539 = vector.shape_cast %get3A_535 : vector<16xi32> to vector<16xi32>
        tpu.vector_store %arg24[%swap3A_536], %swap3A_539 {strides = array<i32>} : memref<80xi32, #tpu.memory_space<vmem>>, vector<16xi32>,
        %get3A_540 = arith.constant 16 : index
        %get3A_541 = tpu.vector_load %arg6[%get3A_540] {strides = array<i32>} : memref<400xi32, #tpu.memory_space<vmem>>, vector<16xi32>,
        %get3A_542 = vector.shape_cast %get3A_541 : vector<16xi32> to vector<16xi32>
        %swap3A_543 = arith.constant 16 : index
        %swap3A_544 = tpu.vector_load %arg14[%swap3A_543] {strides = array<i32>} : memref<80xi32, #tpu.memory_space<vmem>>, vector<16xi32>,
        %swap3A_545 = vector.shape_cast %swap3A_544 : vector<16xi32> to vector<16xi32>
        %swap3A_546 = vector.shape_cast %get3A_542 : vector<16xi32> to vector<16xi32>
        tpu.vector_store %arg14[%swap3A_543], %swap3A_546 {strides = array<i32>} : memref<80xi32, #tpu.memory_space<vmem>>, vector<16xi32>,
        %get3A_547 = arith.constant 16 : index
        %get3A_548 = tpu.vector_load %arg8[%get3A_547] {strides = array<i32>} : memref<400xi32, #tpu.memory_space<vmem>>, vector<16xi32>,
        %get3A_549 = vector.shape_cast %get3A_548 : vector<16xi32> to vector<16xi32>
        %swap3A_550 = arith.constant 16 : index
        %swap3A_551 = tpu.vector_load %arg24[%swap3A_550] {strides = array<i32>} : memref<80xi32, #tpu.memory_space<vmem>>, vector<16xi32>,
        %swap3A_552 = vector.shape_cast %swap3A_551 : vector<16xi32> to vector<16xi32>
        %swap3A_553 = vector.shape_cast %get3A_549 : vector<16xi32> to vector<16xi32>
        tpu.vector_store %arg24[%swap3A_550], %swap3A_553 {strides = array<i32>} : memref<80xi32, #tpu.memory_space<vmem>>, vector<16xi32>,
        %get3A_554 = arith.constant 32 : index
        %get3A_555 = tpu.vector_load %arg6[%get3A_554] {strides = array<i32>} : memref<400xi32, #tpu.memory_space<vmem>>, vector<16xi32>,
        %get3A_556 = vector.shape_cast %get3A_555 : vector<16xi32> to vector<16xi32>
        %swap3A_557 = arith.constant 32 : index
        %swap3A_558 = tpu.vector_load %arg14[%swap3A_557] {strides = array<i32>} : memref<80xi32, #tpu.memory_space<vmem>>, vector<16xi32>,
        %swap3A_559 = vector.shape_cast %swap3A_558 : vector<16xi32> to vector<16xi32>
        %swap3A_560 = vector.shape_cast %get3A_556 : vector<16xi32> to vector<16xi32>
        tpu.vector_store %arg14[%swap3A_557], %swap3A_560 {strides = array<i32>} : memref<80xi32, #tpu.memory_space<vmem>>, vector<16xi32>,
        %get3A_561 = arith.constant 32 : index
        %get3A_562 = tpu.vector_load %arg8[%get3A_561] {strides = array<i32>} : memref<400xi32, #tpu.memory_space<vmem>>, vector<16xi32>,
        %get3A_563 = vector.shape_cast %get3A_562 : vector<16xi32> to vector<16xi32>
        %swap3A_564 = arith.constant 32 : index
        %swap3A_565 = tpu.vector_load %arg24[%swap3A_564] {strides = array<i32>} : memref<80xi32, #tpu.memory_space<vmem>>, vector<16xi32>,
        %swap3A_566 = vector.shape_cast %swap3A_565 : vector<16xi32> to vector<16xi32>
        %swap3A_567 = vector.shape_cast %get3A_563 : vector<16xi32> to vector<16xi32>
        tpu.vector_store %arg24[%swap3A_564], %swap3A_567 {strides = array<i32>} : memref<80xi32, #tpu.memory_space<vmem>>, vector<16xi32>,
        %get3A_568 = arith.constant 48 : index
        %get3A_569 = tpu.vector_load %arg6[%get3A_568] {strides = array<i32>} : memref<400xi32, #tpu.memory_space<vmem>>, vector<16xi32>,
        %get3A_570 = vector.shape_cast %get3A_569 : vector<16xi32> to vector<16xi32>
        %swap3A_571 = arith.constant 48 : index
        %swap3A_572 = tpu.vector_load %arg14[%swap3A_571] {strides = array<i32>} : memref<80xi32, #tpu.memory_space<vmem>>, vector<16xi32>,
        %swap3A_573 = vector.shape_cast %swap3A_572 : vector<16xi32> to vector<16xi32>
        %swap3A_574 = vector.shape_cast %get3A_570 : vector<16xi32> to vector<16xi32>
        tpu.vector_store %arg14[%swap3A_571], %swap3A_574 {strides = array<i32>} : memref<80xi32, #tpu.memory_space<vmem>>, vector<16xi32>,
        %get3A_575 = arith.constant 48 : index
        %get3A_576 = tpu.vector_load %arg8[%get3A_575] {strides = array<i32>} : memref<400xi32, #tpu.memory_space<vmem>>, vector<16xi32>,
        %get3A_577 = vector.shape_cast %get3A_576 : vector<16xi32> to vector<16xi32>
        %swap3A_578 = arith.constant 48 : index
        %swap3A_579 = tpu.vector_load %arg24[%swap3A_578] {strides = array<i32>} : memref<80xi32, #tpu.memory_space<vmem>>, vector<16xi32>,
        %swap3A_580 = vector.shape_cast %swap3A_579 : vector<16xi32> to vector<16xi32>
        %swap3A_581 = vector.shape_cast %get3A_577 : vector<16xi32> to vector<16xi32>
        tpu.vector_store %arg24[%swap3A_578], %swap3A_581 {strides = array<i32>} : memref<80xi32, #tpu.memory_space<vmem>>, vector<16xi32>,
        %get3A_582 = arith.constant 64 : index
        %get3A_583 = tpu.vector_load %arg6[%get3A_582] {strides = array<i32>} : memref<400xi32, #tpu.memory_space<vmem>>, vector<16xi32>,
        %get3A_584 = vector.shape_cast %get3A_583 : vector<16xi32> to vector<16xi32>
        %swap3A_585 = arith.constant 64 : index
        %swap3A_586 = tpu.vector_load %arg14[%swap3A_585] {strides = array<i32>} : memref<80xi32, #tpu.memory_space<vmem>>, vector<16xi32>,
        %swap3A_587 = vector.shape_cast %swap3A_586 : vector<16xi32> to vector<16xi32>
        %swap3A_588 = vector.shape_cast %get3A_584 : vector<16xi32> to vector<16xi32>
        tpu.vector_store %arg14[%swap3A_585], %swap3A_588 {strides = array<i32>} : memref<80xi32, #tpu.memory_space<vmem>>, vector<16xi32>,
        %get3A_589 = arith.constant 64 : index
        %get3A_590 = tpu.vector_load %arg8[%get3A_589] {strides = array<i32>} : memref<400xi32, #tpu.memory_space<vmem>>, vector<16xi32>,
        %get3A_591 = vector.shape_cast %get3A_590 : vector<16xi32> to vector<16xi32>
        %swap3A_592 = arith.constant 64 : index
        %swap3A_593 = tpu.vector_load %arg24[%swap3A_592] {strides = array<i32>} : memref<80xi32, #tpu.memory_space<vmem>>, vector<16xi32>,
        %swap3A_594 = vector.shape_cast %swap3A_593 : vector<16xi32> to vector<16xi32>
        %swap3A_595 = vector.shape_cast %get3A_591 : vector<16xi32> to vector<16xi32>
        tpu.vector_store %arg24[%swap3A_592], %swap3A_595 {strides = array<i32>} : memref<80xi32, #tpu.memory_space<vmem>>, vector<16xi32>,
        %dma_start3A_596 = arith.constant 0 : i32
        %dma_start3A_597 = arith.constant 0 : i32
        %dma_start3A_598 = tpu.memref_slice %arg2[%dma_start3A_596, %dma_start3A_597] : memref<10000x16xf32, #tpu.memory_space<hbm>> -> memref<10000x16xf32, #tpu.memory_space<hbm>>
        tpu.enqueue_indirect_dma source(%dma_start3A_598 : memref<10000x16xf32, #tpu.memory_space<hbm>>) target(%arg34 : memref<80x16xf32, #tpu.memory_space<vmem>>) offsets(%arg14 : memref<80xi32, #tpu.memory_space<vmem>>) semaphore(%arg44 : memref<!tpu.dma_semaphore, #tpu.memory_space<semaphore_mem>>)
        %get3A_599 = arith.constant 80 : index
        %get3A_600 = tpu.vector_load %arg6[%get3A_599] {strides = array<i32>} : memref<400xi32, #tpu.memory_space<vmem>>, vector<16xi32>,
        %get3A_601 = vector.shape_cast %get3A_600 : vector<16xi32> to vector<16xi32>
        %swap3A_602 = arith.constant 0 : index
        %swap3A_603 = tpu.vector_load %arg15[%swap3A_602] {strides = array<i32>} : memref<80xi32, #tpu.memory_space<vmem>>, vector<16xi32>,
        %swap3A_604 = vector.shape_cast %swap3A_603 : vector<16xi32> to vector<16xi32>
        %swap3A_605 = vector.shape_cast %get3A_601 : vector<16xi32> to vector<16xi32>
        tpu.vector_store %arg15[%swap3A_602], %swap3A_605 {strides = array<i32>} : memref<80xi32, #tpu.memory_space<vmem>>, vector<16xi32>,
        %get3A_606 = arith.constant 80 : index
        %get3A_607 = tpu.vector_load %arg8[%get3A_606] {strides = array<i32>} : memref<400xi32, #tpu.memory_space<vmem>>, vector<16xi32>,
        %get3A_608 = vector.shape_cast %get3A_607 : vector<16xi32> to vector<16xi32>
        %swap3A_609 = arith.constant 0 : index
        %swap3A_610 = tpu.vector_load %arg25[%swap3A_609] {strides = array<i32>} : memref<80xi32, #tpu.memory_space<vmem>>, vector<16xi32>,
        %swap3A_611 = vector.shape_cast %swap3A_610 : vector<16xi32> to vector<16xi32>
        %swap3A_612 = vector.shape_cast %get3A_608 : vector<16xi32> to vector<16xi32>
        tpu.vector_store %arg25[%swap3A_609], %swap3A_612 {strides = array<i32>} : memref<80xi32, #tpu.memory_space<vmem>>, vector<16xi32>,
        %get3A_613 = arith.constant 96 : index
        %get3A_614 = tpu.vector_load %arg6[%get3A_613] {strides = array<i32>} : memref<400xi32, #tpu.memory_space<vmem>>, vector<16xi32>,
        %get3A_615 = vector.shape_cast %get3A_614 : vector<16xi32> to vector<16xi32>
        %swap3A_616 = arith.constant 16 : index
        %swap3A_617 = tpu.vector_load %arg15[%swap3A_616] {strides = array<i32>} : memref<80xi32, #tpu.memory_space<vmem>>, vector<16xi32>,
        %swap3A_618 = vector.shape_cast %swap3A_617 : vector<16xi32> to vector<16xi32>
        %swap3A_619 = vector.shape_cast %get3A_615 : vector<16xi32> to vector<16xi32>
        tpu.vector_store %arg15[%swap3A_616], %swap3A_619 {strides = array<i32>} : memref<80xi32, #tpu.memory_space<vmem>>, vector<16xi32>,
        %get3A_620 = arith.constant 96 : index
        %get3A_621 = tpu.vector_load %arg8[%get3A_620] {strides = array<i32>} : memref<400xi32, #tpu.memory_space<vmem>>, vector<16xi32>,
        %get3A_622 = vector.shape_cast %get3A_621 : vector<16xi32> to vector<16xi32>
        %swap3A_623 = arith.constant 16 : index
        %swap3A_624 = tpu.vector_load %arg25[%swap3A_623] {strides = array<i32>} : memref<80xi32, #tpu.memory_space<vmem>>, vector<16xi32>,
        %swap3A_625 = vector.shape_cast %swap3A_624 : vector<16xi32> to vector<16xi32>
        %swap3A_626 = vector.shape_cast %get3A_622 : vector<16xi32> to vector<16xi32>
        tpu.vector_store %arg25[%swap3A_623], %swap3A_626 {strides = array<i32>} : memref<80xi32, #tpu.memory_space<vmem>>, vector<16xi32>,
        %get3A_627 = arith.constant 112 : index
        %get3A_628 = tpu.vector_load %arg6[%get3A_627] {strides = array<i32>} : memref<400xi32, #tpu.memory_space<vmem>>, vector<16xi32>,
        %get3A_629 = vector.shape_cast %get3A_628 : vector<16xi32> to vector<16xi32>
        %swap3A_630 = arith.constant 32 : index
        %swap3A_631 = tpu.vector_load %arg15[%swap3A_630] {strides = array<i32>} : memref<80xi32, #tpu.memory_space<vmem>>, vector<16xi32>,
        %swap3A_632 = vector.shape_cast %swap3A_631 : vector<16xi32> to vector<16xi32>
        %swap3A_633 = vector.shape_cast %get3A_629 : vector<16xi32> to vector<16xi32>
        tpu.vector_store %arg15[%swap3A_630], %swap3A_633 {strides = array<i32>} : memref<80xi32, #tpu.memory_space<vmem>>, vector<16xi32>,
        %get3A_634 = arith.constant 112 : index
        %get3A_635 = tpu.vector_load %arg8[%get3A_634] {strides = array<i32>} : memref<400xi32, #tpu.memory_space<vmem>>, vector<16xi32>,
        %get3A_636 = vector.shape_cast %get3A_635 : vector<16xi32> to vector<16xi32>
        %swap3A_637 = arith.constant 32 : index
        %swap3A_638 = tpu.vector_load %arg25[%swap3A_637] {strides = array<i32>} : memref<80xi32, #tpu.memory_space<vmem>>, vector<16xi32>,
        %swap3A_639 = vector.shape_cast %swap3A_638 : vector<16xi32> to vector<16xi32>
        %swap3A_640 = vector.shape_cast %get3A_636 : vector<16xi32> to vector<16xi32>
        tpu.vector_store %arg25[%swap3A_637], %swap3A_640 {strides = array<i32>} : memref<80xi32, #tpu.memory_space<vmem>>, vector<16xi32>,
        %get3A_641 = arith.constant 128 : index
        %get3A_642 = tpu.vector_load %arg6[%get3A_641] {strides = array<i32>} : memref<400xi32, #tpu.memory_space<vmem>>, vector<16xi32>,
        %get3A_643 = vector.shape_cast %get3A_642 : vector<16xi32> to vector<16xi32>
        %swap3A_644 = arith.constant 48 : index
        %swap3A_645 = tpu.vector_load %arg15[%swap3A_644] {strides = array<i32>} : memref<80xi32, #tpu.memory_space<vmem>>, vector<16xi32>,
        %swap3A_646 = vector.shape_cast %swap3A_645 : vector<16xi32> to vector<16xi32>
        %swap3A_647 = vector.shape_cast %get3A_643 : vector<16xi32> to vector<16xi32>
        tpu.vector_store %arg15[%swap3A_644], %swap3A_647 {strides = array<i32>} : memref<80xi32, #tpu.memory_space<vmem>>, vector<16xi32>,
        %get3A_648 = arith.constant 128 : index
        %get3A_649 = tpu.vector_load %arg8[%get3A_648] {strides = array<i32>} : memref<400xi32, #tpu.memory_space<vmem>>, vector<16xi32>,
        %get3A_650 = vector.shape_cast %get3A_649 : vector<16xi32> to vector<16xi32>
        %swap3A_651 = arith.constant 48 : index
        %swap3A_652 = tpu.vector_load %arg25[%swap3A_651] {strides = array<i32>} : memref<80xi32, #tpu.memory_space<vmem>>, vector<16xi32>,
        %swap3A_653 = vector.shape_cast %swap3A_652 : vector<16xi32> to vector<16xi32>
        %swap3A_654 = vector.shape_cast %get3A_650 : vector<16xi32> to vector<16xi32>
        tpu.vector_store %arg25[%swap3A_651], %swap3A_654 {strides = array<i32>} : memref<80xi32, #tpu.memory_space<vmem>>, vector<16xi32>,
        %get3A_655 = arith.constant 144 : index
        %get3A_656 = tpu.vector_load %arg6[%get3A_655] {strides = array<i32>} : memref<400xi32, #tpu.memory_space<vmem>>, vector<16xi32>,
        %get3A_657 = vector.shape_cast %get3A_656 : vector<16xi32> to vector<16xi32>
        %swap3A_658 = arith.constant 64 : index
        %swap3A_659 = tpu.vector_load %arg15[%swap3A_658] {strides = array<i32>} : memref<80xi32, #tpu.memory_space<vmem>>, vector<16xi32>,
        %swap3A_660 = vector.shape_cast %swap3A_659 : vector<16xi32> to vector<16xi32>
        %swap3A_661 = vector.shape_cast %get3A_657 : vector<16xi32> to vector<16xi32>
        tpu.vector_store %arg15[%swap3A_658], %swap3A_661 {strides = array<i32>} : memref<80xi32, #tpu.memory_space<vmem>>, vector<16xi32>,
        %get3A_662 = arith.constant 144 : index
        %get3A_663 = tpu.vector_load %arg8[%get3A_662] {strides = array<i32>} : memref<400xi32, #tpu.memory_space<vmem>>, vector<16xi32>,
        %get3A_664 = vector.shape_cast %get3A_663 : vector<16xi32> to vector<16xi32>
        %swap3A_665 = arith.constant 64 : index
        %swap3A_666 = tpu.vector_load %arg25[%swap3A_665] {strides = array<i32>} : memref<80xi32, #tpu.memory_space<vmem>>, vector<16xi32>,
        %swap3A_667 = vector.shape_cast %swap3A_666 : vector<16xi32> to vector<16xi32>
        %swap3A_668 = vector.shape_cast %get3A_664 : vector<16xi32> to vector<16xi32>
        tpu.vector_store %arg25[%swap3A_665], %swap3A_668 {strides = array<i32>} : memref<80xi32, #tpu.memory_space<vmem>>, vector<16xi32>,
        %dma_start3A_669 = arith.constant 0 : i32
        %dma_start3A_670 = arith.constant 0 : i32
        %dma_start3A_671 = tpu.memref_slice %arg2[%dma_start3A_669, %dma_start3A_670] : memref<10000x16xf32, #tpu.memory_space<hbm>> -> memref<10000x16xf32, #tpu.memory_space<hbm>>
        tpu.enqueue_indirect_dma source(%dma_start3A_671 : memref<10000x16xf32, #tpu.memory_space<hbm>>) target(%arg35 : memref<80x16xf32, #tpu.memory_space<vmem>>) offsets(%arg15 : memref<80xi32, #tpu.memory_space<vmem>>) semaphore(%arg44 : memref<!tpu.dma_semaphore, #tpu.memory_space<semaphore_mem>>)
        %get3A_672 = arith.constant 160 : index
        %get3A_673 = tpu.vector_load %arg6[%get3A_672] {strides = array<i32>} : memref<400xi32, #tpu.memory_space<vmem>>, vector<16xi32>,
        %get3A_674 = vector.shape_cast %get3A_673 : vector<16xi32> to vector<16xi32>
        %swap3A_675 = arith.constant 0 : index
        %swap3A_676 = tpu.vector_load %arg16[%swap3A_675] {strides = array<i32>} : memref<80xi32, #tpu.memory_space<vmem>>, vector<16xi32>,
        %swap3A_677 = vector.shape_cast %swap3A_676 : vector<16xi32> to vector<16xi32>
        %swap3A_678 = vector.shape_cast %get3A_674 : vector<16xi32> to vector<16xi32>
        tpu.vector_store %arg16[%swap3A_675], %swap3A_678 {strides = array<i32>} : memref<80xi32, #tpu.memory_space<vmem>>, vector<16xi32>,
        %get3A_679 = arith.constant 160 : index
        %get3A_680 = tpu.vector_load %arg8[%get3A_679] {strides = array<i32>} : memref<400xi32, #tpu.memory_space<vmem>>, vector<16xi32>,
        %get3A_681 = vector.shape_cast %get3A_680 : vector<16xi32> to vector<16xi32>
        %swap3A_682 = arith.constant 0 : index
        %swap3A_683 = tpu.vector_load %arg26[%swap3A_682] {strides = array<i32>} : memref<80xi32, #tpu.memory_space<vmem>>, vector<16xi32>,
        %swap3A_684 = vector.shape_cast %swap3A_683 : vector<16xi32> to vector<16xi32>
        %swap3A_685 = vector.shape_cast %get3A_681 : vector<16xi32> to vector<16xi32>
        tpu.vector_store %arg26[%swap3A_682], %swap3A_685 {strides = array<i32>} : memref<80xi32, #tpu.memory_space<vmem>>, vector<16xi32>,
        %get3A_686 = arith.constant 176 : index
        %get3A_687 = tpu.vector_load %arg6[%get3A_686] {strides = array<i32>} : memref<400xi32, #tpu.memory_space<vmem>>, vector<16xi32>,
        %get3A_688 = vector.shape_cast %get3A_687 : vector<16xi32> to vector<16xi32>
        %swap3A_689 = arith.constant 16 : index
        %swap3A_690 = tpu.vector_load %arg16[%swap3A_689] {strides = array<i32>} : memref<80xi32, #tpu.memory_space<vmem>>, vector<16xi32>,
        %swap3A_691 = vector.shape_cast %swap3A_690 : vector<16xi32> to vector<16xi32>
        %swap3A_692 = vector.shape_cast %get3A_688 : vector<16xi32> to vector<16xi32>
        tpu.vector_store %arg16[%swap3A_689], %swap3A_692 {strides = array<i32>} : memref<80xi32, #tpu.memory_space<vmem>>, vector<16xi32>,
        %get3A_693 = arith.constant 176 : index
        %get3A_694 = tpu.vector_load %arg8[%get3A_693] {strides = array<i32>} : memref<400xi32, #tpu.memory_space<vmem>>, vector<16xi32>,
        %get3A_695 = vector.shape_cast %get3A_694 : vector<16xi32> to vector<16xi32>
        %swap3A_696 = arith.constant 16 : index
        %swap3A_697 = tpu.vector_load %arg26[%swap3A_696] {strides = array<i32>} : memref<80xi32, #tpu.memory_space<vmem>>, vector<16xi32>,
        %swap3A_698 = vector.shape_cast %swap3A_697 : vector<16xi32> to vector<16xi32>
        %swap3A_699 = vector.shape_cast %get3A_695 : vector<16xi32> to vector<16xi32>
        tpu.vector_store %arg26[%swap3A_696], %swap3A_699 {strides = array<i32>} : memref<80xi32, #tpu.memory_space<vmem>>, vector<16xi32>,
        %get3A_700 = arith.constant 192 : index
        %get3A_701 = tpu.vector_load %arg6[%get3A_700] {strides = array<i32>} : memref<400xi32, #tpu.memory_space<vmem>>, vector<16xi32>,
        %get3A_702 = vector.shape_cast %get3A_701 : vector<16xi32> to vector<16xi32>
        %swap3A_703 = arith.constant 32 : index
        %swap3A_704 = tpu.vector_load %arg16[%swap3A_703] {strides = array<i32>} : memref<80xi32, #tpu.memory_space<vmem>>, vector<16xi32>,
        %swap3A_705 = vector.shape_cast %swap3A_704 : vector<16xi32> to vector<16xi32>
        %swap3A_706 = vector.shape_cast %get3A_702 : vector<16xi32> to vector<16xi32>
        tpu.vector_store %arg16[%swap3A_703], %swap3A_706 {strides = array<i32>} : memref<80xi32, #tpu.memory_space<vmem>>, vector<16xi32>,
        %get3A_707 = arith.constant 192 : index
        %get3A_708 = tpu.vector_load %arg8[%get3A_707] {strides = array<i32>} : memref<400xi32, #tpu.memory_space<vmem>>, vector<16xi32>,
        %get3A_709 = vector.shape_cast %get3A_708 : vector<16xi32> to vector<16xi32>
        %swap3A_710 = arith.constant 32 : index
        %swap3A_711 = tpu.vector_load %arg26[%swap3A_710] {strides = array<i32>} : memref<80xi32, #tpu.memory_space<vmem>>, vector<16xi32>,
        %swap3A_712 = vector.shape_cast %swap3A_711 : vector<16xi32> to vector<16xi32>
        %swap3A_713 = vector.shape_cast %get3A_709 : vector<16xi32> to vector<16xi32>
        tpu.vector_store %arg26[%swap3A_710], %swap3A_713 {strides = array<i32>} : memref<80xi32, #tpu.memory_space<vmem>>, vector<16xi32>,
        %get3A_714 = arith.constant 208 : index
        %get3A_715 = tpu.vector_load %arg6[%get3A_714] {strides = array<i32>} : memref<400xi32, #tpu.memory_space<vmem>>, vector<16xi32>,
        %get3A_716 = vector.shape_cast %get3A_715 : vector<16xi32> to vector<16xi32>
        %swap3A_717 = arith.constant 48 : index
        %swap3A_718 = tpu.vector_load %arg16[%swap3A_717] {strides = array<i32>} : memref<80xi32, #tpu.memory_space<vmem>>, vector<16xi32>,
        %swap3A_719 = vector.shape_cast %swap3A_718 : vector<16xi32> to vector<16xi32>
        %swap3A_720 = vector.shape_cast %get3A_716 : vector<16xi32> to vector<16xi32>
        tpu.vector_store %arg16[%swap3A_717], %swap3A_720 {strides = array<i32>} : memref<80xi32, #tpu.memory_space<vmem>>, vector<16xi32>,
        %get3A_721 = arith.constant 208 : index
        %get3A_722 = tpu.vector_load %arg8[%get3A_721] {strides = array<i32>} : memref<400xi32, #tpu.memory_space<vmem>>, vector<16xi32>,
        %get3A_723 = vector.shape_cast %get3A_722 : vector<16xi32> to vector<16xi32>
        %swap3A_724 = arith.constant 48 : index
        %swap3A_725 = tpu.vector_load %arg26[%swap3A_724] {strides = array<i32>} : memref<80xi32, #tpu.memory_space<vmem>>, vector<16xi32>,
        %swap3A_726 = vector.shape_cast %swap3A_725 : vector<16xi32> to vector<16xi32>
        %swap3A_727 = vector.shape_cast %get3A_723 : vector<16xi32> to vector<16xi32>
        tpu.vector_store %arg26[%swap3A_724], %swap3A_727 {strides = array<i32>} : memref<80xi32, #tpu.memory_space<vmem>>, vector<16xi32>,
        %get3A_728 = arith.constant 224 : index
        %get3A_729 = tpu.vector_load %arg6[%get3A_728] {strides = array<i32>} : memref<400xi32, #tpu.memory_space<vmem>>, vector<16xi32>,
        %get3A_730 = vector.shape_cast %get3A_729 : vector<16xi32> to vector<16xi32>
        %swap3A_731 = arith.constant 64 : index
        %swap3A_732 = tpu.vector_load %arg16[%swap3A_731] {strides = array<i32>} : memref<80xi32, #tpu.memory_space<vmem>>, vector<16xi32>,
        %swap3A_733 = vector.shape_cast %swap3A_732 : vector<16xi32> to vector<16xi32>
        %swap3A_734 = vector.shape_cast %get3A_730 : vector<16xi32> to vector<16xi32>
        tpu.vector_store %arg16[%swap3A_731], %swap3A_734 {strides = array<i32>} : memref<80xi32, #tpu.memory_space<vmem>>, vector<16xi32>,
        %get3A_735 = arith.constant 224 : index
        %get3A_736 = tpu.vector_load %arg8[%get3A_735] {strides = array<i32>} : memref<400xi32, #tpu.memory_space<vmem>>, vector<16xi32>,
        %get3A_737 = vector.shape_cast %get3A_736 : vector<16xi32> to vector<16xi32>
        %swap3A_738 = arith.constant 64 : index
        %swap3A_739 = tpu.vector_load %arg26[%swap3A_738] {strides = array<i32>} : memref<80xi32, #tpu.memory_space<vmem>>, vector<16xi32>,
        %swap3A_740 = vector.shape_cast %swap3A_739 : vector<16xi32> to vector<16xi32>
        %swap3A_741 = vector.shape_cast %get3A_737 : vector<16xi32> to vector<16xi32>
        tpu.vector_store %arg26[%swap3A_738], %swap3A_741 {strides = array<i32>} : memref<80xi32, #tpu.memory_space<vmem>>, vector<16xi32>,
        %dma_start3A_742 = arith.constant 0 : i32
        %dma_start3A_743 = arith.constant 0 : i32
        %dma_start3A_744 = tpu.memref_slice %arg2[%dma_start3A_742, %dma_start3A_743] : memref<10000x16xf32, #tpu.memory_space<hbm>> -> memref<10000x16xf32, #tpu.memory_space<hbm>>
        tpu.enqueue_indirect_dma source(%dma_start3A_744 : memref<10000x16xf32, #tpu.memory_space<hbm>>) target(%arg36 : memref<80x16xf32, #tpu.memory_space<vmem>>) offsets(%arg16 : memref<80xi32, #tpu.memory_space<vmem>>) semaphore(%arg44 : memref<!tpu.dma_semaphore, #tpu.memory_space<semaphore_mem>>)
        %get3A_745 = arith.constant 240 : index
        %get3A_746 = tpu.vector_load %arg6[%get3A_745] {strides = array<i32>} : memref<400xi32, #tpu.memory_space<vmem>>, vector<16xi32>,
        %get3A_747 = vector.shape_cast %get3A_746 : vector<16xi32> to vector<16xi32>
        %swap3A_748 = arith.constant 0 : index
        %swap3A_749 = tpu.vector_load %arg17[%swap3A_748] {strides = array<i32>} : memref<80xi32, #tpu.memory_space<vmem>>, vector<16xi32>,
        %swap3A_750 = vector.shape_cast %swap3A_749 : vector<16xi32> to vector<16xi32>
        %swap3A_751 = vector.shape_cast %get3A_747 : vector<16xi32> to vector<16xi32>
        tpu.vector_store %arg17[%swap3A_748], %swap3A_751 {strides = array<i32>} : memref<80xi32, #tpu.memory_space<vmem>>, vector<16xi32>,
        %get3A_752 = arith.constant 240 : index
        %get3A_753 = tpu.vector_load %arg8[%get3A_752] {strides = array<i32>} : memref<400xi32, #tpu.memory_space<vmem>>, vector<16xi32>,
        %get3A_754 = vector.shape_cast %get3A_753 : vector<16xi32> to vector<16xi32>
        %swap3A_755 = arith.constant 0 : index
        %swap3A_756 = tpu.vector_load %arg27[%swap3A_755] {strides = array<i32>} : memref<80xi32, #tpu.memory_space<vmem>>, vector<16xi32>,
        %swap3A_757 = vector.shape_cast %swap3A_756 : vector<16xi32> to vector<16xi32>
        %swap3A_758 = vector.shape_cast %get3A_754 : vector<16xi32> to vector<16xi32>
        tpu.vector_store %arg27[%swap3A_755], %swap3A_758 {strides = array<i32>} : memref<80xi32, #tpu.memory_space<vmem>>, vector<16xi32>,
        %get3A_759 = arith.constant 256 : index
        %get3A_760 = tpu.vector_load %arg6[%get3A_759] {strides = array<i32>} : memref<400xi32, #tpu.memory_space<vmem>>, vector<16xi32>,
        %get3A_761 = vector.shape_cast %get3A_760 : vector<16xi32> to vector<16xi32>
        %swap3A_762 = arith.constant 16 : index
        %swap3A_763 = tpu.vector_load %arg17[%swap3A_762] {strides = array<i32>} : memref<80xi32, #tpu.memory_space<vmem>>, vector<16xi32>,
        %swap3A_764 = vector.shape_cast %swap3A_763 : vector<16xi32> to vector<16xi32>
        %swap3A_765 = vector.shape_cast %get3A_761 : vector<16xi32> to vector<16xi32>
        tpu.vector_store %arg17[%swap3A_762], %swap3A_765 {strides = array<i32>} : memref<80xi32, #tpu.memory_space<vmem>>, vector<16xi32>,
        %get3A_766 = arith.constant 256 : index
        %get3A_767 = tpu.vector_load %arg8[%get3A_766] {strides = array<i32>} : memref<400xi32, #tpu.memory_space<vmem>>, vector<16xi32>,
        %get3A_768 = vector.shape_cast %get3A_767 : vector<16xi32> to vector<16xi32>
        %swap3A_769 = arith.constant 16 : index
        %swap3A_770 = tpu.vector_load %arg27[%swap3A_769] {strides = array<i32>} : memref<80xi32, #tpu.memory_space<vmem>>, vector<16xi32>,
        %swap3A_771 = vector.shape_cast %swap3A_770 : vector<16xi32> to vector<16xi32>
        %swap3A_772 = vector.shape_cast %get3A_768 : vector<16xi32> to vector<16xi32>
        tpu.vector_store %arg27[%swap3A_769], %swap3A_772 {strides = array<i32>} : memref<80xi32, #tpu.memory_space<vmem>>, vector<16xi32>,
        %get3A_773 = arith.constant 272 : index
        %get3A_774 = tpu.vector_load %arg6[%get3A_773] {strides = array<i32>} : memref<400xi32, #tpu.memory_space<vmem>>, vector<16xi32>,
        %get3A_775 = vector.shape_cast %get3A_774 : vector<16xi32> to vector<16xi32>
        %swap3A_776 = arith.constant 32 : index
        %swap3A_777 = tpu.vector_load %arg17[%swap3A_776] {strides = array<i32>} : memref<80xi32, #tpu.memory_space<vmem>>, vector<16xi32>,
        %swap3A_778 = vector.shape_cast %swap3A_777 : vector<16xi32> to vector<16xi32>
        %swap3A_779 = vector.shape_cast %get3A_775 : vector<16xi32> to vector<16xi32>
        tpu.vector_store %arg17[%swap3A_776], %swap3A_779 {strides = array<i32>} : memref<80xi32, #tpu.memory_space<vmem>>, vector<16xi32>,
        %get3A_780 = arith.constant 272 : index
        %get3A_781 = tpu.vector_load %arg8[%get3A_780] {strides = array<i32>} : memref<400xi32, #tpu.memory_space<vmem>>, vector<16xi32>,
        %get3A_782 = vector.shape_cast %get3A_781 : vector<16xi32> to vector<16xi32>
        %swap3A_783 = arith.constant 32 : index
        %swap3A_784 = tpu.vector_load %arg27[%swap3A_783] {strides = array<i32>} : memref<80xi32, #tpu.memory_space<vmem>>, vector<16xi32>,
        %swap3A_785 = vector.shape_cast %swap3A_784 : vector<16xi32> to vector<16xi32>
        %swap3A_786 = vector.shape_cast %get3A_782 : vector<16xi32> to vector<16xi32>
        tpu.vector_store %arg27[%swap3A_783], %swap3A_786 {strides = array<i32>} : memref<80xi32, #tpu.memory_space<vmem>>, vector<16xi32>,
        %get3A_787 = arith.constant 288 : index
        %get3A_788 = tpu.vector_load %arg6[%get3A_787] {strides = array<i32>} : memref<400xi32, #tpu.memory_space<vmem>>, vector<16xi32>,
        %get3A_789 = vector.shape_cast %get3A_788 : vector<16xi32> to vector<16xi32>
        %swap3A_790 = arith.constant 48 : index
        %swap3A_791 = tpu.vector_load %arg17[%swap3A_790] {strides = array<i32>} : memref<80xi32, #tpu.memory_space<vmem>>, vector<16xi32>,
        %swap3A_792 = vector.shape_cast %swap3A_791 : vector<16xi32> to vector<16xi32>
        %swap3A_793 = vector.shape_cast %get3A_789 : vector<16xi32> to vector<16xi32>
        tpu.vector_store %arg17[%swap3A_790], %swap3A_793 {strides = array<i32>} : memref<80xi32, #tpu.memory_space<vmem>>, vector<16xi32>,
        %get3A_794 = arith.constant 288 : index
        %get3A_795 = tpu.vector_load %arg8[%get3A_794] {strides = array<i32>} : memref<400xi32, #tpu.memory_space<vmem>>, vector<16xi32>,
        %get3A_796 = vector.shape_cast %get3A_795 : vector<16xi32> to vector<16xi32>
        %swap3A_797 = arith.constant 48 : index
        %swap3A_798 = tpu.vector_load %arg27[%swap3A_797] {strides = array<i32>} : memref<80xi32, #tpu.memory_space<vmem>>, vector<16xi32>,
        %swap3A_799 = vector.shape_cast %swap3A_798 : vector<16xi32> to vector<16xi32>
        %swap3A_800 = vector.shape_cast %get3A_796 : vector<16xi32> to vector<16xi32>
        tpu.vector_store %arg27[%swap3A_797], %swap3A_800 {strides = array<i32>} : memref<80xi32, #tpu.memory_space<vmem>>, vector<16xi32>,
        %get3A_801 = arith.constant 304 : index
        %get3A_802 = tpu.vector_load %arg6[%get3A_801] {strides = array<i32>} : memref<400xi32, #tpu.memory_space<vmem>>, vector<16xi32>,
        %get3A_803 = vector.shape_cast %get3A_802 : vector<16xi32> to vector<16xi32>
        %swap3A_804 = arith.constant 64 : index
        %swap3A_805 = tpu.vector_load %arg17[%swap3A_804] {strides = array<i32>} : memref<80xi32, #tpu.memory_space<vmem>>, vector<16xi32>,
        %swap3A_806 = vector.shape_cast %swap3A_805 : vector<16xi32> to vector<16xi32>
        %swap3A_807 = vector.shape_cast %get3A_803 : vector<16xi32> to vector<16xi32>
        tpu.vector_store %arg17[%swap3A_804], %swap3A_807 {strides = array<i32>} : memref<80xi32, #tpu.memory_space<vmem>>, vector<16xi32>,
        %get3A_808 = arith.constant 304 : index
        %get3A_809 = tpu.vector_load %arg8[%get3A_808] {strides = array<i32>} : memref<400xi32, #tpu.memory_space<vmem>>, vector<16xi32>,
        %get3A_810 = vector.shape_cast %get3A_809 : vector<16xi32> to vector<16xi32>
        %swap3A_811 = arith.constant 64 : index
        %swap3A_812 = tpu.vector_load %arg27[%swap3A_811] {strides = array<i32>} : memref<80xi32, #tpu.memory_space<vmem>>, vector<16xi32>,
        %swap3A_813 = vector.shape_cast %swap3A_812 : vector<16xi32> to vector<16xi32>
        %swap3A_814 = vector.shape_cast %get3A_810 : vector<16xi32> to vector<16xi32>
        tpu.vector_store %arg27[%swap3A_811], %swap3A_814 {strides = array<i32>} : memref<80xi32, #tpu.memory_space<vmem>>, vector<16xi32>,
        %dma_start3A_815 = arith.constant 0 : i32
        %dma_start3A_816 = arith.constant 0 : i32
        %dma_start3A_817 = tpu.memref_slice %arg2[%dma_start3A_815, %dma_start3A_816] : memref<10000x16xf32, #tpu.memory_space<hbm>> -> memref<10000x16xf32, #tpu.memory_space<hbm>>
        tpu.enqueue_indirect_dma source(%dma_start3A_817 : memref<10000x16xf32, #tpu.memory_space<hbm>>) target(%arg37 : memref<80x16xf32, #tpu.memory_space<vmem>>) offsets(%arg17 : memref<80xi32, #tpu.memory_space<vmem>>) semaphore(%arg44 : memref<!tpu.dma_semaphore, #tpu.memory_space<semaphore_mem>>)
        %get3A_818 = arith.constant 320 : index
        %get3A_819 = tpu.vector_load %arg6[%get3A_818] {strides = array<i32>} : memref<400xi32, #tpu.memory_space<vmem>>, vector<16xi32>,
        %get3A_820 = vector.shape_cast %get3A_819 : vector<16xi32> to vector<16xi32>
        %swap3A_821 = arith.constant 0 : index
        %swap3A_822 = tpu.vector_load %arg18[%swap3A_821] {strides = array<i32>} : memref<80xi32, #tpu.memory_space<vmem>>, vector<16xi32>,
        %swap3A_823 = vector.shape_cast %swap3A_822 : vector<16xi32> to vector<16xi32>
        %swap3A_824 = vector.shape_cast %get3A_820 : vector<16xi32> to vector<16xi32>
        tpu.vector_store %arg18[%swap3A_821], %swap3A_824 {strides = array<i32>} : memref<80xi32, #tpu.memory_space<vmem>>, vector<16xi32>,
        %get3A_825 = arith.constant 320 : index
        %get3A_826 = tpu.vector_load %arg8[%get3A_825] {strides = array<i32>} : memref<400xi32, #tpu.memory_space<vmem>>, vector<16xi32>,
        %get3A_827 = vector.shape_cast %get3A_826 : vector<16xi32> to vector<16xi32>
        %swap3A_828 = arith.constant 0 : index
        %swap3A_829 = tpu.vector_load %arg28[%swap3A_828] {strides = array<i32>} : memref<80xi32, #tpu.memory_space<vmem>>, vector<16xi32>,
        %swap3A_830 = vector.shape_cast %swap3A_829 : vector<16xi32> to vector<16xi32>
        %swap3A_831 = vector.shape_cast %get3A_827 : vector<16xi32> to vector<16xi32>
        tpu.vector_store %arg28[%swap3A_828], %swap3A_831 {strides = array<i32>} : memref<80xi32, #tpu.memory_space<vmem>>, vector<16xi32>,
        %get3A_832 = arith.constant 336 : index
        %get3A_833 = tpu.vector_load %arg6[%get3A_832] {strides = array<i32>} : memref<400xi32, #tpu.memory_space<vmem>>, vector<16xi32>,
        %get3A_834 = vector.shape_cast %get3A_833 : vector<16xi32> to vector<16xi32>
        %swap3A_835 = arith.constant 16 : index
        %swap3A_836 = tpu.vector_load %arg18[%swap3A_835] {strides = array<i32>} : memref<80xi32, #tpu.memory_space<vmem>>, vector<16xi32>,
        %swap3A_837 = vector.shape_cast %swap3A_836 : vector<16xi32> to vector<16xi32>
        %swap3A_838 = vector.shape_cast %get3A_834 : vector<16xi32> to vector<16xi32>
        tpu.vector_store %arg18[%swap3A_835], %swap3A_838 {strides = array<i32>} : memref<80xi32, #tpu.memory_space<vmem>>, vector<16xi32>,
        %get3A_839 = arith.constant 336 : index
        %get3A_840 = tpu.vector_load %arg8[%get3A_839] {strides = array<i32>} : memref<400xi32, #tpu.memory_space<vmem>>, vector<16xi32>,
        %get3A_841 = vector.shape_cast %get3A_840 : vector<16xi32> to vector<16xi32>
        %swap3A_842 = arith.constant 16 : index
        %swap3A_843 = tpu.vector_load %arg28[%swap3A_842] {strides = array<i32>} : memref<80xi32, #tpu.memory_space<vmem>>, vector<16xi32>,
        %swap3A_844 = vector.shape_cast %swap3A_843 : vector<16xi32> to vector<16xi32>
        %swap3A_845 = vector.shape_cast %get3A_841 : vector<16xi32> to vector<16xi32>
        tpu.vector_store %arg28[%swap3A_842], %swap3A_845 {strides = array<i32>} : memref<80xi32, #tpu.memory_space<vmem>>, vector<16xi32>,
        %get3A_846 = arith.constant 352 : index
        %get3A_847 = tpu.vector_load %arg6[%get3A_846] {strides = array<i32>} : memref<400xi32, #tpu.memory_space<vmem>>, vector<16xi32>,
        %get3A_848 = vector.shape_cast %get3A_847 : vector<16xi32> to vector<16xi32>
        %swap3A_849 = arith.constant 32 : index
        %swap3A_850 = tpu.vector_load %arg18[%swap3A_849] {strides = array<i32>} : memref<80xi32, #tpu.memory_space<vmem>>, vector<16xi32>,
        %swap3A_851 = vector.shape_cast %swap3A_850 : vector<16xi32> to vector<16xi32>
        %swap3A_852 = vector.shape_cast %get3A_848 : vector<16xi32> to vector<16xi32>
        tpu.vector_store %arg18[%swap3A_849], %swap3A_852 {strides = array<i32>} : memref<80xi32, #tpu.memory_space<vmem>>, vector<16xi32>,
        %get3A_853 = arith.constant 352 : index
        %get3A_854 = tpu.vector_load %arg8[%get3A_853] {strides = array<i32>} : memref<400xi32, #tpu.memory_space<vmem>>, vector<16xi32>,
        %get3A_855 = vector.shape_cast %get3A_854 : vector<16xi32> to vector<16xi32>
        %swap3A_856 = arith.constant 32 : index
        %swap3A_857 = tpu.vector_load %arg28[%swap3A_856] {strides = array<i32>} : memref<80xi32, #tpu.memory_space<vmem>>, vector<16xi32>,
        %swap3A_858 = vector.shape_cast %swap3A_857 : vector<16xi32> to vector<16xi32>
        %swap3A_859 = vector.shape_cast %get3A_855 : vector<16xi32> to vector<16xi32>
        tpu.vector_store %arg28[%swap3A_856], %swap3A_859 {strides = array<i32>} : memref<80xi32, #tpu.memory_space<vmem>>, vector<16xi32>,
        %get3A_860 = arith.constant 368 : index
        %get3A_861 = tpu.vector_load %arg6[%get3A_860] {strides = array<i32>} : memref<400xi32, #tpu.memory_space<vmem>>, vector<16xi32>,
        %get3A_862 = vector.shape_cast %get3A_861 : vector<16xi32> to vector<16xi32>
        %swap3A_863 = arith.constant 48 : index
        %swap3A_864 = tpu.vector_load %arg18[%swap3A_863] {strides = array<i32>} : memref<80xi32, #tpu.memory_space<vmem>>, vector<16xi32>,
        %swap3A_865 = vector.shape_cast %swap3A_864 : vector<16xi32> to vector<16xi32>
        %swap3A_866 = vector.shape_cast %get3A_862 : vector<16xi32> to vector<16xi32>
        tpu.vector_store %arg18[%swap3A_863], %swap3A_866 {strides = array<i32>} : memref<80xi32, #tpu.memory_space<vmem>>, vector<16xi32>,
        %get3A_867 = arith.constant 368 : index
        %get3A_868 = tpu.vector_load %arg8[%get3A_867] {strides = array<i32>} : memref<400xi32, #tpu.memory_space<vmem>>, vector<16xi32>,
        %get3A_869 = vector.shape_cast %get3A_868 : vector<16xi32> to vector<16xi32>
        %swap3A_870 = arith.constant 48 : index
        %swap3A_871 = tpu.vector_load %arg28[%swap3A_870] {strides = array<i32>} : memref<80xi32, #tpu.memory_space<vmem>>, vector<16xi32>,
        %swap3A_872 = vector.shape_cast %swap3A_871 : vector<16xi32> to vector<16xi32>
        %swap3A_873 = vector.shape_cast %get3A_869 : vector<16xi32> to vector<16xi32>
        tpu.vector_store %arg28[%swap3A_870], %swap3A_873 {strides = array<i32>} : memref<80xi32, #tpu.memory_space<vmem>>, vector<16xi32>,
        %get3A_874 = arith.constant 384 : index
        %get3A_875 = tpu.vector_load %arg6[%get3A_874] {strides = array<i32>} : memref<400xi32, #tpu.memory_space<vmem>>, vector<16xi32>,
        %get3A_876 = vector.shape_cast %get3A_875 : vector<16xi32> to vector<16xi32>
        %swap3A_877 = arith.constant 64 : index
        %swap3A_878 = tpu.vector_load %arg18[%swap3A_877] {strides = array<i32>} : memref<80xi32, #tpu.memory_space<vmem>>, vector<16xi32>,
        %swap3A_879 = vector.shape_cast %swap3A_878 : vector<16xi32> to vector<16xi32>
        %swap3A_880 = vector.shape_cast %get3A_876 : vector<16xi32> to vector<16xi32>
        tpu.vector_store %arg18[%swap3A_877], %swap3A_880 {strides = array<i32>} : memref<80xi32, #tpu.memory_space<vmem>>, vector<16xi32>,
        %get3A_881 = arith.constant 384 : index
        %get3A_882 = tpu.vector_load %arg8[%get3A_881] {strides = array<i32>} : memref<400xi32, #tpu.memory_space<vmem>>, vector<16xi32>,
        %get3A_883 = vector.shape_cast %get3A_882 : vector<16xi32> to vector<16xi32>
        %swap3A_884 = arith.constant 64 : index
        %swap3A_885 = tpu.vector_load %arg28[%swap3A_884] {strides = array<i32>} : memref<80xi32, #tpu.memory_space<vmem>>, vector<16xi32>,
        %swap3A_886 = vector.shape_cast %swap3A_885 : vector<16xi32> to vector<16xi32>
        %swap3A_887 = vector.shape_cast %get3A_883 : vector<16xi32> to vector<16xi32>
        tpu.vector_store %arg28[%swap3A_884], %swap3A_887 {strides = array<i32>} : memref<80xi32, #tpu.memory_space<vmem>>, vector<16xi32>,
        %dma_start3A_888 = arith.constant 0 : i32
        %dma_start3A_889 = arith.constant 0 : i32
        %dma_start3A_890 = tpu.memref_slice %arg2[%dma_start3A_888, %dma_start3A_889] : memref<10000x16xf32, #tpu.memory_space<hbm>> -> memref<10000x16xf32, #tpu.memory_space<hbm>>
        tpu.enqueue_indirect_dma source(%dma_start3A_890 : memref<10000x16xf32, #tpu.memory_space<hbm>>) target(%arg38 : memref<80x16xf32, #tpu.memory_space<vmem>>) offsets(%arg18 : memref<80xi32, #tpu.memory_space<vmem>>) semaphore(%arg44 : memref<!tpu.dma_semaphore, #tpu.memory_space<semaphore_mem>>)
      } else {
      }
      %add3A_464 = arith.constant 2 : i32
      %add3A_465 = arith.addi %add3A_459, %add3A_464 : i32
      %lt3A_466 = arith.constant 25 : i32
      %lt3A_467 = arith.cmpi slt, %add3A_465, %lt3A_466 : i32
      %convert_element_type3A_468 = arith.extui %lt3A_467 : i1 to i32
      %cond3A_469 = arith.constant 0 : i32
      %cond3A_470 = arith.cmpi ne, %convert_element_type3A_468, %cond3A_469 : i32
      scf.if %cond3A_470 {
        %add3A_508 = arith.constant 2 : i32
        %add3A_509 = arith.addi %add3A_459, %add3A_508 : i32
        %mul3A_510 = arith.constant 400 : i32
        %mul3A_511 = arith.muli %add3A_509, %mul3A_510 : i32
        %add3A_512 = arith.addi %mul3A_4, %mul3A_511 : i32
        %multiple_of3A_513 = tpu.assume_multiple %add3A_512, 80 : i32
        %dma_start3A_514 = arith.constant 0 : i32
        %dma_start3A_515 = tpu.memref_slice %arg3[%dma_start3A_514, %multiple_of3A_513] : memref<2x320000xi32, #tpu.memory_space<hbm>> -> memref<1x400xi32, #tpu.memory_space<hbm>>
        %dma_start3A_516 = tpu.memref_squeeze %dma_start3A_515 : memref<1x400xi32, #tpu.memory_space<hbm>> -> memref<400xi32, #tpu.memory_space<hbm>>
        %dma_start3A_517 = tpu.memref_slice %arg3[%dma_start3A_514, %multiple_of3A_513] : memref<2x320000xi32, #tpu.memory_space<hbm>> -> memref<1x400xi32, #tpu.memory_space<hbm>>
        %dma_start3A_518 = tpu.memref_squeeze %dma_start3A_517 : memref<1x400xi32, #tpu.memory_space<hbm>> -> memref<400xi32, #tpu.memory_space<hbm>>
        tpu.enqueue_dma source(%dma_start3A_518 : memref<400xi32, #tpu.memory_space<hbm>>) target(%arg5 : memref<400xi32, #tpu.memory_space<vmem>>) target_semaphore(%arg41 : memref<!tpu.dma_semaphore, #tpu.memory_space<semaphore_mem>>)
        %dma_start3A_519 = arith.constant 1 : i32
        %dma_start3A_520 = tpu.memref_slice %arg3[%dma_start3A_519, %multiple_of3A_513] : memref<2x320000xi32, #tpu.memory_space<hbm>> -> memref<1x400xi32, #tpu.memory_space<hbm>>
        %dma_start3A_521 = tpu.memref_squeeze %dma_start3A_520 : memref<1x400xi32, #tpu.memory_space<hbm>> -> memref<400xi32, #tpu.memory_space<hbm>>
        %dma_start3A_522 = tpu.memref_slice %arg3[%dma_start3A_519, %multiple_of3A_513] : memref<2x320000xi32, #tpu.memory_space<hbm>> -> memref<1x400xi32, #tpu.memory_space<hbm>>
        %dma_start3A_523 = tpu.memref_squeeze %dma_start3A_522 : memref<1x400xi32, #tpu.memory_space<hbm>> -> memref<400xi32, #tpu.memory_space<hbm>>
        tpu.enqueue_dma source(%dma_start3A_523 : memref<400xi32, #tpu.memory_space<hbm>>) target(%arg7 : memref<400xi32, #tpu.memory_space<vmem>>) target_semaphore(%arg41 : memref<!tpu.dma_semaphore, #tpu.memory_space<semaphore_mem>>)
      } else {
      }
      %dma_wait3A_471 = arith.constant 0 : i32
      %dma_wait3A_472 = arith.constant 0 : i32
      %dma_wait3A_473 = tpu.memref_slice %arg2[%dma_wait3A_471, %dma_wait3A_472] : memref<10000x16xf32, #tpu.memory_space<hbm>> -> memref<10000x16xf32, #tpu.memory_space<hbm>>
      tpu.wait_indirect_dma semaphore(%arg43 : memref<!tpu.dma_semaphore, #tpu.memory_space<semaphore_mem>>) src(%dma_wait3A_473 : memref<10000x16xf32, #tpu.memory_space<hbm>>) dst(%arg29 : memref<80x16xf32, #tpu.memory_space<vmem>>)
      %dma_start3A_474 = arith.constant 0 : i32
      %dma_start3A_475 = arith.constant 0 : i32
      %dma_start3A_476 = tpu.memref_slice %arg40[%dma_start3A_474, %dma_start3A_475] : memref<10240x16xf32, #tpu.memory_space<vmem_shared>> -> memref<10240x16xf32, #tpu.memory_space<vmem_shared>>
      tpu.enqueue_indirect_dma source(%arg29 : memref<80x16xf32, #tpu.memory_space<vmem>>) target(%dma_start3A_476 : memref<10240x16xf32, #tpu.memory_space<vmem_shared>>) offsets(%arg19 : memref<80xi32, #tpu.memory_space<vmem>>) semaphore(%arg45 : memref<!tpu.dma_semaphore, #tpu.memory_space<semaphore_mem>>) {add = true}
      %dma_wait3A_477 = arith.constant 0 : i32
      %dma_wait3A_478 = arith.constant 0 : i32
      %dma_wait3A_479 = tpu.memref_slice %arg2[%dma_wait3A_477, %dma_wait3A_478] : memref<10000x16xf32, #tpu.memory_space<hbm>> -> memref<10000x16xf32, #tpu.memory_space<hbm>>
      tpu.wait_indirect_dma semaphore(%arg43 : memref<!tpu.dma_semaphore, #tpu.memory_space<semaphore_mem>>) src(%dma_wait3A_479 : memref<10000x16xf32, #tpu.memory_space<hbm>>) dst(%arg30 : memref<80x16xf32, #tpu.memory_space<vmem>>)
      %dma_start3A_480 = arith.constant 0 : i32
      %dma_start3A_481 = arith.constant 0 : i32
      %dma_start3A_482 = tpu.memref_slice %arg40[%dma_start3A_480, %dma_start3A_481] : memref<10240x16xf32, #tpu.memory_space<vmem_shared>> -> memref<10240x16xf32, #tpu.memory_space<vmem_shared>>
      tpu.enqueue_indirect_dma source(%arg30 : memref<80x16xf32, #tpu.memory_space<vmem>>) target(%dma_start3A_482 : memref<10240x16xf32, #tpu.memory_space<vmem_shared>>) offsets(%arg20 : memref<80xi32, #tpu.memory_space<vmem>>) semaphore(%arg45 : memref<!tpu.dma_semaphore, #tpu.memory_space<semaphore_mem>>) {add = true}
      %dma_wait3A_483 = arith.constant 0 : i32
      %dma_wait3A_484 = arith.constant 0 : i32
      %dma_wait3A_485 = tpu.memref_slice %arg2[%dma_wait3A_483, %dma_wait3A_484] : memref<10000x16xf32, #tpu.memory_space<hbm>> -> memref<10000x16xf32, #tpu.memory_space<hbm>>
      tpu.wait_indirect_dma semaphore(%arg43 : memref<!tpu.dma_semaphore, #tpu.memory_space<semaphore_mem>>) src(%dma_wait3A_485 : memref<10000x16xf32, #tpu.memory_space<hbm>>) dst(%arg31 : memref<80x16xf32, #tpu.memory_space<vmem>>)
      %dma_start3A_486 = arith.constant 0 : i32
      %dma_start3A_487 = arith.constant 0 : i32
      %dma_start3A_488 = tpu.memref_slice %arg40[%dma_start3A_486, %dma_start3A_487] : memref<10240x16xf32, #tpu.memory_space<vmem_shared>> -> memref<10240x16xf32, #tpu.memory_space<vmem_shared>>
      tpu.enqueue_indirect_dma source(%arg31 : memref<80x16xf32, #tpu.memory_space<vmem>>) target(%dma_start3A_488 : memref<10240x16xf32, #tpu.memory_space<vmem_shared>>) offsets(%arg21 : memref<80xi32, #tpu.memory_space<vmem>>) semaphore(%arg45 : memref<!tpu.dma_semaphore, #tpu.memory_space<semaphore_mem>>) {add = true}
      %dma_wait3A_489 = arith.constant 0 : i32
      %dma_wait3A_490 = arith.constant 0 : i32
      %dma_wait3A_491 = tpu.memref_slice %arg2[%dma_wait3A_489, %dma_wait3A_490] : memref<10000x16xf32, #tpu.memory_space<hbm>> -> memref<10000x16xf32, #tpu.memory_space<hbm>>
      tpu.wait_indirect_dma semaphore(%arg43 : memref<!tpu.dma_semaphore, #tpu.memory_space<semaphore_mem>>) src(%dma_wait3A_491 : memref<10000x16xf32, #tpu.memory_space<hbm>>) dst(%arg32 : memref<80x16xf32, #tpu.memory_space<vmem>>)
      %dma_start3A_492 = arith.constant 0 : i32
      %dma_start3A_493 = arith.constant 0 : i32
      %dma_start3A_494 = tpu.memref_slice %arg40[%dma_start3A_492, %dma_start3A_493] : memref<10240x16xf32, #tpu.memory_space<vmem_shared>> -> memref<10240x16xf32, #tpu.memory_space<vmem_shared>>
      tpu.enqueue_indirect_dma source(%arg32 : memref<80x16xf32, #tpu.memory_space<vmem>>) target(%dma_start3A_494 : memref<10240x16xf32, #tpu.memory_space<vmem_shared>>) offsets(%arg22 : memref<80xi32, #tpu.memory_space<vmem>>) semaphore(%arg45 : memref<!tpu.dma_semaphore, #tpu.memory_space<semaphore_mem>>) {add = true}
      %dma_wait3A_495 = arith.constant 0 : i32
      %dma_wait3A_496 = arith.constant 0 : i32
      %dma_wait3A_497 = tpu.memref_slice %arg2[%dma_wait3A_495, %dma_wait3A_496] : memref<10000x16xf32, #tpu.memory_space<hbm>> -> memref<10000x16xf32, #tpu.memory_space<hbm>>
      tpu.wait_indirect_dma semaphore(%arg43 : memref<!tpu.dma_semaphore, #tpu.memory_space<semaphore_mem>>) src(%dma_wait3A_497 : memref<10000x16xf32, #tpu.memory_space<hbm>>) dst(%arg33 : memref<80x16xf32, #tpu.memory_space<vmem>>)
      %dma_start3A_498 = arith.constant 0 : i32
      %dma_start3A_499 = arith.constant 0 : i32
      %dma_start3A_500 = tpu.memref_slice %arg40[%dma_start3A_498, %dma_start3A_499] : memref<10240x16xf32, #tpu.memory_space<vmem_shared>> -> memref<10240x16xf32, #tpu.memory_space<vmem_shared>>
      tpu.enqueue_indirect_dma source(%arg33 : memref<80x16xf32, #tpu.memory_space<vmem>>) target(%dma_start3A_500 : memref<10240x16xf32, #tpu.memory_space<vmem_shared>>) offsets(%arg23 : memref<80xi32, #tpu.memory_space<vmem>>) semaphore(%arg45 : memref<!tpu.dma_semaphore, #tpu.memory_space<semaphore_mem>>) {add = true}
      %add3A_501 = arith.constant 1 : i32
      %add3A_502 = arith.addi %add3A_459, %add3A_501 : i32
      %lt3A_503 = arith.constant 25 : i32
      %lt3A_504 = arith.cmpi slt, %add3A_502, %lt3A_503 : i32
      %convert_element_type3A_505 = arith.extui %lt3A_504 : i1 to i32
      %cond3A_506 = arith.constant 0 : i32
      %cond3A_507 = arith.cmpi ne, %convert_element_type3A_505, %cond3A_506 : i32
      scf.if %cond3A_507 {
        %add3A_508 = arith.constant 1 : i32
        %add3A_509 = arith.addi %add3A_459, %add3A_508 : i32
        %add3A_510 = arith.constant 1 : i32
        %add3A_511 = arith.addi %add3A_509, %add3A_510 : i32
        %lt3A_512 = arith.constant 25 : i32
        %lt3A_513 = arith.cmpi slt, %add3A_511, %lt3A_512 : i32
        %convert_element_type3A_514 = arith.extui %lt3A_513 : i1 to i32
        %cond3A_515 = arith.constant 0 : i32
        %cond3A_516 = arith.cmpi ne, %convert_element_type3A_514, %cond3A_515 : i32
        scf.if %cond3A_516 {
          %dma_wait3A_554 = arith.constant 0 : i32
          %dma_wait3A_555 = arith.constant 0 : i32
          %dma_wait3A_556 = tpu.memref_slice %arg3[%dma_wait3A_554, %dma_wait3A_555] : memref<2x320000xi32, #tpu.memory_space<hbm>> -> memref<1x400xi32, #tpu.memory_space<hbm>>
          %dma_wait3A_557 = tpu.memref_squeeze %dma_wait3A_556 : memref<1x400xi32, #tpu.memory_space<hbm>> -> memref<400xi32, #tpu.memory_space<hbm>>
          %dma_wait3A_558 = arith.constant 0 : i32
          %dma_wait3A_559 = tpu.memref_slice %arg3[%dma_wait3A_554, %dma_wait3A_558] : memref<2x320000xi32, #tpu.memory_space<hbm>> -> memref<1x400xi32, #tpu.memory_space<hbm>>
          %dma_wait3A_560 = tpu.memref_squeeze %dma_wait3A_559 : memref<1x400xi32, #tpu.memory_space<hbm>> -> memref<400xi32, #tpu.memory_space<hbm>>
          tpu.wait_dma2 semaphore(%arg41 : memref<!tpu.dma_semaphore, #tpu.memory_space<semaphore_mem>>) src(%dma_wait3A_560 : memref<400xi32, #tpu.memory_space<hbm>>) dst(%arg5 : memref<400xi32, #tpu.memory_space<vmem>>)
          %dma_wait3A_561 = arith.constant 1 : i32
          %dma_wait3A_562 = arith.constant 0 : i32
          %dma_wait3A_563 = tpu.memref_slice %arg3[%dma_wait3A_561, %dma_wait3A_562] : memref<2x320000xi32, #tpu.memory_space<hbm>> -> memref<1x400xi32, #tpu.memory_space<hbm>>
          %dma_wait3A_564 = tpu.memref_squeeze %dma_wait3A_563 : memref<1x400xi32, #tpu.memory_space<hbm>> -> memref<400xi32, #tpu.memory_space<hbm>>
          %dma_wait3A_565 = arith.constant 0 : i32
          %dma_wait3A_566 = tpu.memref_slice %arg3[%dma_wait3A_561, %dma_wait3A_565] : memref<2x320000xi32, #tpu.memory_space<hbm>> -> memref<1x400xi32, #tpu.memory_space<hbm>>
          %dma_wait3A_567 = tpu.memref_squeeze %dma_wait3A_566 : memref<1x400xi32, #tpu.memory_space<hbm>> -> memref<400xi32, #tpu.memory_space<hbm>>
          tpu.wait_dma2 semaphore(%arg41 : memref<!tpu.dma_semaphore, #tpu.memory_space<semaphore_mem>>) src(%dma_wait3A_567 : memref<400xi32, #tpu.memory_space<hbm>>) dst(%arg7 : memref<400xi32, #tpu.memory_space<vmem>>)
          %ge3A = arith.constant 1 : i32
          %ge3A_568 = arith.cmpi sge, %add3A_509, %ge3A : i32
          %convert_element_type3A_569 = arith.extui %ge3A_568 : i1 to i32
          %cond3A_570 = arith.constant 0 : i32
          %cond3A_571 = arith.cmpi ne, %convert_element_type3A_569, %cond3A_570 : i32
          scf.if %cond3A_571 {
            %dma_wait3A_937 = arith.constant 0 : i32
            %dma_wait3A_938 = arith.constant 0 : i32
            %dma_wait3A_939 = tpu.memref_slice %arg40[%dma_wait3A_937, %dma_wait3A_938] : memref<10240x16xf32, #tpu.memory_space<vmem_shared>> -> memref<10240x16xf32, #tpu.memory_space<vmem_shared>>
            tpu.wait_indirect_dma semaphore(%arg45 : memref<!tpu.dma_semaphore, #tpu.memory_space<semaphore_mem>>) src(%arg29 : memref<80x16xf32, #tpu.memory_space<vmem>>) dst(%dma_wait3A_939 : memref<10240x16xf32, #tpu.memory_space<vmem_shared>>)
            %dma_wait3A_940 = arith.constant 0 : i32
            %dma_wait3A_941 = arith.constant 0 : i32
            %dma_wait3A_942 = tpu.memref_slice %arg40[%dma_wait3A_940, %dma_wait3A_941] : memref<10240x16xf32, #tpu.memory_space<vmem_shared>> -> memref<10240x16xf32, #tpu.memory_space<vmem_shared>>
            tpu.wait_indirect_dma semaphore(%arg45 : memref<!tpu.dma_semaphore, #tpu.memory_space<semaphore_mem>>) src(%arg30 : memref<80x16xf32, #tpu.memory_space<vmem>>) dst(%dma_wait3A_942 : memref<10240x16xf32, #tpu.memory_space<vmem_shared>>)
            %dma_wait3A_943 = arith.constant 0 : i32
            %dma_wait3A_944 = arith.constant 0 : i32
            %dma_wait3A_945 = tpu.memref_slice %arg40[%dma_wait3A_943, %dma_wait3A_944] : memref<10240x16xf32, #tpu.memory_space<vmem_shared>> -> memref<10240x16xf32, #tpu.memory_space<vmem_shared>>
            tpu.wait_indirect_dma semaphore(%arg45 : memref<!tpu.dma_semaphore, #tpu.memory_space<semaphore_mem>>) src(%arg31 : memref<80x16xf32, #tpu.memory_space<vmem>>) dst(%dma_wait3A_945 : memref<10240x16xf32, #tpu.memory_space<vmem_shared>>)
            %dma_wait3A_946 = arith.constant 0 : i32
            %dma_wait3A_947 = arith.constant 0 : i32
            %dma_wait3A_948 = tpu.memref_slice %arg40[%dma_wait3A_946, %dma_wait3A_947] : memref<10240x16xf32, #tpu.memory_space<vmem_shared>> -> memref<10240x16xf32, #tpu.memory_space<vmem_shared>>
            tpu.wait_indirect_dma semaphore(%arg45 : memref<!tpu.dma_semaphore, #tpu.memory_space<semaphore_mem>>) src(%arg32 : memref<80x16xf32, #tpu.memory_space<vmem>>) dst(%dma_wait3A_948 : memref<10240x16xf32, #tpu.memory_space<vmem_shared>>)
            %dma_wait3A_949 = arith.constant 0 : i32
            %dma_wait3A_950 = arith.constant 0 : i32
            %dma_wait3A_951 = tpu.memref_slice %arg40[%dma_wait3A_949, %dma_wait3A_950] : memref<10240x16xf32, #tpu.memory_space<vmem_shared>> -> memref<10240x16xf32, #tpu.memory_space<vmem_shared>>
            tpu.wait_indirect_dma semaphore(%arg45 : memref<!tpu.dma_semaphore, #tpu.memory_space<semaphore_mem>>) src(%arg33 : memref<80x16xf32, #tpu.memory_space<vmem>>) dst(%dma_wait3A_951 : memref<10240x16xf32, #tpu.memory_space<vmem_shared>>)
          } else {
          }
          %get3A_572 = arith.constant 0 : index
          %get3A_573 = tpu.vector_load %arg5[%get3A_572] {strides = array<i32>} : memref<400xi32, #tpu.memory_space<vmem>>, vector<16xi32>,
          %get3A_574 = vector.shape_cast %get3A_573 : vector<16xi32> to vector<16xi32>
          %swap3A_575 = arith.constant 0 : index
          %swap3A_576 = tpu.vector_load %arg9[%swap3A_575] {strides = array<i32>} : memref<80xi32, #tpu.memory_space<vmem>>, vector<16xi32>,
          %swap3A_577 = vector.shape_cast %swap3A_576 : vector<16xi32> to vector<16xi32>
          %swap3A_578 = vector.shape_cast %get3A_574 : vector<16xi32> to vector<16xi32>
          tpu.vector_store %arg9[%swap3A_575], %swap3A_578 {strides = array<i32>} : memref<80xi32, #tpu.memory_space<vmem>>, vector<16xi32>,
          %get3A_579 = arith.constant 0 : index
          %get3A_580 = tpu.vector_load %arg7[%get3A_579] {strides = array<i32>} : memref<400xi32, #tpu.memory_space<vmem>>, vector<16xi32>,
          %get3A_581 = vector.shape_cast %get3A_580 : vector<16xi32> to vector<16xi32>
          %swap3A_582 = arith.constant 0 : index
          %swap3A_583 = tpu.vector_load %arg19[%swap3A_582] {strides = array<i32>} : memref<80xi32, #tpu.memory_space<vmem>>, vector<16xi32>,
          %swap3A_584 = vector.shape_cast %swap3A_583 : vector<16xi32> to vector<16xi32>
          %swap3A_585 = vector.shape_cast %get3A_581 : vector<16xi32> to vector<16xi32>
          tpu.vector_store %arg19[%swap3A_582], %swap3A_585 {strides = array<i32>} : memref<80xi32, #tpu.memory_space<vmem>>, vector<16xi32>,
          %get3A_586 = arith.constant 16 : index
          %get3A_587 = tpu.vector_load %arg5[%get3A_586] {strides = array<i32>} : memref<400xi32, #tpu.memory_space<vmem>>, vector<16xi32>,
          %get3A_588 = vector.shape_cast %get3A_587 : vector<16xi32> to vector<16xi32>
          %swap3A_589 = arith.constant 16 : index
          %swap3A_590 = tpu.vector_load %arg9[%swap3A_589] {strides = array<i32>} : memref<80xi32, #tpu.memory_space<vmem>>, vector<16xi32>,
          %swap3A_591 = vector.shape_cast %swap3A_590 : vector<16xi32> to vector<16xi32>
          %swap3A_592 = vector.shape_cast %get3A_588 : vector<16xi32> to vector<16xi32>
          tpu.vector_store %arg9[%swap3A_589], %swap3A_592 {strides = array<i32>} : memref<80xi32, #tpu.memory_space<vmem>>, vector<16xi32>,
          %get3A_593 = arith.constant 16 : index
          %get3A_594 = tpu.vector_load %arg7[%get3A_593] {strides = array<i32>} : memref<400xi32, #tpu.memory_space<vmem>>, vector<16xi32>,
          %get3A_595 = vector.shape_cast %get3A_594 : vector<16xi32> to vector<16xi32>
          %swap3A_596 = arith.constant 16 : index
          %swap3A_597 = tpu.vector_load %arg19[%swap3A_596] {strides = array<i32>} : memref<80xi32, #tpu.memory_space<vmem>>, vector<16xi32>,
          %swap3A_598 = vector.shape_cast %swap3A_597 : vector<16xi32> to vector<16xi32>
          %swap3A_599 = vector.shape_cast %get3A_595 : vector<16xi32> to vector<16xi32>
          tpu.vector_store %arg19[%swap3A_596], %swap3A_599 {strides = array<i32>} : memref<80xi32, #tpu.memory_space<vmem>>, vector<16xi32>,
          %get3A_600 = arith.constant 32 : index
          %get3A_601 = tpu.vector_load %arg5[%get3A_600] {strides = array<i32>} : memref<400xi32, #tpu.memory_space<vmem>>, vector<16xi32>,
          %get3A_602 = vector.shape_cast %get3A_601 : vector<16xi32> to vector<16xi32>
          %swap3A_603 = arith.constant 32 : index
          %swap3A_604 = tpu.vector_load %arg9[%swap3A_603] {strides = array<i32>} : memref<80xi32, #tpu.memory_space<vmem>>, vector<16xi32>,
          %swap3A_605 = vector.shape_cast %swap3A_604 : vector<16xi32> to vector<16xi32>
          %swap3A_606 = vector.shape_cast %get3A_602 : vector<16xi32> to vector<16xi32>
          tpu.vector_store %arg9[%swap3A_603], %swap3A_606 {strides = array<i32>} : memref<80xi32, #tpu.memory_space<vmem>>, vector<16xi32>,
          %get3A_607 = arith.constant 32 : index
          %get3A_608 = tpu.vector_load %arg7[%get3A_607] {strides = array<i32>} : memref<400xi32, #tpu.memory_space<vmem>>, vector<16xi32>,
          %get3A_609 = vector.shape_cast %get3A_608 : vector<16xi32> to vector<16xi32>
          %swap3A_610 = arith.constant 32 : index
          %swap3A_611 = tpu.vector_load %arg19[%swap3A_610] {strides = array<i32>} : memref<80xi32, #tpu.memory_space<vmem>>, vector<16xi32>,
          %swap3A_612 = vector.shape_cast %swap3A_611 : vector<16xi32> to vector<16xi32>
          %swap3A_613 = vector.shape_cast %get3A_609 : vector<16xi32> to vector<16xi32>
          tpu.vector_store %arg19[%swap3A_610], %swap3A_613 {strides = array<i32>} : memref<80xi32, #tpu.memory_space<vmem>>, vector<16xi32>,
          %get3A_614 = arith.constant 48 : index
          %get3A_615 = tpu.vector_load %arg5[%get3A_614] {strides = array<i32>} : memref<400xi32, #tpu.memory_space<vmem>>, vector<16xi32>,
          %get3A_616 = vector.shape_cast %get3A_615 : vector<16xi32> to vector<16xi32>
          %swap3A_617 = arith.constant 48 : index
          %swap3A_618 = tpu.vector_load %arg9[%swap3A_617] {strides = array<i32>} : memref<80xi32, #tpu.memory_space<vmem>>, vector<16xi32>,
          %swap3A_619 = vector.shape_cast %swap3A_618 : vector<16xi32> to vector<16xi32>
          %swap3A_620 = vector.shape_cast %get3A_616 : vector<16xi32> to vector<16xi32>
          tpu.vector_store %arg9[%swap3A_617], %swap3A_620 {strides = array<i32>} : memref<80xi32, #tpu.memory_space<vmem>>, vector<16xi32>,
          %get3A_621 = arith.constant 48 : index
          %get3A_622 = tpu.vector_load %arg7[%get3A_621] {strides = array<i32>} : memref<400xi32, #tpu.memory_space<vmem>>, vector<16xi32>,
          %get3A_623 = vector.shape_cast %get3A_622 : vector<16xi32> to vector<16xi32>
          %swap3A_624 = arith.constant 48 : index
          %swap3A_625 = tpu.vector_load %arg19[%swap3A_624] {strides = array<i32>} : memref<80xi32, #tpu.memory_space<vmem>>, vector<16xi32>,
          %swap3A_626 = vector.shape_cast %swap3A_625 : vector<16xi32> to vector<16xi32>
          %swap3A_627 = vector.shape_cast %get3A_623 : vector<16xi32> to vector<16xi32>
          tpu.vector_store %arg19[%swap3A_624], %swap3A_627 {strides = array<i32>} : memref<80xi32, #tpu.memory_space<vmem>>, vector<16xi32>,
          %get3A_628 = arith.constant 64 : index
          %get3A_629 = tpu.vector_load %arg5[%get3A_628] {strides = array<i32>} : memref<400xi32, #tpu.memory_space<vmem>>, vector<16xi32>,
          %get3A_630 = vector.shape_cast %get3A_629 : vector<16xi32> to vector<16xi32>
          %swap3A_631 = arith.constant 64 : index
          %swap3A_632 = tpu.vector_load %arg9[%swap3A_631] {strides = array<i32>} : memref<80xi32, #tpu.memory_space<vmem>>, vector<16xi32>,
          %swap3A_633 = vector.shape_cast %swap3A_632 : vector<16xi32> to vector<16xi32>
          %swap3A_634 = vector.shape_cast %get3A_630 : vector<16xi32> to vector<16xi32>
          tpu.vector_store %arg9[%swap3A_631], %swap3A_634 {strides = array<i32>} : memref<80xi32, #tpu.memory_space<vmem>>, vector<16xi32>,
          %get3A_635 = arith.constant 64 : index
          %get3A_636 = tpu.vector_load %arg7[%get3A_635] {strides = array<i32>} : memref<400xi32, #tpu.memory_space<vmem>>, vector<16xi32>,
          %get3A_637 = vector.shape_cast %get3A_636 : vector<16xi32> to vector<16xi32>
          %swap3A_638 = arith.constant 64 : index
          %swap3A_639 = tpu.vector_load %arg19[%swap3A_638] {strides = array<i32>} : memref<80xi32, #tpu.memory_space<vmem>>, vector<16xi32>,
          %swap3A_640 = vector.shape_cast %swap3A_639 : vector<16xi32> to vector<16xi32>
          %swap3A_641 = vector.shape_cast %get3A_637 : vector<16xi32> to vector<16xi32>
          tpu.vector_store %arg19[%swap3A_638], %swap3A_641 {strides = array<i32>} : memref<80xi32, #tpu.memory_space<vmem>>, vector<16xi32>,
          %dma_start3A_642 = arith.constant 0 : i32
          %dma_start3A_643 = arith.constant 0 : i32
          %dma_start3A_644 = tpu.memref_slice %arg2[%dma_start3A_642, %dma_start3A_643] : memref<10000x16xf32, #tpu.memory_space<hbm>> -> memref<10000x16xf32, #tpu.memory_space<hbm>>
          tpu.enqueue_indirect_dma source(%dma_start3A_644 : memref<10000x16xf32, #tpu.memory_space<hbm>>) target(%arg29 : memref<80x16xf32, #tpu.memory_space<vmem>>) offsets(%arg9 : memref<80xi32, #tpu.memory_space<vmem>>) semaphore(%arg43 : memref<!tpu.dma_semaphore, #tpu.memory_space<semaphore_mem>>)
          %get3A_645 = arith.constant 80 : index
          %get3A_646 = tpu.vector_load %arg5[%get3A_645] {strides = array<i32>} : memref<400xi32, #tpu.memory_space<vmem>>, vector<16xi32>,
          %get3A_647 = vector.shape_cast %get3A_646 : vector<16xi32> to vector<16xi32>
          %swap3A_648 = arith.constant 0 : index
          %swap3A_649 = tpu.vector_load %arg10[%swap3A_648] {strides = array<i32>} : memref<80xi32, #tpu.memory_space<vmem>>, vector<16xi32>,
          %swap3A_650 = vector.shape_cast %swap3A_649 : vector<16xi32> to vector<16xi32>
          %swap3A_651 = vector.shape_cast %get3A_647 : vector<16xi32> to vector<16xi32>
          tpu.vector_store %arg10[%swap3A_648], %swap3A_651 {strides = array<i32>} : memref<80xi32, #tpu.memory_space<vmem>>, vector<16xi32>,
          %get3A_652 = arith.constant 80 : index
          %get3A_653 = tpu.vector_load %arg7[%get3A_652] {strides = array<i32>} : memref<400xi32, #tpu.memory_space<vmem>>, vector<16xi32>,
          %get3A_654 = vector.shape_cast %get3A_653 : vector<16xi32> to vector<16xi32>
          %swap3A_655 = arith.constant 0 : index
          %swap3A_656 = tpu.vector_load %arg20[%swap3A_655] {strides = array<i32>} : memref<80xi32, #tpu.memory_space<vmem>>, vector<16xi32>,
          %swap3A_657 = vector.shape_cast %swap3A_656 : vector<16xi32> to vector<16xi32>
          %swap3A_658 = vector.shape_cast %get3A_654 : vector<16xi32> to vector<16xi32>
          tpu.vector_store %arg20[%swap3A_655], %swap3A_658 {strides = array<i32>} : memref<80xi32, #tpu.memory_space<vmem>>, vector<16xi32>,
          %get3A_659 = arith.constant 96 : index
          %get3A_660 = tpu.vector_load %arg5[%get3A_659] {strides = array<i32>} : memref<400xi32, #tpu.memory_space<vmem>>, vector<16xi32>,
          %get3A_661 = vector.shape_cast %get3A_660 : vector<16xi32> to vector<16xi32>
          %swap3A_662 = arith.constant 16 : index
          %swap3A_663 = tpu.vector_load %arg10[%swap3A_662] {strides = array<i32>} : memref<80xi32, #tpu.memory_space<vmem>>, vector<16xi32>,
          %swap3A_664 = vector.shape_cast %swap3A_663 : vector<16xi32> to vector<16xi32>
          %swap3A_665 = vector.shape_cast %get3A_661 : vector<16xi32> to vector<16xi32>
          tpu.vector_store %arg10[%swap3A_662], %swap3A_665 {strides = array<i32>} : memref<80xi32, #tpu.memory_space<vmem>>, vector<16xi32>,
          %get3A_666 = arith.constant 96 : index
          %get3A_667 = tpu.vector_load %arg7[%get3A_666] {strides = array<i32>} : memref<400xi32, #tpu.memory_space<vmem>>, vector<16xi32>,
          %get3A_668 = vector.shape_cast %get3A_667 : vector<16xi32> to vector<16xi32>
          %swap3A_669 = arith.constant 16 : index
          %swap3A_670 = tpu.vector_load %arg20[%swap3A_669] {strides = array<i32>} : memref<80xi32, #tpu.memory_space<vmem>>, vector<16xi32>,
          %swap3A_671 = vector.shape_cast %swap3A_670 : vector<16xi32> to vector<16xi32>
          %swap3A_672 = vector.shape_cast %get3A_668 : vector<16xi32> to vector<16xi32>
          tpu.vector_store %arg20[%swap3A_669], %swap3A_672 {strides = array<i32>} : memref<80xi32, #tpu.memory_space<vmem>>, vector<16xi32>,
          %get3A_673 = arith.constant 112 : index
          %get3A_674 = tpu.vector_load %arg5[%get3A_673] {strides = array<i32>} : memref<400xi32, #tpu.memory_space<vmem>>, vector<16xi32>,
          %get3A_675 = vector.shape_cast %get3A_674 : vector<16xi32> to vector<16xi32>
          %swap3A_676 = arith.constant 32 : index
          %swap3A_677 = tpu.vector_load %arg10[%swap3A_676] {strides = array<i32>} : memref<80xi32, #tpu.memory_space<vmem>>, vector<16xi32>,
          %swap3A_678 = vector.shape_cast %swap3A_677 : vector<16xi32> to vector<16xi32>
          %swap3A_679 = vector.shape_cast %get3A_675 : vector<16xi32> to vector<16xi32>
          tpu.vector_store %arg10[%swap3A_676], %swap3A_679 {strides = array<i32>} : memref<80xi32, #tpu.memory_space<vmem>>, vector<16xi32>,
          %get3A_680 = arith.constant 112 : index
          %get3A_681 = tpu.vector_load %arg7[%get3A_680] {strides = array<i32>} : memref<400xi32, #tpu.memory_space<vmem>>, vector<16xi32>,
          %get3A_682 = vector.shape_cast %get3A_681 : vector<16xi32> to vector<16xi32>
          %swap3A_683 = arith.constant 32 : index
          %swap3A_684 = tpu.vector_load %arg20[%swap3A_683] {strides = array<i32>} : memref<80xi32, #tpu.memory_space<vmem>>, vector<16xi32>,
          %swap3A_685 = vector.shape_cast %swap3A_684 : vector<16xi32> to vector<16xi32>
          %swap3A_686 = vector.shape_cast %get3A_682 : vector<16xi32> to vector<16xi32>
          tpu.vector_store %arg20[%swap3A_683], %swap3A_686 {strides = array<i32>} : memref<80xi32, #tpu.memory_space<vmem>>, vector<16xi32>,
          %get3A_687 = arith.constant 128 : index
          %get3A_688 = tpu.vector_load %arg5[%get3A_687] {strides = array<i32>} : memref<400xi32, #tpu.memory_space<vmem>>, vector<16xi32>,
          %get3A_689 = vector.shape_cast %get3A_688 : vector<16xi32> to vector<16xi32>
          %swap3A_690 = arith.constant 48 : index
          %swap3A_691 = tpu.vector_load %arg10[%swap3A_690] {strides = array<i32>} : memref<80xi32, #tpu.memory_space<vmem>>, vector<16xi32>,
          %swap3A_692 = vector.shape_cast %swap3A_691 : vector<16xi32> to vector<16xi32>
          %swap3A_693 = vector.shape_cast %get3A_689 : vector<16xi32> to vector<16xi32>
          tpu.vector_store %arg10[%swap3A_690], %swap3A_693 {strides = array<i32>} : memref<80xi32, #tpu.memory_space<vmem>>, vector<16xi32>,
          %get3A_694 = arith.constant 128 : index
          %get3A_695 = tpu.vector_load %arg7[%get3A_694] {strides = array<i32>} : memref<400xi32, #tpu.memory_space<vmem>>, vector<16xi32>,
          %get3A_696 = vector.shape_cast %get3A_695 : vector<16xi32> to vector<16xi32>
          %swap3A_697 = arith.constant 48 : index
          %swap3A_698 = tpu.vector_load %arg20[%swap3A_697] {strides = array<i32>} : memref<80xi32, #tpu.memory_space<vmem>>, vector<16xi32>,
          %swap3A_699 = vector.shape_cast %swap3A_698 : vector<16xi32> to vector<16xi32>
          %swap3A_700 = vector.shape_cast %get3A_696 : vector<16xi32> to vector<16xi32>
          tpu.vector_store %arg20[%swap3A_697], %swap3A_700 {strides = array<i32>} : memref<80xi32, #tpu.memory_space<vmem>>, vector<16xi32>,
          %get3A_701 = arith.constant 144 : index
          %get3A_702 = tpu.vector_load %arg5[%get3A_701] {strides = array<i32>} : memref<400xi32, #tpu.memory_space<vmem>>, vector<16xi32>,
          %get3A_703 = vector.shape_cast %get3A_702 : vector<16xi32> to vector<16xi32>
          %swap3A_704 = arith.constant 64 : index
          %swap3A_705 = tpu.vector_load %arg10[%swap3A_704] {strides = array<i32>} : memref<80xi32, #tpu.memory_space<vmem>>, vector<16xi32>,
          %swap3A_706 = vector.shape_cast %swap3A_705 : vector<16xi32> to vector<16xi32>
          %swap3A_707 = vector.shape_cast %get3A_703 : vector<16xi32> to vector<16xi32>
          tpu.vector_store %arg10[%swap3A_704], %swap3A_707 {strides = array<i32>} : memref<80xi32, #tpu.memory_space<vmem>>, vector<16xi32>,
          %get3A_708 = arith.constant 144 : index
          %get3A_709 = tpu.vector_load %arg7[%get3A_708] {strides = array<i32>} : memref<400xi32, #tpu.memory_space<vmem>>, vector<16xi32>,
          %get3A_710 = vector.shape_cast %get3A_709 : vector<16xi32> to vector<16xi32>
          %swap3A_711 = arith.constant 64 : index
          %swap3A_712 = tpu.vector_load %arg20[%swap3A_711] {strides = array<i32>} : memref<80xi32, #tpu.memory_space<vmem>>, vector<16xi32>,
          %swap3A_713 = vector.shape_cast %swap3A_712 : vector<16xi32> to vector<16xi32>
          %swap3A_714 = vector.shape_cast %get3A_710 : vector<16xi32> to vector<16xi32>
          tpu.vector_store %arg20[%swap3A_711], %swap3A_714 {strides = array<i32>} : memref<80xi32, #tpu.memory_space<vmem>>, vector<16xi32>,
          %dma_start3A_715 = arith.constant 0 : i32
          %dma_start3A_716 = arith.constant 0 : i32
          %dma_start3A_717 = tpu.memref_slice %arg2[%dma_start3A_715, %dma_start3A_716] : memref<10000x16xf32, #tpu.memory_space<hbm>> -> memref<10000x16xf32, #tpu.memory_space<hbm>>
          tpu.enqueue_indirect_dma source(%dma_start3A_717 : memref<10000x16xf32, #tpu.memory_space<hbm>>) target(%arg30 : memref<80x16xf32, #tpu.memory_space<vmem>>) offsets(%arg10 : memref<80xi32, #tpu.memory_space<vmem>>) semaphore(%arg43 : memref<!tpu.dma_semaphore, #tpu.memory_space<semaphore_mem>>)
          %get3A_718 = arith.constant 160 : index
          %get3A_719 = tpu.vector_load %arg5[%get3A_718] {strides = array<i32>} : memref<400xi32, #tpu.memory_space<vmem>>, vector<16xi32>,
          %get3A_720 = vector.shape_cast %get3A_719 : vector<16xi32> to vector<16xi32>
          %swap3A_721 = arith.constant 0 : index
          %swap3A_722 = tpu.vector_load %arg11[%swap3A_721] {strides = array<i32>} : memref<80xi32, #tpu.memory_space<vmem>>, vector<16xi32>,
          %swap3A_723 = vector.shape_cast %swap3A_722 : vector<16xi32> to vector<16xi32>
          %swap3A_724 = vector.shape_cast %get3A_720 : vector<16xi32> to vector<16xi32>
          tpu.vector_store %arg11[%swap3A_721], %swap3A_724 {strides = array<i32>} : memref<80xi32, #tpu.memory_space<vmem>>, vector<16xi32>,
          %get3A_725 = arith.constant 160 : index
          %get3A_726 = tpu.vector_load %arg7[%get3A_725] {strides = array<i32>} : memref<400xi32, #tpu.memory_space<vmem>>, vector<16xi32>,
          %get3A_727 = vector.shape_cast %get3A_726 : vector<16xi32> to vector<16xi32>
          %swap3A_728 = arith.constant 0 : index
          %swap3A_729 = tpu.vector_load %arg21[%swap3A_728] {strides = array<i32>} : memref<80xi32, #tpu.memory_space<vmem>>, vector<16xi32>,
          %swap3A_730 = vector.shape_cast %swap3A_729 : vector<16xi32> to vector<16xi32>
          %swap3A_731 = vector.shape_cast %get3A_727 : vector<16xi32> to vector<16xi32>
          tpu.vector_store %arg21[%swap3A_728], %swap3A_731 {strides = array<i32>} : memref<80xi32, #tpu.memory_space<vmem>>, vector<16xi32>,
          %get3A_732 = arith.constant 176 : index
          %get3A_733 = tpu.vector_load %arg5[%get3A_732] {strides = array<i32>} : memref<400xi32, #tpu.memory_space<vmem>>, vector<16xi32>,
          %get3A_734 = vector.shape_cast %get3A_733 : vector<16xi32> to vector<16xi32>
          %swap3A_735 = arith.constant 16 : index
          %swap3A_736 = tpu.vector_load %arg11[%swap3A_735] {strides = array<i32>} : memref<80xi32, #tpu.memory_space<vmem>>, vector<16xi32>,
          %swap3A_737 = vector.shape_cast %swap3A_736 : vector<16xi32> to vector<16xi32>
          %swap3A_738 = vector.shape_cast %get3A_734 : vector<16xi32> to vector<16xi32>
          tpu.vector_store %arg11[%swap3A_735], %swap3A_738 {strides = array<i32>} : memref<80xi32, #tpu.memory_space<vmem>>, vector<16xi32>,
          %get3A_739 = arith.constant 176 : index
          %get3A_740 = tpu.vector_load %arg7[%get3A_739] {strides = array<i32>} : memref<400xi32, #tpu.memory_space<vmem>>, vector<16xi32>,
          %get3A_741 = vector.shape_cast %get3A_740 : vector<16xi32> to vector<16xi32>
          %swap3A_742 = arith.constant 16 : index
          %swap3A_743 = tpu.vector_load %arg21[%swap3A_742] {strides = array<i32>} : memref<80xi32, #tpu.memory_space<vmem>>, vector<16xi32>,
          %swap3A_744 = vector.shape_cast %swap3A_743 : vector<16xi32> to vector<16xi32>
          %swap3A_745 = vector.shape_cast %get3A_741 : vector<16xi32> to vector<16xi32>
          tpu.vector_store %arg21[%swap3A_742], %swap3A_745 {strides = array<i32>} : memref<80xi32, #tpu.memory_space<vmem>>, vector<16xi32>,
          %get3A_746 = arith.constant 192 : index
          %get3A_747 = tpu.vector_load %arg5[%get3A_746] {strides = array<i32>} : memref<400xi32, #tpu.memory_space<vmem>>, vector<16xi32>,
          %get3A_748 = vector.shape_cast %get3A_747 : vector<16xi32> to vector<16xi32>
          %swap3A_749 = arith.constant 32 : index
          %swap3A_750 = tpu.vector_load %arg11[%swap3A_749] {strides = array<i32>} : memref<80xi32, #tpu.memory_space<vmem>>, vector<16xi32>,
          %swap3A_751 = vector.shape_cast %swap3A_750 : vector<16xi32> to vector<16xi32>
          %swap3A_752 = vector.shape_cast %get3A_748 : vector<16xi32> to vector<16xi32>
          tpu.vector_store %arg11[%swap3A_749], %swap3A_752 {strides = array<i32>} : memref<80xi32, #tpu.memory_space<vmem>>, vector<16xi32>,
          %get3A_753 = arith.constant 192 : index
          %get3A_754 = tpu.vector_load %arg7[%get3A_753] {strides = array<i32>} : memref<400xi32, #tpu.memory_space<vmem>>, vector<16xi32>,
          %get3A_755 = vector.shape_cast %get3A_754 : vector<16xi32> to vector<16xi32>
          %swap3A_756 = arith.constant 32 : index
          %swap3A_757 = tpu.vector_load %arg21[%swap3A_756] {strides = array<i32>} : memref<80xi32, #tpu.memory_space<vmem>>, vector<16xi32>,
          %swap3A_758 = vector.shape_cast %swap3A_757 : vector<16xi32> to vector<16xi32>
          %swap3A_759 = vector.shape_cast %get3A_755 : vector<16xi32> to vector<16xi32>
          tpu.vector_store %arg21[%swap3A_756], %swap3A_759 {strides = array<i32>} : memref<80xi32, #tpu.memory_space<vmem>>, vector<16xi32>,
          %get3A_760 = arith.constant 208 : index
          %get3A_761 = tpu.vector_load %arg5[%get3A_760] {strides = array<i32>} : memref<400xi32, #tpu.memory_space<vmem>>, vector<16xi32>,
          %get3A_762 = vector.shape_cast %get3A_761 : vector<16xi32> to vector<16xi32>
          %swap3A_763 = arith.constant 48 : index
          %swap3A_764 = tpu.vector_load %arg11[%swap3A_763] {strides = array<i32>} : memref<80xi32, #tpu.memory_space<vmem>>, vector<16xi32>,
          %swap3A_765 = vector.shape_cast %swap3A_764 : vector<16xi32> to vector<16xi32>
          %swap3A_766 = vector.shape_cast %get3A_762 : vector<16xi32> to vector<16xi32>
          tpu.vector_store %arg11[%swap3A_763], %swap3A_766 {strides = array<i32>} : memref<80xi32, #tpu.memory_space<vmem>>, vector<16xi32>,
          %get3A_767 = arith.constant 208 : index
          %get3A_768 = tpu.vector_load %arg7[%get3A_767] {strides = array<i32>} : memref<400xi32, #tpu.memory_space<vmem>>, vector<16xi32>,
          %get3A_769 = vector.shape_cast %get3A_768 : vector<16xi32> to vector<16xi32>
          %swap3A_770 = arith.constant 48 : index
          %swap3A_771 = tpu.vector_load %arg21[%swap3A_770] {strides = array<i32>} : memref<80xi32, #tpu.memory_space<vmem>>, vector<16xi32>,
          %swap3A_772 = vector.shape_cast %swap3A_771 : vector<16xi32> to vector<16xi32>
          %swap3A_773 = vector.shape_cast %get3A_769 : vector<16xi32> to vector<16xi32>
          tpu.vector_store %arg21[%swap3A_770], %swap3A_773 {strides = array<i32>} : memref<80xi32, #tpu.memory_space<vmem>>, vector<16xi32>,
          %get3A_774 = arith.constant 224 : index
          %get3A_775 = tpu.vector_load %arg5[%get3A_774] {strides = array<i32>} : memref<400xi32, #tpu.memory_space<vmem>>, vector<16xi32>,
          %get3A_776 = vector.shape_cast %get3A_775 : vector<16xi32> to vector<16xi32>
          %swap3A_777 = arith.constant 64 : index
          %swap3A_778 = tpu.vector_load %arg11[%swap3A_777] {strides = array<i32>} : memref<80xi32, #tpu.memory_space<vmem>>, vector<16xi32>,
          %swap3A_779 = vector.shape_cast %swap3A_778 : vector<16xi32> to vector<16xi32>
          %swap3A_780 = vector.shape_cast %get3A_776 : vector<16xi32> to vector<16xi32>
          tpu.vector_store %arg11[%swap3A_777], %swap3A_780 {strides = array<i32>} : memref<80xi32, #tpu.memory_space<vmem>>, vector<16xi32>,
          %get3A_781 = arith.constant 224 : index
          %get3A_782 = tpu.vector_load %arg7[%get3A_781] {strides = array<i32>} : memref<400xi32, #tpu.memory_space<vmem>>, vector<16xi32>,
          %get3A_783 = vector.shape_cast %get3A_782 : vector<16xi32> to vector<16xi32>
          %swap3A_784 = arith.constant 64 : index
          %swap3A_785 = tpu.vector_load %arg21[%swap3A_784] {strides = array<i32>} : memref<80xi32, #tpu.memory_space<vmem>>, vector<16xi32>,
          %swap3A_786 = vector.shape_cast %swap3A_785 : vector<16xi32> to vector<16xi32>
          %swap3A_787 = vector.shape_cast %get3A_783 : vector<16xi32> to vector<16xi32>
          tpu.vector_store %arg21[%swap3A_784], %swap3A_787 {strides = array<i32>} : memref<80xi32, #tpu.memory_space<vmem>>, vector<16xi32>,
          %dma_start3A_788 = arith.constant 0 : i32
          %dma_start3A_789 = arith.constant 0 : i32
          %dma_start3A_790 = tpu.memref_slice %arg2[%dma_start3A_788, %dma_start3A_789] : memref<10000x16xf32, #tpu.memory_space<hbm>> -> memref<10000x16xf32, #tpu.memory_space<hbm>>
          tpu.enqueue_indirect_dma source(%dma_start3A_790 : memref<10000x16xf32, #tpu.memory_space<hbm>>) target(%arg31 : memref<80x16xf32, #tpu.memory_space<vmem>>) offsets(%arg11 : memref<80xi32, #tpu.memory_space<vmem>>) semaphore(%arg43 : memref<!tpu.dma_semaphore, #tpu.memory_space<semaphore_mem>>)
          %get3A_791 = arith.constant 240 : index
          %get3A_792 = tpu.vector_load %arg5[%get3A_791] {strides = array<i32>} : memref<400xi32, #tpu.memory_space<vmem>>, vector<16xi32>,
          %get3A_793 = vector.shape_cast %get3A_792 : vector<16xi32> to vector<16xi32>
          %swap3A_794 = arith.constant 0 : index
          %swap3A_795 = tpu.vector_load %arg12[%swap3A_794] {strides = array<i32>} : memref<80xi32, #tpu.memory_space<vmem>>, vector<16xi32>,
          %swap3A_796 = vector.shape_cast %swap3A_795 : vector<16xi32> to vector<16xi32>
          %swap3A_797 = vector.shape_cast %get3A_793 : vector<16xi32> to vector<16xi32>
          tpu.vector_store %arg12[%swap3A_794], %swap3A_797 {strides = array<i32>} : memref<80xi32, #tpu.memory_space<vmem>>, vector<16xi32>,
          %get3A_798 = arith.constant 240 : index
          %get3A_799 = tpu.vector_load %arg7[%get3A_798] {strides = array<i32>} : memref<400xi32, #tpu.memory_space<vmem>>, vector<16xi32>,
          %get3A_800 = vector.shape_cast %get3A_799 : vector<16xi32> to vector<16xi32>
          %swap3A_801 = arith.constant 0 : index
          %swap3A_802 = tpu.vector_load %arg22[%swap3A_801] {strides = array<i32>} : memref<80xi32, #tpu.memory_space<vmem>>, vector<16xi32>,
          %swap3A_803 = vector.shape_cast %swap3A_802 : vector<16xi32> to vector<16xi32>
          %swap3A_804 = vector.shape_cast %get3A_800 : vector<16xi32> to vector<16xi32>
          tpu.vector_store %arg22[%swap3A_801], %swap3A_804 {strides = array<i32>} : memref<80xi32, #tpu.memory_space<vmem>>, vector<16xi32>,
          %get3A_805 = arith.constant 256 : index
          %get3A_806 = tpu.vector_load %arg5[%get3A_805] {strides = array<i32>} : memref<400xi32, #tpu.memory_space<vmem>>, vector<16xi32>,
          %get3A_807 = vector.shape_cast %get3A_806 : vector<16xi32> to vector<16xi32>
          %swap3A_808 = arith.constant 16 : index
          %swap3A_809 = tpu.vector_load %arg12[%swap3A_808] {strides = array<i32>} : memref<80xi32, #tpu.memory_space<vmem>>, vector<16xi32>,
          %swap3A_810 = vector.shape_cast %swap3A_809 : vector<16xi32> to vector<16xi32>
          %swap3A_811 = vector.shape_cast %get3A_807 : vector<16xi32> to vector<16xi32>
          tpu.vector_store %arg12[%swap3A_808], %swap3A_811 {strides = array<i32>} : memref<80xi32, #tpu.memory_space<vmem>>, vector<16xi32>,
          %get3A_812 = arith.constant 256 : index
          %get3A_813 = tpu.vector_load %arg7[%get3A_812] {strides = array<i32>} : memref<400xi32, #tpu.memory_space<vmem>>, vector<16xi32>,
          %get3A_814 = vector.shape_cast %get3A_813 : vector<16xi32> to vector<16xi32>
          %swap3A_815 = arith.constant 16 : index
          %swap3A_816 = tpu.vector_load %arg22[%swap3A_815] {strides = array<i32>} : memref<80xi32, #tpu.memory_space<vmem>>, vector<16xi32>,
          %swap3A_817 = vector.shape_cast %swap3A_816 : vector<16xi32> to vector<16xi32>
          %swap3A_818 = vector.shape_cast %get3A_814 : vector<16xi32> to vector<16xi32>
          tpu.vector_store %arg22[%swap3A_815], %swap3A_818 {strides = array<i32>} : memref<80xi32, #tpu.memory_space<vmem>>, vector<16xi32>,
          %get3A_819 = arith.constant 272 : index
          %get3A_820 = tpu.vector_load %arg5[%get3A_819] {strides = array<i32>} : memref<400xi32, #tpu.memory_space<vmem>>, vector<16xi32>,
          %get3A_821 = vector.shape_cast %get3A_820 : vector<16xi32> to vector<16xi32>
          %swap3A_822 = arith.constant 32 : index
          %swap3A_823 = tpu.vector_load %arg12[%swap3A_822] {strides = array<i32>} : memref<80xi32, #tpu.memory_space<vmem>>, vector<16xi32>,
          %swap3A_824 = vector.shape_cast %swap3A_823 : vector<16xi32> to vector<16xi32>
          %swap3A_825 = vector.shape_cast %get3A_821 : vector<16xi32> to vector<16xi32>
          tpu.vector_store %arg12[%swap3A_822], %swap3A_825 {strides = array<i32>} : memref<80xi32, #tpu.memory_space<vmem>>, vector<16xi32>,
          %get3A_826 = arith.constant 272 : index
          %get3A_827 = tpu.vector_load %arg7[%get3A_826] {strides = array<i32>} : memref<400xi32, #tpu.memory_space<vmem>>, vector<16xi32>,
          %get3A_828 = vector.shape_cast %get3A_827 : vector<16xi32> to vector<16xi32>
          %swap3A_829 = arith.constant 32 : index
          %swap3A_830 = tpu.vector_load %arg22[%swap3A_829] {strides = array<i32>} : memref<80xi32, #tpu.memory_space<vmem>>, vector<16xi32>,
          %swap3A_831 = vector.shape_cast %swap3A_830 : vector<16xi32> to vector<16xi32>
          %swap3A_832 = vector.shape_cast %get3A_828 : vector<16xi32> to vector<16xi32>
          tpu.vector_store %arg22[%swap3A_829], %swap3A_832 {strides = array<i32>} : memref<80xi32, #tpu.memory_space<vmem>>, vector<16xi32>,
          %get3A_833 = arith.constant 288 : index
          %get3A_834 = tpu.vector_load %arg5[%get3A_833] {strides = array<i32>} : memref<400xi32, #tpu.memory_space<vmem>>, vector<16xi32>,
          %get3A_835 = vector.shape_cast %get3A_834 : vector<16xi32> to vector<16xi32>
          %swap3A_836 = arith.constant 48 : index
          %swap3A_837 = tpu.vector_load %arg12[%swap3A_836] {strides = array<i32>} : memref<80xi32, #tpu.memory_space<vmem>>, vector<16xi32>,
          %swap3A_838 = vector.shape_cast %swap3A_837 : vector<16xi32> to vector<16xi32>
          %swap3A_839 = vector.shape_cast %get3A_835 : vector<16xi32> to vector<16xi32>
          tpu.vector_store %arg12[%swap3A_836], %swap3A_839 {strides = array<i32>} : memref<80xi32, #tpu.memory_space<vmem>>, vector<16xi32>,
          %get3A_840 = arith.constant 288 : index
          %get3A_841 = tpu.vector_load %arg7[%get3A_840] {strides = array<i32>} : memref<400xi32, #tpu.memory_space<vmem>>, vector<16xi32>,
          %get3A_842 = vector.shape_cast %get3A_841 : vector<16xi32> to vector<16xi32>
          %swap3A_843 = arith.constant 48 : index
          %swap3A_844 = tpu.vector_load %arg22[%swap3A_843] {strides = array<i32>} : memref<80xi32, #tpu.memory_space<vmem>>, vector<16xi32>,
          %swap3A_845 = vector.shape_cast %swap3A_844 : vector<16xi32> to vector<16xi32>
          %swap3A_846 = vector.shape_cast %get3A_842 : vector<16xi32> to vector<16xi32>
          tpu.vector_store %arg22[%swap3A_843], %swap3A_846 {strides = array<i32>} : memref<80xi32, #tpu.memory_space<vmem>>, vector<16xi32>,
          %get3A_847 = arith.constant 304 : index
          %get3A_848 = tpu.vector_load %arg5[%get3A_847] {strides = array<i32>} : memref<400xi32, #tpu.memory_space<vmem>>, vector<16xi32>,
          %get3A_849 = vector.shape_cast %get3A_848 : vector<16xi32> to vector<16xi32>
          %swap3A_850 = arith.constant 64 : index
          %swap3A_851 = tpu.vector_load %arg12[%swap3A_850] {strides = array<i32>} : memref<80xi32, #tpu.memory_space<vmem>>, vector<16xi32>,
          %swap3A_852 = vector.shape_cast %swap3A_851 : vector<16xi32> to vector<16xi32>
          %swap3A_853 = vector.shape_cast %get3A_849 : vector<16xi32> to vector<16xi32>
          tpu.vector_store %arg12[%swap3A_850], %swap3A_853 {strides = array<i32>} : memref<80xi32, #tpu.memory_space<vmem>>, vector<16xi32>,
          %get3A_854 = arith.constant 304 : index
          %get3A_855 = tpu.vector_load %arg7[%get3A_854] {strides = array<i32>} : memref<400xi32, #tpu.memory_space<vmem>>, vector<16xi32>,
          %get3A_856 = vector.shape_cast %get3A_855 : vector<16xi32> to vector<16xi32>
          %swap3A_857 = arith.constant 64 : index
          %swap3A_858 = tpu.vector_load %arg22[%swap3A_857] {strides = array<i32>} : memref<80xi32, #tpu.memory_space<vmem>>, vector<16xi32>,
          %swap3A_859 = vector.shape_cast %swap3A_858 : vector<16xi32> to vector<16xi32>
          %swap3A_860 = vector.shape_cast %get3A_856 : vector<16xi32> to vector<16xi32>
          tpu.vector_store %arg22[%swap3A_857], %swap3A_860 {strides = array<i32>} : memref<80xi32, #tpu.memory_space<vmem>>, vector<16xi32>,
          %dma_start3A_861 = arith.constant 0 : i32
          %dma_start3A_862 = arith.constant 0 : i32
          %dma_start3A_863 = tpu.memref_slice %arg2[%dma_start3A_861, %dma_start3A_862] : memref<10000x16xf32, #tpu.memory_space<hbm>> -> memref<10000x16xf32, #tpu.memory_space<hbm>>
          tpu.enqueue_indirect_dma source(%dma_start3A_863 : memref<10000x16xf32, #tpu.memory_space<hbm>>) target(%arg32 : memref<80x16xf32, #tpu.memory_space<vmem>>) offsets(%arg12 : memref<80xi32, #tpu.memory_space<vmem>>) semaphore(%arg43 : memref<!tpu.dma_semaphore, #tpu.memory_space<semaphore_mem>>)
          %get3A_864 = arith.constant 320 : index
          %get3A_865 = tpu.vector_load %arg5[%get3A_864] {strides = array<i32>} : memref<400xi32, #tpu.memory_space<vmem>>, vector<16xi32>,
          %get3A_866 = vector.shape_cast %get3A_865 : vector<16xi32> to vector<16xi32>
          %swap3A_867 = arith.constant 0 : index
          %swap3A_868 = tpu.vector_load %arg13[%swap3A_867] {strides = array<i32>} : memref<80xi32, #tpu.memory_space<vmem>>, vector<16xi32>,
          %swap3A_869 = vector.shape_cast %swap3A_868 : vector<16xi32> to vector<16xi32>
          %swap3A_870 = vector.shape_cast %get3A_866 : vector<16xi32> to vector<16xi32>
          tpu.vector_store %arg13[%swap3A_867], %swap3A_870 {strides = array<i32>} : memref<80xi32, #tpu.memory_space<vmem>>, vector<16xi32>,
          %get3A_871 = arith.constant 320 : index
          %get3A_872 = tpu.vector_load %arg7[%get3A_871] {strides = array<i32>} : memref<400xi32, #tpu.memory_space<vmem>>, vector<16xi32>,
          %get3A_873 = vector.shape_cast %get3A_872 : vector<16xi32> to vector<16xi32>
          %swap3A_874 = arith.constant 0 : index
          %swap3A_875 = tpu.vector_load %arg23[%swap3A_874] {strides = array<i32>} : memref<80xi32, #tpu.memory_space<vmem>>, vector<16xi32>,
          %swap3A_876 = vector.shape_cast %swap3A_875 : vector<16xi32> to vector<16xi32>
          %swap3A_877 = vector.shape_cast %get3A_873 : vector<16xi32> to vector<16xi32>
          tpu.vector_store %arg23[%swap3A_874], %swap3A_877 {strides = array<i32>} : memref<80xi32, #tpu.memory_space<vmem>>, vector<16xi32>,
          %get3A_878 = arith.constant 336 : index
          %get3A_879 = tpu.vector_load %arg5[%get3A_878] {strides = array<i32>} : memref<400xi32, #tpu.memory_space<vmem>>, vector<16xi32>,
          %get3A_880 = vector.shape_cast %get3A_879 : vector<16xi32> to vector<16xi32>
          %swap3A_881 = arith.constant 16 : index
          %swap3A_882 = tpu.vector_load %arg13[%swap3A_881] {strides = array<i32>} : memref<80xi32, #tpu.memory_space<vmem>>, vector<16xi32>,
          %swap3A_883 = vector.shape_cast %swap3A_882 : vector<16xi32> to vector<16xi32>
          %swap3A_884 = vector.shape_cast %get3A_880 : vector<16xi32> to vector<16xi32>
          tpu.vector_store %arg13[%swap3A_881], %swap3A_884 {strides = array<i32>} : memref<80xi32, #tpu.memory_space<vmem>>, vector<16xi32>,
          %get3A_885 = arith.constant 336 : index
          %get3A_886 = tpu.vector_load %arg7[%get3A_885] {strides = array<i32>} : memref<400xi32, #tpu.memory_space<vmem>>, vector<16xi32>,
          %get3A_887 = vector.shape_cast %get3A_886 : vector<16xi32> to vector<16xi32>
          %swap3A_888 = arith.constant 16 : index
          %swap3A_889 = tpu.vector_load %arg23[%swap3A_888] {strides = array<i32>} : memref<80xi32, #tpu.memory_space<vmem>>, vector<16xi32>,
          %swap3A_890 = vector.shape_cast %swap3A_889 : vector<16xi32> to vector<16xi32>
          %swap3A_891 = vector.shape_cast %get3A_887 : vector<16xi32> to vector<16xi32>
          tpu.vector_store %arg23[%swap3A_888], %swap3A_891 {strides = array<i32>} : memref<80xi32, #tpu.memory_space<vmem>>, vector<16xi32>,
          %get3A_892 = arith.constant 352 : index
          %get3A_893 = tpu.vector_load %arg5[%get3A_892] {strides = array<i32>} : memref<400xi32, #tpu.memory_space<vmem>>, vector<16xi32>,
          %get3A_894 = vector.shape_cast %get3A_893 : vector<16xi32> to vector<16xi32>
          %swap3A_895 = arith.constant 32 : index
          %swap3A_896 = tpu.vector_load %arg13[%swap3A_895] {strides = array<i32>} : memref<80xi32, #tpu.memory_space<vmem>>, vector<16xi32>,
          %swap3A_897 = vector.shape_cast %swap3A_896 : vector<16xi32> to vector<16xi32>
          %swap3A_898 = vector.shape_cast %get3A_894 : vector<16xi32> to vector<16xi32>
          tpu.vector_store %arg13[%swap3A_895], %swap3A_898 {strides = array<i32>} : memref<80xi32, #tpu.memory_space<vmem>>, vector<16xi32>,
          %get3A_899 = arith.constant 352 : index
          %get3A_900 = tpu.vector_load %arg7[%get3A_899] {strides = array<i32>} : memref<400xi32, #tpu.memory_space<vmem>>, vector<16xi32>,
          %get3A_901 = vector.shape_cast %get3A_900 : vector<16xi32> to vector<16xi32>
          %swap3A_902 = arith.constant 32 : index
          %swap3A_903 = tpu.vector_load %arg23[%swap3A_902] {strides = array<i32>} : memref<80xi32, #tpu.memory_space<vmem>>, vector<16xi32>,
          %swap3A_904 = vector.shape_cast %swap3A_903 : vector<16xi32> to vector<16xi32>
          %swap3A_905 = vector.shape_cast %get3A_901 : vector<16xi32> to vector<16xi32>
          tpu.vector_store %arg23[%swap3A_902], %swap3A_905 {strides = array<i32>} : memref<80xi32, #tpu.memory_space<vmem>>, vector<16xi32>,
          %get3A_906 = arith.constant 368 : index
          %get3A_907 = tpu.vector_load %arg5[%get3A_906] {strides = array<i32>} : memref<400xi32, #tpu.memory_space<vmem>>, vector<16xi32>,
          %get3A_908 = vector.shape_cast %get3A_907 : vector<16xi32> to vector<16xi32>
          %swap3A_909 = arith.constant 48 : index
          %swap3A_910 = tpu.vector_load %arg13[%swap3A_909] {strides = array<i32>} : memref<80xi32, #tpu.memory_space<vmem>>, vector<16xi32>,
          %swap3A_911 = vector.shape_cast %swap3A_910 : vector<16xi32> to vector<16xi32>
          %swap3A_912 = vector.shape_cast %get3A_908 : vector<16xi32> to vector<16xi32>
          tpu.vector_store %arg13[%swap3A_909], %swap3A_912 {strides = array<i32>} : memref<80xi32, #tpu.memory_space<vmem>>, vector<16xi32>,
          %get3A_913 = arith.constant 368 : index
          %get3A_914 = tpu.vector_load %arg7[%get3A_913] {strides = array<i32>} : memref<400xi32, #tpu.memory_space<vmem>>, vector<16xi32>,
          %get3A_915 = vector.shape_cast %get3A_914 : vector<16xi32> to vector<16xi32>
          %swap3A_916 = arith.constant 48 : index
          %swap3A_917 = tpu.vector_load %arg23[%swap3A_916] {strides = array<i32>} : memref<80xi32, #tpu.memory_space<vmem>>, vector<16xi32>,
          %swap3A_918 = vector.shape_cast %swap3A_917 : vector<16xi32> to vector<16xi32>
          %swap3A_919 = vector.shape_cast %get3A_915 : vector<16xi32> to vector<16xi32>
          tpu.vector_store %arg23[%swap3A_916], %swap3A_919 {strides = array<i32>} : memref<80xi32, #tpu.memory_space<vmem>>, vector<16xi32>,
          %get3A_920 = arith.constant 384 : index
          %get3A_921 = tpu.vector_load %arg5[%get3A_920] {strides = array<i32>} : memref<400xi32, #tpu.memory_space<vmem>>, vector<16xi32>,
          %get3A_922 = vector.shape_cast %get3A_921 : vector<16xi32> to vector<16xi32>
          %swap3A_923 = arith.constant 64 : index
          %swap3A_924 = tpu.vector_load %arg13[%swap3A_923] {strides = array<i32>} : memref<80xi32, #tpu.memory_space<vmem>>, vector<16xi32>,
          %swap3A_925 = vector.shape_cast %swap3A_924 : vector<16xi32> to vector<16xi32>
          %swap3A_926 = vector.shape_cast %get3A_922 : vector<16xi32> to vector<16xi32>
          tpu.vector_store %arg13[%swap3A_923], %swap3A_926 {strides = array<i32>} : memref<80xi32, #tpu.memory_space<vmem>>, vector<16xi32>,
          %get3A_927 = arith.constant 384 : index
          %get3A_928 = tpu.vector_load %arg7[%get3A_927] {strides = array<i32>} : memref<400xi32, #tpu.memory_space<vmem>>, vector<16xi32>,
          %get3A_929 = vector.shape_cast %get3A_928 : vector<16xi32> to vector<16xi32>
          %swap3A_930 = arith.constant 64 : index
          %swap3A_931 = tpu.vector_load %arg23[%swap3A_930] {strides = array<i32>} : memref<80xi32, #tpu.memory_space<vmem>>, vector<16xi32>,
          %swap3A_932 = vector.shape_cast %swap3A_931 : vector<16xi32> to vector<16xi32>
          %swap3A_933 = vector.shape_cast %get3A_929 : vector<16xi32> to vector<16xi32>
          tpu.vector_store %arg23[%swap3A_930], %swap3A_933 {strides = array<i32>} : memref<80xi32, #tpu.memory_space<vmem>>, vector<16xi32>,
          %dma_start3A_934 = arith.constant 0 : i32
          %dma_start3A_935 = arith.constant 0 : i32
          %dma_start3A_936 = tpu.memref_slice %arg2[%dma_start3A_934, %dma_start3A_935] : memref<10000x16xf32, #tpu.memory_space<hbm>> -> memref<10000x16xf32, #tpu.memory_space<hbm>>
          tpu.enqueue_indirect_dma source(%dma_start3A_936 : memref<10000x16xf32, #tpu.memory_space<hbm>>) target(%arg33 : memref<80x16xf32, #tpu.memory_space<vmem>>) offsets(%arg13 : memref<80xi32, #tpu.memory_space<vmem>>) semaphore(%arg43 : memref<!tpu.dma_semaphore, #tpu.memory_space<semaphore_mem>>)
        } else {
        }
        %add3A_517 = arith.constant 2 : i32
        %add3A_518 = arith.addi %add3A_509, %add3A_517 : i32
        %lt3A_519 = arith.constant 25 : i32
        %lt3A_520 = arith.cmpi slt, %add3A_518, %lt3A_519 : i32
        %convert_element_type3A_521 = arith.extui %lt3A_520 : i1 to i32
        %cond3A_522 = arith.constant 0 : i32
        %cond3A_523 = arith.cmpi ne, %convert_element_type3A_521, %cond3A_522 : i32
        scf.if %cond3A_523 {
          %add3A_554 = arith.constant 2 : i32
          %add3A_555 = arith.addi %add3A_509, %add3A_554 : i32
          %mul3A_556 = arith.constant 400 : i32
          %mul3A_557 = arith.muli %add3A_555, %mul3A_556 : i32
          %add3A_558 = arith.addi %mul3A_4, %mul3A_557 : i32
          %multiple_of3A_559 = tpu.assume_multiple %add3A_558, 80 : i32
          %dma_start3A_560 = arith.constant 0 : i32
          %dma_start3A_561 = tpu.memref_slice %arg3[%dma_start3A_560, %multiple_of3A_559] : memref<2x320000xi32, #tpu.memory_space<hbm>> -> memref<1x400xi32, #tpu.memory_space<hbm>>
          %dma_start3A_562 = tpu.memref_squeeze %dma_start3A_561 : memref<1x400xi32, #tpu.memory_space<hbm>> -> memref<400xi32, #tpu.memory_space<hbm>>
          %dma_start3A_563 = tpu.memref_slice %arg3[%dma_start3A_560, %multiple_of3A_559] : memref<2x320000xi32, #tpu.memory_space<hbm>> -> memref<1x400xi32, #tpu.memory_space<hbm>>
          %dma_start3A_564 = tpu.memref_squeeze %dma_start3A_563 : memref<1x400xi32, #tpu.memory_space<hbm>> -> memref<400xi32, #tpu.memory_space<hbm>>
          tpu.enqueue_dma source(%dma_start3A_564 : memref<400xi32, #tpu.memory_space<hbm>>) target(%arg6 : memref<400xi32, #tpu.memory_space<vmem>>) target_semaphore(%arg42 : memref<!tpu.dma_semaphore, #tpu.memory_space<semaphore_mem>>)
          %dma_start3A_565 = arith.constant 1 : i32
          %dma_start3A_566 = tpu.memref_slice %arg3[%dma_start3A_565, %multiple_of3A_559] : memref<2x320000xi32, #tpu.memory_space<hbm>> -> memref<1x400xi32, #tpu.memory_space<hbm>>
          %dma_start3A_567 = tpu.memref_squeeze %dma_start3A_566 : memref<1x400xi32, #tpu.memory_space<hbm>> -> memref<400xi32, #tpu.memory_space<hbm>>
          %dma_start3A_568 = tpu.memref_slice %arg3[%dma_start3A_565, %multiple_of3A_559] : memref<2x320000xi32, #tpu.memory_space<hbm>> -> memref<1x400xi32, #tpu.memory_space<hbm>>
          %dma_start3A_569 = tpu.memref_squeeze %dma_start3A_568 : memref<1x400xi32, #tpu.memory_space<hbm>> -> memref<400xi32, #tpu.memory_space<hbm>>
          tpu.enqueue_dma source(%dma_start3A_569 : memref<400xi32, #tpu.memory_space<hbm>>) target(%arg8 : memref<400xi32, #tpu.memory_space<vmem>>) target_semaphore(%arg42 : memref<!tpu.dma_semaphore, #tpu.memory_space<semaphore_mem>>)
        } else {
        }
        %dma_wait3A_524 = arith.constant 0 : i32
        %dma_wait3A_525 = arith.constant 0 : i32
        %dma_wait3A_526 = tpu.memref_slice %arg2[%dma_wait3A_524, %dma_wait3A_525] : memref<10000x16xf32, #tpu.memory_space<hbm>> -> memref<10000x16xf32, #tpu.memory_space<hbm>>
        tpu.wait_indirect_dma semaphore(%arg44 : memref<!tpu.dma_semaphore, #tpu.memory_space<semaphore_mem>>) src(%dma_wait3A_526 : memref<10000x16xf32, #tpu.memory_space<hbm>>) dst(%arg34 : memref<80x16xf32, #tpu.memory_space<vmem>>)
        %dma_start3A_527 = arith.constant 0 : i32
        %dma_start3A_528 = arith.constant 0 : i32
        %dma_start3A_529 = tpu.memref_slice %arg40[%dma_start3A_527, %dma_start3A_528] : memref<10240x16xf32, #tpu.memory_space<vmem_shared>> -> memref<10240x16xf32, #tpu.memory_space<vmem_shared>>
        tpu.enqueue_indirect_dma source(%arg34 : memref<80x16xf32, #tpu.memory_space<vmem>>) target(%dma_start3A_529 : memref<10240x16xf32, #tpu.memory_space<vmem_shared>>) offsets(%arg24 : memref<80xi32, #tpu.memory_space<vmem>>) semaphore(%arg46 : memref<!tpu.dma_semaphore, #tpu.memory_space<semaphore_mem>>) {add = true}
        %dma_wait3A_530 = arith.constant 0 : i32
        %dma_wait3A_531 = arith.constant 0 : i32
        %dma_wait3A_532 = tpu.memref_slice %arg2[%dma_wait3A_530, %dma_wait3A_531] : memref<10000x16xf32, #tpu.memory_space<hbm>> -> memref<10000x16xf32, #tpu.memory_space<hbm>>
        tpu.wait_indirect_dma semaphore(%arg44 : memref<!tpu.dma_semaphore, #tpu.memory_space<semaphore_mem>>) src(%dma_wait3A_532 : memref<10000x16xf32, #tpu.memory_space<hbm>>) dst(%arg35 : memref<80x16xf32, #tpu.memory_space<vmem>>)
        %dma_start3A_533 = arith.constant 0 : i32
        %dma_start3A_534 = arith.constant 0 : i32
        %dma_start3A_535 = tpu.memref_slice %arg40[%dma_start3A_533, %dma_start3A_534] : memref<10240x16xf32, #tpu.memory_space<vmem_shared>> -> memref<10240x16xf32, #tpu.memory_space<vmem_shared>>
        tpu.enqueue_indirect_dma source(%arg35 : memref<80x16xf32, #tpu.memory_space<vmem>>) target(%dma_start3A_535 : memref<10240x16xf32, #tpu.memory_space<vmem_shared>>) offsets(%arg25 : memref<80xi32, #tpu.memory_space<vmem>>) semaphore(%arg46 : memref<!tpu.dma_semaphore, #tpu.memory_space<semaphore_mem>>) {add = true}
        %dma_wait3A_536 = arith.constant 0 : i32
        %dma_wait3A_537 = arith.constant 0 : i32
        %dma_wait3A_538 = tpu.memref_slice %arg2[%dma_wait3A_536, %dma_wait3A_537] : memref<10000x16xf32, #tpu.memory_space<hbm>> -> memref<10000x16xf32, #tpu.memory_space<hbm>>
        tpu.wait_indirect_dma semaphore(%arg44 : memref<!tpu.dma_semaphore, #tpu.memory_space<semaphore_mem>>) src(%dma_wait3A_538 : memref<10000x16xf32, #tpu.memory_space<hbm>>) dst(%arg36 : memref<80x16xf32, #tpu.memory_space<vmem>>)
        %dma_start3A_539 = arith.constant 0 : i32
        %dma_start3A_540 = arith.constant 0 : i32
        %dma_start3A_541 = tpu.memref_slice %arg40[%dma_start3A_539, %dma_start3A_540] : memref<10240x16xf32, #tpu.memory_space<vmem_shared>> -> memref<10240x16xf32, #tpu.memory_space<vmem_shared>>
        tpu.enqueue_indirect_dma source(%arg36 : memref<80x16xf32, #tpu.memory_space<vmem>>) target(%dma_start3A_541 : memref<10240x16xf32, #tpu.memory_space<vmem_shared>>) offsets(%arg26 : memref<80xi32, #tpu.memory_space<vmem>>) semaphore(%arg46 : memref<!tpu.dma_semaphore, #tpu.memory_space<semaphore_mem>>) {add = true}
        %dma_wait3A_542 = arith.constant 0 : i32
        %dma_wait3A_543 = arith.constant 0 : i32
        %dma_wait3A_544 = tpu.memref_slice %arg2[%dma_wait3A_542, %dma_wait3A_543] : memref<10000x16xf32, #tpu.memory_space<hbm>> -> memref<10000x16xf32, #tpu.memory_space<hbm>>
        tpu.wait_indirect_dma semaphore(%arg44 : memref<!tpu.dma_semaphore, #tpu.memory_space<semaphore_mem>>) src(%dma_wait3A_544 : memref<10000x16xf32, #tpu.memory_space<hbm>>) dst(%arg37 : memref<80x16xf32, #tpu.memory_space<vmem>>)
        %dma_start3A_545 = arith.constant 0 : i32
        %dma_start3A_546 = arith.constant 0 : i32
        %dma_start3A_547 = tpu.memref_slice %arg40[%dma_start3A_545, %dma_start3A_546] : memref<10240x16xf32, #tpu.memory_space<vmem_shared>> -> memref<10240x16xf32, #tpu.memory_space<vmem_shared>>
        tpu.enqueue_indirect_dma source(%arg37 : memref<80x16xf32, #tpu.memory_space<vmem>>) target(%dma_start3A_547 : memref<10240x16xf32, #tpu.memory_space<vmem_shared>>) offsets(%arg27 : memref<80xi32, #tpu.memory_space<vmem>>) semaphore(%arg46 : memref<!tpu.dma_semaphore, #tpu.memory_space<semaphore_mem>>) {add = true}
        %dma_wait3A_548 = arith.constant 0 : i32
        %dma_wait3A_549 = arith.constant 0 : i32
        %dma_wait3A_550 = tpu.memref_slice %arg2[%dma_wait3A_548, %dma_wait3A_549] : memref<10000x16xf32, #tpu.memory_space<hbm>> -> memref<10000x16xf32, #tpu.memory_space<hbm>>
        tpu.wait_indirect_dma semaphore(%arg44 : memref<!tpu.dma_semaphore, #tpu.memory_space<semaphore_mem>>) src(%dma_wait3A_550 : memref<10000x16xf32, #tpu.memory_space<hbm>>) dst(%arg38 : memref<80x16xf32, #tpu.memory_space<vmem>>)
        %dma_start3A_551 = arith.constant 0 : i32
        %dma_start3A_552 = arith.constant 0 : i32
        %dma_start3A_553 = tpu.memref_slice %arg40[%dma_start3A_551, %dma_start3A_552] : memref<10240x16xf32, #tpu.memory_space<vmem_shared>> -> memref<10240x16xf32, #tpu.memory_space<vmem_shared>>
        tpu.enqueue_indirect_dma source(%arg38 : memref<80x16xf32, #tpu.memory_space<vmem>>) target(%dma_start3A_553 : memref<10240x16xf32, #tpu.memory_space<vmem_shared>>) offsets(%arg28 : memref<80xi32, #tpu.memory_space<vmem>>) semaphore(%arg46 : memref<!tpu.dma_semaphore, #tpu.memory_space<semaphore_mem>>) {add = true}
      } else {
      }
    }
    %scan3A_421 = arith.constant 13 : i32
    %dma_wait3A_422 = arith.constant 0 : i32
    %dma_wait3A_423 = arith.constant 0 : i32
    %dma_wait3A_424 = tpu.memref_slice %arg40[%dma_wait3A_422, %dma_wait3A_423] : memref<10240x16xf32, #tpu.memory_space<vmem_shared>> -> memref<10240x16xf32, #tpu.memory_space<vmem_shared>>
    tpu.wait_indirect_dma semaphore(%arg45 : memref<!tpu.dma_semaphore, #tpu.memory_space<semaphore_mem>>) src(%arg29 : memref<80x16xf32, #tpu.memory_space<vmem>>) dst(%dma_wait3A_424 : memref<10240x16xf32, #tpu.memory_space<vmem_shared>>)
    %dma_wait3A_425 = arith.constant 0 : i32
    %dma_wait3A_426 = arith.constant 0 : i32
    %dma_wait3A_427 = tpu.memref_slice %arg40[%dma_wait3A_425, %dma_wait3A_426] : memref<10240x16xf32, #tpu.memory_space<vmem_shared>> -> memref<10240x16xf32, #tpu.memory_space<vmem_shared>>
    tpu.wait_indirect_dma semaphore(%arg45 : memref<!tpu.dma_semaphore, #tpu.memory_space<semaphore_mem>>) src(%arg30 : memref<80x16xf32, #tpu.memory_space<vmem>>) dst(%dma_wait3A_427 : memref<10240x16xf32, #tpu.memory_space<vmem_shared>>)
    %dma_wait3A_428 = arith.constant 0 : i32
    %dma_wait3A_429 = arith.constant 0 : i32
    %dma_wait3A_430 = tpu.memref_slice %arg40[%dma_wait3A_428, %dma_wait3A_429] : memref<10240x16xf32, #tpu.memory_space<vmem_shared>> -> memref<10240x16xf32, #tpu.memory_space<vmem_shared>>
    tpu.wait_indirect_dma semaphore(%arg45 : memref<!tpu.dma_semaphore, #tpu.memory_space<semaphore_mem>>) src(%arg31 : memref<80x16xf32, #tpu.memory_space<vmem>>) dst(%dma_wait3A_430 : memref<10240x16xf32, #tpu.memory_space<vmem_shared>>)
    %dma_wait3A_431 = arith.constant 0 : i32
    %dma_wait3A_432 = arith.constant 0 : i32
    %dma_wait3A_433 = tpu.memref_slice %arg40[%dma_wait3A_431, %dma_wait3A_432] : memref<10240x16xf32, #tpu.memory_space<vmem_shared>> -> memref<10240x16xf32, #tpu.memory_space<vmem_shared>>
    tpu.wait_indirect_dma semaphore(%arg45 : memref<!tpu.dma_semaphore, #tpu.memory_space<semaphore_mem>>) src(%arg32 : memref<80x16xf32, #tpu.memory_space<vmem>>) dst(%dma_wait3A_433 : memref<10240x16xf32, #tpu.memory_space<vmem_shared>>)
    %dma_wait3A_434 = arith.constant 0 : i32
    %dma_wait3A_435 = arith.constant 0 : i32
    %dma_wait3A_436 = tpu.memref_slice %arg40[%dma_wait3A_434, %dma_wait3A_435] : memref<10240x16xf32, #tpu.memory_space<vmem_shared>> -> memref<10240x16xf32, #tpu.memory_space<vmem_shared>>
    tpu.wait_indirect_dma semaphore(%arg45 : memref<!tpu.dma_semaphore, #tpu.memory_space<semaphore_mem>>) src(%arg33 : memref<80x16xf32, #tpu.memory_space<vmem>>) dst(%dma_wait3A_436 : memref<10240x16xf32, #tpu.memory_space<vmem_shared>>)
    %dma_wait3A_437 = arith.constant 0 : i32
    %dma_wait3A_438 = arith.constant 0 : i32
    %dma_wait3A_439 = tpu.memref_slice %arg40[%dma_wait3A_437, %dma_wait3A_438] : memref<10240x16xf32, #tpu.memory_space<vmem_shared>> -> memref<10240x16xf32, #tpu.memory_space<vmem_shared>>
    tpu.wait_indirect_dma semaphore(%arg46 : memref<!tpu.dma_semaphore, #tpu.memory_space<semaphore_mem>>) src(%arg34 : memref<80x16xf32, #tpu.memory_space<vmem>>) dst(%dma_wait3A_439 : memref<10240x16xf32, #tpu.memory_space<vmem_shared>>)
    %dma_wait3A_440 = arith.constant 0 : i32
    %dma_wait3A_441 = arith.constant 0 : i32
    %dma_wait3A_442 = tpu.memref_slice %arg40[%dma_wait3A_440, %dma_wait3A_441] : memref<10240x16xf32, #tpu.memory_space<vmem_shared>> -> memref<10240x16xf32, #tpu.memory_space<vmem_shared>>
    tpu.wait_indirect_dma semaphore(%arg46 : memref<!tpu.dma_semaphore, #tpu.memory_space<semaphore_mem>>) src(%arg35 : memref<80x16xf32, #tpu.memory_space<vmem>>) dst(%dma_wait3A_442 : memref<10240x16xf32, #tpu.memory_space<vmem_shared>>)
    %dma_wait3A_443 = arith.constant 0 : i32
    %dma_wait3A_444 = arith.constant 0 : i32
    %dma_wait3A_445 = tpu.memref_slice %arg40[%dma_wait3A_443, %dma_wait3A_444] : memref<10240x16xf32, #tpu.memory_space<vmem_shared>> -> memref<10240x16xf32, #tpu.memory_space<vmem_shared>>
    tpu.wait_indirect_dma semaphore(%arg46 : memref<!tpu.dma_semaphore, #tpu.memory_space<semaphore_mem>>) src(%arg36 : memref<80x16xf32, #tpu.memory_space<vmem>>) dst(%dma_wait3A_445 : memref<10240x16xf32, #tpu.memory_space<vmem_shared>>)
    %dma_wait3A_446 = arith.constant 0 : i32
    %dma_wait3A_447 = arith.constant 0 : i32
    %dma_wait3A_448 = tpu.memref_slice %arg40[%dma_wait3A_446, %dma_wait3A_447] : memref<10240x16xf32, #tpu.memory_space<vmem_shared>> -> memref<10240x16xf32, #tpu.memory_space<vmem_shared>>
    tpu.wait_indirect_dma semaphore(%arg46 : memref<!tpu.dma_semaphore, #tpu.memory_space<semaphore_mem>>) src(%arg37 : memref<80x16xf32, #tpu.memory_space<vmem>>) dst(%dma_wait3A_448 : memref<10240x16xf32, #tpu.memory_space<vmem_shared>>)
    %dma_wait3A_449 = arith.constant 0 : i32
    %dma_wait3A_450 = arith.constant 0 : i32
    %dma_wait3A_451 = tpu.memref_slice %arg40[%dma_wait3A_449, %dma_wait3A_450] : memref<10240x16xf32, #tpu.memory_space<vmem_shared>> -> memref<10240x16xf32, #tpu.memory_space<vmem_shared>>
    tpu.wait_indirect_dma semaphore(%arg46 : memref<!tpu.dma_semaphore, #tpu.memory_space<semaphore_mem>>) src(%arg38 : memref<80x16xf32, #tpu.memory_space<vmem>>) dst(%dma_wait3A_451 : memref<10240x16xf32, #tpu.memory_space<vmem_shared>>)
    %barrier3A_452 = arith.constant 0 : index
    tpu.barrier barrier_id(%barrier3A_452)
    %mul3A_453 = arith.constant 640 : i32
    %mul3A_454 = arith.muli %arg1, %mul3A_453 : i32
    "tpu.region"() ({
      %run_scoped3A = tpu.sem_alloc : memref<!tpu.dma_semaphore, #tpu.memory_space<semaphore_mem>>
      %dma_start3A_455 = arith.constant 0 : i32
      %dma_start3A_456 = tpu.memref_slice %arg4[%arg0, %mul3A_454, %dma_start3A_455] : memref<2x10240x16xf32, #tpu.memory_space<hbm>> -> memref<1x640x16xf32, #tpu.memory_space<hbm>>
      %dma_start3A_457 = tpu.memref_squeeze %dma_start3A_456 : memref<1x640x16xf32, #tpu.memory_space<hbm>> -> memref<640x16xf32, #tpu.memory_space<hbm>>
      %dma_start3A_458 = arith.constant 0 : i32
      %dma_start3A_459 = tpu.memref_slice %arg40[%mul3A_454, %dma_start3A_458] : memref<10240x16xf32, #tpu.memory_space<vmem_shared>> -> memref<640x16xf32, #tpu.memory_space<vmem_shared>>
      tpu.enqueue_dma source(%dma_start3A_459 : memref<640x16xf32, #tpu.memory_space<vmem_shared>>) target(%dma_start3A_457 : memref<640x16xf32, #tpu.memory_space<hbm>>) target_semaphore(%run_scoped3A : memref<!tpu.dma_semaphore, #tpu.memory_space<semaphore_mem>>)
      %dma_wait3A_460 = arith.constant 0 : i32
      %dma_wait3A_461 = tpu.memref_slice %arg4[%arg0, %mul3A_454, %dma_wait3A_460] : memref<2x10240x16xf32, #tpu.memory_space<hbm>> -> memref<1x640x16xf32, #tpu.memory_space<hbm>>
      %dma_wait3A_462 = tpu.memref_squeeze %dma_wait3A_461 : memref<1x640x16xf32, #tpu.memory_space<hbm>> -> memref<640x16xf32, #tpu.memory_space<hbm>>
      %dma_wait3A_463 = arith.constant 0 : i32
      %dma_wait3A_464 = tpu.memref_slice %arg40[%mul3A_454, %dma_wait3A_463] : memref<10240x16xf32, #tpu.memory_space<vmem_shared>> -> memref<640x16xf32, #tpu.memory_space<vmem_shared>>
      tpu.wait_dma2 semaphore(%run_scoped3A : memref<!tpu.dma_semaphore, #tpu.memory_space<semaphore_mem>>) src(%dma_wait3A_464 : memref<640x16xf32, #tpu.memory_space<vmem_shared>>) dst(%dma_wait3A_462 : memref<640x16xf32, #tpu.memory_space<hbm>>)
      tpu.yield
    }) : () -> ()
    return
  }
}

module attributes {stable_mosaic.version = 14 : i64} {
  func.func @_dense1_body(%arg0: i32, %arg1: memref<2000x128xf32, #tpu.memory_space<vmem>>, %arg2: memref<2x2000x64xf32, #tpu.memory_space<vmem>>, %arg3: memref<2x2000x16xf32, #tpu.memory_space<vmem>>, %arg4: memref<128x128xf32, #tpu.memory_space<vmem>>, %arg5: memref<128x128xf32, #tpu.memory_space<vmem>>, %arg6: memref<1x128xf32, #tpu.memory_space<vmem>>, %arg7: memref<16x128xf32, #tpu.memory_space<vmem>>, %arg8: memref<2000x128xf32, #tpu.memory_space<vmem>>, %arg9: memref<2000x16xf32, #tpu.memory_space<vmem>>) attributes {dimension_semantics = [#tpu.dimension_semantics<arbitrary>], iteration_bounds = array<i64: 5>, scalar_prefetch = 0 : i64, scratch_operands = 0 : i64, tpu.core_type = #tpu.core_type<tc>, window_params = [{transform_indices = @transform_0, window_bounds = array<i64: 2000, 128>}, {transform_indices = @transform_1, window_bounds = array<i64: 2, 2000, 64>}, {transform_indices = @transform_2, window_bounds = array<i64: 2, 2000, 16>}, {pipeline_mode = #tpu.pipeline_mode<synchronous>, transform_indices = @transform_3, window_bounds = array<i64: 128, 128>}, {pipeline_mode = #tpu.pipeline_mode<synchronous>, transform_indices = @transform_4, window_bounds = array<i64: 128, 128>}, {pipeline_mode = #tpu.pipeline_mode<synchronous>, transform_indices = @transform_5, window_bounds = array<i64: 1, 128>}, {pipeline_mode = #tpu.pipeline_mode<synchronous>, transform_indices = @transform_6, window_bounds = array<i64: 16, 128>}, {transform_indices = @transform_7, window_bounds = array<i64: 2000, 128>}, {transform_indices = @transform_8, window_bounds = array<i64: 2000, 16>}]} {
    %get3A = arith.constant 0 : index
    %get3A_0 = arith.constant 0 : index
    %get3A_1 = arith.constant 0 : index
    %get3A_2 = vector.load %arg3[%get3A, %get3A_0, %get3A_1] : memref<2x2000x16xf32, #tpu.memory_space<vmem>>, vector<1x2000x1xf32>
    %get3A_3 = vector.shape_cast %get3A_2 : vector<1x2000x1xf32> to vector<2000x1xf32>
    %get3A_4 = arith.constant 1 : index
    %get3A_5 = arith.constant 0 : index
    %get3A_6 = arith.constant 0 : index
    %get3A_7 = vector.load %arg3[%get3A_4, %get3A_5, %get3A_6] : memref<2x2000x16xf32, #tpu.memory_space<vmem>>, vector<1x2000x1xf32>
    %get3A_8 = vector.shape_cast %get3A_7 : vector<1x2000x1xf32> to vector<2000x1xf32>
    %add3A = arith.addf %get3A_3, %get3A_8 : vector<2000x1xf32>
    %max3A = arith.constant 1.000000e+00 : f32
    %max3A_9 = vector.broadcast %max3A : f32 to vector<2000x1xf32>
    %max3A_10 = arith.maximumf %add3A, %max3A_9 : vector<2000x1xf32>
    %div3A = arith.constant 1.000000e+00 : f32
    %div3A_11 = vector.broadcast %div3A : f32 to vector<2000x1xf32>
    %div3A_12 = arith.divf %div3A_11, %max3A_10 : vector<2000x1xf32>
    %get3A_13 = arith.constant 0 : index
    %get3A_14 = arith.constant 0 : index
    %get3A_15 = arith.constant 0 : index
    %get3A_16 = vector.load %arg2[%get3A_13, %get3A_14, %get3A_15] : memref<2x2000x64xf32, #tpu.memory_space<vmem>>, vector<1x2000x64xf32>
    %get3A_17 = vector.shape_cast %get3A_16 : vector<1x2000x64xf32> to vector<2000x64xf32>
    %get3A_18 = arith.constant 1 : index
    %get3A_19 = arith.constant 0 : index
    %get3A_20 = arith.constant 0 : index
    %get3A_21 = vector.load %arg2[%get3A_18, %get3A_19, %get3A_20] : memref<2x2000x64xf32, #tpu.memory_space<vmem>>, vector<1x2000x64xf32>
    %get3A_22 = vector.shape_cast %get3A_21 : vector<1x2000x64xf32> to vector<2000x64xf32>
    %concatenate3A = tpu.concatenate %get3A_17, %get3A_22 in 1 : vector<2000x64xf32>, vector<2000x64xf32> -> vector<2000x128xf32>
    %mul3A = vector.broadcast %div3A_12 : vector<2000x1xf32> to vector<2000x128xf32>
    %mul3A_23 = arith.mulf %concatenate3A, %mul3A : vector<2000x128xf32>
    %get3A_24 = arith.constant 0 : index
    %get3A_25 = arith.constant 0 : index
    %get3A_26 = vector.load %arg1[%get3A_24, %get3A_25] : memref<2000x128xf32, #tpu.memory_space<vmem>>, vector<2000x128xf32>
    %get3A_27 = arith.constant 0 : index
    %get3A_28 = arith.constant 0 : index
    %get3A_29 = vector.load %arg4[%get3A_27, %get3A_28] : memref<128x128xf32, #tpu.memory_space<vmem>>, vector<128x128xf32>
    %dot_general3A = arith.constant dense<0.000000e+00> : vector<2000x128xf32>
    %dot_general3A_30 = tpu.matmul %get3A_26, %get3A_29, %dot_general3A {dimension_numbers = #tpu.dot_dimension_numbers<[1], [1], [0], [0], [0, 0, 1, 0], [], []>, transpose_lhs_hint = false} : vector<2000x128xf32>, vector<128x128xf32>, vector<2000x128xf32> -> vector<2000x128xf32>
    %get3A_31 = arith.constant 0 : index
    %get3A_32 = arith.constant 0 : index
    %get3A_33 = vector.load %arg5[%get3A_31, %get3A_32] : memref<128x128xf32, #tpu.memory_space<vmem>>, vector<128x128xf32>
    %dot_general3A_34 = arith.constant dense<0.000000e+00> : vector<2000x128xf32>
    %dot_general3A_35 = tpu.matmul %mul3A_23, %get3A_33, %dot_general3A_34 {dimension_numbers = #tpu.dot_dimension_numbers<[1], [1], [0], [0], [0, 0, 1, 0], [], []>, transpose_lhs_hint = false} : vector<2000x128xf32>, vector<128x128xf32>, vector<2000x128xf32> -> vector<2000x128xf32>
    %add3A_36 = arith.addf %dot_general3A_30, %dot_general3A_35 : vector<2000x128xf32>
    %get3A_37 = arith.constant 0 : index
    %get3A_38 = arith.constant 0 : index
    %get3A_39 = vector.load %arg6[%get3A_37, %get3A_38] : memref<1x128xf32, #tpu.memory_space<vmem>>, vector<1x128xf32>
    %add3A_40 = vector.broadcast %get3A_39 : vector<1x128xf32> to vector<2000x128xf32>
    %add3A_41 = arith.addf %add3A_36, %add3A_40 : vector<2000x128xf32>
    %swap3A = arith.constant 0 : index
    %swap3A_42 = arith.constant 0 : index
    %swap3A_43 = vector.load %arg8[%swap3A, %swap3A_42] : memref<2000x128xf32, #tpu.memory_space<vmem>>, vector<2000x128xf32>
    tpu.vector_store %arg8[%swap3A, %swap3A_42], %add3A_41 {strides = array<i32>} : memref<2000x128xf32, #tpu.memory_space<vmem>>, vector<2000x128xf32>,
    %max3A_44 = arith.constant 0.000000e+00 : f32
    %max3A_45 = vector.broadcast %max3A_44 : f32 to vector<2000x128xf32>
    %max3A_46 = arith.maximumf %add3A_41, %max3A_45 : vector<2000x128xf32>
    %get3A_47 = arith.constant 0 : index
    %get3A_48 = arith.constant 0 : index
    %get3A_49 = vector.load %arg7[%get3A_47, %get3A_48] : memref<16x128xf32, #tpu.memory_space<vmem>>, vector<16x128xf32>
    %dot_general3A_50 = arith.constant dense<0.000000e+00> : vector<2000x16xf32>
    %dot_general3A_51 = tpu.matmul %max3A_46, %get3A_49, %dot_general3A_50 {dimension_numbers = #tpu.dot_dimension_numbers<[1], [1], [0], [0], [0, 0, 1, 0], [], []>, transpose_lhs_hint = false} : vector<2000x128xf32>, vector<16x128xf32>, vector<2000x16xf32> -> vector<2000x16xf32>
    %swap3A_52 = arith.constant 0 : index
    %swap3A_53 = arith.constant 0 : index
    %swap3A_54 = vector.load %arg9[%swap3A_52, %swap3A_53] : memref<2000x16xf32, #tpu.memory_space<vmem>>, vector<2000x16xf32>
    tpu.vector_store %arg9[%swap3A_52, %swap3A_53], %dot_general3A_51 {strides = array<i32>} : memref<2000x16xf32, #tpu.memory_space<vmem>>, vector<2000x16xf32>,
    return
  }
  func.func @transform_0(%arg0: i32) -> (i32, i32) {
    %c0_i32 = arith.constant 0 : i32
    %c0_i32_0 = arith.constant 0 : i32
    return %arg0, %c0_i32 : i32, i32
  }
  func.func @transform_1(%arg0: i32) -> (i32, i32, i32) {
    %c0_i32 = arith.constant 0 : i32
    %c0_i32_0 = arith.constant 0 : i32
    %c0_i32_1 = arith.constant 0 : i32
    return %c0_i32, %arg0, %c0_i32_0 : i32, i32, i32
  }
  func.func @transform_2(%arg0: i32) -> (i32, i32, i32) {
    %c0_i32 = arith.constant 0 : i32
    %c0_i32_0 = arith.constant 0 : i32
    %c0_i32_1 = arith.constant 0 : i32
    return %c0_i32, %arg0, %c0_i32_0 : i32, i32, i32
  }
  func.func @transform_3(%arg0: i32) -> (i32, i32) {
    %c0_i32 = arith.constant 0 : i32
    %c0_i32_0 = arith.constant 0 : i32
    %c0_i32_1 = arith.constant 0 : i32
    return %c0_i32, %c0_i32_0 : i32, i32
  }
  func.func @transform_4(%arg0: i32) -> (i32, i32) {
    %c0_i32 = arith.constant 0 : i32
    %c0_i32_0 = arith.constant 0 : i32
    %c0_i32_1 = arith.constant 0 : i32
    return %c0_i32, %c0_i32_0 : i32, i32
  }
  func.func @transform_5(%arg0: i32) -> (i32, i32) {
    %c0_i32 = arith.constant 0 : i32
    %c0_i32_0 = arith.constant 0 : i32
    %c0_i32_1 = arith.constant 0 : i32
    return %c0_i32, %c0_i32_0 : i32, i32
  }
  func.func @transform_6(%arg0: i32) -> (i32, i32) {
    %c0_i32 = arith.constant 0 : i32
    %c0_i32_0 = arith.constant 0 : i32
    %c0_i32_1 = arith.constant 0 : i32
    return %c0_i32, %c0_i32_0 : i32, i32
  }
  func.func @transform_7(%arg0: i32) -> (i32, i32) {
    %c0_i32 = arith.constant 0 : i32
    %c0_i32_0 = arith.constant 0 : i32
    return %arg0, %c0_i32 : i32, i32
  }
  func.func @transform_8(%arg0: i32) -> (i32, i32) {
    %c0_i32 = arith.constant 0 : i32
    %c0_i32_0 = arith.constant 0 : i32
    return %arg0, %c0_i32 : i32, i32
  }
}

module attributes {stable_mosaic.version = 14 : i64} {
  func.func @_dense1b_body(%arg0: i32, %arg1: memref<2000x128xf32, #tpu.memory_space<vmem>>, %arg2: memref<16x128xf32, #tpu.memory_space<vmem>>, %arg3: memref<2000x128xf32, #tpu.memory_space<vmem>>, %arg4: memref<2000x16xf32, #tpu.memory_space<vmem>>) attributes {dimension_semantics = [#tpu.dimension_semantics<arbitrary>], iteration_bounds = array<i64: 5>, scalar_prefetch = 0 : i64, scratch_operands = 0 : i64, tpu.core_type = #tpu.core_type<tc>, window_params = [{transform_indices = @transform_0, window_bounds = array<i64: 2000, 128>}, {pipeline_mode = #tpu.pipeline_mode<synchronous>, transform_indices = @transform_1, window_bounds = array<i64: 16, 128>}, {transform_indices = @transform_2, window_bounds = array<i64: 2000, 128>}, {transform_indices = @transform_3, window_bounds = array<i64: 2000, 16>}]} {
    %get3A = arith.constant 0 : index
    %get3A_0 = arith.constant 0 : index
    %get3A_1 = vector.load %arg1[%get3A, %get3A_0] : memref<2000x128xf32, #tpu.memory_space<vmem>>, vector<2000x128xf32>
    %max3A = arith.constant 0.000000e+00 : f32
    %max3A_2 = vector.broadcast %max3A : f32 to vector<2000x128xf32>
    %max3A_3 = arith.maximumf %get3A_1, %max3A_2 : vector<2000x128xf32>
    %swap3A = arith.constant 0 : index
    %swap3A_4 = arith.constant 0 : index
    %swap3A_5 = vector.load %arg3[%swap3A, %swap3A_4] : memref<2000x128xf32, #tpu.memory_space<vmem>>, vector<2000x128xf32>
    tpu.vector_store %arg3[%swap3A, %swap3A_4], %max3A_3 {strides = array<i32>} : memref<2000x128xf32, #tpu.memory_space<vmem>>, vector<2000x128xf32>,
    %get3A_6 = arith.constant 0 : index
    %get3A_7 = arith.constant 0 : index
    %get3A_8 = vector.load %arg2[%get3A_6, %get3A_7] : memref<16x128xf32, #tpu.memory_space<vmem>>, vector<16x128xf32>
    %dot_general3A = arith.constant dense<0.000000e+00> : vector<2000x16xf32>
    %dot_general3A_9 = tpu.matmul %max3A_3, %get3A_8, %dot_general3A {dimension_numbers = #tpu.dot_dimension_numbers<[1], [1], [0], [0], [0, 0, 1, 0], [], []>, transpose_lhs_hint = false} : vector<2000x128xf32>, vector<16x128xf32>, vector<2000x16xf32> -> vector<2000x16xf32>
    %swap3A_10 = arith.constant 0 : index
    %swap3A_11 = arith.constant 0 : index
    %swap3A_12 = vector.load %arg4[%swap3A_10, %swap3A_11] : memref<2000x16xf32, #tpu.memory_space<vmem>>, vector<2000x16xf32>
    tpu.vector_store %arg4[%swap3A_10, %swap3A_11], %dot_general3A_9 {strides = array<i32>} : memref<2000x16xf32, #tpu.memory_space<vmem>>, vector<2000x16xf32>,
    return
  }
  func.func @transform_0(%arg0: i32) -> (i32, i32) {
    %c0_i32 = arith.constant 0 : i32
    %c0_i32_0 = arith.constant 0 : i32
    return %arg0, %c0_i32 : i32, i32
  }
  func.func @transform_1(%arg0: i32) -> (i32, i32) {
    %c0_i32 = arith.constant 0 : i32
    %c0_i32_0 = arith.constant 0 : i32
    %c0_i32_1 = arith.constant 0 : i32
    return %c0_i32, %c0_i32_0 : i32, i32
  }
  func.func @transform_2(%arg0: i32) -> (i32, i32) {
    %c0_i32 = arith.constant 0 : i32
    %c0_i32_0 = arith.constant 0 : i32
    return %arg0, %c0_i32 : i32, i32
  }
  func.func @transform_3(%arg0: i32) -> (i32, i32) {
    %c0_i32 = arith.constant 0 : i32
    %c0_i32_0 = arith.constant 0 : i32
    return %arg0, %c0_i32 : i32, i32
  }
}

module attributes {stable_mosaic.version = 14 : i64} {
  func.func @_dense2_body(%arg0: i32, %arg1: memref<2000x16xf32, #tpu.memory_space<vmem>>, %arg2: memref<2x2000x16xf32, #tpu.memory_space<vmem>>, %arg3: memref<2x2000x16xf32, #tpu.memory_space<vmem>>, %arg4: memref<1x16xf32, #tpu.memory_space<vmem>>, %arg5: memref<2000x16xf32, #tpu.memory_space<vmem>>) attributes {dimension_semantics = [#tpu.dimension_semantics<arbitrary>], iteration_bounds = array<i64: 5>, scalar_prefetch = 0 : i64, scratch_operands = 0 : i64, tpu.core_type = #tpu.core_type<tc>, window_params = [{transform_indices = @transform_0, window_bounds = array<i64: 2000, 16>}, {transform_indices = @transform_1, window_bounds = array<i64: 2, 2000, 16>}, {transform_indices = @transform_2, window_bounds = array<i64: 2, 2000, 16>}, {pipeline_mode = #tpu.pipeline_mode<synchronous>, transform_indices = @transform_3, window_bounds = array<i64: 1, 16>}, {transform_indices = @transform_4, window_bounds = array<i64: 2000, 16>}]} {
    %get3A = arith.constant 0 : index
    %get3A_0 = arith.constant 0 : index
    %get3A_1 = arith.constant 0 : index
    %get3A_2 = vector.load %arg3[%get3A, %get3A_0, %get3A_1] : memref<2x2000x16xf32, #tpu.memory_space<vmem>>, vector<1x2000x1xf32>
    %get3A_3 = vector.shape_cast %get3A_2 : vector<1x2000x1xf32> to vector<2000x1xf32>
    %get3A_4 = arith.constant 1 : index
    %get3A_5 = arith.constant 0 : index
    %get3A_6 = arith.constant 0 : index
    %get3A_7 = vector.load %arg3[%get3A_4, %get3A_5, %get3A_6] : memref<2x2000x16xf32, #tpu.memory_space<vmem>>, vector<1x2000x1xf32>
    %get3A_8 = vector.shape_cast %get3A_7 : vector<1x2000x1xf32> to vector<2000x1xf32>
    %add3A = arith.addf %get3A_3, %get3A_8 : vector<2000x1xf32>
    %max3A = arith.constant 1.000000e+00 : f32
    %max3A_9 = vector.broadcast %max3A : f32 to vector<2000x1xf32>
    %max3A_10 = arith.maximumf %add3A, %max3A_9 : vector<2000x1xf32>
    %div3A = arith.constant 1.000000e+00 : f32
    %div3A_11 = vector.broadcast %div3A : f32 to vector<2000x1xf32>
    %div3A_12 = arith.divf %div3A_11, %max3A_10 : vector<2000x1xf32>
    %get3A_13 = arith.constant 0 : index
    %get3A_14 = arith.constant 0 : index
    %get3A_15 = vector.load %arg1[%get3A_13, %get3A_14] : memref<2000x16xf32, #tpu.memory_space<vmem>>, vector<2000x16xf32>
    %get3A_16 = arith.constant 0 : index
    %get3A_17 = arith.constant 0 : index
    %get3A_18 = arith.constant 0 : index
    %get3A_19 = vector.load %arg2[%get3A_16, %get3A_17, %get3A_18] : memref<2x2000x16xf32, #tpu.memory_space<vmem>>, vector<1x2000x16xf32>
    %get3A_20 = vector.shape_cast %get3A_19 : vector<1x2000x16xf32> to vector<2000x16xf32>
    %get3A_21 = arith.constant 1 : index
    %get3A_22 = arith.constant 0 : index
    %get3A_23 = arith.constant 0 : index
    %get3A_24 = vector.load %arg2[%get3A_21, %get3A_22, %get3A_23] : memref<2x2000x16xf32, #tpu.memory_space<vmem>>, vector<1x2000x16xf32>
    %get3A_25 = vector.shape_cast %get3A_24 : vector<1x2000x16xf32> to vector<2000x16xf32>
    %add3A_26 = arith.addf %get3A_20, %get3A_25 : vector<2000x16xf32>
    %mul3A = vector.broadcast %div3A_12 : vector<2000x1xf32> to vector<2000x16xf32>
    %mul3A_27 = arith.mulf %add3A_26, %mul3A : vector<2000x16xf32>
    %add3A_28 = arith.addf %get3A_15, %mul3A_27 : vector<2000x16xf32>
    %get3A_29 = arith.constant 0 : index
    %get3A_30 = arith.constant 0 : index
    %get3A_31 = vector.load %arg4[%get3A_29, %get3A_30] : memref<1x16xf32, #tpu.memory_space<vmem>>, vector<1x16xf32>
    %add3A_32 = vector.broadcast %get3A_31 : vector<1x16xf32> to vector<2000x16xf32>
    %add3A_33 = arith.addf %add3A_28, %add3A_32 : vector<2000x16xf32>
    %swap3A = arith.constant 0 : index
    %swap3A_34 = arith.constant 0 : index
    %swap3A_35 = vector.load %arg5[%swap3A, %swap3A_34] : memref<2000x16xf32, #tpu.memory_space<vmem>>, vector<2000x16xf32>
    tpu.vector_store %arg5[%swap3A, %swap3A_34], %add3A_33 {strides = array<i32>} : memref<2000x16xf32, #tpu.memory_space<vmem>>, vector<2000x16xf32>,
    return
  }
  func.func @transform_0(%arg0: i32) -> (i32, i32) {
    %c0_i32 = arith.constant 0 : i32
    %c0_i32_0 = arith.constant 0 : i32
    return %arg0, %c0_i32 : i32, i32
  }
  func.func @transform_1(%arg0: i32) -> (i32, i32, i32) {
    %c0_i32 = arith.constant 0 : i32
    %c0_i32_0 = arith.constant 0 : i32
    %c0_i32_1 = arith.constant 0 : i32
    return %c0_i32, %arg0, %c0_i32_0 : i32, i32, i32
  }
  func.func @transform_2(%arg0: i32) -> (i32, i32, i32) {
    %c0_i32 = arith.constant 0 : i32
    %c0_i32_0 = arith.constant 0 : i32
    %c0_i32_1 = arith.constant 0 : i32
    return %c0_i32, %arg0, %c0_i32_0 : i32, i32, i32
  }
  func.func @transform_3(%arg0: i32) -> (i32, i32) {
    %c0_i32 = arith.constant 0 : i32
    %c0_i32_0 = arith.constant 0 : i32
    %c0_i32_1 = arith.constant 0 : i32
    return %c0_i32, %c0_i32_0 : i32, i32
  }
  func.func @transform_4(%arg0: i32) -> (i32, i32) {
    %c0_i32 = arith.constant 0 : i32
    %c0_i32_0 = arith.constant 0 : i32
    return %arg0, %c0_i32 : i32, i32
  }
}

</mosaic_0001>

<sc_bundles>
// kernel: kernel.10.cloned.1.call-start
scs
__scs_entry_jumppad:
0x0: {  	(pc) =	sbr.rel $0x88, $3  }
0x1: {  	(tag) =	ssettag $0x0;
	lr =	simm.s32 $0x1  }
0x2: {  	[smem:$0x3F99] =	sst lr;
	_ =	strace $0xD0000000  }
0x3: {  	_ = 	snop  }
0x4: {  	_ = 	snop  }
0x5: {  	_ = 	snop  }
0x6: {  	_ = 	snop  }
0x7: {  	_ = 	snop  }
__scs_overlays_trampoline_lowered:
0x8: {  	[smem:$0x3FA8] =	sst s0  }
0x9: {  	[smem:$0x3FA9] =	sst s1  }
0xa: {  	[smem:$0x3FAA] =	sst s2  }
0xb: {  	[smem:$0x3FAB] =	sst s3  }
0xc: {  	[smem:$0x3FAC] =	sst s4  }
0xd: {  	[smem:$0x3FAD] =	sst s5  }
0xe: {  	[smem:$0x3FAE] =	sst s6  }
0xf: {  	[smem:$0x3FAF] =	sst s7  }
0x10: {  	[smem:$0x3FB0] =	sst s8  }
0x11: {  	[smem:$0x3FB1] =	sst s9;
	s0 =	simm.s32 @!p0 $0x0  }
0x12: {  	s1 =	sld [smem:$0x3F97];
	s0 =	simm.s32 @p0 $0x1  }
0x13: {  	[smem:$0x3FB2] =	sst s0;
	s0 =	simm.s32 @!p1 $0x0  }
0x14: {  	s2 =	sld [smem:$0x3F96];
	s0 =	simm.s32 @p1 $0x1  }
0x15: {  	[smem:$0x3FB3] =	sst s0;
	s0 =	simm.s32 @!p2 $0x0  }
0x16: {  	s3 =	sld [smem:$0x3FDB];
	s0 =	simm.s32 @p2 $0x1  }
0x17: {  	s4 =	simm.s32 $0x1BF5;
	[smem:$0x3FB5] =	sst s0  }
0x18: {  	s0 =	sld [smem:$0x3F98];
	_ =	swait.ge [sflag:s4], $0x0  }
0x19: {  	s7 =	sld [smem:$0x3F99]  }
0x1a: {  	s8 =	sadd.s32 $0xFFFFE003, lr  }
0x1b: {  	s9 =	sadd.s32 $0xFFFFFEF7, lr;
	s5 =	simm.s32 $0xFFFFFFFF;
	p2 =	slt.u32 s8, $0xFFFFF086  }
0x1c: {  	p1 =	slt.u32 s9, $0xF7A;
	s5 =	simm.s32 @!p2 $0x0  }
0x1d: {  	s5 =	simm.s32 @p1 $0x1;
	p0 =	seq.s32 s7, s2  }
0x1e: {  	s7 =	smul.u32 @!p0 $0xF7A, s2;
	p2 =	seq.s32 @!p0 s5, $0x0  }
0x1f: {  	s9 =	smul.u32 $0xF7A, s1;
	s8 =	simm.s32 @!p0 $0x1BF5;
	p2 =	por !p2, p0  }
0x20: {  	[sflag:s8] =	ssyncset.s32 @!p0 $0xFFFFF086;
	s6 =	sadd.s32 @!p0 s3, s7;
	s7 =	simm.s32 @!p0 $0x108  }
0x21: {  	s3 =	sadd.s32 s3, s9;
	s6 =	sadd.s32 @!p0 $0x88, s6;
	s7 =	simm.s32 @p2 $0x1082  }
0x22: {  	[simem:s7], [sflag:s8] =	dma.local @!p0 [hbm:s6], $0xF7A  }
0x23: {  	s9 =	sor.u32 $0xD0000000, s2;
	s6 =	simm.s32 $0x108;
	_ =	swait.ge @!p0 [sflag:s8], $0x0  }
0x24: {  	s3 =	sadd.s32 $0x88, s3;
	s6 =	simm.s32 @!p1 $0x1082;
	[sflag:s4] =	ssyncset.s32 $0xFFFFF086  }
0x25: {  	[simem:s6], [sflag:s4] =	dma.local [hbm:s3], $0xF7A  }
0x26: {  	[smem:$0x3F99] =	sst s1;
	(tag) =	ssettag s2;
	_ =	strace s9  }
0x27: {  	s1 =	sld [smem:$0x3FA9]  }
0x28: {  	s2 =	sld [smem:$0x3FAA]  }
0x29: {  	s4 =	sld [smem:$0x3FAC]  }
0x2a: {  	p0 =	seq.s32 s5, $0x0;
	s5 =	sld [smem:$0x3FAD]  }
0x2b: {  	s6 =	sld [smem:$0x3FAE]  }
0x2c: {  	s7 =	sld [smem:$0x3FAF]  }
0x2d: {  	s3 =	simm.s32 $0x108;
	s8 =	sld [smem:$0x3FB0]  }
0x2e: {  	s3 =	simm.s32 @!p0 $0x1082;
	s9 =	sld [smem:$0x3FB1]  }
0x2f: {  	lr =	sadd.s32 s0, s3;
	s0 =	sld [smem:$0x3FA8]  }
0x30: {  	s3 =	sld [smem:$0x3FAB]  }
0x31: {  	[smem:$0x3FB4] =	sst s10  }
0x32: {  	s10 =	sld [smem:$0x3FB2];
	_ =	sdelay $0x3  }
0x33: {  	p0 =	seq.s32 s10, $0x1;
	s10 =	sld [smem:$0x3FB4];
	_ =	sdelay $0x3  }
0x34: {  	[smem:$0x3FB4] =	sst s10  }
0x35: {  	s10 =	sld [smem:$0x3FB3];
	_ =	sdelay $0x3  }
0x36: {  	p1 =	seq.s32 s10, $0x1;
	s10 =	sld [smem:$0x3FB4];
	_ =	sdelay $0x3  }
0x37: {  	[smem:$0x3FB4] =	sst s10  }
0x38: {  	s10 =	sld [smem:$0x3FB5]  }
0x39: {  	_ = 	snop;
	(pc) =	sbr.ind lr, $3  }
0x3a: {  	_ = 	snop  }
0x3b: {  	_ = 	snop  }
0x3c: {  	p2 =	seq.s32 s10, $0x1;
	s10 =	sld [smem:$0x3FB4]  }
0x3d: {  	_ =	shalt  }
0x3e: {  	_ =	shalt  }
0x3f: {  	_ =	shalt  }
0x40: {  	_ =	shalt  }
0x41: {  	_ =	shalt  }
0x42: {  	_ =	shalt  }
0x43: {  	_ =	shalt  }
0x44: {  	_ =	shalt  }
0x45: {  	_ =	shalt  }
0x46: {  	_ =	shalt  }
0x47: {  	_ =	shalt  }
0x48: {  	_ =	shalt  }
0x49: {  	_ =	shalt  }
0x4a: {  	_ =	shalt  }
0x4b: {  	_ =	shalt  }
0x4c: {  	_ =	shalt  }
0x4d: {  	_ =	shalt  }
0x4e: {  	_ =	shalt  }
0x4f: {  	_ =	shalt  }
0x50: {  	_ =	shalt  }
0x51: {  	_ =	shalt  }
0x52: {  	_ =	shalt  }
0x53: {  	_ =	shalt  }
0x54: {  	_ =	shalt  }
0x55: {  	_ =	shalt  }
0x56: {  	_ =	shalt  }
0x57: {  	_ =	shalt  }
0x58: {  	_ =	shalt  }
0x59: {  	_ =	shalt  }
0x5a: {  	_ =	shalt  }
0x5b: {  	_ =	shalt  }
0x5c: {  	_ =	shalt  }
0x5d: {  	_ =	shalt  }
0x5e: {  	_ =	shalt  }
0x5f: {  	_ =	shalt  }
0x60: {  	_ =	shalt  }
0x61: {  	_ =	shalt  }
0x62: {  	_ =	shalt  }
0x63: {  	_ =	shalt  }
0x64: {  	_ =	shalt  }
0x65: {  	_ =	shalt  }
0x66: {  	_ =	shalt  }
0x67: {  	_ =	shalt  }
0x68: {  	_ =	shalt  }
0x69: {  	_ =	shalt  }
0x6a: {  	_ =	shalt  }
0x6b: {  	_ =	shalt  }
0x6c: {  	_ =	shalt  }
0x6d: {  	_ =	shalt  }
0x6e: {  	_ =	shalt  }
0x6f: {  	_ =	shalt  }
0x70: {  	_ =	shalt  }
0x71: {  	_ =	shalt  }
0x72: {  	_ =	shalt  }
0x73: {  	_ =	shalt  }
0x74: {  	_ =	shalt  }
0x75: {  	_ =	shalt  }
0x76: {  	_ =	shalt  }
0x77: {  	_ =	shalt  }
0x78: {  	_ =	shalt  }
0x79: {  	_ =	shalt  }
0x7a: {  	_ =	shalt  }
0x7b: {  	_ =	shalt  }
0x7c: {  	_ =	shalt  }
0x7d: {  	_ =	shalt  }
0x7e: {  	_ =	shalt  }
0x7f: {  	_ =	shalt  }
0x80: {  	_ =	shalt  }
0x81: {  	_ =	shalt  }
0x82: {  	_ =	shalt  }
0x83: {  	_ =	shalt  }
0x84: {  	_ =	shalt  }
0x85: {  	_ =	shalt  }
0x86: {  	_ =	shalt  }
0x87: {  	_ =	shalt  }
.Lfunc_end0:
.L_simem_size_0:
called_computation.1_lowered:
.L_overlay_start_0:
0x88: {  	s2 =	sld [smem:$0x3FD9]  }
0x89: {  	s3 =	sld [smem:$0x3FFE];
	_ =	sdelay $0x1  }
0x8a: {  	s1 =	srdreg.scid  }
0x8b: {  	s0 =	sand.u32 $0x1, s1  }
0x8c: {  	s14 =	sshll.u32 s0, $0xA;
	s2 =	sadd.s32 s3, s2  }
0x8d: {  	s2 =	sadd.s32 s2, s14  }
0x8e: {  	[smem:$0x3FC0] =	sst s2  }
0x8f: {  	_ = 	snop  }
0x90: {  	s2 =	sld [smem:$0x3FD0];
	_ =	sdelay $0x2  }
0x91: {  	s15 =	simm.s32 $0xA;
	s4 =	simm.s32 $0x10  }
0x92: {  	[smem:s4], [sflag:s15] =	dma.local [hbm:s2], $0x1  }
0x93: {  	_ =	swait.eq [sflag:s15], $0x1  }
0x94: {  	[sflag:s15] =	ssyncset.done $0x0  }
0x95: {  	[sflag:s15] =	ssyncadd.s32 $0xFFFFFFFF  }
0x96: {  	s16 =	sld [smem:$0x10];
	(tm) =	ssettm $0x1  }
0x97: {  	s17 =	sld [smem:$0x3FFB];
	_ =	sdelay $0x3  }
0x98: {  	_ =	strace s17  }
0x99: {  	s3 =	sld [smem:$0x3FFC];
	_ =	sdelay $0x3  }
0x9a: {  	_ =	strace s3  }
0x9b: {  	s3 =	sld [smem:$0x3FFD];
	_ =	sdelay $0x3  }
0x9c: {  	_ =	strace s3  }
0x9d: {  	_ =	strace $0x8FFFFFFF  }
0x9e: {  	s18 =	sld [smem:$0x3FDB];
	_ =	sdelay $0x1  }
0x9f: {  	s19 =	simm.s32 $_scs_section_size  }
0xa0: {  	s5 =	simm.s32 $_size__tile_overlayer_lowered;
	s6 =	simm.s32 $_tile_overlayer_lowered  }
0xa1: {  	s22 =	simm.s32 $0x1BFF;
	s21 =	sshll.u32 s6, $0x1;
	s3 =	sadd.s32 s19, s18  }
0xa2: {  	s7 =	simm.s32 $0x0;
	s20 =	sshll.u32 s5, $0x1;
	s5 =	sadd.s32 s21, s3  }
0xa3: {  	[timem:s7], [sflag:s22] =	dma.local [hbm:s5], s20  }
0xa4: {  	_ =	swait.ge [sflag:s22], s20  }
0xa5: {  	s4 =	ssub.s32 $0x0, s20;
	[sflag:s22] =	ssyncset.done $0x0  }
0xa6: {  	[sflag:s22] =	ssyncadd.s32 s4;
	_ =	sdelay $0x1  }
0xa7: {  	s23 =	simm.s32 $0x1B8B  }
0xa8: {  	_ =	swait.ge [sflag:s23], $0x1  }
0xa9: {  	[sflag:s23] =	ssyncset.done $0x0  }
0xaa: {  	s25 =	simm.s32 $0x1B8E;
	s24 =	sld [smem:$0x3FFE];
	[sflag:s23] =	ssyncadd.s32 $0xFFFFFFFF  }
0xab: {  	s26 =	simm.s32 $execute0_lowered;
	[smem:$0x3FD2] =	sst s25  }
0xac: {  	s5 =	sshll.u32 s26, $0x1;
	_ =	strace $0x80000049;
	[dreg:$0x1] =	wrdreg $0xFFFFFFFF  }
0xad: {  	s28 =	simm.s32 $_size_execute0_lowered;
	s3 =	sadd.s32 s3, s5;
	[dreg:$0x0] =	wrdreg $0x0  }
0xae: {  	s5 =	sshll.u32 s28, $0x1;
	[dreg:$0x2] =	wrdreg s3  }
0xaf: {  	[dreg:$0x3] =	wrdreg s5  }
0xb0: {  	[dreg:$0x4] =	wrdreg $0xC0  }
0xb1: {  	_ =	task [dreg:s7], $0x5FFFF  }
0xb2: {  	[dreg:$0x1] =	wrdreg $0xFFFFFFFF  }
0xb3: {  	[dreg:$0x0] =	wrdreg $0x60  }
0xb4: {  	[dreg:$0x2] =	wrdreg s16  }
0xb5: {  	[dreg:$0x3] =	wrdreg s24  }
0xb6: {  	[dreg:$0x4] =	wrdreg $0x52800  }
0xb7: {  	[dreg:$0x5] =	wrdreg $0x9  }
0xb8: {  	_ =	task.clear_ibuf [dreg:s7], $0x6FFFF;
	_ =	strace $0x90000049  }
0xb9: {  	s29 =	simm.s32 $0x9;
	_ =	strace $0x8000004B  }
0xba: {  	_ =	swait.ge [sflag:s29], $0x1  }
0xbb: {  	[sflag:s29] =	ssyncadd.s32 $0xFFFFFFFF  }
0xbc: {  	_ =	strace $0x9000004B  }
0xbd: {  	_ =	sfence  }
0xbe: {  	s30 =	sld [smem:$0x0];
	_ =	sdelay $0x2  }
0xbf: {  	s31 =	sshll.u32 s1, $0xD;
	s1 =	sshrl.u32 s1, $0x2  }
0xc0: {  	s3 =	sand.u32 $0x4000, s31;
	s1 =	sadd.s32 s1, s30  }
0xc1: {  	s0 =	sor.u32 s3, s0;
	s1 =	sshll.u32 s1, $0x11  }
0xc2: {  	s0 =	sor.u32 s1, s0  }
0xc3: {  	s0 =	sadd.s32 $0x8F2B, s0  }
0xc4: {  	[sflag:s0] =	ssyncadd.remote.s32 $0x1  }
0xc5: {  	_ =	sfence.sel $0xFFFF  }
0xc6: {  	[dreg:$0x0] =	wrdreg $0xFFFFFFFF;
	(pc) =	sbr.abs _section_cstart, $3  }
0xc7: {  	[dreg:$0x1] =	wrdreg $0xFFFFFFFF  }
0xc8: {  	_ =	task.clear_ibuf [dreg:s7], $0x2FFFF;
	_ =	strace $0x9FFFFFFF  }
0xc9: {  	(tm) =	ssettm $0x7FFFFFFF  }
tec
execute0_lowered:
.L_overlay_start_1:
0x0: {  	(tag) =	ssettag $0x1  }
0x1: {  	s1 =	rddreg [dreg:$0x0]  }
0x2: {  	s0 =	rddreg [dreg:$0x1]  }
0x3: {  	s3 =	rddreg [dreg:$0x2]  }
0x4: {  	s2 =	srdreg.scid;
	s12 =	stileid.u32  }
0x5: {  	s4 =	simm.s32 $0x0;
	s29 =	simm.s32 $0x1680;
	s6 =	smul.u32 $0x2800, s12  }
0x6: {  	s31 =	simm.s32 $0x1B80;
	s28 =	simm.s32 $0x4;
	s11 =	smul.u32 $0xA000, s12  }
0x7: {  	s2 =	sand.u32 $0x1, s2;
	[smem:$0x7FF] =	sst s4;
	s17 =	smul.u32 $0x2710, s12  }
0x8: {  	s5 =	sadd.s32 $0x2E00, s0;
	s7 =	smul.u32 $0x28000, s2;
	s8 =	sshll.u32 s2, $0x4  }
0x9: {  	_ =	strace $0x8000004A;
	s9 =	ssub.s32 $0x2, s2;
	s2 =	smul.u32 $0x27100, s2  }
0xa: {  	s8 =	sor.u32 s12, s8;
	s10 =	sshrl.u32 s9, $0x1;
	s15 =	sshrl.u32 s11, $0x2  }
0xb: {  	s14 =	sadd.s32 s6, s3;
	s12 =	simm.s32 $0x2A80;
	s11 =	simm.s32 $0x960  }
0xc: {  	s7 =	sadd.s32 s6, s7;
	s8 =	smul.u32 $0x2710, s8;
	s30 =	ssub.s32 s9, s10  }
0xd: {  	s21 =	sadd.s32 s17, s2;
	s9 =	simm.s32 $0x3;
	s10 =	simm.s32 $0x0  }
0xe: {  	[dreg:$0x6] =	wrdreg s14;
	s7 =	sshrl.u32 s7, $0x3;
	s22 =	smax.u32 s30, $0x1  }
0xf: {  	s23 =	sadd.s32 $0x4B0, s21;
	s24 =	sadd.s32 $0x4E6B0, s21;
	s25 =	sadd.s32 $0x4E520, s21  }
0x10: {  	s0 =	sadd.s32 s7, s0;
	s8 =	sshrl.u32 s8, $0x3;
	[dreg:$0xb] =	wrdreg s22  }
0x11: {  	s2 =	sshrl.u32 s23, $0x3;
	s6 =	sshrl.u32 s24, $0x3;
	s30 =	sshrl.u32 s25, $0x3  }
0x12: {  	s22 =	simm.s32 $0x50;
	s24 =	simm.s32 $0xC80;
	s7 =	simm.s32 $0x2  }
0x13: {  	s23 =	simm.s32 $0xAA0;
	s25 =	simm.s32 $0x5;
	s13 =	sadd.s32 s5, s8  }
0x14: {  	s8 =	sadd.s32 s15, s3;
	s0 =	sadd.s32 $0x66800, s0;
	[dreg:$0x4] =	wrdreg s13  }
0x15: {  	s2 =	sadd.s32 s2, s5;
	s26 =	sadd.s32 s6, s5;
	[dreg:$0xa] =	wrdreg s0  }
0x16: {  	s17 =	sadd.s32 s30, s5;
	s15 =	simm.s32 $0x7;
	[dreg:$0xc] =	wrdreg s2  }
0x17: {  	s6 =	simm.s32 $0x3480;
	s16 =	sadd.s32 $0x9C40, s13;
	[dreg:$0xd] =	wrdreg s26  }
0x18: {  	s18 =	sadd.s32 $0x1400, s8;
	s19 =	sadd.s32 $0x32, s13;
	[dreg:$0x5] =	wrdreg s16  }
.Ltmp0:
0x19: {  	s20 =	sadd.s32 $0x9C72, s13;
	[dreg:$0x7] =	wrdreg s18;
	(pc) =	sbr.rel .LBB2_1-.Ltmp0, $4  }
0x1a: {  	s0 =	sadd.s32 $0x320, s21;
	s21 =	simm.s32 $0x1;
	[dreg:$0x8] =	wrdreg s19  }
0x1b: {  	s26 =	simm.s32 $0x1180;
	s2 =	simm.s32 $0x2080;
	[dreg:$0x9] =	wrdreg s20  }
0x1c: {  	s13 =	simm.s32 $0x9B0;
	s8 =	simm.s32 $0xA50;
	[dreg:$0xe] =	wrdreg s0  }
0x1d: {  	v0 =	vimm.f32 $0.0e+00;
	s19 =	simm.s32 $0x2F80;
	s20 =	simm.s32 $0x3980;
	s16 =	simm.s32 $0xA00  }
.LBB2_11:
0x1e: {  	_ =	swait.ge [sflag:s25], $0x500  }
0x1f: {  	[sflag:s25] =	ssyncset.done $0x0  }
0x20: {  	[sflag:s25] =	ssyncadd.s32 $0xFFFFFB00  }
0x21: {  	_ =	swait.ge [sflag:s25], $0x500  }
0x22: {  	[sflag:s25] =	ssyncset.done $0x0  }
0x23: {  	[sflag:s25] =	ssyncadd.s32 $0xFFFFFB00  }
0x24: {  	_ =	swait.ge [sflag:s25], $0x500  }
0x25: {  	[sflag:s25] =	ssyncset.done $0x0  }
0x26: {  	[sflag:s25] =	ssyncadd.s32 $0xFFFFFB00  }
0x27: {  	_ =	swait.ge [sflag:s25], $0x500  }
0x28: {  	[sflag:s25] =	ssyncset.done $0x0  }
0x29: {  	[sflag:s25] =	ssyncadd.s32 $0xFFFFFB00  }
0x2a: {  	_ =	swait.ge [sflag:s25], $0x500  }
0x2b: {  	[sflag:s25] =	ssyncset.done $0x0  }
0x2c: {  	s0 =	simm.s32 $0x6;
	[sflag:s25] =	ssyncadd.s32 $0xFFFFFB00  }
0x2d: {  	_ =	swait.ge [sflag:s0], $0x500  }
0x2e: {  	[sflag:s0] =	ssyncset.done $0x0  }
0x2f: {  	[sflag:s0] =	ssyncadd.s32 $0xFFFFFB00  }
0x30: {  	_ =	swait.ge [sflag:s0], $0x500  }
0x31: {  	[sflag:s0] =	ssyncset.done $0x0  }
0x32: {  	[sflag:s0] =	ssyncadd.s32 $0xFFFFFB00  }
0x33: {  	_ =	swait.ge [sflag:s0], $0x500  }
0x34: {  	[sflag:s0] =	ssyncset.done $0x0  }
0x35: {  	[sflag:s0] =	ssyncadd.s32 $0xFFFFFB00  }
0x36: {  	_ =	swait.ge [sflag:s0], $0x500  }
0x37: {  	[sflag:s0] =	ssyncset.done $0x0  }
0x38: {  	[sflag:s0] =	ssyncadd.s32 $0xFFFFFB00  }
0x39: {  	_ =	swait.ge [sflag:s0], $0x500  }
0x3a: {  	[sflag:s0] =	ssyncset.done $0x0  }
0x3b: {  	[sflag:s0] =	ssyncadd.s32 $0xFFFFFB00  }
0x3c: {  	s15 =	stileid.u32;
	[bflag:$0x0] =	sbarrier.arrive $0xFFFF  }
0x3d: {  	s0 =	sshll.u32 s15, $0x6;
	s14 =	rddreg [dreg:$0x6]  }
0x3e: {  	s0 =	sor.u32 $0x1C07, s0;
	s15 =	rddreg [dreg:$0xa];
	s10 =	sshrl.u32 s14, $0x3  }
0x3f: {  	[hbm:s15], [sflag:s0] =	dma.local [spmem:s10], $0x500  }
0x40: {  	s15 =	simm.s32 $0x7  }
0x41: {  	_ =	swait.ge [sflag:s15], $0x500  }
0x42: {  	s18 =	rddreg [dreg:$0xf]  }
0x43: {  	s30 =	rddreg [dreg:$0xb];
	s10 =	sadd.s32 $0x1, s18  }
0x44: {  	p0 =	sne.s32 s10, s30  }
.Ltmp1:
0x45: {  	_ = 	snop;
	(pc) =	sbr.rel @!p0 .LBB2_12-.Ltmp1, $3  }
0x46: {  	_ =	sdelay $0x1  }
0x47: {  	[sflag:s15] =	ssyncset.done $0x0  }
0x48: {  	[sflag:s15] =	ssyncadd.s32 $0xFFFFFB00  }
.LBB2_1:
0x49: {  	s0 =	rddreg [dreg:$0x4]  }
0x4a: {  	[tilespmem:s4], [sflag:$0x1] =	stream.linear.gather [hbm4b:s0+s4], $0x190, $0x38;
	[tilespmem:$0x7A80] =	vst v63  }
0x4b: {  	s18 =	rddreg [dreg:$0x5];
	s30 =	simm.s32 $0x320  }
0x4c: {  	[tilespmem:s30], [sflag:$0x1] =	stream.linear.gather [hbm4b:s18+s4], $0x190, $0x38;
	[tilespmem:$0x7A80] =	vst v63  }
0x4d: {  	[dreg:$0xf] =	wrdreg s10;
	s0 =	simm.s32 $0x40;
	s18 =	simm.s32 $0x0  }
.LBB2_2:
0x4e: {  	p0 =	sne.s32 s0, $0x4FC0;
	[tilespmem:s18+$0x3E80] =	vst v0;
	s18 =	smov.u32 s0;
	s0 =	sadd.s32 $0x40, s0  }
.Ltmp2:
0x4f: {  	(pc) =	sbr.rel @p0 .LBB2_2-.Ltmp2, $2  }
0x50: {  	_ =	sdelay $0x2  }
0x51: {  	s18 =	sshra.s32 s18, $0x2  }
0x52: {  	[tilespmem:s18+$0x3E80] =	vst v0;
	s10 =	simm.s32 $0x3E80  }
0x53: {  	[spmem:s14] =	stream.linear.scatter [tilespmem:s10], [sflag:$0x7], $0x1400, $0x38;
	[tilespmem:$0x7A80] =	vst v63  }
0x54: {  	_ =	swait.ge [sflag:s15], $0x1400  }
0x55: {  	[sflag:s15] =	ssyncset.done $0x0  }
0x56: {  	s0 =	rddreg [dreg:$0x7];
	[sflag:s15] =	ssyncadd.s32 $0xFFFFEC00  }
0x57: {  	[spmem:s0] =	stream.linear.scatter [tilespmem:s10], [sflag:$0x7], $0x1400, $0x38;
	[tilespmem:$0x7A80] =	vst v63  }
0x58: {  	_ =	swait.ge [sflag:s15], $0x1400  }
0x59: {  	[sflag:s15] =	ssyncset.done $0x0  }
0x5a: {  	[sflag:s15] =	ssyncadd.s32 $0xFFFFEC00  }
0x5b: {  	[bflag:$0x0] =	sbarrier.arrive $0xFFFF  }
0x5c: {  	_ =	swait.ge [sflag:s21], $0x190  }
0x5d: {  	[sflag:s21] =	ssyncset.done $0x0  }
0x5e: {  	[sflag:s21] =	ssyncadd.s32 $0xFFFFFE70  }
0x5f: {  	_ =	swait.ge [sflag:s21], $0x190  }
0x60: {  	[sflag:s21] =	ssyncset.done $0x0  }
0x61: {  	[sflag:s21] =	ssyncadd.s32 $0xFFFFFE70  }
0x62: {  	v1 =	vld [tilespmem:$0x0]  }
0x63: {  	v2 =	vld [tilespmem:$0x320]  }
0x64: {  	v3 =	vld [tilespmem:$0x10]  }
0x65: {  	v4 =	vld [tilespmem:$0x330]  }
0x66: {  	v5 =	vld [tilespmem:$0x20]  }
0x67: {  	v46 =	vld [tilespmem:$0x40];
	[tilespmem:$0x640] =	vst v1  }
0x68: {  	v47 =	vld [tilespmem:$0x360];
	[tilespmem:$0x960] =	vst v2  }
0x69: {  	v1 =	vld [tilespmem:$0x340];
	[tilespmem:$0x650] =	vst v3  }
0x6a: {  	v2 =	vld [tilespmem:$0x30];
	[tilespmem:$0x970] =	vst v4  }
0x6b: {  	v3 =	vld [tilespmem:$0x350];
	[tilespmem:$0x660] =	vst v5  }
0x6c: {  	[tilespmem:$0x680] =	vst v46  }
0x6d: {  	[tilespmem:$0x9A0] =	vst v47  }
0x6e: {  	[tilespmem:$0x980] =	vst v1  }
0x6f: {  	[tilespmem:$0x670] =	vst v2  }
0x70: {  	s18 =	simm.s32 $0x640;
	[tilespmem:$0x990] =	vst v3  }
0x71: {  	[tilespmem:s24], [sflag:$0x3] =	stream.indirect.gather [hbm4b:s1+s22], $0x10, s18, s22, $0xb8;
	[tilespmem:$0x7A80] =	vst v63  }
0x72: {  	v1 =	vld [tilespmem:$0x50]  }
0x73: {  	v2 =	vld [tilespmem:$0x370]  }
0x74: {  	v3 =	vld [tilespmem:$0x60]  }
0x75: {  	v48 =	vld [tilespmem:$0x380]  }
0x76: {  	v49 =	vld [tilespmem:$0x70]  }
0x77: {  	v50 =	vld [tilespmem:$0x90];
	[tilespmem:$0x690] =	vst v1  }
0x78: {  	v51 =	vld [tilespmem:$0x3B0];
	[tilespmem:$0x9B0] =	vst v2  }
0x79: {  	v1 =	vld [tilespmem:$0x390];
	[tilespmem:$0x6A0] =	vst v3  }
0x7a: {  	v2 =	vld [tilespmem:$0x80];
	[tilespmem:$0x9C0] =	vst v48  }
0x7b: {  	v3 =	vld [tilespmem:$0x3A0];
	[tilespmem:$0x6B0] =	vst v49  }
0x7c: {  	[tilespmem:$0x6D0] =	vst v50  }
0x7d: {  	[tilespmem:$0x9F0] =	vst v51  }
0x7e: {  	[tilespmem:$0x9D0] =	vst v1  }
0x7f: {  	[tilespmem:$0x6C0] =	vst v2  }
0x80: {  	s10 =	simm.s32 $0x690;
	[tilespmem:$0x9E0] =	vst v3  }
0x81: {  	[tilespmem:s26], [sflag:$0x3] =	stream.indirect.gather [hbm4b:s1+s22], $0x10, s10, s22, $0xb8;
	[tilespmem:$0x7A80] =	vst v63  }
0x82: {  	v1 =	vld [tilespmem:$0xA0]  }
0x83: {  	v2 =	vld [tilespmem:$0x3C0]  }
0x84: {  	v3 =	vld [tilespmem:$0xB0]  }
0x85: {  	v52 =	vld [tilespmem:$0x3D0]  }
0x86: {  	v53 =	vld [tilespmem:$0xC0]  }
0x87: {  	v54 =	vld [tilespmem:$0xE0];
	[tilespmem:$0x6E0] =	vst v1  }
0x88: {  	v55 =	vld [tilespmem:$0x400];
	[tilespmem:$0xA00] =	vst v2  }
0x89: {  	v1 =	vld [tilespmem:$0x3E0];
	[tilespmem:$0x6F0] =	vst v3  }
0x8a: {  	v2 =	vld [tilespmem:$0xD0];
	[tilespmem:$0xA10] =	vst v52  }
0x8b: {  	v3 =	vld [tilespmem:$0x3F0];
	[tilespmem:$0x700] =	vst v53  }
0x8c: {  	[tilespmem:$0x720] =	vst v54  }
0x8d: {  	[tilespmem:$0xA40] =	vst v55  }
0x8e: {  	[tilespmem:$0xA20] =	vst v1  }
0x8f: {  	[tilespmem:$0x710] =	vst v2  }
0x90: {  	s14 =	simm.s32 $0x6E0;
	[tilespmem:$0xA30] =	vst v3  }
0x91: {  	[tilespmem:s29], [sflag:$0x3] =	stream.indirect.gather [hbm4b:s1+s22], $0x10, s14, s22, $0xb8;
	[tilespmem:$0x7A80] =	vst v63  }
0x92: {  	v1 =	vld [tilespmem:$0xF0]  }
0x93: {  	v2 =	vld [tilespmem:$0x410]  }
0x94: {  	v3 =	vld [tilespmem:$0x100]  }
0x95: {  	v56 =	vld [tilespmem:$0x420]  }
0x96: {  	v57 =	vld [tilespmem:$0x110]  }
0x97: {  	v58 =	vld [tilespmem:$0x130];
	[tilespmem:$0x730] =	vst v1  }
0x98: {  	v59 =	vld [tilespmem:$0x450];
	[tilespmem:$0xA50] =	vst v2  }
0x99: {  	v1 =	vld [tilespmem:$0x430];
	[tilespmem:$0x740] =	vst v3  }
0x9a: {  	v2 =	vld [tilespmem:$0x120];
	[tilespmem:$0xA60] =	vst v56  }
0x9b: {  	v3 =	vld [tilespmem:$0x440];
	[tilespmem:$0x750] =	vst v57  }
0x9c: {  	[tilespmem:$0x770] =	vst v58  }
0x9d: {  	[tilespmem:$0xA90] =	vst v59  }
0x9e: {  	[tilespmem:$0xA70] =	vst v1  }
0x9f: {  	[tilespmem:$0x760] =	vst v2  }
0xa0: {  	s15 =	simm.s32 $0x730;
	[tilespmem:$0xA80] =	vst v3  }
0xa1: {  	[tilespmem:s31], [sflag:$0x3] =	stream.indirect.gather [hbm4b:s1+s22], $0x10, s15, s22, $0xb8;
	[tilespmem:$0x7A80] =	vst v63  }
0xa2: {  	v1 =	vld [tilespmem:$0x140]  }
0xa3: {  	v2 =	vld [tilespmem:$0x460]  }
0xa4: {  	v3 =	vld [tilespmem:$0x150]  }
0xa5: {  	v60 =	vld [tilespmem:$0x470]  }
0xa6: {  	v61 =	vld [tilespmem:$0x160]  }
0xa7: {  	v62 =	vld [tilespmem:$0x180];
	[tilespmem:$0x780] =	vst v1  }
0xa8: {  	v63 =	vld [tilespmem:$0x4A0];
	[tilespmem:$0xAA0] =	vst v2  }
0xa9: {  	v1 =	vld [tilespmem:$0x480];
	[tilespmem:$0x790] =	vst v3  }
0xaa: {  	v2 =	vld [tilespmem:$0x170];
	[tilespmem:$0xAB0] =	vst v60  }
0xab: {  	v3 =	vld [tilespmem:$0x490];
	[tilespmem:$0x7A0] =	vst v61  }
0xac: {  	[tilespmem:$0x7C0] =	vst v62  }
0xad: {  	[tilespmem:$0xAE0] =	vst v63  }
0xae: {  	[tilespmem:$0xAC0] =	vst v1  }
0xaf: {  	[tilespmem:$0x7B0] =	vst v2  }
0xb0: {  	s30 =	simm.s32 $0x0;
	s18 =	simm.s32 $0x780;
	[tilespmem:$0xAD0] =	vst v3  }
0xb1: {  	[tilespmem:s2], [sflag:$0x3] =	stream.indirect.gather [hbm4b:s1+s22], $0x10, s18, s22, $0xb8;
	[tilespmem:$0x7A80] =	vst v63  }
.Ltmp3:
0xb2: {  	s10 =	rddreg [dreg:$0x8];
	s14 =	simm.s32 $0x190;
	(pc) =	sbr.rel .LBB2_4-.Ltmp3, $4  }
0xb3: {  	[tilespmem:s14], [sflag:$0x2] =	stream.linear.gather [hbm4b:s10+s30], $0x190, $0x38;
	[tilespmem:$0x7A80] =	vst v63  }
0xb4: {  	s15 =	rddreg [dreg:$0x9];
	s18 =	simm.s32 $0x4B0  }
0xb5: {  	[tilespmem:s18], [sflag:$0x2] =	stream.linear.gather [hbm4b:s15+s30], $0x190, $0x38;
	[tilespmem:$0x7A80] =	vst v63  }
0xb6: {  	s0 =	rddreg [dreg:$0xe];
	s18 =	simm.s32 $0x0  }
.LBB2_10:
0xb7: {  	s30 =	sadd.s32 $0x64, s30  }
0xb8: {  	p0 =	sne.s32 s30, $0x514  }
.Ltmp4:
0xb9: {  	_ = 	snop;
	(pc) =	sbr.rel @!p0 .LBB2_11-.Ltmp4, $2  }
0xba: {  	_ =	sdelay $0x2  }
0xbb: {  	s18 =	sadd.s32 $0x1, s18;
	s0 =	sadd.s32 $0x320, s0  }
.LBB2_4:
0xbc: {  	p0 =	sgt.u32 s18, $0xB  }
.Ltmp5:
0xbd: {  	_ = 	snop;
	(pc) =	sbr.rel @p0 .LBB2_6-.Ltmp5, $1  }
0xbe: {  	_ =	sdelay $0x3  }
0xbf: {  	_ =	swait.ge [sflag:s7], $0x190  }
0xc0: {  	[sflag:s7] =	ssyncset.done $0x0  }
0xc1: {  	[sflag:s7] =	ssyncadd.s32 $0xFFFFFE70  }
0xc2: {  	_ =	swait.ge [sflag:s7], $0x190  }
0xc3: {  	p1 =	seq.s32 s30, $0x0;
	[sflag:s7] =	ssyncset.done $0x0  }
0xc4: {  	s14 =	simm.s32 @!p1 $0x6;
	[sflag:s7] =	ssyncadd.s32 $0xFFFFFE70  }
0xc5: {  	_ =	swait.ge @!p1 [sflag:s14], $0x500  }
0xc6: {  	[sflag:s14] =	ssyncset.done @!p1 $0x0  }
0xc7: {  	[sflag:s14] =	ssyncadd.s32 @!p1 $0xFFFFFB00  }
0xc8: {  	_ =	swait.ge @!p1 [sflag:s14], $0x500  }
0xc9: {  	[sflag:s14] =	ssyncset.done @!p1 $0x0  }
0xca: {  	[sflag:s14] =	ssyncadd.s32 @!p1 $0xFFFFFB00  }
0xcb: {  	_ =	swait.ge @!p1 [sflag:s14], $0x500  }
0xcc: {  	[sflag:s14] =	ssyncset.done @!p1 $0x0  }
0xcd: {  	[sflag:s14] =	ssyncadd.s32 @!p1 $0xFFFFFB00  }
0xce: {  	_ =	swait.ge @!p1 [sflag:s14], $0x500  }
0xcf: {  	[sflag:s14] =	ssyncset.done @!p1 $0x0  }
0xd0: {  	[sflag:s14] =	ssyncadd.s32 @!p1 $0xFFFFFB00  }
0xd1: {  	_ =	swait.ge @!p1 [sflag:s14], $0x500  }
0xd2: {  	[sflag:s14] =	ssyncset.done @!p1 $0x0  }
0xd3: {  	[sflag:s14] =	ssyncadd.s32 @!p1 $0xFFFFFB00  }
0xd4: {  	v1 =	vld [tilespmem:$0x190]  }
0xd5: {  	v2 =	vld [tilespmem:$0x4B0]  }
0xd6: {  	v3 =	vld [tilespmem:$0x1A0]  }
0xd7: {  	v4 =	vld [tilespmem:$0x4C0]  }
0xd8: {  	v5 =	vld [tilespmem:$0x1B0]  }
0xd9: {  	v46 =	vld [tilespmem:$0x1D0];
	[tilespmem:$0x7D0] =	vst v1  }
0xda: {  	v47 =	vld [tilespmem:$0x4F0];
	[tilespmem:$0xAF0] =	vst v2  }
0xdb: {  	v1 =	vld [tilespmem:$0x4D0];
	[tilespmem:$0x7E0] =	vst v3  }
0xdc: {  	v2 =	vld [tilespmem:$0x1C0];
	[tilespmem:$0xB00] =	vst v4  }
0xdd: {  	v3 =	vld [tilespmem:$0x4E0];
	[tilespmem:$0x7F0] =	vst v5  }
0xde: {  	[tilespmem:$0x810] =	vst v46  }
0xdf: {  	[tilespmem:$0xB30] =	vst v47  }
0xe0: {  	[tilespmem:$0xB10] =	vst v1  }
0xe1: {  	[tilespmem:$0x800] =	vst v2  }
0xe2: {  	s10 =	simm.s32 $0x7D0;
	s15 =	simm.s32 $0x2580;
	[tilespmem:$0xB20] =	vst v3  }
0xe3: {  	[tilespmem:s15], [sflag:$0x4] =	stream.indirect.gather [hbm4b:s1+s22], $0x10, s10, s22, $0xb8;
	[tilespmem:$0x7A80] =	vst v63  }
0xe4: {  	v1 =	vld [tilespmem:$0x1E0]  }
0xe5: {  	v2 =	vld [tilespmem:$0x500]  }
0xe6: {  	v3 =	vld [tilespmem:$0x1F0]  }
0xe7: {  	v48 =	vld [tilespmem:$0x510]  }
0xe8: {  	v49 =	vld [tilespmem:$0x200]  }
0xe9: {  	v50 =	vld [tilespmem:$0x220];
	[tilespmem:$0x820] =	vst v1  }
0xea: {  	v51 =	vld [tilespmem:$0x540];
	[tilespmem:$0xB40] =	vst v2  }
0xeb: {  	v1 =	vld [tilespmem:$0x520];
	[tilespmem:$0x830] =	vst v3  }
0xec: {  	v2 =	vld [tilespmem:$0x210];
	[tilespmem:$0xB50] =	vst v48  }
0xed: {  	v3 =	vld [tilespmem:$0x530];
	[tilespmem:$0x840] =	vst v49  }
0xee: {  	[tilespmem:$0x860] =	vst v50  }
0xef: {  	[tilespmem:$0xB80] =	vst v51  }
0xf0: {  	[tilespmem:$0xB60] =	vst v1  }
0xf1: {  	[tilespmem:$0x850] =	vst v2  }
0xf2: {  	s14 =	simm.s32 $0x820;
	[tilespmem:$0xB70] =	vst v3  }
0xf3: {  	[tilespmem:s12], [sflag:$0x4] =	stream.indirect.gather [hbm4b:s1+s22], $0x10, s14, s22, $0xb8;
	[tilespmem:$0x7A80] =	vst v63  }
0xf4: {  	v1 =	vld [tilespmem:$0x230]  }
0xf5: {  	v2 =	vld [tilespmem:$0x550]  }
0xf6: {  	v3 =	vld [tilespmem:$0x240]  }
0xf7: {  	v52 =	vld [tilespmem:$0x560]  }
0xf8: {  	v53 =	vld [tilespmem:$0x250]  }
0xf9: {  	v54 =	vld [tilespmem:$0x270];
	[tilespmem:$0x870] =	vst v1  }
0xfa: {  	v55 =	vld [tilespmem:$0x590];
	[tilespmem:$0xB90] =	vst v2  }
0xfb: {  	v1 =	vld [tilespmem:$0x570];
	[tilespmem:$0x880] =	vst v3  }
0xfc: {  	v2 =	vld [tilespmem:$0x260];
	[tilespmem:$0xBA0] =	vst v52  }
0xfd: {  	v3 =	vld [tilespmem:$0x580];
	[tilespmem:$0x890] =	vst v53  }
0xfe: {  	[tilespmem:$0x8B0] =	vst v54  }
0xff: {  	[tilespmem:$0xBD0] =	vst v55  }
0x100: {  	[tilespmem:$0xBB0] =	vst v1  }
0x101: {  	[tilespmem:$0x8A0] =	vst v2  }
0x102: {  	s15 =	simm.s32 $0x870;
	[tilespmem:$0xBC0] =	vst v3  }
0x103: {  	[tilespmem:s19], [sflag:$0x4] =	stream.indirect.gather [hbm4b:s1+s22], $0x10, s15, s22, $0xb8;
	[tilespmem:$0x7A80] =	vst v63  }
0x104: {  	v1 =	vld [tilespmem:$0x280]  }
0x105: {  	v2 =	vld [tilespmem:$0x5A0]  }
0x106: {  	v3 =	vld [tilespmem:$0x290]  }
0x107: {  	v56 =	vld [tilespmem:$0x5B0]  }
0x108: {  	v57 =	vld [tilespmem:$0x2A0]  }
0x109: {  	v58 =	vld [tilespmem:$0x2C0];
	[tilespmem:$0x8C0] =	vst v1  }
0x10a: {  	v59 =	vld [tilespmem:$0x5E0];
	[tilespmem:$0xBE0] =	vst v2  }
0x10b: {  	v1 =	vld [tilespmem:$0x5C0];
	[tilespmem:$0x8D0] =	vst v3  }
0x10c: {  	v2 =	vld [tilespmem:$0x2B0];
	[tilespmem:$0xBF0] =	vst v56  }
0x10d: {  	v3 =	vld [tilespmem:$0x5D0];
	[tilespmem:$0x8E0] =	vst v57  }
0x10e: {  	[tilespmem:$0x900] =	vst v58  }
0x10f: {  	[tilespmem:$0xC20] =	vst v59  }
0x110: {  	[tilespmem:$0xC00] =	vst v1  }
0x111: {  	[tilespmem:$0x8F0] =	vst v2  }
0x112: {  	s14 =	simm.s32 $0x8C0;
	[tilespmem:$0xC10] =	vst v3  }
0x113: {  	[tilespmem:s6], [sflag:$0x4] =	stream.indirect.gather [hbm4b:s1+s22], $0x10, s14, s22, $0xb8;
	[tilespmem:$0x7A80] =	vst v63  }
0x114: {  	v1 =	vld [tilespmem:$0x2D0]  }
0x115: {  	v2 =	vld [tilespmem:$0x5F0]  }
0x116: {  	v3 =	vld [tilespmem:$0x2E0]  }
0x117: {  	v60 =	vld [tilespmem:$0x600]  }
0x118: {  	v61 =	vld [tilespmem:$0x2F0]  }
0x119: {  	v62 =	vld [tilespmem:$0x310];
	[tilespmem:$0x910] =	vst v1  }
0x11a: {  	v63 =	vld [tilespmem:$0x630];
	[tilespmem:$0xC30] =	vst v2  }
0x11b: {  	v1 =	vld [tilespmem:$0x610];
	[tilespmem:$0x920] =	vst v3  }
0x11c: {  	v2 =	vld [tilespmem:$0x300];
	[tilespmem:$0xC40] =	vst v60  }
0x11d: {  	v3 =	vld [tilespmem:$0x620];
	[tilespmem:$0x930] =	vst v61  }
0x11e: {  	[tilespmem:$0x950] =	vst v62  }
.Ltmp6:
0x11f: {  	[tilespmem:$0xC70] =	vst v63;
	(pc) =	sbr.rel .LBB2_7-.Ltmp6, $4  }
0x120: {  	[tilespmem:$0xC50] =	vst v1  }
0x121: {  	[tilespmem:$0x940] =	vst v2  }
0x122: {  	s15 =	simm.s32 $0x910;
	[tilespmem:$0xC60] =	vst v3  }
0x123: {  	[tilespmem:s20], [sflag:$0x4] =	stream.indirect.gather [hbm4b:s1+s22], $0x10, s15, s22, $0xb8;
	[tilespmem:$0x7A80] =	vst v63  }
.LBB2_6:
0x124: {  	p1 =	seq.s32 s30, $0x4B0  }
.Ltmp7:
0x125: {  	_ = 	snop;
	(pc) =	sbr.rel @p1 .LBB2_8-.Ltmp7, $1  }
0x126: {  	_ =	sdelay $0x3  }
.LBB2_7:
0x127: {  	s14 =	sshrl.u32 s0, $0x3  }
0x128: {  	s14 =	sadd.s32 s5, s14  }
0x129: {  	[tilespmem:s4], [sflag:$0x1] =	stream.linear.gather [hbm4b:s14+s4], $0x190, $0x38;
	[tilespmem:$0x7A80] =	vst v63  }
0x12a: {  	s15 =	sadd.s32 s30, s17;
	s10 =	simm.s32 $0x320  }
0x12b: {  	[tilespmem:s10], [sflag:$0x1] =	stream.linear.gather [hbm4b:s15+s4], $0x190, $0x38;
	[tilespmem:$0x7A80] =	vst v63  }
.LBB2_8:
0x12c: {  	_ =	swait.ge [sflag:s9], $0x500  }
0x12d: {  	[sflag:s9] =	ssyncset.done $0x0  }
0x12e: {  	[sflag:s9] =	ssyncadd.s32 $0xFFFFFB00  }
0x12f: {  	[spmem:s3] =	stream.indirect.scatter.add.f32 [tilespmem:s24], [sflag:$0x5], $0x10, s11, s22, $0xb8;
	[tilespmem:$0x7A80] =	vst v63  }
0x130: {  	_ =	swait.ge [sflag:s9], $0x500  }
0x131: {  	[sflag:s9] =	ssyncset.done $0x0  }
0x132: {  	[sflag:s9] =	ssyncadd.s32 $0xFFFFFB00  }
0x133: {  	[spmem:s3] =	stream.indirect.scatter.add.f32 [tilespmem:s26], [sflag:$0x5], $0x10, s13, s22, $0xb8;
	[tilespmem:$0x7A80] =	vst v63  }
0x134: {  	_ =	swait.ge [sflag:s9], $0x500  }
0x135: {  	[sflag:s9] =	ssyncset.done $0x0  }
0x136: {  	[sflag:s9] =	ssyncadd.s32 $0xFFFFFB00  }
0x137: {  	[spmem:s3] =	stream.indirect.scatter.add.f32 [tilespmem:s29], [sflag:$0x5], $0x10, s16, s22, $0xb8;
	[tilespmem:$0x7A80] =	vst v63  }
0x138: {  	_ =	swait.ge [sflag:s9], $0x500  }
0x139: {  	[sflag:s9] =	ssyncset.done $0x0  }
0x13a: {  	[sflag:s9] =	ssyncadd.s32 $0xFFFFFB00  }
0x13b: {  	[spmem:s3] =	stream.indirect.scatter.add.f32 [tilespmem:s31], [sflag:$0x5], $0x10, s8, s22, $0xb8;
	[tilespmem:$0x7A80] =	vst v63  }
.Ltmp8:
0x13c: {  	_ = 	snop;
	(pc) =	sbr.rel @p0 .LBB2_10-.Ltmp8, $4  }
0x13d: {  	_ =	swait.ge [sflag:s9], $0x500  }
0x13e: {  	[sflag:s9] =	ssyncset.done $0x0  }
0x13f: {  	[sflag:s9] =	ssyncadd.s32 $0xFFFFFB00  }
0x140: {  	[spmem:s3] =	stream.indirect.scatter.add.f32 [tilespmem:s2], [sflag:$0x5], $0x10, s23, s22, $0xb8;
	[tilespmem:$0x7A80] =	vst v63  }
0x141: {  	_ =	swait.ge [sflag:s21], $0x190  }
0x142: {  	[sflag:s21] =	ssyncset.done $0x0  }
0x143: {  	[sflag:s21] =	ssyncadd.s32 $0xFFFFFE70  }
0x144: {  	_ =	swait.ge [sflag:s21], $0x190  }
0x145: {  	[sflag:s21] =	ssyncset.done $0x0  }
0x146: {  	[sflag:s21] =	ssyncadd.s32 $0xFFFFFE70  }
0x147: {  	_ =	swait.ge [sflag:s25], $0x500  }
0x148: {  	[sflag:s25] =	ssyncset.done $0x0  }
0x149: {  	[sflag:s25] =	ssyncadd.s32 $0xFFFFFB00  }
0x14a: {  	_ =	swait.ge [sflag:s25], $0x500  }
0x14b: {  	[sflag:s25] =	ssyncset.done $0x0  }
0x14c: {  	[sflag:s25] =	ssyncadd.s32 $0xFFFFFB00  }
0x14d: {  	_ =	swait.ge [sflag:s25], $0x500  }
0x14e: {  	[sflag:s25] =	ssyncset.done $0x0  }
0x14f: {  	[sflag:s25] =	ssyncadd.s32 $0xFFFFFB00  }
0x150: {  	_ =	swait.ge [sflag:s25], $0x500  }
0x151: {  	[sflag:s25] =	ssyncset.done $0x0  }
0x152: {  	[sflag:s25] =	ssyncadd.s32 $0xFFFFFB00  }
0x153: {  	_ =	swait.ge [sflag:s25], $0x500  }
0x154: {  	[sflag:s25] =	ssyncset.done $0x0  }
0x155: {  	[sflag:s25] =	ssyncadd.s32 $0xFFFFFB00  }
0x156: {  	v1 =	vld [tilespmem:$0x0]  }
0x157: {  	v2 =	vld [tilespmem:$0x320]  }
0x158: {  	v3 =	vld [tilespmem:$0x10]  }
0x159: {  	v4 =	vld [tilespmem:$0x330]  }
0x15a: {  	v5 =	vld [tilespmem:$0x20]  }
0x15b: {  	v46 =	vld [tilespmem:$0x40];
	[tilespmem:$0x640] =	vst v1  }
0x15c: {  	v47 =	vld [tilespmem:$0x360];
	[tilespmem:$0x960] =	vst v2  }
0x15d: {  	v1 =	vld [tilespmem:$0x340];
	[tilespmem:$0x650] =	vst v3  }
0x15e: {  	v2 =	vld [tilespmem:$0x30];
	[tilespmem:$0x970] =	vst v4  }
0x15f: {  	v3 =	vld [tilespmem:$0x350];
	[tilespmem:$0x660] =	vst v5  }
0x160: {  	[tilespmem:$0x680] =	vst v46  }
0x161: {  	[tilespmem:$0x9A0] =	vst v47  }
0x162: {  	[tilespmem:$0x980] =	vst v1  }
0x163: {  	[tilespmem:$0x670] =	vst v2  }
0x164: {  	s10 =	simm.s32 $0x640;
	[tilespmem:$0x990] =	vst v3  }
0x165: {  	[tilespmem:s24], [sflag:$0x3] =	stream.indirect.gather [hbm4b:s1+s22], $0x10, s10, s22, $0xb8;
	[tilespmem:$0x7A80] =	vst v63  }
0x166: {  	v1 =	vld [tilespmem:$0x50]  }
0x167: {  	v2 =	vld [tilespmem:$0x370]  }
0x168: {  	v3 =	vld [tilespmem:$0x60]  }
0x169: {  	v48 =	vld [tilespmem:$0x380]  }
0x16a: {  	v49 =	vld [tilespmem:$0x70]  }
0x16b: {  	v50 =	vld [tilespmem:$0x90];
	[tilespmem:$0x690] =	vst v1  }
0x16c: {  	v51 =	vld [tilespmem:$0x3B0];
	[tilespmem:$0x9B0] =	vst v2  }
0x16d: {  	v1 =	vld [tilespmem:$0x390];
	[tilespmem:$0x6A0] =	vst v3  }
0x16e: {  	v2 =	vld [tilespmem:$0x80];
	[tilespmem:$0x9C0] =	vst v48  }
0x16f: {  	v3 =	vld [tilespmem:$0x3A0];
	[tilespmem:$0x6B0] =	vst v49  }
0x170: {  	[tilespmem:$0x6D0] =	vst v50  }
0x171: {  	[tilespmem:$0x9F0] =	vst v51  }
0x172: {  	[tilespmem:$0x9D0] =	vst v1  }
0x173: {  	[tilespmem:$0x6C0] =	vst v2  }
0x174: {  	s14 =	simm.s32 $0x690;
	[tilespmem:$0x9E0] =	vst v3  }
0x175: {  	[tilespmem:s26], [sflag:$0x3] =	stream.indirect.gather [hbm4b:s1+s22], $0x10, s14, s22, $0xb8;
	[tilespmem:$0x7A80] =	vst v63  }
0x176: {  	v1 =	vld [tilespmem:$0xA0]  }
0x177: {  	v2 =	vld [tilespmem:$0x3C0]  }
0x178: {  	v3 =	vld [tilespmem:$0xB0]  }
0x179: {  	v52 =	vld [tilespmem:$0x3D0]  }
0x17a: {  	v53 =	vld [tilespmem:$0xC0]  }
0x17b: {  	v54 =	vld [tilespmem:$0xE0];
	[tilespmem:$0x6E0] =	vst v1  }
0x17c: {  	v55 =	vld [tilespmem:$0x400];
	[tilespmem:$0xA00] =	vst v2  }
0x17d: {  	v1 =	vld [tilespmem:$0x3E0];
	[tilespmem:$0x6F0] =	vst v3  }
0x17e: {  	v2 =	vld [tilespmem:$0xD0];
	[tilespmem:$0xA10] =	vst v52  }
0x17f: {  	v3 =	vld [tilespmem:$0x3F0];
	[tilespmem:$0x700] =	vst v53  }
0x180: {  	[tilespmem:$0x720] =	vst v54  }
0x181: {  	[tilespmem:$0xA40] =	vst v55  }
0x182: {  	[tilespmem:$0xA20] =	vst v1  }
0x183: {  	[tilespmem:$0x710] =	vst v2  }
0x184: {  	s15 =	simm.s32 $0x6E0;
	[tilespmem:$0xA30] =	vst v3  }
0x185: {  	[tilespmem:s29], [sflag:$0x3] =	stream.indirect.gather [hbm4b:s1+s22], $0x10, s15, s22, $0xb8;
	[tilespmem:$0x7A80] =	vst v63  }
0x186: {  	v1 =	vld [tilespmem:$0xF0]  }
0x187: {  	v2 =	vld [tilespmem:$0x410]  }
0x188: {  	v3 =	vld [tilespmem:$0x100]  }
0x189: {  	v56 =	vld [tilespmem:$0x420]  }
0x18a: {  	v57 =	vld [tilespmem:$0x110]  }
0x18b: {  	v58 =	vld [tilespmem:$0x130];
	[tilespmem:$0x730] =	vst v1  }
0x18c: {  	v59 =	vld [tilespmem:$0x450];
	[tilespmem:$0xA50] =	vst v2  }
0x18d: {  	v1 =	vld [tilespmem:$0x430];
	[tilespmem:$0x740] =	vst v3  }
0x18e: {  	v2 =	vld [tilespmem:$0x120];
	[tilespmem:$0xA60] =	vst v56  }
0x18f: {  	v3 =	vld [tilespmem:$0x440];
	[tilespmem:$0x750] =	vst v57  }
0x190: {  	[tilespmem:$0x770] =	vst v58  }
0x191: {  	[tilespmem:$0xA90] =	vst v59  }
0x192: {  	[tilespmem:$0xA70] =	vst v1  }
0x193: {  	[tilespmem:$0x760] =	vst v2  }
0x194: {  	s14 =	simm.s32 $0x730;
	[tilespmem:$0xA80] =	vst v3  }
0x195: {  	[tilespmem:s31], [sflag:$0x3] =	stream.indirect.gather [hbm4b:s1+s22], $0x10, s14, s22, $0xb8;
	[tilespmem:$0x7A80] =	vst v63  }
0x196: {  	v1 =	vld [tilespmem:$0x140]  }
0x197: {  	v2 =	vld [tilespmem:$0x460]  }
0x198: {  	v3 =	vld [tilespmem:$0x150]  }
0x199: {  	v60 =	vld [tilespmem:$0x470]  }
0x19a: {  	v61 =	vld [tilespmem:$0x160]  }
0x19b: {  	v62 =	vld [tilespmem:$0x180];
	[tilespmem:$0x780] =	vst v1  }
0x19c: {  	v63 =	vld [tilespmem:$0x4A0];
	[tilespmem:$0xAA0] =	vst v2  }
0x19d: {  	v1 =	vld [tilespmem:$0x480];
	[tilespmem:$0x790] =	vst v3  }
0x19e: {  	v2 =	vld [tilespmem:$0x170];
	[tilespmem:$0xAB0] =	vst v60  }
0x19f: {  	v3 =	vld [tilespmem:$0x490];
	[tilespmem:$0x7A0] =	vst v61  }
0x1a0: {  	[tilespmem:$0x7C0] =	vst v62  }
0x1a1: {  	[tilespmem:$0xAE0] =	vst v63  }
0x1a2: {  	[tilespmem:$0xAC0] =	vst v1  }
0x1a3: {  	[tilespmem:$0x7B0] =	vst v2  }
0x1a4: {  	p0 =	seq.s32 s30, $0x44C;
	s10 =	rddreg [dreg:$0xc];
	s15 =	simm.s32 $0x780;
	[tilespmem:$0xAD0] =	vst v3  }
0x1a5: {  	[tilespmem:s2], [sflag:$0x3] =	stream.indirect.gather [hbm4b:s1+s22], $0x10, s15, s22, $0xb8;
	[tilespmem:$0x7A80] =	vst v63  }
0x1a6: {  	s14 =	sadd.s32 @!p0 s30, s10;
	s10 =	simm.s32 @!p0 $0x190;
	s15 =	simm.s32 @!p0 $0x0  }
0x1a7: {  	[tilespmem:s10], [sflag:$0x2] =	stream.linear.gather @!p0 [hbm4b:s14+s15], $0x190, $0x38;
	[tilespmem:$0x7A80] =	vst v63  }
0x1a8: {  	s10 =	rddreg [dreg:$0xd]  }
0x1a9: {  	s14 =	simm.s32 @!p0 $0x4B0;
	s10 =	sadd.s32 @!p0 s30, s10  }
0x1aa: {  	[tilespmem:s14], [sflag:$0x2] =	stream.linear.gather @!p0 [hbm4b:s10+s15], $0x190, $0x38;
	[tilespmem:$0x7A80] =	vst v63  }
0x1ab: {  	_ =	swait.ge [sflag:s28], $0x500  }
0x1ac: {  	[sflag:s28] =	ssyncset.done $0x0  }
0x1ad: {  	s14 =	simm.s32 $0x2580;
	s15 =	simm.s32 $0xAF0;
	[sflag:s28] =	ssyncadd.s32 $0xFFFFFB00  }
0x1ae: {  	[spmem:s3] =	stream.indirect.scatter.add.f32 [tilespmem:s14], [sflag:$0x6], $0x10, s15, s22, $0xb8;
	[tilespmem:$0x7A80] =	vst v63  }
0x1af: {  	_ =	swait.ge [sflag:s28], $0x500  }
0x1b0: {  	[sflag:s28] =	ssyncset.done $0x0  }
0x1b1: {  	s14 =	simm.s32 $0xB40;
	[sflag:s28] =	ssyncadd.s32 $0xFFFFFB00  }
0x1b2: {  	[spmem:s3] =	stream.indirect.scatter.add.f32 [tilespmem:s12], [sflag:$0x6], $0x10, s14, s22, $0xb8;
	[tilespmem:$0x7A80] =	vst v63  }
0x1b3: {  	_ =	swait.ge [sflag:s28], $0x500  }
0x1b4: {  	[sflag:s28] =	ssyncset.done $0x0  }
0x1b5: {  	s15 =	simm.s32 $0xB90;
	[sflag:s28] =	ssyncadd.s32 $0xFFFFFB00  }
0x1b6: {  	[spmem:s3] =	stream.indirect.scatter.add.f32 [tilespmem:s19], [sflag:$0x6], $0x10, s15, s22, $0xb8;
	[tilespmem:$0x7A80] =	vst v63  }
0x1b7: {  	_ =	swait.ge [sflag:s28], $0x500  }
0x1b8: {  	[sflag:s28] =	ssyncset.done $0x0  }
0x1b9: {  	s14 =	simm.s32 $0xBE0;
	[sflag:s28] =	ssyncadd.s32 $0xFFFFFB00  }
0x1ba: {  	[spmem:s3] =	stream.indirect.scatter.add.f32 [tilespmem:s6], [sflag:$0x6], $0x10, s14, s22, $0xb8;
	[tilespmem:$0x7A80] =	vst v63  }
.Ltmp9:
0x1bb: {  	_ = 	snop;
	(pc) =	sbr.rel .LBB2_10-.Ltmp9, $4  }
0x1bc: {  	_ =	swait.ge [sflag:s28], $0x500  }
0x1bd: {  	[sflag:s28] =	ssyncset.done $0x0  }
0x1be: {  	s15 =	simm.s32 $0xC30;
	[sflag:s28] =	ssyncadd.s32 $0xFFFFFB00  }
0x1bf: {  	[spmem:s3] =	stream.indirect.scatter.add.f32 [tilespmem:s20], [sflag:$0x6], $0x10, s15, s22, $0xb8;
	[tilespmem:$0x7A80] =	vst v63  }
.LBB2_12:
0x1c0: {  	_ =	sfence.sel $0x180000  }
0x1c1: {  	[bflag:$0x0] =	sbarrier.arrive $0xFFFF  }
0x1c2: {  	_ =	strace $0x9000004A  }
0x1c3: {  	s0 =	stileid.u32;
	[bflag:$0x2] =	sbarrier.arrive $0xFFFF  }
0x1c4: {  	p0 =	sne.s32 s0, $0x0;
	s0 =	rddreg [dreg:$0x3]  }
0x1c5: {  	s0 =	sadd.s32 @!p0 $0x100000, s0  }
0x1c6: {  	[sflag:s0] =	ssyncadd.tile.s32 @!p0 $0x1;
	_ =	shalt  }
.Lfunc_end2:
_tile_overlayer_lowered:
.L_overlay_start_2:
0x1c7: {  	(tag) =	ssettag $0x2  }
0x1c8: {  	s0 =	rddreg [dreg:$0x0];
	s2 =	stileid.u32  }
0x1c9: {  	s1 =	rddreg [dreg:$0x1];
	p0 =	sne.s32 s2, $0x0  }
0x1ca: {  	s3 =	rddreg [dreg:$0x2];
	[bflag:$0x3] =	sbarrier.arrive $0xFFFF;
	s2 =	simm.s32 @!p0 $0x1C07  }
0x1cb: {  	[timem:s3], [sflag:s2] =	dma.local @!p0 [hbm:s0], s1  }
0x1cc: {  	s0 =	simm.s32 @!p0 $0x7  }
0x1cd: {  	_ =	swait.ge @!p0 [sflag:s0], s1  }
0x1ce: {  	s1 =	ssub.s32 @!p0 $0x0, s1;
	[sflag:s0] =	ssyncset.done @!p0 $0x0  }
0x1cf: {  	[sflag:s0] =	ssyncadd.s32 @!p0 s1  }
0x1d0: {  	[bflag:$0x3] =	sbarrier.arrive $0xFFFF  }
0x1d1: {  	_ =	shalt  }

// kernel: kernel.7.cloned.1.call-start
scs
__scs_entry_jumppad:
0x0: {  	(pc) =	sbr.rel $0x88, $3  }
0x1: {  	(tag) =	ssettag $0x0;
	lr =	simm.s32 $0x1  }
0x2: {  	[smem:$0x3F99] =	sst lr;
	_ =	strace $0xD0000000  }
0x3: {  	_ = 	snop  }
0x4: {  	_ = 	snop  }
0x5: {  	_ = 	snop  }
0x6: {  	_ = 	snop  }
0x7: {  	_ = 	snop  }
__scs_overlays_trampoline_lowered:
0x8: {  	[smem:$0x3FA8] =	sst s0  }
0x9: {  	[smem:$0x3FA9] =	sst s1  }
0xa: {  	[smem:$0x3FAA] =	sst s2  }
0xb: {  	[smem:$0x3FAB] =	sst s3  }
0xc: {  	[smem:$0x3FAC] =	sst s4  }
0xd: {  	[smem:$0x3FAD] =	sst s5  }
0xe: {  	[smem:$0x3FAE] =	sst s6  }
0xf: {  	[smem:$0x3FAF] =	sst s7  }
0x10: {  	[smem:$0x3FB0] =	sst s8  }
0x11: {  	[smem:$0x3FB1] =	sst s9;
	s0 =	simm.s32 @!p0 $0x0  }
0x12: {  	s1 =	sld [smem:$0x3F97];
	s0 =	simm.s32 @p0 $0x1  }
0x13: {  	[smem:$0x3FB2] =	sst s0;
	s0 =	simm.s32 @!p1 $0x0  }
0x14: {  	s2 =	sld [smem:$0x3F96];
	s0 =	simm.s32 @p1 $0x1  }
0x15: {  	[smem:$0x3FB3] =	sst s0;
	s0 =	simm.s32 @!p2 $0x0  }
0x16: {  	s3 =	sld [smem:$0x3FDB];
	s0 =	simm.s32 @p2 $0x1  }
0x17: {  	s4 =	simm.s32 $0x1BF5;
	[smem:$0x3FB5] =	sst s0  }
0x18: {  	s0 =	sld [smem:$0x3F98];
	_ =	swait.ge [sflag:s4], $0x0  }
0x19: {  	s7 =	sld [smem:$0x3F99]  }
0x1a: {  	s8 =	sadd.s32 $0xFFFFE003, lr  }
0x1b: {  	s9 =	sadd.s32 $0xFFFFFEF7, lr;
	s5 =	simm.s32 $0xFFFFFFFF;
	p2 =	slt.u32 s8, $0xFFFFF086  }
0x1c: {  	p1 =	slt.u32 s9, $0xF7A;
	s5 =	simm.s32 @!p2 $0x0  }
0x1d: {  	s5 =	simm.s32 @p1 $0x1;
	p0 =	seq.s32 s7, s2  }
0x1e: {  	s7 =	smul.u32 @!p0 $0xF7A, s2;
	p2 =	seq.s32 @!p0 s5, $0x0  }
0x1f: {  	s9 =	smul.u32 $0xF7A, s1;
	s8 =	simm.s32 @!p0 $0x1BF5;
	p2 =	por !p2, p0  }
0x20: {  	[sflag:s8] =	ssyncset.s32 @!p0 $0xFFFFF086;
	s6 =	sadd.s32 @!p0 s3, s7;
	s7 =	simm.s32 @!p0 $0x108  }
0x21: {  	s3 =	sadd.s32 s3, s9;
	s6 =	sadd.s32 @!p0 $0x88, s6;
	s7 =	simm.s32 @p2 $0x1082  }
0x22: {  	[simem:s7], [sflag:s8] =	dma.local @!p0 [hbm:s6], $0xF7A  }
0x23: {  	s9 =	sor.u32 $0xD0000000, s2;
	s6 =	simm.s32 $0x108;
	_ =	swait.ge @!p0 [sflag:s8], $0x0  }
0x24: {  	s3 =	sadd.s32 $0x88, s3;
	s6 =	simm.s32 @!p1 $0x1082;
	[sflag:s4] =	ssyncset.s32 $0xFFFFF086  }
0x25: {  	[simem:s6], [sflag:s4] =	dma.local [hbm:s3], $0xF7A  }
0x26: {  	[smem:$0x3F99] =	sst s1;
	(tag) =	ssettag s2;
	_ =	strace s9  }
0x27: {  	s1 =	sld [smem:$0x3FA9]  }
0x28: {  	s2 =	sld [smem:$0x3FAA]  }
0x29: {  	s4 =	sld [smem:$0x3FAC]  }
0x2a: {  	p0 =	seq.s32 s5, $0x0;
	s5 =	sld [smem:$0x3FAD]  }
0x2b: {  	s6 =	sld [smem:$0x3FAE]  }
0x2c: {  	s7 =	sld [smem:$0x3FAF]  }
0x2d: {  	s3 =	simm.s32 $0x108;
	s8 =	sld [smem:$0x3FB0]  }
0x2e: {  	s3 =	simm.s32 @!p0 $0x1082;
	s9 =	sld [smem:$0x3FB1]  }
0x2f: {  	lr =	sadd.s32 s0, s3;
	s0 =	sld [smem:$0x3FA8]  }
0x30: {  	s3 =	sld [smem:$0x3FAB]  }
0x31: {  	[smem:$0x3FB4] =	sst s10  }
0x32: {  	s10 =	sld [smem:$0x3FB2];
	_ =	sdelay $0x3  }
0x33: {  	p0 =	seq.s32 s10, $0x1;
	s10 =	sld [smem:$0x3FB4];
	_ =	sdelay $0x3  }
0x34: {  	[smem:$0x3FB4] =	sst s10  }
0x35: {  	s10 =	sld [smem:$0x3FB3];
	_ =	sdelay $0x3  }
0x36: {  	p1 =	seq.s32 s10, $0x1;
	s10 =	sld [smem:$0x3FB4];
	_ =	sdelay $0x3  }
0x37: {  	[smem:$0x3FB4] =	sst s10  }
0x38: {  	s10 =	sld [smem:$0x3FB5]  }
0x39: {  	_ = 	snop;
	(pc) =	sbr.ind lr, $3  }
0x3a: {  	_ = 	snop  }
0x3b: {  	_ = 	snop  }
0x3c: {  	p2 =	seq.s32 s10, $0x1;
	s10 =	sld [smem:$0x3FB4]  }
0x3d: {  	_ =	shalt  }
0x3e: {  	_ =	shalt  }
0x3f: {  	_ =	shalt  }
0x40: {  	_ =	shalt  }
0x41: {  	_ =	shalt  }
0x42: {  	_ =	shalt  }
0x43: {  	_ =	shalt  }
0x44: {  	_ =	shalt  }
0x45: {  	_ =	shalt  }
0x46: {  	_ =	shalt  }
0x47: {  	_ =	shalt  }
0x48: {  	_ =	shalt  }
0x49: {  	_ =	shalt  }
0x4a: {  	_ =	shalt  }
0x4b: {  	_ =	shalt  }
0x4c: {  	_ =	shalt  }
0x4d: {  	_ =	shalt  }
0x4e: {  	_ =	shalt  }
0x4f: {  	_ =	shalt  }
0x50: {  	_ =	shalt  }
0x51: {  	_ =	shalt  }
0x52: {  	_ =	shalt  }
0x53: {  	_ =	shalt  }
0x54: {  	_ =	shalt  }
0x55: {  	_ =	shalt  }
0x56: {  	_ =	shalt  }
0x57: {  	_ =	shalt  }
0x58: {  	_ =	shalt  }
0x59: {  	_ =	shalt  }
0x5a: {  	_ =	shalt  }
0x5b: {  	_ =	shalt  }
0x5c: {  	_ =	shalt  }
0x5d: {  	_ =	shalt  }
0x5e: {  	_ =	shalt  }
0x5f: {  	_ =	shalt  }
0x60: {  	_ =	shalt  }
0x61: {  	_ =	shalt  }
0x62: {  	_ =	shalt  }
0x63: {  	_ =	shalt  }
0x64: {  	_ =	shalt  }
0x65: {  	_ =	shalt  }
0x66: {  	_ =	shalt  }
0x67: {  	_ =	shalt  }
0x68: {  	_ =	shalt  }
0x69: {  	_ =	shalt  }
0x6a: {  	_ =	shalt  }
0x6b: {  	_ =	shalt  }
0x6c: {  	_ =	shalt  }
0x6d: {  	_ =	shalt  }
0x6e: {  	_ =	shalt  }
0x6f: {  	_ =	shalt  }
0x70: {  	_ =	shalt  }
0x71: {  	_ =	shalt  }
0x72: {  	_ =	shalt  }
0x73: {  	_ =	shalt  }
0x74: {  	_ =	shalt  }
0x75: {  	_ =	shalt  }
0x76: {  	_ =	shalt  }
0x77: {  	_ =	shalt  }
0x78: {  	_ =	shalt  }
0x79: {  	_ =	shalt  }
0x7a: {  	_ =	shalt  }
0x7b: {  	_ =	shalt  }
0x7c: {  	_ =	shalt  }
0x7d: {  	_ =	shalt  }
0x7e: {  	_ =	shalt  }
0x7f: {  	_ =	shalt  }
0x80: {  	_ =	shalt  }
0x81: {  	_ =	shalt  }
0x82: {  	_ =	shalt  }
0x83: {  	_ =	shalt  }
0x84: {  	_ =	shalt  }
0x85: {  	_ =	shalt  }
0x86: {  	_ =	shalt  }
0x87: {  	_ =	shalt  }
.Lfunc_end0:
.L_simem_size_0:
called_computation_lowered:
.L_overlay_start_0:
0x88: {  	s2 =	sld [smem:$0x3FD9]  }
0x89: {  	s3 =	sld [smem:$0x3FFE];
	_ =	sdelay $0x1  }
0x8a: {  	s1 =	srdreg.scid  }
0x8b: {  	s0 =	sand.u32 $0x1, s1  }
0x8c: {  	s14 =	sshll.u32 s0, $0xA;
	s2 =	sadd.s32 s3, s2  }
0x8d: {  	s2 =	sadd.s32 s2, s14  }
0x8e: {  	[smem:$0x3FC0] =	sst s2  }
0x8f: {  	_ = 	snop  }
0x90: {  	s2 =	sld [smem:$0x3FD0];
	_ =	sdelay $0x2  }
0x91: {  	s4 =	simm.s32 $0xA;
	s5 =	simm.s32 $0x10;
	s15 =	sld [smem:$0x3FC9]  }
0x92: {  	[smem:s5], [sflag:s4] =	dma.local [hbm:s2], $0x1  }
0x93: {  	_ =	swait.eq [sflag:s4], $0x1  }
0x94: {  	[sflag:s4] =	ssyncset.done $0x0  }
0x95: {  	[sflag:s4] =	ssyncadd.s32 $0xFFFFFFFF  }
0x96: {  	s16 =	sld [smem:$0x12];
	(tm) =	ssettm $0x1  }
0x97: {  	s17 =	sld [smem:$0x3FFB];
	_ =	sdelay $0x3  }
0x98: {  	_ =	strace s17  }
0x99: {  	s4 =	sld [smem:$0x3FFC];
	_ =	sdelay $0x3  }
0x9a: {  	_ =	strace s4  }
0x9b: {  	s4 =	sld [smem:$0x3FFD];
	_ =	sdelay $0x3  }
0x9c: {  	_ =	strace s4  }
0x9d: {  	_ =	strace $0x8FFFFFFF  }
0x9e: {  	s18 =	sld [smem:$0x3FDB];
	_ =	sdelay $0x1  }
0x9f: {  	s19 =	simm.s32 $_scs_section_size  }
0xa0: {  	s6 =	simm.s32 $_size__tile_overlayer_lowered;
	s7 =	simm.s32 $_tile_overlayer_lowered  }
0xa1: {  	s22 =	simm.s32 $0x1BFF;
	s21 =	sshll.u32 s7, $0x1;
	s4 =	sadd.s32 s19, s18  }
0xa2: {  	s8 =	simm.s32 $0x0;
	s20 =	sshll.u32 s6, $0x1;
	s6 =	sadd.s32 s21, s4  }
0xa3: {  	[timem:s8], [sflag:s22] =	dma.local [hbm:s6], s20  }
0xa4: {  	_ =	swait.ge [sflag:s22], s20  }
0xa5: {  	s5 =	ssub.s32 $0x0, s20;
	[sflag:s22] =	ssyncset.done $0x0  }
0xa6: {  	[sflag:s22] =	ssyncadd.s32 s5;
	_ =	sdelay $0x1  }
0xa7: {  	s23 =	simm.s32 $0x1B8B  }
0xa8: {  	_ =	swait.ge [sflag:s23], $0x1  }
0xa9: {  	[sflag:s23] =	ssyncset.done $0x0  }
0xaa: {  	s25 =	simm.s32 $0x1B8E;
	s24 =	sld [smem:$0x3FFE];
	[sflag:s23] =	ssyncadd.s32 $0xFFFFFFFF  }
0xab: {  	s26 =	simm.s32 $execute0_lowered;
	[smem:$0x3FD2] =	sst s25  }
0xac: {  	s6 =	sshll.u32 s26, $0x1;
	_ =	strace $0x80000046;
	[dreg:$0x1] =	wrdreg $0xFFFFFFFF  }
0xad: {  	s28 =	simm.s32 $_size_execute0_lowered;
	s4 =	sadd.s32 s4, s6;
	[dreg:$0x0] =	wrdreg $0x0  }
0xae: {  	s6 =	sshll.u32 s28, $0x1;
	[dreg:$0x2] =	wrdreg s4  }
0xaf: {  	[dreg:$0x3] =	wrdreg s6  }
0xb0: {  	[dreg:$0x4] =	wrdreg $0xC0  }
0xb1: {  	_ =	task [dreg:s8], $0x5FFFF  }
0xb2: {  	[dreg:$0x1] =	wrdreg $0xFFFFFFFF  }
0xb3: {  	[dreg:$0x0] =	wrdreg $0x60  }
0xb4: {  	[dreg:$0x2] =	wrdreg s15  }
0xb5: {  	[dreg:$0x3] =	wrdreg s24  }
0xb6: {  	[dreg:$0x4] =	wrdreg s16  }
0xb7: {  	[dreg:$0x5] =	wrdreg $0x101800  }
0xb8: {  	[dreg:$0x6] =	wrdreg $0x1A1800  }
0xb9: {  	[dreg:$0x7] =	wrdreg $0x9  }
0xba: {  	_ =	task.clear_ibuf [dreg:s8], $0x8FFFF;
	_ =	strace $0x90000046  }
0xbb: {  	s29 =	simm.s32 $0x9;
	_ =	strace $0x80000048  }
0xbc: {  	_ =	swait.ge [sflag:s29], $0x1  }
0xbd: {  	[sflag:s29] =	ssyncadd.s32 $0xFFFFFFFF  }
0xbe: {  	_ =	strace $0x90000048  }
0xbf: {  	_ =	sfence  }
0xc0: {  	s30 =	sld [smem:$0x0];
	_ =	sdelay $0x2  }
0xc1: {  	s31 =	sshll.u32 s1, $0xD;
	s1 =	sshrl.u32 s1, $0x2  }
0xc2: {  	s3 =	sand.u32 $0x4000, s31;
	s1 =	sadd.s32 s1, s30  }
0xc3: {  	s0 =	sor.u32 s3, s0;
	s1 =	sshll.u32 s1, $0x11  }
0xc4: {  	s0 =	sor.u32 s1, s0  }
0xc5: {  	s0 =	sadd.s32 $0x8F2B, s0  }
0xc6: {  	[sflag:s0] =	ssyncadd.remote.s32 $0x1  }
0xc7: {  	_ =	sfence.sel $0xFFFF  }
0xc8: {  	[dreg:$0x0] =	wrdreg $0xFFFFFFFF;
	(pc) =	sbr.abs _section_cstart, $3  }
0xc9: {  	[dreg:$0x1] =	wrdreg $0xFFFFFFFF  }
0xca: {  	_ =	task.clear_ibuf [dreg:s8], $0x2FFFF;
	_ =	strace $0x9FFFFFFF  }
0xcb: {  	(tm) =	ssettm $0x7FFFFFFF  }
tec
execute0_lowered:
.L_overlay_start_1:
0x0: {  	(tag) =	ssettag $0x1  }
0x1: {  	s1 =	rddreg [dreg:$0x0]  }
0x2: {  	s0 =	rddreg [dreg:$0x1]  }
0x3: {  	s2 =	rddreg [dreg:$0x2]  }
0x4: {  	s3 =	rddreg [dreg:$0x3]  }
0x5: {  	s4 =	rddreg [dreg:$0x4];
	s13 =	stileid.u32  }
0x6: {  	s5 =	srdreg.scid;
	s19 =	smul.u32 $0xA000, s13  }
0x7: {  	s7 =	simm.s32 $0x0;
	s28 =	simm.s32 $0x7;
	s10 =	smul.u32 $0x4E20, s13  }
0x8: {  	s30 =	simm.s32 $0x1;
	s31 =	simm.s32 $0x50;
	s12 =	smul.u32 $0x28000, s13  }
0x9: {  	s29 =	simm.s32 $0x2;
	s6 =	sand.u32 $0x1, s5;
	s22 =	smul.u32 $0x280, s13  }
0xa: {  	[smem:$0x7FF] =	sst s7;
	s8 =	sadd.s32 $0x2E00, s0;
	s15 =	smul.u32 $0x2800, s13  }
0xb: {  	s20 =	smul.u32 $0xA0000, s6;
	_ =	strace $0x80000047;
	s9 =	ssub.s32 $0x2, s6  }
0xc: {  	s17 =	smul.u32 $0x28000, s6;
	p0 =	sne.s32 s6, $0x0;
	p1 =	seq.s32 s6, $0x0  }
0xd: {  	s11 =	sshrl.u32 s9, $0x1;
	s21 =	sshrl.u32 s10, $0x3;
	s18 =	sadd.s32 s19, s3  }
0xe: {  	s14 =	sadd.s32 s8, s21;
	s21 =	sadd.s32 s15, s4;
	[dreg:$0x8] =	wrdreg s18  }
0xf: {  	s23 =	sshrl.u32 s12, $0x2;
	s7 =	sadd.s32 s19, s20;
	[dreg:$0x10] =	wrdreg s21  }
0x10: {  	s25 =	sadd.s32 s23, s3;
	s24 =	sadd.s32 $0x9C40, s14;
	[dreg:$0x6] =	wrdreg s14  }
0x11: {  	s7 =	sshrl.u32 s7, $0x3;
	s10 =	sadd.s32 $0x1400, s25;
	[dreg:$0x7] =	wrdreg s24  }
0x12: {  	s26 =	sadd.s32 $0x2800, s25;
	s16 =	sadd.s32 $0x6400, s25;
	[dreg:$0x9] =	wrdreg s10  }
0x13: {  	s19 =	sadd.s32 $0x7800, s25;
	s5 =	sadd.s32 $0x8C00, s25;
	[dreg:$0xa] =	wrdreg s26  }
0x14: {  	s23 =	sadd.s32 $0x32, s14;
	s21 =	simm.s32 $0xB40;
	[dreg:$0xd] =	wrdreg s16  }
0x15: {  	s0 =	sadd.s32 s7, s0;
	s7 =	ssub.s32 s9, s11;
	[dreg:$0xe] =	wrdreg s19  }
0x16: {  	s9 =	sadd.s32 $0x140, s22;
	s11 =	sadd.s32 $0x3C00, s25;
	[dreg:$0xf] =	wrdreg s5  }
0x17: {  	s22 =	sadd.s32 s15, s17;
	[dreg:$0x12] =	wrdreg s23;
	s24 =	smul.u32 $0x9C4, s13  }
0x18: {  	s25 =	sadd.s32 $0x9C72, s14;
	s13 =	simm.s32 $0x4880;
	s15 =	simm.s32 $0x5C80  }
0x19: {  	s19 =	simm.s32 $0x7D0;
	s17 =	simm.s32 $0xAC80;
	s23 =	simm.s32 $0xB90  }
0x1a: {  	s14 =	simm.s32 $0x0;
	[dreg:$0xb] =	wrdreg s11;
	s12 =	sshll.u32 s9, $0x6  }
0x1b: {  	s20 =	sshll.u32 s9, $0x4;
	[dreg:$0x14] =	wrdreg s25;
	s0 =	sadd.s32 $0x16800, s0  }
0x1c: {  	s26 =	smax.u32 s7, $0x1;
	s25 =	simm.s32 $0xC80;
	s11 =	simm.s32 $0x3480  }
0x1d: {  	s7 =	simm.s32 $0x9880;
	s9 =	simm.s32 $0xBE0;
	[dreg:$0x15] =	wrdreg s0  }
0x1e: {  	s10 =	sadd.s32 s12, s3;
	s5 =	sadd.s32 s20, s4;
	[dreg:$0x16] =	wrdreg s26  }
.Ltmp0:
0x1f: {  	s24 =	sadd.s32 s24, s8;
	s8 =	simm.s32 $0x2080;
	(pc) =	sbr.rel .LBB2_1-.Ltmp0, $4  }
0x20: {  	s20 =	simm.s32 $0x7080;
	s0 =	simm.s32 $0xC080;
	[dreg:$0xc] =	wrdreg s10  }
0x21: {  	s26 =	simm.s32 $0xC30;
	[dreg:$0x11] =	wrdreg s5;
	s5 =	sshrl.u32 s22, $0x3  }
0x22: {  	s22 =	simm.s32 $0x8480;
	s10 =	simm.s32 $0x5;
	s2 =	sadd.s32 s2, s5  }
0x23: {  	v1 =	vimm.f32 $0.0e+00;
	v2 =	vimm.f32 $1.000000000e+00;
	v0 =	vmov s6;
	s5 =	simm.s32 $0x4;
	[dreg:$0x13] =	wrdreg s2;
	s2 =	simm.s32 $0x3  }
.LBB2_11:
0x24: {  	_ =	swait.ge [sflag:s10], $0x1400  }
0x25: {  	[sflag:s10] =	ssyncset.done $0x0  }
0x26: {  	[sflag:s10] =	ssyncadd.s32 $0xFFFFEC00  }
0x27: {  	_ =	swait.ge [sflag:s10], $0x1400  }
0x28: {  	[sflag:s10] =	ssyncset.done $0x0  }
0x29: {  	[sflag:s10] =	ssyncadd.s32 $0xFFFFEC00  }
0x2a: {  	_ =	swait.ge [sflag:s10], $0x1400  }
0x2b: {  	[sflag:s10] =	ssyncset.done $0x0  }
0x2c: {  	[sflag:s10] =	ssyncadd.s32 $0xFFFFEC00  }
0x2d: {  	_ =	swait.ge [sflag:s10], $0x1400  }
0x2e: {  	[sflag:s10] =	ssyncset.done $0x0  }
0x2f: {  	[sflag:s10] =	ssyncadd.s32 $0xFFFFEC00  }
0x30: {  	_ =	swait.ge [sflag:s10], $0x1400  }
0x31: {  	[sflag:s10] =	ssyncset.done $0x0  }
0x32: {  	s12 =	simm.s32 @!p0 $0x5;
	[sflag:s10] =	ssyncadd.s32 $0xFFFFEC00  }
0x33: {  	_ =	swait.ge @!p0 [sflag:s12], $0x500  }
0x34: {  	[sflag:s12] =	ssyncset.done @!p0 $0x0  }
0x35: {  	[sflag:s12] =	ssyncadd.s32 @!p0 $0xFFFFFB00  }
0x36: {  	_ =	swait.ge @!p0 [sflag:s12], $0x500  }
0x37: {  	[sflag:s12] =	ssyncset.done @!p0 $0x0  }
0x38: {  	[sflag:s12] =	ssyncadd.s32 @!p0 $0xFFFFFB00  }
0x39: {  	_ =	swait.ge @!p0 [sflag:s12], $0x500  }
0x3a: {  	[sflag:s12] =	ssyncset.done @!p0 $0x0  }
0x3b: {  	[sflag:s12] =	ssyncadd.s32 @!p0 $0xFFFFFB00  }
0x3c: {  	_ =	swait.ge @!p0 [sflag:s12], $0x500  }
0x3d: {  	[sflag:s12] =	ssyncset.done @!p0 $0x0  }
0x3e: {  	[sflag:s12] =	ssyncadd.s32 @!p0 $0xFFFFFB00  }
0x3f: {  	_ =	swait.ge @!p0 [sflag:s12], $0x500  }
0x40: {  	[sflag:s12] =	ssyncset.done @!p0 $0x0  }
0x41: {  	s18 =	simm.s32 $0x6;
	[sflag:s12] =	ssyncadd.s32 @!p0 $0xFFFFFB00  }
0x42: {  	_ =	swait.ge [sflag:s18], $0x1400  }
0x43: {  	[sflag:s18] =	ssyncset.done $0x0  }
0x44: {  	[sflag:s18] =	ssyncadd.s32 $0xFFFFEC00  }
0x45: {  	_ =	swait.ge [sflag:s18], $0x1400  }
0x46: {  	[sflag:s18] =	ssyncset.done $0x0  }
0x47: {  	[sflag:s18] =	ssyncadd.s32 $0xFFFFEC00  }
0x48: {  	_ =	swait.ge [sflag:s18], $0x1400  }
0x49: {  	[sflag:s18] =	ssyncset.done $0x0  }
0x4a: {  	[sflag:s18] =	ssyncadd.s32 $0xFFFFEC00  }
0x4b: {  	_ =	swait.ge [sflag:s18], $0x1400  }
0x4c: {  	[sflag:s18] =	ssyncset.done $0x0  }
0x4d: {  	[sflag:s18] =	ssyncadd.s32 $0xFFFFEC00  }
0x4e: {  	_ =	swait.ge [sflag:s18], $0x1400  }
0x4f: {  	[sflag:s18] =	ssyncset.done $0x0  }
0x50: {  	s12 =	simm.s32 @!p1 $0x6;
	[sflag:s18] =	ssyncadd.s32 $0xFFFFEC00  }
0x51: {  	_ =	swait.ge @!p1 [sflag:s12], $0x500  }
0x52: {  	[sflag:s12] =	ssyncset.done @!p1 $0x0  }
0x53: {  	[sflag:s12] =	ssyncadd.s32 @!p1 $0xFFFFFB00  }
0x54: {  	_ =	swait.ge @!p1 [sflag:s12], $0x500  }
0x55: {  	[sflag:s12] =	ssyncset.done @!p1 $0x0  }
0x56: {  	[sflag:s12] =	ssyncadd.s32 @!p1 $0xFFFFFB00  }
0x57: {  	_ =	swait.ge @!p1 [sflag:s12], $0x500  }
0x58: {  	[sflag:s12] =	ssyncset.done @!p1 $0x0  }
0x59: {  	[sflag:s12] =	ssyncadd.s32 @!p1 $0xFFFFFB00  }
0x5a: {  	_ =	swait.ge @!p1 [sflag:s12], $0x500  }
0x5b: {  	[sflag:s12] =	ssyncset.done @!p1 $0x0  }
0x5c: {  	[sflag:s12] =	ssyncadd.s32 @!p1 $0xFFFFFB00  }
0x5d: {  	_ =	swait.ge @!p1 [sflag:s12], $0x500  }
0x5e: {  	[sflag:s12] =	ssyncset.done @!p1 $0x0  }
0x5f: {  	[sflag:s12] =	ssyncadd.s32 @!p1 $0xFFFFFB00  }
0x60: {  	s14 =	stileid.u32;
	[bflag:$0x0] =	sbarrier.arrive $0xFFFF  }
0x61: {  	s12 =	sshll.u32 s14, $0x6;
	s18 =	rddreg [dreg:$0x8]  }
0x62: {  	s12 =	sor.u32 $0x1C07, s12;
	s16 =	rddreg [dreg:$0x15];
	s14 =	sshrl.u32 s18, $0x3  }
0x63: {  	[hbm:s16], [sflag:s12] =	dma.local [spmem:s14], $0x1400  }
0x64: {  	_ =	swait.ge [sflag:s28], $0x1400  }
0x65: {  	[sflag:s28] =	ssyncset.done $0x0;
	s16 =	rddreg [dreg:$0x10]  }
0x66: {  	[sflag:s28] =	ssyncadd.s32 $0xFFFFEC00;
	s14 =	sshrl.u32 s16, $0x3;
	s16 =	rddreg [dreg:$0x13]  }
0x67: {  	[hbm:s16], [sflag:s12] =	dma.local [spmem:s14], $0x500  }
0x68: {  	_ =	swait.ge [sflag:s28], $0x500  }
0x69: {  	s12 =	rddreg [dreg:$0x17]  }
0x6a: {  	s16 =	rddreg [dreg:$0x16];
	s14 =	sadd.s32 $0x1, s12  }
0x6b: {  	p2 =	sne.s32 s14, s16  }
.Ltmp1:
0x6c: {  	_ = 	snop;
	(pc) =	sbr.rel @!p2 .LBB2_12-.Ltmp1, $3  }
0x6d: {  	_ =	sdelay $0x1  }
0x6e: {  	[sflag:s28] =	ssyncset.done $0x0  }
0x6f: {  	[sflag:s28] =	ssyncadd.s32 $0xFFFFFB00  }
.LBB2_1:
0x70: {  	[dreg:$0x17] =	wrdreg s14  }
0x71: {  	s12 =	simm.s32 $0x0;
	s16 =	rddreg [dreg:$0x6]  }
0x72: {  	[tilespmem:s12], [sflag:$0x1] =	stream.linear.gather [hbm4b:s16+s12], $0x190, $0x38;
	[tilespmem:$0x1C980] =	vst v63  }
0x73: {  	s14 =	rddreg [dreg:$0x7];
	s16 =	simm.s32 $0x320  }
0x74: {  	[tilespmem:s16], [sflag:$0x1] =	stream.linear.gather [hbm4b:s14+s12], $0x190, $0x38;
	[tilespmem:$0x1C980] =	vst v63  }
0x75: {  	s14 =	simm.s32 $0x100;
	s12 =	simm.s32 $0x0  }
.LBB2_2:
0x76: {  	p2 =	sne.s32 s14, $0x4F00;
	[tilespmem:s12+$0xD4B0] =	vst v1;
	s16 =	smov.u32 s14;
	s14 =	sadd.s32 $0x100, s14  }
.Ltmp2:
0x77: {  	[tilespmem:s12+$0xD4A0] =	vst v1;
	(pc) =	sbr.rel @p2 .LBB2_2-.Ltmp2, $3  }
0x78: {  	[tilespmem:s12+$0xD480] =	vst v1  }
0x79: {  	[tilespmem:s12+$0xD490] =	vst v1;
	_ =	sdelay $0x1  }
0x7a: {  	s12 =	sshra.s32 s16, $0x2  }
0x7b: {  	[tilespmem:s12+$0xD4B0] =	vst v1  }
0x7c: {  	[tilespmem:s12+$0xD4A0] =	vst v1  }
0x7d: {  	[tilespmem:s12+$0xD480] =	vst v1  }
0x7e: {  	[tilespmem:s12+$0xD490] =	vst v1;
	s14 =	simm.s32 $0xD480  }
0x7f: {  	[spmem:s18] =	stream.linear.scatter [tilespmem:s14], [sflag:$0x7], $0x1400, $0x38;
	[tilespmem:$0x1C980] =	vst v63  }
0x80: {  	_ =	swait.ge [sflag:s28], $0x1400  }
0x81: {  	[sflag:s28] =	ssyncset.done $0x0  }
0x82: {  	s18 =	rddreg [dreg:$0x9];
	[sflag:s28] =	ssyncadd.s32 $0xFFFFEC00  }
0x83: {  	[spmem:s18] =	stream.linear.scatter [tilespmem:s14], [sflag:$0x7], $0x1400, $0x38;
	[tilespmem:$0x1C980] =	vst v63  }
0x84: {  	_ =	swait.ge [sflag:s28], $0x1400  }
0x85: {  	[sflag:s28] =	ssyncset.done $0x0  }
0x86: {  	s16 =	rddreg [dreg:$0xa];
	[sflag:s28] =	ssyncadd.s32 $0xFFFFEC00  }
0x87: {  	[spmem:s16] =	stream.linear.scatter [tilespmem:s14], [sflag:$0x7], $0x1400, $0x38;
	[tilespmem:$0x1C980] =	vst v63  }
0x88: {  	_ =	swait.ge [sflag:s28], $0x1400  }
0x89: {  	[sflag:s28] =	ssyncset.done $0x0  }
0x8a: {  	s18 =	rddreg [dreg:$0xb];
	[sflag:s28] =	ssyncadd.s32 $0xFFFFEC00  }
0x8b: {  	[spmem:s18] =	stream.linear.scatter [tilespmem:s14], [sflag:$0x7], $0x1400, $0x38;
	[tilespmem:$0x1C980] =	vst v63  }
0x8c: {  	_ =	swait.ge [sflag:s28], $0x1400  }
0x8d: {  	[sflag:s28] =	ssyncset.done $0x0  }
0x8e: {  	s16 =	rddreg [dreg:$0xc];
	[sflag:s28] =	ssyncadd.s32 $0xFFFFEC00  }
0x8f: {  	[spmem:s16] =	stream.linear.scatter [tilespmem:s14], [sflag:$0x7], $0x1400, $0x38;
	[tilespmem:$0x1C980] =	vst v63  }
0x90: {  	_ =	swait.ge [sflag:s28], $0x1400  }
0x91: {  	[sflag:s28] =	ssyncset.done $0x0  }
0x92: {  	s18 =	rddreg [dreg:$0xd];
	[sflag:s28] =	ssyncadd.s32 $0xFFFFEC00  }
0x93: {  	[spmem:s18] =	stream.linear.scatter [tilespmem:s14], [sflag:$0x7], $0x1400, $0x38;
	[tilespmem:$0x1C980] =	vst v63  }
0x94: {  	_ =	swait.ge [sflag:s28], $0x1400  }
0x95: {  	[sflag:s28] =	ssyncset.done $0x0  }
0x96: {  	s16 =	rddreg [dreg:$0xe];
	[sflag:s28] =	ssyncadd.s32 $0xFFFFEC00  }
0x97: {  	[spmem:s16] =	stream.linear.scatter [tilespmem:s14], [sflag:$0x7], $0x1400, $0x38;
	[tilespmem:$0x1C980] =	vst v63  }
0x98: {  	_ =	swait.ge [sflag:s28], $0x1400  }
0x99: {  	[sflag:s28] =	ssyncset.done $0x0  }
0x9a: {  	s18 =	rddreg [dreg:$0xf];
	[sflag:s28] =	ssyncadd.s32 $0xFFFFEC00  }
0x9b: {  	[spmem:s18] =	stream.linear.scatter [tilespmem:s14], [sflag:$0x7], $0x1400, $0x38;
	[tilespmem:$0x1C980] =	vst v63  }
0x9c: {  	_ =	swait.ge [sflag:s28], $0x1400  }
0x9d: {  	[sflag:s28] =	ssyncset.done $0x0  }
0x9e: {  	s12 =	simm.s32 $0x40;
	s14 =	simm.s32 $0x0;
	[sflag:s28] =	ssyncadd.s32 $0xFFFFEC00  }
.LBB2_4:
0x9f: {  	p2 =	sne.s32 s12, $0x13C0;
	[tilespmem:s14+$0xE880] =	vst v2;
	s14 =	smov.u32 s12;
	s12 =	sadd.s32 $0x40, s12  }
.Ltmp3:
0xa0: {  	(pc) =	sbr.rel @p2 .LBB2_4-.Ltmp3, $2  }
0xa1: {  	_ =	sdelay $0x2  }
0xa2: {  	s14 =	sshra.s32 s14, $0x2  }
0xa3: {  	[tilespmem:s14+$0xE880] =	vst v2;
	s12 =	simm.s32 $0x40;
	s14 =	simm.s32 $0x0  }
.LBB2_6:
0xa4: {  	p2 =	sne.s32 s12, $0x4FC0;
	[tilespmem:s14+$0xED80] =	vst v1;
	s14 =	smov.u32 s12;
	s12 =	sadd.s32 $0x40, s12  }
.Ltmp4:
0xa5: {  	(pc) =	sbr.rel @p2 .LBB2_6-.Ltmp4, $2  }
0xa6: {  	_ =	sdelay $0x2  }
0xa7: {  	s14 =	sshra.s32 s14, $0x2  }
0xa8: {  	[tilespmem:s14+$0xED80] =	vst v1;
	s12 =	rddreg [dreg:$0x10];
	s16 =	simm.s32 $0xED80  }
0xa9: {  	[spmem:s12] =	stream.linear.scatter [tilespmem:s16], [sflag:$0x7], $0x1400, $0x38;
	[tilespmem:$0x1C980] =	vst v63  }
0xaa: {  	_ =	swait.ge [sflag:s28], $0x1400  }
0xab: {  	[sflag:s28] =	ssyncset.done $0x0  }
0xac: {  	s18 =	rddreg [dreg:$0x11];
	[sflag:s28] =	ssyncadd.s32 $0xFFFFEC00  }
0xad: {  	[spmem:s18] =	stream.linear.scatter [tilespmem:s16], [sflag:$0x7], $0x1400, $0x38;
	[tilespmem:$0x1C980] =	vst v63  }
0xae: {  	_ =	swait.ge [sflag:s28], $0x1400  }
0xaf: {  	[sflag:s28] =	ssyncset.done $0x0  }
0xb0: {  	[sflag:s28] =	ssyncadd.s32 $0xFFFFEC00  }
0xb1: {  	[bflag:$0x0] =	sbarrier.arrive $0xFFFF  }
0xb2: {  	_ =	swait.ge [sflag:s30], $0x190  }
0xb3: {  	[sflag:s30] =	ssyncset.done $0x0  }
0xb4: {  	[sflag:s30] =	ssyncadd.s32 $0xFFFFFE70  }
0xb5: {  	_ =	swait.ge [sflag:s30], $0x190  }
0xb6: {  	[sflag:s30] =	ssyncset.done $0x0  }
0xb7: {  	[sflag:s30] =	ssyncadd.s32 $0xFFFFFE70  }
0xb8: {  	v3 =	vld [tilespmem:$0x0]  }
0xb9: {  	v5 =	vld [tilespmem:$0x320]  }
0xba: {  	v4 =	vld [tilespmem:$0x10]  }
0xbb: {  	v7 =	vld [tilespmem:$0x330]  }
0xbc: {  	v6 =	vld [tilespmem:$0x20]  }
0xbd: {  	v24 =	vld [tilespmem:$0x340];
	v3 =	vshll.u32 v3, $0x1  }
0xbe: {  	v8 =	vld [tilespmem:$0x30];
	[tilespmem:$0x960] =	vst v5;
	v3 =	vor.u32 v0, v3  }
0xbf: {  	v26 =	vld [tilespmem:$0x350];
	[tilespmem:$0x640] =	vst v3;
	v3 =	vshll.u32 v4, $0x1  }
0xc0: {  	v25 =	vld [tilespmem:$0x40];
	[tilespmem:$0x970] =	vst v7;
	v3 =	vor.u32 v0, v3  }
0xc1: {  	v27 =	vld [tilespmem:$0x360];
	[tilespmem:$0x650] =	vst v3;
	v3 =	vshll.u32 v6, $0x1  }
0xc2: {  	[tilespmem:$0x980] =	vst v24;
	v3 =	vor.u32 v0, v3  }
0xc3: {  	[tilespmem:$0x660] =	vst v3;
	v3 =	vshll.u32 v8, $0x1  }
0xc4: {  	[tilespmem:$0x990] =	vst v26;
	v3 =	vor.u32 v0, v3  }
0xc5: {  	[tilespmem:$0x670] =	vst v3;
	v3 =	vshll.u32 v25, $0x1  }
0xc6: {  	[tilespmem:$0x9A0] =	vst v27;
	v3 =	vor.u32 v0, v3  }
0xc7: {  	s14 =	simm.s32 $0x640;
	[tilespmem:$0x680] =	vst v3  }
0xc8: {  	[tilespmem:s25], [sflag:$0x3] =	stream.indirect.gather [hbm4b:s1+s31], $0x40, s14, s31, $0xb8;
	[tilespmem:$0x1C980] =	vst v63  }
0xc9: {  	v3 =	vld [tilespmem:$0x50]  }
0xca: {  	v29 =	vld [tilespmem:$0x370]  }
0xcb: {  	v28 =	vld [tilespmem:$0x60]  }
0xcc: {  	v31 =	vld [tilespmem:$0x380]  }
0xcd: {  	v30 =	vld [tilespmem:$0x70]  }
0xce: {  	v33 =	vld [tilespmem:$0x390];
	v3 =	vshll.u32 v3, $0x1  }
0xcf: {  	v32 =	vld [tilespmem:$0x80];
	[tilespmem:$0x9B0] =	vst v29;
	v3 =	vor.u32 v0, v3  }
0xd0: {  	v35 =	vld [tilespmem:$0x3A0];
	[tilespmem:$0x690] =	vst v3;
	v3 =	vshll.u32 v28, $0x1  }
0xd1: {  	v34 =	vld [tilespmem:$0x90];
	[tilespmem:$0x9C0] =	vst v31;
	v3 =	vor.u32 v0, v3  }
0xd2: {  	v36 =	vld [tilespmem:$0x3B0];
	[tilespmem:$0x6A0] =	vst v3;
	v3 =	vshll.u32 v30, $0x1  }
0xd3: {  	[tilespmem:$0x9D0] =	vst v33;
	v3 =	vor.u32 v0, v3  }
0xd4: {  	[tilespmem:$0x6B0] =	vst v3;
	v3 =	vshll.u32 v32, $0x1  }
0xd5: {  	[tilespmem:$0x9E0] =	vst v35;
	v3 =	vor.u32 v0, v3  }
0xd6: {  	[tilespmem:$0x6C0] =	vst v3;
	v3 =	vshll.u32 v34, $0x1  }
0xd7: {  	[tilespmem:$0x9F0] =	vst v36;
	v3 =	vor.u32 v0, v3  }
0xd8: {  	s16 =	simm.s32 $0x690;
	[tilespmem:$0x6D0] =	vst v3  }
0xd9: {  	[tilespmem:s8], [sflag:$0x3] =	stream.indirect.gather [hbm4b:s1+s31], $0x40, s16, s31, $0xb8;
	[tilespmem:$0x1C980] =	vst v63  }
0xda: {  	v3 =	vld [tilespmem:$0xA0]  }
0xdb: {  	v38 =	vld [tilespmem:$0x3C0]  }
0xdc: {  	v37 =	vld [tilespmem:$0xB0]  }
0xdd: {  	v40 =	vld [tilespmem:$0x3D0]  }
0xde: {  	v39 =	vld [tilespmem:$0xC0]  }
0xdf: {  	v42 =	vld [tilespmem:$0x3E0];
	v3 =	vshll.u32 v3, $0x1  }
0xe0: {  	v41 =	vld [tilespmem:$0xD0];
	[tilespmem:$0xA00] =	vst v38;
	v3 =	vor.u32 v0, v3  }
0xe1: {  	v44 =	vld [tilespmem:$0x3F0];
	[tilespmem:$0x6E0] =	vst v3;
	v3 =	vshll.u32 v37, $0x1  }
0xe2: {  	v43 =	vld [tilespmem:$0xE0];
	[tilespmem:$0xA10] =	vst v40;
	v3 =	vor.u32 v0, v3  }
0xe3: {  	v45 =	vld [tilespmem:$0x400];
	[tilespmem:$0x6F0] =	vst v3;
	v3 =	vshll.u32 v39, $0x1  }
0xe4: {  	[tilespmem:$0xA20] =	vst v42;
	v3 =	vor.u32 v0, v3  }
0xe5: {  	[tilespmem:$0x700] =	vst v3;
	v3 =	vshll.u32 v41, $0x1  }
0xe6: {  	[tilespmem:$0xA30] =	vst v44;
	v3 =	vor.u32 v0, v3  }
0xe7: {  	[tilespmem:$0x710] =	vst v3;
	v3 =	vshll.u32 v43, $0x1  }
0xe8: {  	[tilespmem:$0xA40] =	vst v45;
	v3 =	vor.u32 v0, v3  }
0xe9: {  	s18 =	simm.s32 $0x6E0;
	[tilespmem:$0x720] =	vst v3  }
0xea: {  	[tilespmem:s11], [sflag:$0x3] =	stream.indirect.gather [hbm4b:s1+s31], $0x40, s18, s31, $0xb8;
	[tilespmem:$0x1C980] =	vst v63  }
0xeb: {  	v3 =	vld [tilespmem:$0xF0]  }
0xec: {  	v47 =	vld [tilespmem:$0x410]  }
0xed: {  	v46 =	vld [tilespmem:$0x100]  }
0xee: {  	v49 =	vld [tilespmem:$0x420]  }
0xef: {  	v48 =	vld [tilespmem:$0x110]  }
0xf0: {  	v51 =	vld [tilespmem:$0x430];
	v3 =	vshll.u32 v3, $0x1  }
0xf1: {  	v50 =	vld [tilespmem:$0x120];
	[tilespmem:$0xA50] =	vst v47;
	v3 =	vor.u32 v0, v3  }
0xf2: {  	v53 =	vld [tilespmem:$0x440];
	[tilespmem:$0x730] =	vst v3;
	v3 =	vshll.u32 v46, $0x1  }
0xf3: {  	v52 =	vld [tilespmem:$0x130];
	[tilespmem:$0xA60] =	vst v49;
	v3 =	vor.u32 v0, v3  }
0xf4: {  	v54 =	vld [tilespmem:$0x450];
	[tilespmem:$0x740] =	vst v3;
	v3 =	vshll.u32 v48, $0x1  }
0xf5: {  	[tilespmem:$0xA70] =	vst v51;
	v3 =	vor.u32 v0, v3  }
0xf6: {  	[tilespmem:$0x750] =	vst v3;
	v3 =	vshll.u32 v50, $0x1  }
0xf7: {  	[tilespmem:$0xA80] =	vst v53;
	v3 =	vor.u32 v0, v3  }
0xf8: {  	[tilespmem:$0x760] =	vst v3;
	v3 =	vshll.u32 v52, $0x1  }
0xf9: {  	[tilespmem:$0xA90] =	vst v54;
	v3 =	vor.u32 v0, v3  }
0xfa: {  	s14 =	simm.s32 $0x730;
	[tilespmem:$0x770] =	vst v3  }
0xfb: {  	[tilespmem:s13], [sflag:$0x3] =	stream.indirect.gather [hbm4b:s1+s31], $0x40, s14, s31, $0xb8;
	[tilespmem:$0x1C980] =	vst v63  }
0xfc: {  	v3 =	vld [tilespmem:$0x140]  }
0xfd: {  	v56 =	vld [tilespmem:$0x460]  }
0xfe: {  	v55 =	vld [tilespmem:$0x150]  }
0xff: {  	v58 =	vld [tilespmem:$0x470]  }
0x100: {  	v57 =	vld [tilespmem:$0x160]  }
0x101: {  	v60 =	vld [tilespmem:$0x480];
	v3 =	vshll.u32 v3, $0x1  }
0x102: {  	v59 =	vld [tilespmem:$0x170];
	[tilespmem:$0xAA0] =	vst v56;
	v3 =	vor.u32 v0, v3  }
0x103: {  	v62 =	vld [tilespmem:$0x490];
	[tilespmem:$0x780] =	vst v3;
	v3 =	vshll.u32 v55, $0x1  }
0x104: {  	v61 =	vld [tilespmem:$0x180];
	[tilespmem:$0xAB0] =	vst v58;
	v3 =	vor.u32 v0, v3  }
0x105: {  	v63 =	vld [tilespmem:$0x4A0];
	[tilespmem:$0x790] =	vst v3;
	v3 =	vshll.u32 v57, $0x1  }
0x106: {  	[tilespmem:$0xAC0] =	vst v60;
	v3 =	vor.u32 v0, v3  }
0x107: {  	[tilespmem:$0x7A0] =	vst v3;
	v3 =	vshll.u32 v59, $0x1  }
0x108: {  	[tilespmem:$0xAD0] =	vst v62;
	v3 =	vor.u32 v0, v3  }
0x109: {  	[tilespmem:$0x7B0] =	vst v3;
	v3 =	vshll.u32 v61, $0x1  }
0x10a: {  	[tilespmem:$0xAE0] =	vst v63;
	v3 =	vor.u32 v0, v3  }
0x10b: {  	s16 =	simm.s32 $0x780;
	[tilespmem:$0x7C0] =	vst v3  }
0x10c: {  	[tilespmem:s15], [sflag:$0x3] =	stream.indirect.gather [hbm4b:s1+s31], $0x40, s16, s31, $0xb8;
	[tilespmem:$0x1C980] =	vst v63  }
.Ltmp5:
0x10d: {  	_ = 	snop;
	(pc) =	sbr.rel .LBB2_8-.Ltmp5, $4  }
0x10e: {  	s12 =	simm.s32 $0x0;
	s18 =	rddreg [dreg:$0x12];
	s16 =	simm.s32 $0x190  }
0x10f: {  	[tilespmem:s16], [sflag:$0x2] =	stream.linear.gather [hbm4b:s18+s12], $0x190, $0x38;
	[tilespmem:$0x1C980] =	vst v63  }
0x110: {  	s16 =	rddreg [dreg:$0x14];
	s18 =	simm.s32 $0x4B0  }
0x111: {  	[tilespmem:s18], [sflag:$0x2] =	stream.linear.gather [hbm4b:s16+s12], $0x190, $0x38;
	[tilespmem:$0x1C980] =	vst v63  }
.LBB2_10:
0x112: {  	_ =	swait.ge [sflag:s5], $0x1400  }
0x113: {  	[sflag:s5] =	ssyncset.done $0x0  }
0x114: {  	s14 =	simm.s32 $0xAF0;
	[sflag:s5] =	ssyncadd.s32 $0xFFFFEC00  }
0x115: {  	[spmem:s3] =	stream.indirect.scatter.add.f32 [tilespmem:s20], [sflag:$0x6], $0x40, s14, s31, $0xb8;
	[tilespmem:$0x1C980] =	vst v63  }
0x116: {  	_ =	swait.ge [sflag:s5], $0x1400  }
0x117: {  	[sflag:s5] =	ssyncset.done $0x0  }
0x118: {  	[sflag:s5] =	ssyncadd.s32 $0xFFFFEC00  }
0x119: {  	[spmem:s3] =	stream.indirect.scatter.add.f32 [tilespmem:s22], [sflag:$0x6], $0x40, s21, s31, $0xb8;
	[tilespmem:$0x1C980] =	vst v63  }
0x11a: {  	_ =	swait.ge [sflag:s5], $0x1400  }
0x11b: {  	[sflag:s5] =	ssyncset.done $0x0  }
0x11c: {  	[sflag:s5] =	ssyncadd.s32 $0xFFFFEC00  }
0x11d: {  	[spmem:s3] =	stream.indirect.scatter.add.f32 [tilespmem:s7], [sflag:$0x6], $0x40, s23, s31, $0xb8;
	[tilespmem:$0x1C980] =	vst v63  }
0x11e: {  	_ =	swait.ge [sflag:s5], $0x1400  }
0x11f: {  	[sflag:s5] =	ssyncset.done $0x0  }
0x120: {  	[sflag:s5] =	ssyncadd.s32 $0xFFFFEC00  }
0x121: {  	[spmem:s3] =	stream.indirect.scatter.add.f32 [tilespmem:s17], [sflag:$0x6], $0x40, s9, s31, $0xb8;
	[tilespmem:$0x1C980] =	vst v63  }
0x122: {  	_ =	swait.ge [sflag:s5], $0x1400  }
0x123: {  	[sflag:s5] =	ssyncset.done $0x0  }
0x124: {  	[sflag:s5] =	ssyncadd.s32 $0xFFFFEC00  }
0x125: {  	[spmem:s3] =	stream.indirect.scatter.add.f32 [tilespmem:s0], [sflag:$0x6], $0x40, s26, s31, $0xb8;
	[tilespmem:$0x1C980] =	vst v63  }
0x126: {  	s16 =	simm.s32 @!p1 $0xAF0;
	s18 =	simm.s32 @!p1 $0xE880;
	s14 =	simm.s32 @!p1 $0x50  }
0x127: {  	[spmem:s4] =	stream.indirect.scatter.add.f32 @!p1 [tilespmem:s18], [sflag:$0x6], $0x10, s16, s14, $0xb8;
	[tilespmem:$0x1C980] =	vst v63  }
0x128: {  	s12 =	sadd.s32 $0x64, s12;
	s16 =	simm.s32 @!p1 $0xB40  }
0x129: {  	[spmem:s4] =	stream.indirect.scatter.add.f32 @!p1 [tilespmem:s18], [sflag:$0x6], $0x10, s16, s14, $0xb8;
	[tilespmem:$0x1C980] =	vst v63  }
0x12a: {  	p2 =	sne.s32 s12, $0x9C4;
	s16 =	simm.s32 @!p1 $0xB90  }
0x12b: {  	[spmem:s4] =	stream.indirect.scatter.add.f32 @!p1 [tilespmem:s18], [sflag:$0x6], $0x10, s16, s14, $0xb8;
	[tilespmem:$0x1C980] =	vst v63  }
.Ltmp6:
0x12c: {  	_ = 	snop;
	(pc) =	sbr.rel @!p2 .LBB2_11-.Ltmp6, $4  }
0x12d: {  	s16 =	simm.s32 @!p1 $0xBE0  }
0x12e: {  	[spmem:s4] =	stream.indirect.scatter.add.f32 @!p1 [tilespmem:s18], [sflag:$0x6], $0x10, s16, s14, $0xb8;
	[tilespmem:$0x1C980] =	vst v63  }
0x12f: {  	s16 =	simm.s32 @!p1 $0xC30  }
0x130: {  	[spmem:s4] =	stream.indirect.scatter.add.f32 @!p1 [tilespmem:s18], [sflag:$0x6], $0x10, s16, s14, $0xb8;
	[tilespmem:$0x1C980] =	vst v63  }
.LBB2_8:
0x131: {  	_ =	swait.ge [sflag:s29], $0x190  }
0x132: {  	[sflag:s29] =	ssyncset.done $0x0  }
0x133: {  	[sflag:s29] =	ssyncadd.s32 $0xFFFFFE70  }
0x134: {  	_ =	swait.ge [sflag:s29], $0x190  }
0x135: {  	p2 =	seq.s32 s12, $0x0;
	[sflag:s29] =	ssyncset.done $0x0  }
0x136: {  	s14 =	simm.s32 @!p2 $0x6;
	[sflag:s29] =	ssyncadd.s32 $0xFFFFFE70  }
0x137: {  	_ =	swait.ge @!p2 [sflag:s14], $0x1400  }
0x138: {  	[sflag:s14] =	ssyncset.done @!p2 $0x0  }
0x139: {  	[sflag:s14] =	ssyncadd.s32 @!p2 $0xFFFFEC00  }
0x13a: {  	_ =	swait.ge @!p2 [sflag:s14], $0x1400  }
0x13b: {  	[sflag:s14] =	ssyncset.done @!p2 $0x0  }
0x13c: {  	[sflag:s14] =	ssyncadd.s32 @!p2 $0xFFFFEC00  }
0x13d: {  	_ =	swait.ge @!p2 [sflag:s14], $0x1400  }
0x13e: {  	[sflag:s14] =	ssyncset.done @!p2 $0x0  }
0x13f: {  	[sflag:s14] =	ssyncadd.s32 @!p2 $0xFFFFEC00  }
0x140: {  	_ =	swait.ge @!p2 [sflag:s14], $0x1400  }
0x141: {  	[sflag:s14] =	ssyncset.done @!p2 $0x0  }
0x142: {  	[sflag:s14] =	ssyncadd.s32 @!p2 $0xFFFFEC00  }
0x143: {  	p3 =	seq.s32 @!p2 s6, $0x0;
	_ =	swait.ge @!p2 [sflag:s14], $0x1400  }
0x144: {  	p3 =	por p3, p2;
	[sflag:s14] =	ssyncset.done @!p2 $0x0  }
0x145: {  	[sflag:s14] =	ssyncadd.s32 @!p2 $0xFFFFEC00;
	s14 =	simm.s32 @!p3 $0x6  }
0x146: {  	_ =	swait.ge @!p3 [sflag:s14], $0x500  }
0x147: {  	[sflag:s14] =	ssyncset.done @!p3 $0x0  }
0x148: {  	[sflag:s14] =	ssyncadd.s32 @!p3 $0xFFFFFB00  }
0x149: {  	_ =	swait.ge @!p3 [sflag:s14], $0x500  }
0x14a: {  	[sflag:s14] =	ssyncset.done @!p3 $0x0  }
0x14b: {  	[sflag:s14] =	ssyncadd.s32 @!p3 $0xFFFFFB00  }
0x14c: {  	_ =	swait.ge @!p3 [sflag:s14], $0x500  }
0x14d: {  	[sflag:s14] =	ssyncset.done @!p3 $0x0  }
0x14e: {  	[sflag:s14] =	ssyncadd.s32 @!p3 $0xFFFFFB00  }
0x14f: {  	_ =	swait.ge @!p3 [sflag:s14], $0x500  }
0x150: {  	[sflag:s14] =	ssyncset.done @!p3 $0x0  }
0x151: {  	[sflag:s14] =	ssyncadd.s32 @!p3 $0xFFFFFB00  }
0x152: {  	_ =	swait.ge @!p3 [sflag:s14], $0x500  }
0x153: {  	[sflag:s14] =	ssyncset.done @!p3 $0x0  }
0x154: {  	[sflag:s14] =	ssyncadd.s32 @!p3 $0xFFFFFB00  }
0x155: {  	v3 =	vld [tilespmem:$0x190]  }
0x156: {  	v5 =	vld [tilespmem:$0x4B0]  }
0x157: {  	v4 =	vld [tilespmem:$0x1A0]  }
0x158: {  	v7 =	vld [tilespmem:$0x4C0]  }
0x159: {  	v6 =	vld [tilespmem:$0x1B0]  }
0x15a: {  	v24 =	vld [tilespmem:$0x4D0];
	v3 =	vshll.u32 v3, $0x1  }
0x15b: {  	v8 =	vld [tilespmem:$0x1C0];
	[tilespmem:$0xAF0] =	vst v5;
	v3 =	vor.u32 v0, v3  }
0x15c: {  	v26 =	vld [tilespmem:$0x4E0];
	[tilespmem:$0x7D0] =	vst v3;
	v3 =	vshll.u32 v4, $0x1  }
0x15d: {  	v25 =	vld [tilespmem:$0x1D0];
	[tilespmem:$0xB00] =	vst v7;
	v3 =	vor.u32 v0, v3  }
0x15e: {  	v27 =	vld [tilespmem:$0x4F0];
	[tilespmem:$0x7E0] =	vst v3;
	v3 =	vshll.u32 v6, $0x1  }
0x15f: {  	[tilespmem:$0xB10] =	vst v24;
	v3 =	vor.u32 v0, v3  }
0x160: {  	[tilespmem:$0x7F0] =	vst v3;
	v3 =	vshll.u32 v8, $0x1  }
0x161: {  	[tilespmem:$0xB20] =	vst v26;
	v3 =	vor.u32 v0, v3  }
0x162: {  	[tilespmem:$0x800] =	vst v3;
	v3 =	vshll.u32 v25, $0x1  }
0x163: {  	[tilespmem:$0xB30] =	vst v27;
	v3 =	vor.u32 v0, v3  }
0x164: {  	[tilespmem:$0x810] =	vst v3  }
0x165: {  	[tilespmem:s20], [sflag:$0x4] =	stream.indirect.gather [hbm4b:s1+s31], $0x40, s19, s31, $0xb8;
	[tilespmem:$0x1C980] =	vst v63  }
0x166: {  	v3 =	vld [tilespmem:$0x1E0]  }
0x167: {  	v29 =	vld [tilespmem:$0x500]  }
0x168: {  	v28 =	vld [tilespmem:$0x1F0]  }
0x169: {  	v31 =	vld [tilespmem:$0x510]  }
0x16a: {  	v30 =	vld [tilespmem:$0x200]  }
0x16b: {  	v33 =	vld [tilespmem:$0x520];
	v3 =	vshll.u32 v3, $0x1  }
0x16c: {  	v32 =	vld [tilespmem:$0x210];
	[tilespmem:$0xB40] =	vst v29;
	v3 =	vor.u32 v0, v3  }
0x16d: {  	v35 =	vld [tilespmem:$0x530];
	[tilespmem:$0x820] =	vst v3;
	v3 =	vshll.u32 v28, $0x1  }
0x16e: {  	v34 =	vld [tilespmem:$0x220];
	[tilespmem:$0xB50] =	vst v31;
	v3 =	vor.u32 v0, v3  }
0x16f: {  	v36 =	vld [tilespmem:$0x540];
	[tilespmem:$0x830] =	vst v3;
	v3 =	vshll.u32 v30, $0x1  }
0x170: {  	[tilespmem:$0xB60] =	vst v33;
	v3 =	vor.u32 v0, v3  }
0x171: {  	[tilespmem:$0x840] =	vst v3;
	v3 =	vshll.u32 v32, $0x1  }
0x172: {  	[tilespmem:$0xB70] =	vst v35;
	v3 =	vor.u32 v0, v3  }
0x173: {  	[tilespmem:$0x850] =	vst v3;
	v3 =	vshll.u32 v34, $0x1  }
0x174: {  	[tilespmem:$0xB80] =	vst v36;
	v3 =	vor.u32 v0, v3  }
0x175: {  	s18 =	simm.s32 $0x820;
	[tilespmem:$0x860] =	vst v3  }
0x176: {  	[tilespmem:s22], [sflag:$0x4] =	stream.indirect.gather [hbm4b:s1+s31], $0x40, s18, s31, $0xb8;
	[tilespmem:$0x1C980] =	vst v63  }
0x177: {  	v3 =	vld [tilespmem:$0x230]  }
0x178: {  	v38 =	vld [tilespmem:$0x550]  }
0x179: {  	v37 =	vld [tilespmem:$0x240]  }
0x17a: {  	v40 =	vld [tilespmem:$0x560]  }
0x17b: {  	v39 =	vld [tilespmem:$0x250]  }
0x17c: {  	v42 =	vld [tilespmem:$0x570];
	v3 =	vshll.u32 v3, $0x1  }
0x17d: {  	v41 =	vld [tilespmem:$0x260];
	[tilespmem:$0xB90] =	vst v38;
	v3 =	vor.u32 v0, v3  }
0x17e: {  	v44 =	vld [tilespmem:$0x580];
	[tilespmem:$0x870] =	vst v3;
	v3 =	vshll.u32 v37, $0x1  }
0x17f: {  	v43 =	vld [tilespmem:$0x270];
	[tilespmem:$0xBA0] =	vst v40;
	v3 =	vor.u32 v0, v3  }
0x180: {  	v45 =	vld [tilespmem:$0x590];
	[tilespmem:$0x880] =	vst v3;
	v3 =	vshll.u32 v39, $0x1  }
0x181: {  	[tilespmem:$0xBB0] =	vst v42;
	v3 =	vor.u32 v0, v3  }
0x182: {  	[tilespmem:$0x890] =	vst v3;
	v3 =	vshll.u32 v41, $0x1  }
0x183: {  	[tilespmem:$0xBC0] =	vst v44;
	v3 =	vor.u32 v0, v3  }
0x184: {  	[tilespmem:$0x8A0] =	vst v3;
	v3 =	vshll.u32 v43, $0x1  }
0x185: {  	[tilespmem:$0xBD0] =	vst v45;
	v3 =	vor.u32 v0, v3  }
0x186: {  	s16 =	simm.s32 $0x870;
	[tilespmem:$0x8B0] =	vst v3  }
0x187: {  	[tilespmem:s7], [sflag:$0x4] =	stream.indirect.gather [hbm4b:s1+s31], $0x40, s16, s31, $0xb8;
	[tilespmem:$0x1C980] =	vst v63  }
0x188: {  	v3 =	vld [tilespmem:$0x280]  }
0x189: {  	v47 =	vld [tilespmem:$0x5A0]  }
0x18a: {  	v46 =	vld [tilespmem:$0x290]  }
0x18b: {  	v49 =	vld [tilespmem:$0x5B0]  }
0x18c: {  	v48 =	vld [tilespmem:$0x2A0]  }
0x18d: {  	v51 =	vld [tilespmem:$0x5C0];
	v3 =	vshll.u32 v3, $0x1  }
0x18e: {  	v50 =	vld [tilespmem:$0x2B0];
	[tilespmem:$0xBE0] =	vst v47;
	v3 =	vor.u32 v0, v3  }
0x18f: {  	v53 =	vld [tilespmem:$0x5D0];
	[tilespmem:$0x8C0] =	vst v3;
	v3 =	vshll.u32 v46, $0x1  }
0x190: {  	v52 =	vld [tilespmem:$0x2C0];
	[tilespmem:$0xBF0] =	vst v49;
	v3 =	vor.u32 v0, v3  }
0x191: {  	v54 =	vld [tilespmem:$0x5E0];
	[tilespmem:$0x8D0] =	vst v3;
	v3 =	vshll.u32 v48, $0x1  }
0x192: {  	[tilespmem:$0xC00] =	vst v51;
	v3 =	vor.u32 v0, v3  }
0x193: {  	[tilespmem:$0x8E0] =	vst v3;
	v3 =	vshll.u32 v50, $0x1  }
0x194: {  	[tilespmem:$0xC10] =	vst v53;
	v3 =	vor.u32 v0, v3  }
0x195: {  	[tilespmem:$0x8F0] =	vst v3;
	v3 =	vshll.u32 v52, $0x1  }
0x196: {  	[tilespmem:$0xC20] =	vst v54;
	v3 =	vor.u32 v0, v3  }
0x197: {  	s18 =	simm.s32 $0x8C0;
	[tilespmem:$0x900] =	vst v3  }
0x198: {  	[tilespmem:s17], [sflag:$0x4] =	stream.indirect.gather [hbm4b:s1+s31], $0x40, s18, s31, $0xb8;
	[tilespmem:$0x1C980] =	vst v63  }
0x199: {  	v3 =	vld [tilespmem:$0x2D0]  }
0x19a: {  	v56 =	vld [tilespmem:$0x5F0]  }
0x19b: {  	v55 =	vld [tilespmem:$0x2E0]  }
0x19c: {  	v58 =	vld [tilespmem:$0x600]  }
0x19d: {  	v57 =	vld [tilespmem:$0x2F0]  }
0x19e: {  	v60 =	vld [tilespmem:$0x610];
	v3 =	vshll.u32 v3, $0x1  }
0x19f: {  	v59 =	vld [tilespmem:$0x300];
	[tilespmem:$0xC30] =	vst v56;
	v3 =	vor.u32 v0, v3  }
0x1a0: {  	v62 =	vld [tilespmem:$0x620];
	[tilespmem:$0x910] =	vst v3;
	v3 =	vshll.u32 v55, $0x1  }
0x1a1: {  	v61 =	vld [tilespmem:$0x310];
	[tilespmem:$0xC40] =	vst v58;
	v3 =	vor.u32 v0, v3  }
0x1a2: {  	v63 =	vld [tilespmem:$0x630];
	[tilespmem:$0x920] =	vst v3;
	v3 =	vshll.u32 v57, $0x1  }
0x1a3: {  	[tilespmem:$0xC50] =	vst v60;
	v3 =	vor.u32 v0, v3  }
0x1a4: {  	[tilespmem:$0x930] =	vst v3;
	v3 =	vshll.u32 v59, $0x1  }
0x1a5: {  	[tilespmem:$0xC60] =	vst v62;
	v3 =	vor.u32 v0, v3  }
0x1a6: {  	[tilespmem:$0x940] =	vst v3;
	v3 =	vshll.u32 v61, $0x1  }
0x1a7: {  	p2 =	seq.s32 s12, $0x960;
	[tilespmem:$0xC70] =	vst v63;
	v3 =	vor.u32 v0, v3  }
0x1a8: {  	s14 =	sadd.s32 @!p2 s12, s24;
	s16 =	simm.s32 $0x910;
	[tilespmem:$0x950] =	vst v3  }
0x1a9: {  	[tilespmem:s0], [sflag:$0x4] =	stream.indirect.gather [hbm4b:s1+s31], $0x40, s16, s31, $0xb8;
	[tilespmem:$0x1C980] =	vst v63  }
0x1aa: {  	s18 =	simm.s32 @!p2 $0x0;
	s16 =	sadd.s32 @!p2 $0x64, s14  }
0x1ab: {  	[tilespmem:s18], [sflag:$0x1] =	stream.linear.gather @!p2 [hbm4b:s16+s18], $0x190, $0x38;
	[tilespmem:$0x1C980] =	vst v63  }
0x1ac: {  	s14 =	sadd.s32 @!p2 $0x9CA4, s14;
	s16 =	simm.s32 @!p2 $0x320  }
0x1ad: {  	[tilespmem:s16], [sflag:$0x1] =	stream.linear.gather @!p2 [hbm4b:s14+s18], $0x190, $0x38;
	[tilespmem:$0x1C980] =	vst v63  }
0x1ae: {  	_ =	swait.ge [sflag:s2], $0x1400  }
0x1af: {  	[sflag:s2] =	ssyncset.done $0x0  }
0x1b0: {  	s18 =	simm.s32 $0x960;
	[sflag:s2] =	ssyncadd.s32 $0xFFFFEC00  }
0x1b1: {  	[spmem:s3] =	stream.indirect.scatter.add.f32 [tilespmem:s25], [sflag:$0x5], $0x40, s18, s31, $0xb8;
	[tilespmem:$0x1C980] =	vst v63  }
0x1b2: {  	_ =	swait.ge [sflag:s2], $0x1400  }
0x1b3: {  	[sflag:s2] =	ssyncset.done $0x0  }
0x1b4: {  	s16 =	simm.s32 $0x9B0;
	[sflag:s2] =	ssyncadd.s32 $0xFFFFEC00  }
0x1b5: {  	[spmem:s3] =	stream.indirect.scatter.add.f32 [tilespmem:s8], [sflag:$0x5], $0x40, s16, s31, $0xb8;
	[tilespmem:$0x1C980] =	vst v63  }
0x1b6: {  	_ =	swait.ge [sflag:s2], $0x1400  }
0x1b7: {  	[sflag:s2] =	ssyncset.done $0x0  }
0x1b8: {  	s18 =	simm.s32 $0xA00;
	[sflag:s2] =	ssyncadd.s32 $0xFFFFEC00  }
0x1b9: {  	[spmem:s3] =	stream.indirect.scatter.add.f32 [tilespmem:s11], [sflag:$0x5], $0x40, s18, s31, $0xb8;
	[tilespmem:$0x1C980] =	vst v63  }
0x1ba: {  	_ =	swait.ge [sflag:s2], $0x1400  }
0x1bb: {  	[sflag:s2] =	ssyncset.done $0x0  }
0x1bc: {  	s16 =	simm.s32 $0xA50;
	[sflag:s2] =	ssyncadd.s32 $0xFFFFEC00  }
0x1bd: {  	[spmem:s3] =	stream.indirect.scatter.add.f32 [tilespmem:s13], [sflag:$0x5], $0x40, s16, s31, $0xb8;
	[tilespmem:$0x1C980] =	vst v63  }
0x1be: {  	_ =	swait.ge [sflag:s2], $0x1400  }
0x1bf: {  	[sflag:s2] =	ssyncset.done $0x0  }
0x1c0: {  	s18 =	simm.s32 $0xAA0;
	[sflag:s2] =	ssyncadd.s32 $0xFFFFEC00  }
0x1c1: {  	[spmem:s3] =	stream.indirect.scatter.add.f32 [tilespmem:s15], [sflag:$0x5], $0x40, s18, s31, $0xb8;
	[tilespmem:$0x1C980] =	vst v63  }
0x1c2: {  	s14 =	simm.s32 @!p0 $0x50;
	s16 =	simm.s32 @!p0 $0x960;
	s18 =	simm.s32 @!p0 $0xE880  }
0x1c3: {  	[spmem:s4] =	stream.indirect.scatter.add.f32 @!p0 [tilespmem:s18], [sflag:$0x5], $0x10, s16, s14, $0xb8;
	[tilespmem:$0x1C980] =	vst v63  }
0x1c4: {  	s16 =	simm.s32 @!p0 $0x9B0  }
0x1c5: {  	[spmem:s4] =	stream.indirect.scatter.add.f32 @!p0 [tilespmem:s18], [sflag:$0x5], $0x10, s16, s14, $0xb8;
	[tilespmem:$0x1C980] =	vst v63  }
0x1c6: {  	s16 =	simm.s32 @!p0 $0xA00  }
0x1c7: {  	[spmem:s4] =	stream.indirect.scatter.add.f32 @!p0 [tilespmem:s18], [sflag:$0x5], $0x10, s16, s14, $0xb8;
	[tilespmem:$0x1C980] =	vst v63  }
.Ltmp7:
0x1c8: {  	_ = 	snop;
	(pc) =	sbr.rel @p2 .LBB2_10-.Ltmp7, $4  }
0x1c9: {  	s16 =	simm.s32 @!p0 $0xA50  }
0x1ca: {  	[spmem:s4] =	stream.indirect.scatter.add.f32 @!p0 [tilespmem:s18], [sflag:$0x5], $0x10, s16, s14, $0xb8;
	[tilespmem:$0x1C980] =	vst v63  }
0x1cb: {  	s16 =	simm.s32 @!p0 $0xAA0  }
0x1cc: {  	[spmem:s4] =	stream.indirect.scatter.add.f32 @!p0 [tilespmem:s18], [sflag:$0x5], $0x10, s16, s14, $0xb8;
	[tilespmem:$0x1C980] =	vst v63  }
0x1cd: {  	_ =	swait.ge [sflag:s30], $0x190  }
0x1ce: {  	[sflag:s30] =	ssyncset.done $0x0  }
0x1cf: {  	[sflag:s30] =	ssyncadd.s32 $0xFFFFFE70  }
0x1d0: {  	_ =	swait.ge [sflag:s30], $0x190  }
0x1d1: {  	[sflag:s30] =	ssyncset.done $0x0  }
0x1d2: {  	[sflag:s30] =	ssyncadd.s32 $0xFFFFFE70  }
0x1d3: {  	_ =	swait.ge [sflag:s10], $0x1400  }
0x1d4: {  	[sflag:s10] =	ssyncset.done $0x0  }
0x1d5: {  	[sflag:s10] =	ssyncadd.s32 $0xFFFFEC00  }
0x1d6: {  	_ =	swait.ge [sflag:s10], $0x1400  }
0x1d7: {  	[sflag:s10] =	ssyncset.done $0x0  }
0x1d8: {  	[sflag:s10] =	ssyncadd.s32 $0xFFFFEC00  }
0x1d9: {  	_ =	swait.ge [sflag:s10], $0x1400  }
0x1da: {  	[sflag:s10] =	ssyncset.done $0x0  }
0x1db: {  	[sflag:s10] =	ssyncadd.s32 $0xFFFFEC00  }
0x1dc: {  	_ =	swait.ge [sflag:s10], $0x1400  }
0x1dd: {  	[sflag:s10] =	ssyncset.done $0x0  }
0x1de: {  	[sflag:s10] =	ssyncadd.s32 $0xFFFFEC00  }
0x1df: {  	_ =	swait.ge [sflag:s10], $0x1400  }
0x1e0: {  	[sflag:s10] =	ssyncset.done $0x0  }
0x1e1: {  	s14 =	simm.s32 @!p0 $0x5;
	[sflag:s10] =	ssyncadd.s32 $0xFFFFEC00  }
0x1e2: {  	_ =	swait.ge @!p0 [sflag:s14], $0x500  }
0x1e3: {  	[sflag:s14] =	ssyncset.done @!p0 $0x0  }
0x1e4: {  	[sflag:s14] =	ssyncadd.s32 @!p0 $0xFFFFFB00  }
0x1e5: {  	_ =	swait.ge @!p0 [sflag:s14], $0x500  }
0x1e6: {  	[sflag:s14] =	ssyncset.done @!p0 $0x0  }
0x1e7: {  	[sflag:s14] =	ssyncadd.s32 @!p0 $0xFFFFFB00  }
0x1e8: {  	_ =	swait.ge @!p0 [sflag:s14], $0x500  }
0x1e9: {  	[sflag:s14] =	ssyncset.done @!p0 $0x0  }
0x1ea: {  	[sflag:s14] =	ssyncadd.s32 @!p0 $0xFFFFFB00  }
0x1eb: {  	_ =	swait.ge @!p0 [sflag:s14], $0x500  }
0x1ec: {  	[sflag:s14] =	ssyncset.done @!p0 $0x0  }
0x1ed: {  	[sflag:s14] =	ssyncadd.s32 @!p0 $0xFFFFFB00  }
0x1ee: {  	_ =	swait.ge @!p0 [sflag:s14], $0x500  }
0x1ef: {  	[sflag:s14] =	ssyncset.done @!p0 $0x0  }
0x1f0: {  	[sflag:s14] =	ssyncadd.s32 @!p0 $0xFFFFFB00  }
0x1f1: {  	v3 =	vld [tilespmem:$0x0]  }
0x1f2: {  	v5 =	vld [tilespmem:$0x320]  }
0x1f3: {  	v4 =	vld [tilespmem:$0x10]  }
0x1f4: {  	v7 =	vld [tilespmem:$0x330]  }
0x1f5: {  	v6 =	vld [tilespmem:$0x20]  }
0x1f6: {  	v24 =	vld [tilespmem:$0x340];
	v3 =	vshll.u32 v3, $0x1  }
0x1f7: {  	v8 =	vld [tilespmem:$0x30];
	[tilespmem:$0x960] =	vst v5;
	v3 =	vor.u32 v0, v3  }
0x1f8: {  	v26 =	vld [tilespmem:$0x350];
	[tilespmem:$0x640] =	vst v3;
	v3 =	vshll.u32 v4, $0x1  }
0x1f9: {  	v25 =	vld [tilespmem:$0x40];
	[tilespmem:$0x970] =	vst v7;
	v3 =	vor.u32 v0, v3  }
0x1fa: {  	v27 =	vld [tilespmem:$0x360];
	[tilespmem:$0x650] =	vst v3;
	v3 =	vshll.u32 v6, $0x1  }
0x1fb: {  	[tilespmem:$0x980] =	vst v24;
	v3 =	vor.u32 v0, v3  }
0x1fc: {  	[tilespmem:$0x660] =	vst v3;
	v3 =	vshll.u32 v8, $0x1  }
0x1fd: {  	[tilespmem:$0x990] =	vst v26;
	v3 =	vor.u32 v0, v3  }
0x1fe: {  	[tilespmem:$0x670] =	vst v3;
	v3 =	vshll.u32 v25, $0x1  }
0x1ff: {  	[tilespmem:$0x9A0] =	vst v27;
	v3 =	vor.u32 v0, v3  }
0x200: {  	s18 =	simm.s32 $0x640;
	[tilespmem:$0x680] =	vst v3  }
0x201: {  	[tilespmem:s25], [sflag:$0x3] =	stream.indirect.gather [hbm4b:s1+s31], $0x40, s18, s31, $0xb8;
	[tilespmem:$0x1C980] =	vst v63  }
0x202: {  	v3 =	vld [tilespmem:$0x50]  }
0x203: {  	v29 =	vld [tilespmem:$0x370]  }
0x204: {  	v28 =	vld [tilespmem:$0x60]  }
0x205: {  	v31 =	vld [tilespmem:$0x380]  }
0x206: {  	v30 =	vld [tilespmem:$0x70]  }
0x207: {  	v33 =	vld [tilespmem:$0x390];
	v3 =	vshll.u32 v3, $0x1  }
0x208: {  	v32 =	vld [tilespmem:$0x80];
	[tilespmem:$0x9B0] =	vst v29;
	v3 =	vor.u32 v0, v3  }
0x209: {  	v35 =	vld [tilespmem:$0x3A0];
	[tilespmem:$0x690] =	vst v3;
	v3 =	vshll.u32 v28, $0x1  }
0x20a: {  	v34 =	vld [tilespmem:$0x90];
	[tilespmem:$0x9C0] =	vst v31;
	v3 =	vor.u32 v0, v3  }
0x20b: {  	v36 =	vld [tilespmem:$0x3B0];
	[tilespmem:$0x6A0] =	vst v3;
	v3 =	vshll.u32 v30, $0x1  }
0x20c: {  	[tilespmem:$0x9D0] =	vst v33;
	v3 =	vor.u32 v0, v3  }
0x20d: {  	[tilespmem:$0x6B0] =	vst v3;
	v3 =	vshll.u32 v32, $0x1  }
0x20e: {  	[tilespmem:$0x9E0] =	vst v35;
	v3 =	vor.u32 v0, v3  }
0x20f: {  	[tilespmem:$0x6C0] =	vst v3;
	v3 =	vshll.u32 v34, $0x1  }
0x210: {  	[tilespmem:$0x9F0] =	vst v36;
	v3 =	vor.u32 v0, v3  }
0x211: {  	s19 =	simm.s32 $0x690;
	[tilespmem:$0x6D0] =	vst v3  }
0x212: {  	[tilespmem:s8], [sflag:$0x3] =	stream.indirect.gather [hbm4b:s1+s31], $0x40, s19, s31, $0xb8;
	[tilespmem:$0x1C980] =	vst v63  }
0x213: {  	v3 =	vld [tilespmem:$0xA0]  }
0x214: {  	v38 =	vld [tilespmem:$0x3C0]  }
0x215: {  	v37 =	vld [tilespmem:$0xB0]  }
0x216: {  	v40 =	vld [tilespmem:$0x3D0]  }
0x217: {  	v39 =	vld [tilespmem:$0xC0]  }
0x218: {  	v42 =	vld [tilespmem:$0x3E0];
	v3 =	vshll.u32 v3, $0x1  }
0x219: {  	v41 =	vld [tilespmem:$0xD0];
	[tilespmem:$0xA00] =	vst v38;
	v3 =	vor.u32 v0, v3  }
0x21a: {  	v44 =	vld [tilespmem:$0x3F0];
	[tilespmem:$0x6E0] =	vst v3;
	v3 =	vshll.u32 v37, $0x1  }
0x21b: {  	v43 =	vld [tilespmem:$0xE0];
	[tilespmem:$0xA10] =	vst v40;
	v3 =	vor.u32 v0, v3  }
0x21c: {  	v45 =	vld [tilespmem:$0x400];
	[tilespmem:$0x6F0] =	vst v3;
	v3 =	vshll.u32 v39, $0x1  }
0x21d: {  	[tilespmem:$0xA20] =	vst v42;
	v3 =	vor.u32 v0, v3  }
0x21e: {  	[tilespmem:$0x700] =	vst v3;
	v3 =	vshll.u32 v41, $0x1  }
0x21f: {  	[tilespmem:$0xA30] =	vst v44;
	v3 =	vor.u32 v0, v3  }
0x220: {  	[tilespmem:$0x710] =	vst v3;
	v3 =	vshll.u32 v43, $0x1  }
0x221: {  	[tilespmem:$0xA40] =	vst v45;
	v3 =	vor.u32 v0, v3  }
0x222: {  	s16 =	simm.s32 $0x6E0;
	[tilespmem:$0x720] =	vst v3  }
0x223: {  	[tilespmem:s11], [sflag:$0x3] =	stream.indirect.gather [hbm4b:s1+s31], $0x40, s16, s31, $0xb8;
	[tilespmem:$0x1C980] =	vst v63  }
0x224: {  	v3 =	vld [tilespmem:$0xF0]  }
0x225: {  	v47 =	vld [tilespmem:$0x410]  }
0x226: {  	v46 =	vld [tilespmem:$0x100]  }
0x227: {  	v49 =	vld [tilespmem:$0x420]  }
0x228: {  	v48 =	vld [tilespmem:$0x110]  }
0x229: {  	v51 =	vld [tilespmem:$0x430];
	v3 =	vshll.u32 v3, $0x1  }
0x22a: {  	v50 =	vld [tilespmem:$0x120];
	[tilespmem:$0xA50] =	vst v47;
	v3 =	vor.u32 v0, v3  }
0x22b: {  	v53 =	vld [tilespmem:$0x440];
	[tilespmem:$0x730] =	vst v3;
	v3 =	vshll.u32 v46, $0x1  }
0x22c: {  	v52 =	vld [tilespmem:$0x130];
	[tilespmem:$0xA60] =	vst v49;
	v3 =	vor.u32 v0, v3  }
0x22d: {  	v54 =	vld [tilespmem:$0x450];
	[tilespmem:$0x740] =	vst v3;
	v3 =	vshll.u32 v48, $0x1  }
0x22e: {  	[tilespmem:$0xA70] =	vst v51;
	v3 =	vor.u32 v0, v3  }
0x22f: {  	[tilespmem:$0x750] =	vst v3;
	v3 =	vshll.u32 v50, $0x1  }
0x230: {  	[tilespmem:$0xA80] =	vst v53;
	v3 =	vor.u32 v0, v3  }
0x231: {  	[tilespmem:$0x760] =	vst v3;
	v3 =	vshll.u32 v52, $0x1  }
0x232: {  	[tilespmem:$0xA90] =	vst v54;
	v3 =	vor.u32 v0, v3  }
0x233: {  	s18 =	simm.s32 $0x730;
	[tilespmem:$0x770] =	vst v3  }
0x234: {  	[tilespmem:s13], [sflag:$0x3] =	stream.indirect.gather [hbm4b:s1+s31], $0x40, s18, s31, $0xb8;
	[tilespmem:$0x1C980] =	vst v63  }
0x235: {  	v3 =	vld [tilespmem:$0x140]  }
0x236: {  	v56 =	vld [tilespmem:$0x460]  }
0x237: {  	v55 =	vld [tilespmem:$0x150]  }
0x238: {  	v58 =	vld [tilespmem:$0x470]  }
0x239: {  	v57 =	vld [tilespmem:$0x160]  }
0x23a: {  	v60 =	vld [tilespmem:$0x480];
	v3 =	vshll.u32 v3, $0x1  }
0x23b: {  	v59 =	vld [tilespmem:$0x170];
	[tilespmem:$0xAA0] =	vst v56;
	v3 =	vor.u32 v0, v3  }
0x23c: {  	v62 =	vld [tilespmem:$0x490];
	[tilespmem:$0x780] =	vst v3;
	v3 =	vshll.u32 v55, $0x1  }
0x23d: {  	v61 =	vld [tilespmem:$0x180];
	[tilespmem:$0xAB0] =	vst v58;
	v3 =	vor.u32 v0, v3  }
0x23e: {  	v63 =	vld [tilespmem:$0x4A0];
	[tilespmem:$0x790] =	vst v3;
	v3 =	vshll.u32 v57, $0x1  }
0x23f: {  	[tilespmem:$0xAC0] =	vst v60;
	v3 =	vor.u32 v0, v3  }
0x240: {  	[tilespmem:$0x7A0] =	vst v3;
	v3 =	vshll.u32 v59, $0x1  }
0x241: {  	[tilespmem:$0xAD0] =	vst v62;
	v3 =	vor.u32 v0, v3  }
0x242: {  	[tilespmem:$0x7B0] =	vst v3;
	v3 =	vshll.u32 v61, $0x1  }
0x243: {  	[tilespmem:$0xAE0] =	vst v63;
	v3 =	vor.u32 v0, v3  }
0x244: {  	s19 =	simm.s32 $0x780;
	[tilespmem:$0x7C0] =	vst v3  }
0x245: {  	[tilespmem:s15], [sflag:$0x3] =	stream.indirect.gather [hbm4b:s1+s31], $0x40, s19, s31, $0xb8;
	[tilespmem:$0x1C980] =	vst v63  }
.Ltmp8:
0x246: {  	s14 =	sadd.s32 s12, s24;
	(pc) =	sbr.rel .LBB2_10-.Ltmp8, $4  }
0x247: {  	s16 =	sadd.s32 $0x96, s14;
	s18 =	simm.s32 $0x0;
	s19 =	simm.s32 $0x190  }
0x248: {  	[tilespmem:s19], [sflag:$0x2] =	stream.linear.gather [hbm4b:s16+s18], $0x190, $0x38;
	[tilespmem:$0x1C980] =	vst v63  }
0x249: {  	s14 =	sadd.s32 $0x9CD6, s14;
	s19 =	simm.s32 $0x7D0;
	s16 =	simm.s32 $0x4B0  }
0x24a: {  	[tilespmem:s16], [sflag:$0x2] =	stream.linear.gather [hbm4b:s14+s18], $0x190, $0x38;
	[tilespmem:$0x1C980] =	vst v63  }
.LBB2_12:
0x24b: {  	_ =	sfence.sel $0x180000  }
0x24c: {  	[bflag:$0x0] =	sbarrier.arrive $0xFFFF  }
0x24d: {  	_ =	strace $0x90000047  }
0x24e: {  	s0 =	stileid.u32;
	[bflag:$0x2] =	sbarrier.arrive $0xFFFF  }
0x24f: {  	p0 =	sne.s32 s0, $0x0;
	s0 =	rddreg [dreg:$0x5]  }
0x250: {  	s0 =	sadd.s32 @!p0 $0x100000, s0  }
0x251: {  	[sflag:s0] =	ssyncadd.tile.s32 @!p0 $0x1;
	_ =	shalt  }
.Lfunc_end2:
_tile_overlayer_lowered:
.L_overlay_start_2:
0x252: {  	(tag) =	ssettag $0x2  }
0x253: {  	s0 =	rddreg [dreg:$0x0];
	s2 =	stileid.u32  }
0x254: {  	s1 =	rddreg [dreg:$0x1];
	p0 =	sne.s32 s2, $0x0  }
0x255: {  	s3 =	rddreg [dreg:$0x2];
	[bflag:$0x3] =	sbarrier.arrive $0xFFFF;
	s2 =	simm.s32 @!p0 $0x1C07  }
0x256: {  	[timem:s3], [sflag:s2] =	dma.local @!p0 [hbm:s0], s1  }
0x257: {  	s0 =	simm.s32 @!p0 $0x7  }
0x258: {  	_ =	swait.ge @!p0 [sflag:s0], s1  }
0x259: {  	s1 =	ssub.s32 @!p0 $0x0, s1;
	[sflag:s0] =	ssyncset.done @!p0 $0x0  }
0x25a: {  	[sflag:s0] =	ssyncadd.s32 @!p0 s1  }
0x25b: {  	[bflag:$0x3] =	sbarrier.arrive $0xFFFF  }
0x25c: {  	_ =	shalt  }

</sc_bundles>
